<compile_context>
chip_gen: v7x
topology: tpu7x:2x2x1
jax: 0.10.2.dev20260603
libtpu: 0.0.44.dev20260713+nightly
codegen_flags: <defaults>
</compile_context>

<pallas_src>
import functools

import jax
import jax.numpy as jnp
from jax import lax
from jax.experimental import pallas as pl
from jax.experimental.pallas import tpu as pltpu
from jax.experimental.pallas import tpu_sc as plsc

NC = 2
NS = 16
L = 16
NW = NC * NS

VOCAB = 1000000
D = 64
B = 16384
NCTX = 20

B_PER_W = B // NW
GROUP_B = L
GROUPS = B_PER_W // GROUP_B
GROUP_ROWS = GROUP_B * NCTX
CHUNKS = ((0, 128), (128, 128), (256, 64))


def _rsqrt(s):
    i = plsc.bitcast(s, jnp.int32)
    i = 0x5F3759DF - lax.shift_right_arithmetic(i, 1)
    y = plsc.bitcast(i, jnp.float32)
    h = s * 0.5
    for _ in range(3):
        y = y * (1.5 - h * y * y)
    return y


def _sc_body(centers, contexts, cidx, ctxidx, negidx, out,
             cidx_v, crows, ct, outv,
             ci0, ci1, ni0, ni1, cr0, cr1, nr0, nr1,
             sem_c, sem_x0, sem_x1, sem_n0, sem_n1):
    wid = lax.axis_index("s") * NC + lax.axis_index("c")
    w_base = wid * B_PER_W

    iota = lax.iota(jnp.int32, L)
    iota_nctx = iota * NCTX

    def fire(g, ci, ni, cr, nr, sem_x, sem_n):
        off = (w_base + g * GROUP_B) * NCTX
        pltpu.sync_copy(ctxidx.at[pl.ds(off, GROUP_ROWS)], ci)
        pltpu.sync_copy(negidx.at[pl.ds(off, GROUP_ROWS)], ni)
        for s, n in CHUNKS:
            pltpu.async_copy(contexts.at[ci.at[pl.ds(s, n)]],
                             cr.at[pl.ds(s, n)], sem_x)
            pltpu.async_copy(contexts.at[ni.at[pl.ds(s, n)]],
                             nr.at[pl.ds(s, n)], sem_n)

    def drain(ci, ni, cr, nr, sem_x, sem_n):
        for s, n in CHUNKS:
            pltpu.make_async_copy(contexts.at[ci.at[pl.ds(s, n)]],
                                  cr.at[pl.ds(s, n)], sem_x).wait()
            pltpu.make_async_copy(contexts.at[ni.at[pl.ds(s, n)]],
                                  nr.at[pl.ds(s, n)], sem_n).wait()

    pltpu.sync_copy(cidx.at[pl.ds(w_base, B_PER_W)], cidx_v)
    for k in range(B_PER_W // 128):
        pltpu.async_copy(centers.at[cidx_v.at[pl.ds(k * 128, 128)]],
                         crows.at[pl.ds(k * 128, 128)], sem_c)
    fire(0, ci0, ni0, cr0, nr0, sem_x0, sem_n0)
    for k in range(B_PER_W // 128):
        pltpu.make_async_copy(centers.at[cidx_v.at[pl.ds(k * 128, 128)]],
                              crows.at[pl.ds(k * 128, 128)], sem_c).wait()

    dperm = [jnp.bitwise_and(iota + d, D - 1) for d in range(D)]

    def dperm_dyn(dd):
        return jnp.bitwise_and(iota + dd, D - 1)

    def compute(g, cr, nr, acc):
        base = g * GROUP_B
        rowc = iota + base

        def tbody(t, carry):
            cc0, cc1 = carry
            d0 = t * 8
            for u in range(8):
                cv = plsc.load_gather(crows, [rowc, dperm_dyn(d0 + u)])
                ct[d0 + u] = cv
                if u % 2 == 0:
                    cc0 = cc0 + cv * cv
                else:
                    cc1 = cc1 + cv * cv
            return (cc0, cc1)
        z = jnp.zeros((L,), jnp.float32)
        cc0, cc1 = lax.fori_loop(0, D // 8, tbody, (z, z))
        cc = cc0 + cc1

        def jbody(j, acc):
            rowj = iota_nctx + j
            dp = [z, z]
            xxpa = [z, z]
            dn = [z, z]
            xxna = [z, z]
            for d in range(D):
                k = d & 1
                cv = ct[d]
                xp = plsc.load_gather(cr, [rowj, dperm[d]])
                xn = plsc.load_gather(nr, [rowj, dperm[d]])
                dp[k] = dp[k] + cv * xp
                xxpa[k] = xxpa[k] + xp * xp
                dn[k] = dn[k] + cv * xn
                xxna[k] = xxna[k] + xn * xn
            dotp = dp[0] + dp[1]
            xxp = xxpa[0] + xxpa[1]
            dotn = dn[0] + dn[1]
            xxn = xxna[0] + xxna[1]
            cosp = dotp * _rsqrt(jnp.maximum(cc * xxp, 1e-16))
            cosn = dotn * _rsqrt(jnp.maximum(cc * xxn, 1e-16))
            return acc + ((1.0 - cosp) + jnp.maximum(cosn, 0.0))

        return lax.fori_loop(0, NCTX, jbody, acc)

    def pairbody(t, acc):
        g0 = 2 * t
        g1 = g0 + 1
        fire(g1, ci1, ni1, cr1, nr1, sem_x1, sem_n1)
        drain(ci0, ni0, cr0, nr0, sem_x0, sem_n0)
        acc = compute(g0, cr0, nr0, acc)

        @pl.when(t < GROUPS // 2 - 1)
        def _():
            fire(g1 + 1, ci0, ni0, cr0, nr0, sem_x0, sem_n0)
        drain(ci1, ni1, cr1, nr1, sem_x1, sem_n1)
        acc = compute(g1, cr1, nr1, acc)
        return acc

    acc = lax.fori_loop(0, GROUPS // 2, pairbody,
                        jnp.zeros((L,), jnp.float32))

    outv[...] = acc
    pltpu.sync_copy(outv, out.at[wid])


@jax.jit
def _sc_partials(centers, contexts, cidx, ctxidx, negidx):
    mesh = plsc.VectorSubcoreMesh(core_axis_name="c", subcore_axis_name="s")
    f = functools.partial(
        pl.kernel,
        out_type=jax.ShapeDtypeStruct((NW, L), jnp.float32),
        mesh=mesh,
        compiler_params=pltpu.CompilerParams(needs_layout_passes=False,
                                             use_tc_tiling_on_sc=False),
        scratch_types=[
            pltpu.VMEM((B_PER_W,), jnp.int32),
            pltpu.VMEM((B_PER_W, D), jnp.float32),
            pltpu.VMEM((D, L), jnp.float32),
            pltpu.VMEM((L,), jnp.float32),
            pltpu.VMEM((GROUP_ROWS,), jnp.int32),
            pltpu.VMEM((GROUP_ROWS,), jnp.int32),
            pltpu.VMEM((GROUP_ROWS,), jnp.int32),
            pltpu.VMEM((GROUP_ROWS,), jnp.int32),
            pltpu.VMEM((GROUP_ROWS, D), jnp.float32),
            pltpu.VMEM((GROUP_ROWS, D), jnp.float32),
            pltpu.VMEM((GROUP_ROWS, D), jnp.float32),
            pltpu.VMEM((GROUP_ROWS, D), jnp.float32),
            pltpu.SemaphoreType.DMA,
            pltpu.SemaphoreType.DMA,
            pltpu.SemaphoreType.DMA,
            pltpu.SemaphoreType.DMA,
            pltpu.SemaphoreType.DMA,
        ],
    )(_sc_body)
    return f(centers, contexts, cidx, ctxidx, negidx)


def _tc_reduce_body(x_ref, o_ref):
    s = jnp.sum(x_ref[...]) * (1.0 / (B * NCTX))
    o_ref[...] = jnp.reshape(s, (1, 1))


@jax.jit
def _tc_reduce(partials):
    return pl.pallas_call(
        _tc_reduce_body,
        out_shape=jax.ShapeDtypeStruct((1, 1), jnp.float32),
    )(partials)


def kernel(centers, contexts, center_idxs, context_idxs, neg_idxs):
    cidx = center_idxs.astype(jnp.int32)
    ctxidx = context_idxs.astype(jnp.int32).reshape(-1)
    negidx = neg_idxs.astype(jnp.int32)
    partials = _sc_partials(centers, contexts, cidx, ctxidx, negidx)
    return _tc_reduce(partials)[0, 0]

# --- scband reference (transcript-rebuilt; emitter-appended) ---
"""Pipeline reference for scband-custom-word2-vec-57775900066426 (READ-ONLY COPY).

The authoritative reference and input builder live on the scoring server;
editing this copy changes nothing except your own understanding.
"""

import jax, jax.numpy as jnp
import numpy as np

VOCAB = 1000000
DIMS = 64
B = 16384
NCTX = 20

def setup_inputs(seed: int = 0) -> dict:
    key = jax.random.key(seed)
    k1, k2, k3, k4, k5 = jax.random.split(key, 5)
    centers = jax.random.normal(k1, (VOCAB, DIMS), dtype=jnp.float32)
    contexts = jax.random.normal(k2, (VOCAB, DIMS), dtype=jnp.float32)
    center_idxs = jax.random.randint(k3, (B,), 0, VOCAB)
    context_idxs = jax.random.randint(k4, (B, NCTX), 0, VOCAB)
    neg_idxs = jax.random.randint(k5, (B * NCTX,), 0, VOCAB)
    return {"centers": centers, "contexts": contexts,
            "center_idxs": center_idxs, "context_idxs": context_idxs,
            "neg_idxs": neg_idxs}

def _cos_sim(x, y, eps=1e-8):
    dot = jnp.sum(x * y, axis=-1)
    nx = jnp.sqrt(jnp.sum(x * x, axis=-1))
    ny = jnp.sqrt(jnp.sum(y * y, axis=-1))
    return dot / jnp.maximum(nx * ny, eps)

def reference(centers, contexts, center_idxs, context_idxs, neg_idxs):
    n_contexts = context_idxs.shape[1]
    d = contexts.shape[1]
    c = jnp.take(centers, center_idxs, axis=0)              # [B, d] gather
    c_rep = jnp.repeat(c, n_contexts, axis=0)               # [B*NCTX, d]
    ctx = jnp.take(contexts, context_idxs, axis=0).reshape(-1, d)  # gather + flatten
    # cosine_embedding_loss with target=+1: mean(1 - cos)
    ploss = jnp.mean(1.0 - _cos_sim(c_rep, ctx))
    neg = jnp.take(contexts, neg_idxs, axis=0)              # negative-sample gather
    # cosine_embedding_loss with target=-1, margin=0: mean(max(0, cos))
    nloss = jnp.mean(jnp.maximum(0.0, _cos_sim(c_rep, neg)))
    return ploss + nloss

if __name__ == "__main__":
    import jax
    _d = setup_inputs()
    print(jax.jit(kernel)(*tuple(_d.values())))

</pallas_src>

<mosaic_0001>
#map = affine_map<(d0, d1) -> (0, 0)>
#map1 = affine_map<(d0, d1) -> (0)>
module attributes {stable_mosaic.version = 14 : i64} {
  func.func @_sc_body(%arg0: i32, %arg1: i32, %arg2: memref<1000000x64xf32, #tpu.memory_space<hbm>>, %arg3: memref<1000000x64xf32, #tpu.memory_space<hbm>>, %arg4: memref<16384xi32, #tpu.memory_space<hbm>>, %arg5: memref<327680xi32, #tpu.memory_space<hbm>>, %arg6: memref<327680xi32, #tpu.memory_space<hbm>>, %arg7: memref<32x16xf32, #tpu.memory_space<hbm>>, %arg8: memref<512xi32, #tpu.memory_space<vmem>>, %arg9: memref<512x64xf32, #tpu.memory_space<vmem>>, %arg10: memref<64x16xf32, #tpu.memory_space<vmem>>, %arg11: memref<16xf32, #tpu.memory_space<vmem>>, %arg12: memref<320xi32, #tpu.memory_space<vmem>>, %arg13: memref<320xi32, #tpu.memory_space<vmem>>, %arg14: memref<320xi32, #tpu.memory_space<vmem>>, %arg15: memref<320xi32, #tpu.memory_space<vmem>>, %arg16: memref<320x64xf32, #tpu.memory_space<vmem>>, %arg17: memref<320x64xf32, #tpu.memory_space<vmem>>, %arg18: memref<320x64xf32, #tpu.memory_space<vmem>>, %arg19: memref<320x64xf32, #tpu.memory_space<vmem>>, %arg20: memref<!tpu.dma_semaphore, #tpu.memory_space<semaphore_mem>>, %arg21: memref<!tpu.dma_semaphore, #tpu.memory_space<semaphore_mem>>, %arg22: memref<!tpu.dma_semaphore, #tpu.memory_space<semaphore_mem>>, %arg23: memref<!tpu.dma_semaphore, #tpu.memory_space<semaphore_mem>>, %arg24: memref<!tpu.dma_semaphore, #tpu.memory_space<semaphore_mem>>) attributes {dimension_semantics = [#tpu.dimension_semantics<core_parallel>, #tpu.dimension_semantics<subcore_parallel>], iteration_bounds = array<i64: 2, 16>, scalar_prefetch = 0 : i64, scratch_operands = 17 : i64, tpu.core_type = #tpu.core_type<sc_vector_subcore>, window_params = [{transform_indices = #map}, {transform_indices = #map}, {transform_indices = #map1}, {transform_indices = #map1}, {transform_indices = #map1}, {transform_indices = #map}]} {
    %mul3A = arith.constant 2 : i32
    %mul3A_0 = arith.muli %arg1, %mul3A : i32
    %add3A = arith.addi %mul3A_0, %arg0 : i32
    %mul3A_1 = arith.constant 512 : i32
    %mul3A_2 = arith.muli %add3A, %mul3A_1 : i32
    %iota3A = tpu.iota {dimensions = array<i32: 0>} : vector<16xi32>
    %mul3A_3 = arith.constant 20 : i32
    %mul3A_4 = vector.broadcast %mul3A_3 : i32 to vector<16xi32>
    %mul3A_5 = arith.muli %iota3A, %mul3A_4 : vector<16xi32>
    "tpu.region"() ({
      %run_scoped3A = tpu.sem_alloc : memref<!tpu.dma_semaphore, #tpu.memory_space<semaphore_mem>>
      %dma_start3A_510 = tpu.memref_slice %arg4[%mul3A_2] : memref<16384xi32, #tpu.memory_space<hbm>> -> memref<512xi32, #tpu.memory_space<hbm>>
      %dma_start3A_511 = tpu.memref_slice %arg4[%mul3A_2] : memref<16384xi32, #tpu.memory_space<hbm>> -> memref<512xi32, #tpu.memory_space<hbm>>
      tpu.enqueue_dma source(%dma_start3A_511 : memref<512xi32, #tpu.memory_space<hbm>>) target(%arg8 : memref<512xi32, #tpu.memory_space<vmem>>) target_semaphore(%run_scoped3A : memref<!tpu.dma_semaphore, #tpu.memory_space<semaphore_mem>>)
      %dma_wait3A_512 = tpu.memref_slice %arg4[%mul3A_2] : memref<16384xi32, #tpu.memory_space<hbm>> -> memref<512xi32, #tpu.memory_space<hbm>>
      %dma_wait3A_513 = tpu.memref_slice %arg4[%mul3A_2] : memref<16384xi32, #tpu.memory_space<hbm>> -> memref<512xi32, #tpu.memory_space<hbm>>
      tpu.wait_dma2 semaphore(%run_scoped3A : memref<!tpu.dma_semaphore, #tpu.memory_space<semaphore_mem>>) src(%dma_wait3A_513 : memref<512xi32, #tpu.memory_space<hbm>>) dst(%arg8 : memref<512xi32, #tpu.memory_space<vmem>>)
      tpu.yield
    }) : () -> ()
    %dma_start3A = arith.constant 0 : i32
    %dma_start3A_6 = arith.constant 0 : i32
    %dma_start3A_7 = tpu.memref_slice %arg9[%dma_start3A, %dma_start3A_6] : memref<512x64xf32, #tpu.memory_space<vmem>> -> memref<128x64xf32, #tpu.memory_space<vmem>>
    %dma_start3A_8 = arith.constant 0 : i32
    %dma_start3A_9 = tpu.memref_slice %arg8[%dma_start3A_8] : memref<512xi32, #tpu.memory_space<vmem>> -> memref<128xi32, #tpu.memory_space<vmem>>
    %dma_start3A_10 = arith.constant 0 : i32
    %dma_start3A_11 = arith.constant 0 : i32
    %dma_start3A_12 = tpu.memref_slice %arg2[%dma_start3A_10, %dma_start3A_11] : memref<1000000x64xf32, #tpu.memory_space<hbm>> -> memref<1000000x64xf32, #tpu.memory_space<hbm>>
    tpu.enqueue_indirect_dma source(%dma_start3A_12 : memref<1000000x64xf32, #tpu.memory_space<hbm>>) target(%dma_start3A_7 : memref<128x64xf32, #tpu.memory_space<vmem>>) offsets(%dma_start3A_9 : memref<128xi32, #tpu.memory_space<vmem>>) semaphore(%arg20 : memref<!tpu.dma_semaphore, #tpu.memory_space<semaphore_mem>>)
    %dma_start3A_13 = arith.constant 128 : i32
    %dma_start3A_14 = arith.constant 0 : i32
    %dma_start3A_15 = tpu.memref_slice %arg9[%dma_start3A_13, %dma_start3A_14] : memref<512x64xf32, #tpu.memory_space<vmem>> -> memref<128x64xf32, #tpu.memory_space<vmem>>
    %dma_start3A_16 = arith.constant 128 : i32
    %dma_start3A_17 = tpu.memref_slice %arg8[%dma_start3A_16] : memref<512xi32, #tpu.memory_space<vmem>> -> memref<128xi32, #tpu.memory_space<vmem>>
    %dma_start3A_18 = arith.constant 0 : i32
    %dma_start3A_19 = arith.constant 0 : i32
    %dma_start3A_20 = tpu.memref_slice %arg2[%dma_start3A_18, %dma_start3A_19] : memref<1000000x64xf32, #tpu.memory_space<hbm>> -> memref<1000000x64xf32, #tpu.memory_space<hbm>>
    tpu.enqueue_indirect_dma source(%dma_start3A_20 : memref<1000000x64xf32, #tpu.memory_space<hbm>>) target(%dma_start3A_15 : memref<128x64xf32, #tpu.memory_space<vmem>>) offsets(%dma_start3A_17 : memref<128xi32, #tpu.memory_space<vmem>>) semaphore(%arg20 : memref<!tpu.dma_semaphore, #tpu.memory_space<semaphore_mem>>)
    %dma_start3A_21 = arith.constant 256 : i32
    %dma_start3A_22 = arith.constant 0 : i32
    %dma_start3A_23 = tpu.memref_slice %arg9[%dma_start3A_21, %dma_start3A_22] : memref<512x64xf32, #tpu.memory_space<vmem>> -> memref<128x64xf32, #tpu.memory_space<vmem>>
    %dma_start3A_24 = arith.constant 256 : i32
    %dma_start3A_25 = tpu.memref_slice %arg8[%dma_start3A_24] : memref<512xi32, #tpu.memory_space<vmem>> -> memref<128xi32, #tpu.memory_space<vmem>>
    %dma_start3A_26 = arith.constant 0 : i32
    %dma_start3A_27 = arith.constant 0 : i32
    %dma_start3A_28 = tpu.memref_slice %arg2[%dma_start3A_26, %dma_start3A_27] : memref<1000000x64xf32, #tpu.memory_space<hbm>> -> memref<1000000x64xf32, #tpu.memory_space<hbm>>
    tpu.enqueue_indirect_dma source(%dma_start3A_28 : memref<1000000x64xf32, #tpu.memory_space<hbm>>) target(%dma_start3A_23 : memref<128x64xf32, #tpu.memory_space<vmem>>) offsets(%dma_start3A_25 : memref<128xi32, #tpu.memory_space<vmem>>) semaphore(%arg20 : memref<!tpu.dma_semaphore, #tpu.memory_space<semaphore_mem>>)
    %dma_start3A_29 = arith.constant 384 : i32
    %dma_start3A_30 = arith.constant 0 : i32
    %dma_start3A_31 = tpu.memref_slice %arg9[%dma_start3A_29, %dma_start3A_30] : memref<512x64xf32, #tpu.memory_space<vmem>> -> memref<128x64xf32, #tpu.memory_space<vmem>>
    %dma_start3A_32 = arith.constant 384 : i32
    %dma_start3A_33 = tpu.memref_slice %arg8[%dma_start3A_32] : memref<512xi32, #tpu.memory_space<vmem>> -> memref<128xi32, #tpu.memory_space<vmem>>
    %dma_start3A_34 = arith.constant 0 : i32
    %dma_start3A_35 = arith.constant 0 : i32
    %dma_start3A_36 = tpu.memref_slice %arg2[%dma_start3A_34, %dma_start3A_35] : memref<1000000x64xf32, #tpu.memory_space<hbm>> -> memref<1000000x64xf32, #tpu.memory_space<hbm>>
    tpu.enqueue_indirect_dma source(%dma_start3A_36 : memref<1000000x64xf32, #tpu.memory_space<hbm>>) target(%dma_start3A_31 : memref<128x64xf32, #tpu.memory_space<vmem>>) offsets(%dma_start3A_33 : memref<128xi32, #tpu.memory_space<vmem>>) semaphore(%arg20 : memref<!tpu.dma_semaphore, #tpu.memory_space<semaphore_mem>>)
    %add3A_37 = arith.constant 0 : i32
    %add3A_38 = arith.addi %mul3A_2, %add3A_37 : i32
    %mul3A_39 = arith.constant 20 : i32
    %mul3A_40 = arith.muli %add3A_38, %mul3A_39 : i32
    "tpu.region"() ({
      %run_scoped3A = tpu.sem_alloc : memref<!tpu.dma_semaphore, #tpu.memory_space<semaphore_mem>>
      %dma_start3A_510 = tpu.memref_slice %arg5[%mul3A_40] : memref<327680xi32, #tpu.memory_space<hbm>> -> memref<320xi32, #tpu.memory_space<hbm>>
      %dma_start3A_511 = tpu.memref_slice %arg5[%mul3A_40] : memref<327680xi32, #tpu.memory_space<hbm>> -> memref<320xi32, #tpu.memory_space<hbm>>
      tpu.enqueue_dma source(%dma_start3A_511 : memref<320xi32, #tpu.memory_space<hbm>>) target(%arg12 : memref<320xi32, #tpu.memory_space<vmem>>) target_semaphore(%run_scoped3A : memref<!tpu.dma_semaphore, #tpu.memory_space<semaphore_mem>>)
      %dma_wait3A_512 = tpu.memref_slice %arg5[%mul3A_40] : memref<327680xi32, #tpu.memory_space<hbm>> -> memref<320xi32, #tpu.memory_space<hbm>>
      %dma_wait3A_513 = tpu.memref_slice %arg5[%mul3A_40] : memref<327680xi32, #tpu.memory_space<hbm>> -> memref<320xi32, #tpu.memory_space<hbm>>
      tpu.wait_dma2 semaphore(%run_scoped3A : memref<!tpu.dma_semaphore, #tpu.memory_space<semaphore_mem>>) src(%dma_wait3A_513 : memref<320xi32, #tpu.memory_space<hbm>>) dst(%arg12 : memref<320xi32, #tpu.memory_space<vmem>>)
      tpu.yield
    }) : () -> ()
    "tpu.region"() ({
      %run_scoped3A = tpu.sem_alloc : memref<!tpu.dma_semaphore, #tpu.memory_space<semaphore_mem>>
      %dma_start3A_510 = tpu.memref_slice %arg6[%mul3A_40] : memref<327680xi32, #tpu.memory_space<hbm>> -> memref<320xi32, #tpu.memory_space<hbm>>
      %dma_start3A_511 = tpu.memref_slice %arg6[%mul3A_40] : memref<327680xi32, #tpu.memory_space<hbm>> -> memref<320xi32, #tpu.memory_space<hbm>>
      tpu.enqueue_dma source(%dma_start3A_511 : memref<320xi32, #tpu.memory_space<hbm>>) target(%arg14 : memref<320xi32, #tpu.memory_space<vmem>>) target_semaphore(%run_scoped3A : memref<!tpu.dma_semaphore, #tpu.memory_space<semaphore_mem>>)
      %dma_wait3A_512 = tpu.memref_slice %arg6[%mul3A_40] : memref<327680xi32, #tpu.memory_space<hbm>> -> memref<320xi32, #tpu.memory_space<hbm>>
      %dma_wait3A_513 = tpu.memref_slice %arg6[%mul3A_40] : memref<327680xi32, #tpu.memory_space<hbm>> -> memref<320xi32, #tpu.memory_space<hbm>>
      tpu.wait_dma2 semaphore(%run_scoped3A : memref<!tpu.dma_semaphore, #tpu.memory_space<semaphore_mem>>) src(%dma_wait3A_513 : memref<320xi32, #tpu.memory_space<hbm>>) dst(%arg14 : memref<320xi32, #tpu.memory_space<vmem>>)
      tpu.yield
    }) : () -> ()
    %dma_start3A_41 = arith.constant 0 : i32
    %dma_start3A_42 = arith.constant 0 : i32
    %dma_start3A_43 = tpu.memref_slice %arg16[%dma_start3A_41, %dma_start3A_42] : memref<320x64xf32, #tpu.memory_space<vmem>> -> memref<128x64xf32, #tpu.memory_space<vmem>>
    %dma_start3A_44 = arith.constant 0 : i32
    %dma_start3A_45 = tpu.memref_slice %arg12[%dma_start3A_44] : memref<320xi32, #tpu.memory_space<vmem>> -> memref<128xi32, #tpu.memory_space<vmem>>
    %dma_start3A_46 = arith.constant 0 : i32
    %dma_start3A_47 = arith.constant 0 : i32
    %dma_start3A_48 = tpu.memref_slice %arg3[%dma_start3A_46, %dma_start3A_47] : memref<1000000x64xf32, #tpu.memory_space<hbm>> -> memref<1000000x64xf32, #tpu.memory_space<hbm>>
    tpu.enqueue_indirect_dma source(%dma_start3A_48 : memref<1000000x64xf32, #tpu.memory_space<hbm>>) target(%dma_start3A_43 : memref<128x64xf32, #tpu.memory_space<vmem>>) offsets(%dma_start3A_45 : memref<128xi32, #tpu.memory_space<vmem>>) semaphore(%arg21 : memref<!tpu.dma_semaphore, #tpu.memory_space<semaphore_mem>>)
    %dma_start3A_49 = arith.constant 0 : i32
    %dma_start3A_50 = arith.constant 0 : i32
    %dma_start3A_51 = tpu.memref_slice %arg18[%dma_start3A_49, %dma_start3A_50] : memref<320x64xf32, #tpu.memory_space<vmem>> -> memref<128x64xf32, #tpu.memory_space<vmem>>
    %dma_start3A_52 = arith.constant 0 : i32
    %dma_start3A_53 = tpu.memref_slice %arg14[%dma_start3A_52] : memref<320xi32, #tpu.memory_space<vmem>> -> memref<128xi32, #tpu.memory_space<vmem>>
    %dma_start3A_54 = arith.constant 0 : i32
    %dma_start3A_55 = arith.constant 0 : i32
    %dma_start3A_56 = tpu.memref_slice %arg3[%dma_start3A_54, %dma_start3A_55] : memref<1000000x64xf32, #tpu.memory_space<hbm>> -> memref<1000000x64xf32, #tpu.memory_space<hbm>>
    tpu.enqueue_indirect_dma source(%dma_start3A_56 : memref<1000000x64xf32, #tpu.memory_space<hbm>>) target(%dma_start3A_51 : memref<128x64xf32, #tpu.memory_space<vmem>>) offsets(%dma_start3A_53 : memref<128xi32, #tpu.memory_space<vmem>>) semaphore(%arg23 : memref<!tpu.dma_semaphore, #tpu.memory_space<semaphore_mem>>)
    %dma_start3A_57 = arith.constant 128 : i32
    %dma_start3A_58 = arith.constant 0 : i32
    %dma_start3A_59 = tpu.memref_slice %arg16[%dma_start3A_57, %dma_start3A_58] : memref<320x64xf32, #tpu.memory_space<vmem>> -> memref<128x64xf32, #tpu.memory_space<vmem>>
    %dma_start3A_60 = arith.constant 128 : i32
    %dma_start3A_61 = tpu.memref_slice %arg12[%dma_start3A_60] : memref<320xi32, #tpu.memory_space<vmem>> -> memref<128xi32, #tpu.memory_space<vmem>>
    %dma_start3A_62 = arith.constant 0 : i32
    %dma_start3A_63 = arith.constant 0 : i32
    %dma_start3A_64 = tpu.memref_slice %arg3[%dma_start3A_62, %dma_start3A_63] : memref<1000000x64xf32, #tpu.memory_space<hbm>> -> memref<1000000x64xf32, #tpu.memory_space<hbm>>
    tpu.enqueue_indirect_dma source(%dma_start3A_64 : memref<1000000x64xf32, #tpu.memory_space<hbm>>) target(%dma_start3A_59 : memref<128x64xf32, #tpu.memory_space<vmem>>) offsets(%dma_start3A_61 : memref<128xi32, #tpu.memory_space<vmem>>) semaphore(%arg21 : memref<!tpu.dma_semaphore, #tpu.memory_space<semaphore_mem>>)
    %dma_start3A_65 = arith.constant 128 : i32
    %dma_start3A_66 = arith.constant 0 : i32
    %dma_start3A_67 = tpu.memref_slice %arg18[%dma_start3A_65, %dma_start3A_66] : memref<320x64xf32, #tpu.memory_space<vmem>> -> memref<128x64xf32, #tpu.memory_space<vmem>>
    %dma_start3A_68 = arith.constant 128 : i32
    %dma_start3A_69 = tpu.memref_slice %arg14[%dma_start3A_68] : memref<320xi32, #tpu.memory_space<vmem>> -> memref<128xi32, #tpu.memory_space<vmem>>
    %dma_start3A_70 = arith.constant 0 : i32
    %dma_start3A_71 = arith.constant 0 : i32
    %dma_start3A_72 = tpu.memref_slice %arg3[%dma_start3A_70, %dma_start3A_71] : memref<1000000x64xf32, #tpu.memory_space<hbm>> -> memref<1000000x64xf32, #tpu.memory_space<hbm>>
    tpu.enqueue_indirect_dma source(%dma_start3A_72 : memref<1000000x64xf32, #tpu.memory_space<hbm>>) target(%dma_start3A_67 : memref<128x64xf32, #tpu.memory_space<vmem>>) offsets(%dma_start3A_69 : memref<128xi32, #tpu.memory_space<vmem>>) semaphore(%arg23 : memref<!tpu.dma_semaphore, #tpu.memory_space<semaphore_mem>>)
    %dma_start3A_73 = arith.constant 256 : i32
    %dma_start3A_74 = arith.constant 0 : i32
    %dma_start3A_75 = tpu.memref_slice %arg16[%dma_start3A_73, %dma_start3A_74] : memref<320x64xf32, #tpu.memory_space<vmem>> -> memref<64x64xf32, #tpu.memory_space<vmem>>
    %dma_start3A_76 = arith.constant 256 : i32
    %dma_start3A_77 = tpu.memref_slice %arg12[%dma_start3A_76] : memref<320xi32, #tpu.memory_space<vmem>> -> memref<64xi32, #tpu.memory_space<vmem>>
    %dma_start3A_78 = arith.constant 0 : i32
    %dma_start3A_79 = arith.constant 0 : i32
    %dma_start3A_80 = tpu.memref_slice %arg3[%dma_start3A_78, %dma_start3A_79] : memref<1000000x64xf32, #tpu.memory_space<hbm>> -> memref<1000000x64xf32, #tpu.memory_space<hbm>>
    tpu.enqueue_indirect_dma source(%dma_start3A_80 : memref<1000000x64xf32, #tpu.memory_space<hbm>>) target(%dma_start3A_75 : memref<64x64xf32, #tpu.memory_space<vmem>>) offsets(%dma_start3A_77 : memref<64xi32, #tpu.memory_space<vmem>>) semaphore(%arg21 : memref<!tpu.dma_semaphore, #tpu.memory_space<semaphore_mem>>)
    %dma_start3A_81 = arith.constant 256 : i32
    %dma_start3A_82 = arith.constant 0 : i32
    %dma_start3A_83 = tpu.memref_slice %arg18[%dma_start3A_81, %dma_start3A_82] : memref<320x64xf32, #tpu.memory_space<vmem>> -> memref<64x64xf32, #tpu.memory_space<vmem>>
    %dma_start3A_84 = arith.constant 256 : i32
    %dma_start3A_85 = tpu.memref_slice %arg14[%dma_start3A_84] : memref<320xi32, #tpu.memory_space<vmem>> -> memref<64xi32, #tpu.memory_space<vmem>>
    %dma_start3A_86 = arith.constant 0 : i32
    %dma_start3A_87 = arith.constant 0 : i32
    %dma_start3A_88 = tpu.memref_slice %arg3[%dma_start3A_86, %dma_start3A_87] : memref<1000000x64xf32, #tpu.memory_space<hbm>> -> memref<1000000x64xf32, #tpu.memory_space<hbm>>
    tpu.enqueue_indirect_dma source(%dma_start3A_88 : memref<1000000x64xf32, #tpu.memory_space<hbm>>) target(%dma_start3A_83 : memref<64x64xf32, #tpu.memory_space<vmem>>) offsets(%dma_start3A_85 : memref<64xi32, #tpu.memory_space<vmem>>) semaphore(%arg23 : memref<!tpu.dma_semaphore, #tpu.memory_space<semaphore_mem>>)
    %dma_wait3A = arith.constant 0 : i32
    %dma_wait3A_89 = arith.constant 0 : i32
    %dma_wait3A_90 = tpu.memref_slice %arg9[%dma_wait3A, %dma_wait3A_89] : memref<512x64xf32, #tpu.memory_space<vmem>> -> memref<128x64xf32, #tpu.memory_space<vmem>>
    %dma_wait3A_91 = arith.constant 0 : i32
    %dma_wait3A_92 = tpu.memref_slice %arg8[%dma_wait3A_91] : memref<512xi32, #tpu.memory_space<vmem>> -> memref<128xi32, #tpu.memory_space<vmem>>
    %dma_wait3A_93 = arith.constant 0 : i32
    %dma_wait3A_94 = arith.constant 0 : i32
    %dma_wait3A_95 = tpu.memref_slice %arg2[%dma_wait3A_93, %dma_wait3A_94] : memref<1000000x64xf32, #tpu.memory_space<hbm>> -> memref<1000000x64xf32, #tpu.memory_space<hbm>>
    tpu.wait_indirect_dma semaphore(%arg20 : memref<!tpu.dma_semaphore, #tpu.memory_space<semaphore_mem>>) src(%dma_wait3A_95 : memref<1000000x64xf32, #tpu.memory_space<hbm>>) dst(%dma_wait3A_90 : memref<128x64xf32, #tpu.memory_space<vmem>>)
    %dma_wait3A_96 = arith.constant 128 : i32
    %dma_wait3A_97 = arith.constant 0 : i32
    %dma_wait3A_98 = tpu.memref_slice %arg9[%dma_wait3A_96, %dma_wait3A_97] : memref<512x64xf32, #tpu.memory_space<vmem>> -> memref<128x64xf32, #tpu.memory_space<vmem>>
    %dma_wait3A_99 = arith.constant 128 : i32
    %dma_wait3A_100 = tpu.memref_slice %arg8[%dma_wait3A_99] : memref<512xi32, #tpu.memory_space<vmem>> -> memref<128xi32, #tpu.memory_space<vmem>>
    %dma_wait3A_101 = arith.constant 0 : i32
    %dma_wait3A_102 = arith.constant 0 : i32
    %dma_wait3A_103 = tpu.memref_slice %arg2[%dma_wait3A_101, %dma_wait3A_102] : memref<1000000x64xf32, #tpu.memory_space<hbm>> -> memref<1000000x64xf32, #tpu.memory_space<hbm>>
    tpu.wait_indirect_dma semaphore(%arg20 : memref<!tpu.dma_semaphore, #tpu.memory_space<semaphore_mem>>) src(%dma_wait3A_103 : memref<1000000x64xf32, #tpu.memory_space<hbm>>) dst(%dma_wait3A_98 : memref<128x64xf32, #tpu.memory_space<vmem>>)
    %dma_wait3A_104 = arith.constant 256 : i32
    %dma_wait3A_105 = arith.constant 0 : i32
    %dma_wait3A_106 = tpu.memref_slice %arg9[%dma_wait3A_104, %dma_wait3A_105] : memref<512x64xf32, #tpu.memory_space<vmem>> -> memref<128x64xf32, #tpu.memory_space<vmem>>
    %dma_wait3A_107 = arith.constant 256 : i32
    %dma_wait3A_108 = tpu.memref_slice %arg8[%dma_wait3A_107] : memref<512xi32, #tpu.memory_space<vmem>> -> memref<128xi32, #tpu.memory_space<vmem>>
    %dma_wait3A_109 = arith.constant 0 : i32
    %dma_wait3A_110 = arith.constant 0 : i32
    %dma_wait3A_111 = tpu.memref_slice %arg2[%dma_wait3A_109, %dma_wait3A_110] : memref<1000000x64xf32, #tpu.memory_space<hbm>> -> memref<1000000x64xf32, #tpu.memory_space<hbm>>
    tpu.wait_indirect_dma semaphore(%arg20 : memref<!tpu.dma_semaphore, #tpu.memory_space<semaphore_mem>>) src(%dma_wait3A_111 : memref<1000000x64xf32, #tpu.memory_space<hbm>>) dst(%dma_wait3A_106 : memref<128x64xf32, #tpu.memory_space<vmem>>)
    %dma_wait3A_112 = arith.constant 384 : i32
    %dma_wait3A_113 = arith.constant 0 : i32
    %dma_wait3A_114 = tpu.memref_slice %arg9[%dma_wait3A_112, %dma_wait3A_113] : memref<512x64xf32, #tpu.memory_space<vmem>> -> memref<128x64xf32, #tpu.memory_space<vmem>>
    %dma_wait3A_115 = arith.constant 384 : i32
    %dma_wait3A_116 = tpu.memref_slice %arg8[%dma_wait3A_115] : memref<512xi32, #tpu.memory_space<vmem>> -> memref<128xi32, #tpu.memory_space<vmem>>
    %dma_wait3A_117 = arith.constant 0 : i32
    %dma_wait3A_118 = arith.constant 0 : i32
    %dma_wait3A_119 = tpu.memref_slice %arg2[%dma_wait3A_117, %dma_wait3A_118] : memref<1000000x64xf32, #tpu.memory_space<hbm>> -> memref<1000000x64xf32, #tpu.memory_space<hbm>>
    tpu.wait_indirect_dma semaphore(%arg20 : memref<!tpu.dma_semaphore, #tpu.memory_space<semaphore_mem>>) src(%dma_wait3A_119 : memref<1000000x64xf32, #tpu.memory_space<hbm>>) dst(%dma_wait3A_114 : memref<128x64xf32, #tpu.memory_space<vmem>>)
    %add3A_120 = arith.constant 0 : i32
    %add3A_121 = vector.broadcast %add3A_120 : i32 to vector<16xi32>
    %add3A_122 = arith.addi %iota3A, %add3A_121 : vector<16xi32>
    %and3A = arith.constant 63 : i32
    %and3A_123 = vector.broadcast %and3A : i32 to vector<16xi32>
    %and3A_124 = arith.andi %add3A_122, %and3A_123 : vector<16xi32>
    %add3A_125 = arith.constant 1 : i32
    %add3A_126 = vector.broadcast %add3A_125 : i32 to vector<16xi32>
    %add3A_127 = arith.addi %iota3A, %add3A_126 : vector<16xi32>
    %and3A_128 = arith.constant 63 : i32
    %and3A_129 = vector.broadcast %and3A_128 : i32 to vector<16xi32>
    %and3A_130 = arith.andi %add3A_127, %and3A_129 : vector<16xi32>
    %add3A_131 = arith.constant 2 : i32
    %add3A_132 = vector.broadcast %add3A_131 : i32 to vector<16xi32>
    %add3A_133 = arith.addi %iota3A, %add3A_132 : vector<16xi32>
    %and3A_134 = arith.constant 63 : i32
    %and3A_135 = vector.broadcast %and3A_134 : i32 to vector<16xi32>
    %and3A_136 = arith.andi %add3A_133, %and3A_135 : vector<16xi32>
    %add3A_137 = arith.constant 3 : i32
    %add3A_138 = vector.broadcast %add3A_137 : i32 to vector<16xi32>
    %add3A_139 = arith.addi %iota3A, %add3A_138 : vector<16xi32>
    %and3A_140 = arith.constant 63 : i32
    %and3A_141 = vector.broadcast %and3A_140 : i32 to vector<16xi32>
    %and3A_142 = arith.andi %add3A_139, %and3A_141 : vector<16xi32>
    %add3A_143 = arith.constant 4 : i32
    %add3A_144 = vector.broadcast %add3A_143 : i32 to vector<16xi32>
    %add3A_145 = arith.addi %iota3A, %add3A_144 : vector<16xi32>
    %and3A_146 = arith.constant 63 : i32
    %and3A_147 = vector.broadcast %and3A_146 : i32 to vector<16xi32>
    %and3A_148 = arith.andi %add3A_145, %and3A_147 : vector<16xi32>
    %add3A_149 = arith.constant 5 : i32
    %add3A_150 = vector.broadcast %add3A_149 : i32 to vector<16xi32>
    %add3A_151 = arith.addi %iota3A, %add3A_150 : vector<16xi32>
    %and3A_152 = arith.constant 63 : i32
    %and3A_153 = vector.broadcast %and3A_152 : i32 to vector<16xi32>
    %and3A_154 = arith.andi %add3A_151, %and3A_153 : vector<16xi32>
    %add3A_155 = arith.constant 6 : i32
    %add3A_156 = vector.broadcast %add3A_155 : i32 to vector<16xi32>
    %add3A_157 = arith.addi %iota3A, %add3A_156 : vector<16xi32>
    %and3A_158 = arith.constant 63 : i32
    %and3A_159 = vector.broadcast %and3A_158 : i32 to vector<16xi32>
    %and3A_160 = arith.andi %add3A_157, %and3A_159 : vector<16xi32>
    %add3A_161 = arith.constant 7 : i32
    %add3A_162 = vector.broadcast %add3A_161 : i32 to vector<16xi32>
    %add3A_163 = arith.addi %iota3A, %add3A_162 : vector<16xi32>
    %and3A_164 = arith.constant 63 : i32
    %and3A_165 = vector.broadcast %and3A_164 : i32 to vector<16xi32>
    %and3A_166 = arith.andi %add3A_163, %and3A_165 : vector<16xi32>
    %add3A_167 = arith.constant 8 : i32
    %add3A_168 = vector.broadcast %add3A_167 : i32 to vector<16xi32>
    %add3A_169 = arith.addi %iota3A, %add3A_168 : vector<16xi32>
    %and3A_170 = arith.constant 63 : i32
    %and3A_171 = vector.broadcast %and3A_170 : i32 to vector<16xi32>
    %and3A_172 = arith.andi %add3A_169, %and3A_171 : vector<16xi32>
    %add3A_173 = arith.constant 9 : i32
    %add3A_174 = vector.broadcast %add3A_173 : i32 to vector<16xi32>
    %add3A_175 = arith.addi %iota3A, %add3A_174 : vector<16xi32>
    %and3A_176 = arith.constant 63 : i32
    %and3A_177 = vector.broadcast %and3A_176 : i32 to vector<16xi32>
    %and3A_178 = arith.andi %add3A_175, %and3A_177 : vector<16xi32>
    %add3A_179 = arith.constant 10 : i32
    %add3A_180 = vector.broadcast %add3A_179 : i32 to vector<16xi32>
    %add3A_181 = arith.addi %iota3A, %add3A_180 : vector<16xi32>
    %and3A_182 = arith.constant 63 : i32
    %and3A_183 = vector.broadcast %and3A_182 : i32 to vector<16xi32>
    %and3A_184 = arith.andi %add3A_181, %and3A_183 : vector<16xi32>
    %add3A_185 = arith.constant 11 : i32
    %add3A_186 = vector.broadcast %add3A_185 : i32 to vector<16xi32>
    %add3A_187 = arith.addi %iota3A, %add3A_186 : vector<16xi32>
    %and3A_188 = arith.constant 63 : i32
    %and3A_189 = vector.broadcast %and3A_188 : i32 to vector<16xi32>
    %and3A_190 = arith.andi %add3A_187, %and3A_189 : vector<16xi32>
    %add3A_191 = arith.constant 12 : i32
    %add3A_192 = vector.broadcast %add3A_191 : i32 to vector<16xi32>
    %add3A_193 = arith.addi %iota3A, %add3A_192 : vector<16xi32>
    %and3A_194 = arith.constant 63 : i32
    %and3A_195 = vector.broadcast %and3A_194 : i32 to vector<16xi32>
    %and3A_196 = arith.andi %add3A_193, %and3A_195 : vector<16xi32>
    %add3A_197 = arith.constant 13 : i32
    %add3A_198 = vector.broadcast %add3A_197 : i32 to vector<16xi32>
    %add3A_199 = arith.addi %iota3A, %add3A_198 : vector<16xi32>
    %and3A_200 = arith.constant 63 : i32
    %and3A_201 = vector.broadcast %and3A_200 : i32 to vector<16xi32>
    %and3A_202 = arith.andi %add3A_199, %and3A_201 : vector<16xi32>
    %add3A_203 = arith.constant 14 : i32
    %add3A_204 = vector.broadcast %add3A_203 : i32 to vector<16xi32>
    %add3A_205 = arith.addi %iota3A, %add3A_204 : vector<16xi32>
    %and3A_206 = arith.constant 63 : i32
    %and3A_207 = vector.broadcast %and3A_206 : i32 to vector<16xi32>
    %and3A_208 = arith.andi %add3A_205, %and3A_207 : vector<16xi32>
    %add3A_209 = arith.constant 15 : i32
    %add3A_210 = vector.broadcast %add3A_209 : i32 to vector<16xi32>
    %add3A_211 = arith.addi %iota3A, %add3A_210 : vector<16xi32>
    %and3A_212 = arith.constant 63 : i32
    %and3A_213 = vector.broadcast %and3A_212 : i32 to vector<16xi32>
    %and3A_214 = arith.andi %add3A_211, %and3A_213 : vector<16xi32>
    %add3A_215 = arith.constant 16 : i32
    %add3A_216 = vector.broadcast %add3A_215 : i32 to vector<16xi32>
    %add3A_217 = arith.addi %iota3A, %add3A_216 : vector<16xi32>
    %and3A_218 = arith.constant 63 : i32
    %and3A_219 = vector.broadcast %and3A_218 : i32 to vector<16xi32>
    %and3A_220 = arith.andi %add3A_217, %and3A_219 : vector<16xi32>
    %add3A_221 = arith.constant 17 : i32
    %add3A_222 = vector.broadcast %add3A_221 : i32 to vector<16xi32>
    %add3A_223 = arith.addi %iota3A, %add3A_222 : vector<16xi32>
    %and3A_224 = arith.constant 63 : i32
    %and3A_225 = vector.broadcast %and3A_224 : i32 to vector<16xi32>
    %and3A_226 = arith.andi %add3A_223, %and3A_225 : vector<16xi32>
    %add3A_227 = arith.constant 18 : i32
    %add3A_228 = vector.broadcast %add3A_227 : i32 to vector<16xi32>
    %add3A_229 = arith.addi %iota3A, %add3A_228 : vector<16xi32>
    %and3A_230 = arith.constant 63 : i32
    %and3A_231 = vector.broadcast %and3A_230 : i32 to vector<16xi32>
    %and3A_232 = arith.andi %add3A_229, %and3A_231 : vector<16xi32>
    %add3A_233 = arith.constant 19 : i32
    %add3A_234 = vector.broadcast %add3A_233 : i32 to vector<16xi32>
    %add3A_235 = arith.addi %iota3A, %add3A_234 : vector<16xi32>
    %and3A_236 = arith.constant 63 : i32
    %and3A_237 = vector.broadcast %and3A_236 : i32 to vector<16xi32>
    %and3A_238 = arith.andi %add3A_235, %and3A_237 : vector<16xi32>
    %add3A_239 = arith.constant 20 : i32
    %add3A_240 = vector.broadcast %add3A_239 : i32 to vector<16xi32>
    %add3A_241 = arith.addi %iota3A, %add3A_240 : vector<16xi32>
    %and3A_242 = arith.constant 63 : i32
    %and3A_243 = vector.broadcast %and3A_242 : i32 to vector<16xi32>
    %and3A_244 = arith.andi %add3A_241, %and3A_243 : vector<16xi32>
    %add3A_245 = arith.constant 21 : i32
    %add3A_246 = vector.broadcast %add3A_245 : i32 to vector<16xi32>
    %add3A_247 = arith.addi %iota3A, %add3A_246 : vector<16xi32>
    %and3A_248 = arith.constant 63 : i32
    %and3A_249 = vector.broadcast %and3A_248 : i32 to vector<16xi32>
    %and3A_250 = arith.andi %add3A_247, %and3A_249 : vector<16xi32>
    %add3A_251 = arith.constant 22 : i32
    %add3A_252 = vector.broadcast %add3A_251 : i32 to vector<16xi32>
    %add3A_253 = arith.addi %iota3A, %add3A_252 : vector<16xi32>
    %and3A_254 = arith.constant 63 : i32
    %and3A_255 = vector.broadcast %and3A_254 : i32 to vector<16xi32>
    %and3A_256 = arith.andi %add3A_253, %and3A_255 : vector<16xi32>
    %add3A_257 = arith.constant 23 : i32
    %add3A_258 = vector.broadcast %add3A_257 : i32 to vector<16xi32>
    %add3A_259 = arith.addi %iota3A, %add3A_258 : vector<16xi32>
    %and3A_260 = arith.constant 63 : i32
    %and3A_261 = vector.broadcast %and3A_260 : i32 to vector<16xi32>
    %and3A_262 = arith.andi %add3A_259, %and3A_261 : vector<16xi32>
    %add3A_263 = arith.constant 24 : i32
    %add3A_264 = vector.broadcast %add3A_263 : i32 to vector<16xi32>
    %add3A_265 = arith.addi %iota3A, %add3A_264 : vector<16xi32>
    %and3A_266 = arith.constant 63 : i32
    %and3A_267 = vector.broadcast %and3A_266 : i32 to vector<16xi32>
    %and3A_268 = arith.andi %add3A_265, %and3A_267 : vector<16xi32>
    %add3A_269 = arith.constant 25 : i32
    %add3A_270 = vector.broadcast %add3A_269 : i32 to vector<16xi32>
    %add3A_271 = arith.addi %iota3A, %add3A_270 : vector<16xi32>
    %and3A_272 = arith.constant 63 : i32
    %and3A_273 = vector.broadcast %and3A_272 : i32 to vector<16xi32>
    %and3A_274 = arith.andi %add3A_271, %and3A_273 : vector<16xi32>
    %add3A_275 = arith.constant 26 : i32
    %add3A_276 = vector.broadcast %add3A_275 : i32 to vector<16xi32>
    %add3A_277 = arith.addi %iota3A, %add3A_276 : vector<16xi32>
    %and3A_278 = arith.constant 63 : i32
    %and3A_279 = vector.broadcast %and3A_278 : i32 to vector<16xi32>
    %and3A_280 = arith.andi %add3A_277, %and3A_279 : vector<16xi32>
    %add3A_281 = arith.constant 27 : i32
    %add3A_282 = vector.broadcast %add3A_281 : i32 to vector<16xi32>
    %add3A_283 = arith.addi %iota3A, %add3A_282 : vector<16xi32>
    %and3A_284 = arith.constant 63 : i32
    %and3A_285 = vector.broadcast %and3A_284 : i32 to vector<16xi32>
    %and3A_286 = arith.andi %add3A_283, %and3A_285 : vector<16xi32>
    %add3A_287 = arith.constant 28 : i32
    %add3A_288 = vector.broadcast %add3A_287 : i32 to vector<16xi32>
    %add3A_289 = arith.addi %iota3A, %add3A_288 : vector<16xi32>
    %and3A_290 = arith.constant 63 : i32
    %and3A_291 = vector.broadcast %and3A_290 : i32 to vector<16xi32>
    %and3A_292 = arith.andi %add3A_289, %and3A_291 : vector<16xi32>
    %add3A_293 = arith.constant 29 : i32
    %add3A_294 = vector.broadcast %add3A_293 : i32 to vector<16xi32>
    %add3A_295 = arith.addi %iota3A, %add3A_294 : vector<16xi32>
    %and3A_296 = arith.constant 63 : i32
    %and3A_297 = vector.broadcast %and3A_296 : i32 to vector<16xi32>
    %and3A_298 = arith.andi %add3A_295, %and3A_297 : vector<16xi32>
    %add3A_299 = arith.constant 30 : i32
    %add3A_300 = vector.broadcast %add3A_299 : i32 to vector<16xi32>
    %add3A_301 = arith.addi %iota3A, %add3A_300 : vector<16xi32>
    %and3A_302 = arith.constant 63 : i32
    %and3A_303 = vector.broadcast %and3A_302 : i32 to vector<16xi32>
    %and3A_304 = arith.andi %add3A_301, %and3A_303 : vector<16xi32>
    %add3A_305 = arith.constant 31 : i32
    %add3A_306 = vector.broadcast %add3A_305 : i32 to vector<16xi32>
    %add3A_307 = arith.addi %iota3A, %add3A_306 : vector<16xi32>
    %and3A_308 = arith.constant 63 : i32
    %and3A_309 = vector.broadcast %and3A_308 : i32 to vector<16xi32>
    %and3A_310 = arith.andi %add3A_307, %and3A_309 : vector<16xi32>
    %add3A_311 = arith.constant 32 : i32
    %add3A_312 = vector.broadcast %add3A_311 : i32 to vector<16xi32>
    %add3A_313 = arith.addi %iota3A, %add3A_312 : vector<16xi32>
    %and3A_314 = arith.constant 63 : i32
    %and3A_315 = vector.broadcast %and3A_314 : i32 to vector<16xi32>
    %and3A_316 = arith.andi %add3A_313, %and3A_315 : vector<16xi32>
    %add3A_317 = arith.constant 33 : i32
    %add3A_318 = vector.broadcast %add3A_317 : i32 to vector<16xi32>
    %add3A_319 = arith.addi %iota3A, %add3A_318 : vector<16xi32>
    %and3A_320 = arith.constant 63 : i32
    %and3A_321 = vector.broadcast %and3A_320 : i32 to vector<16xi32>
    %and3A_322 = arith.andi %add3A_319, %and3A_321 : vector<16xi32>
    %add3A_323 = arith.constant 34 : i32
    %add3A_324 = vector.broadcast %add3A_323 : i32 to vector<16xi32>
    %add3A_325 = arith.addi %iota3A, %add3A_324 : vector<16xi32>
    %and3A_326 = arith.constant 63 : i32
    %and3A_327 = vector.broadcast %and3A_326 : i32 to vector<16xi32>
    %and3A_328 = arith.andi %add3A_325, %and3A_327 : vector<16xi32>
    %add3A_329 = arith.constant 35 : i32
    %add3A_330 = vector.broadcast %add3A_329 : i32 to vector<16xi32>
    %add3A_331 = arith.addi %iota3A, %add3A_330 : vector<16xi32>
    %and3A_332 = arith.constant 63 : i32
    %and3A_333 = vector.broadcast %and3A_332 : i32 to vector<16xi32>
    %and3A_334 = arith.andi %add3A_331, %and3A_333 : vector<16xi32>
    %add3A_335 = arith.constant 36 : i32
    %add3A_336 = vector.broadcast %add3A_335 : i32 to vector<16xi32>
    %add3A_337 = arith.addi %iota3A, %add3A_336 : vector<16xi32>
    %and3A_338 = arith.constant 63 : i32
    %and3A_339 = vector.broadcast %and3A_338 : i32 to vector<16xi32>
    %and3A_340 = arith.andi %add3A_337, %and3A_339 : vector<16xi32>
    %add3A_341 = arith.constant 37 : i32
    %add3A_342 = vector.broadcast %add3A_341 : i32 to vector<16xi32>
    %add3A_343 = arith.addi %iota3A, %add3A_342 : vector<16xi32>
    %and3A_344 = arith.constant 63 : i32
    %and3A_345 = vector.broadcast %and3A_344 : i32 to vector<16xi32>
    %and3A_346 = arith.andi %add3A_343, %and3A_345 : vector<16xi32>
    %add3A_347 = arith.constant 38 : i32
    %add3A_348 = vector.broadcast %add3A_347 : i32 to vector<16xi32>
    %add3A_349 = arith.addi %iota3A, %add3A_348 : vector<16xi32>
    %and3A_350 = arith.constant 63 : i32
    %and3A_351 = vector.broadcast %and3A_350 : i32 to vector<16xi32>
    %and3A_352 = arith.andi %add3A_349, %and3A_351 : vector<16xi32>
    %add3A_353 = arith.constant 39 : i32
    %add3A_354 = vector.broadcast %add3A_353 : i32 to vector<16xi32>
    %add3A_355 = arith.addi %iota3A, %add3A_354 : vector<16xi32>
    %and3A_356 = arith.constant 63 : i32
    %and3A_357 = vector.broadcast %and3A_356 : i32 to vector<16xi32>
    %and3A_358 = arith.andi %add3A_355, %and3A_357 : vector<16xi32>
    %add3A_359 = arith.constant 40 : i32
    %add3A_360 = vector.broadcast %add3A_359 : i32 to vector<16xi32>
    %add3A_361 = arith.addi %iota3A, %add3A_360 : vector<16xi32>
    %and3A_362 = arith.constant 63 : i32
    %and3A_363 = vector.broadcast %and3A_362 : i32 to vector<16xi32>
    %and3A_364 = arith.andi %add3A_361, %and3A_363 : vector<16xi32>
    %add3A_365 = arith.constant 41 : i32
    %add3A_366 = vector.broadcast %add3A_365 : i32 to vector<16xi32>
    %add3A_367 = arith.addi %iota3A, %add3A_366 : vector<16xi32>
    %and3A_368 = arith.constant 63 : i32
    %and3A_369 = vector.broadcast %and3A_368 : i32 to vector<16xi32>
    %and3A_370 = arith.andi %add3A_367, %and3A_369 : vector<16xi32>
    %add3A_371 = arith.constant 42 : i32
    %add3A_372 = vector.broadcast %add3A_371 : i32 to vector<16xi32>
    %add3A_373 = arith.addi %iota3A, %add3A_372 : vector<16xi32>
    %and3A_374 = arith.constant 63 : i32
    %and3A_375 = vector.broadcast %and3A_374 : i32 to vector<16xi32>
    %and3A_376 = arith.andi %add3A_373, %and3A_375 : vector<16xi32>
    %add3A_377 = arith.constant 43 : i32
    %add3A_378 = vector.broadcast %add3A_377 : i32 to vector<16xi32>
    %add3A_379 = arith.addi %iota3A, %add3A_378 : vector<16xi32>
    %and3A_380 = arith.constant 63 : i32
    %and3A_381 = vector.broadcast %and3A_380 : i32 to vector<16xi32>
    %and3A_382 = arith.andi %add3A_379, %and3A_381 : vector<16xi32>
    %add3A_383 = arith.constant 44 : i32
    %add3A_384 = vector.broadcast %add3A_383 : i32 to vector<16xi32>
    %add3A_385 = arith.addi %iota3A, %add3A_384 : vector<16xi32>
    %and3A_386 = arith.constant 63 : i32
    %and3A_387 = vector.broadcast %and3A_386 : i32 to vector<16xi32>
    %and3A_388 = arith.andi %add3A_385, %and3A_387 : vector<16xi32>
    %add3A_389 = arith.constant 45 : i32
    %add3A_390 = vector.broadcast %add3A_389 : i32 to vector<16xi32>
    %add3A_391 = arith.addi %iota3A, %add3A_390 : vector<16xi32>
    %and3A_392 = arith.constant 63 : i32
    %and3A_393 = vector.broadcast %and3A_392 : i32 to vector<16xi32>
    %and3A_394 = arith.andi %add3A_391, %and3A_393 : vector<16xi32>
    %add3A_395 = arith.constant 46 : i32
    %add3A_396 = vector.broadcast %add3A_395 : i32 to vector<16xi32>
    %add3A_397 = arith.addi %iota3A, %add3A_396 : vector<16xi32>
    %and3A_398 = arith.constant 63 : i32
    %and3A_399 = vector.broadcast %and3A_398 : i32 to vector<16xi32>
    %and3A_400 = arith.andi %add3A_397, %and3A_399 : vector<16xi32>
    %add3A_401 = arith.constant 47 : i32
    %add3A_402 = vector.broadcast %add3A_401 : i32 to vector<16xi32>
    %add3A_403 = arith.addi %iota3A, %add3A_402 : vector<16xi32>
    %and3A_404 = arith.constant 63 : i32
    %and3A_405 = vector.broadcast %and3A_404 : i32 to vector<16xi32>
    %and3A_406 = arith.andi %add3A_403, %and3A_405 : vector<16xi32>
    %add3A_407 = arith.constant 48 : i32
    %add3A_408 = vector.broadcast %add3A_407 : i32 to vector<16xi32>
    %add3A_409 = arith.addi %iota3A, %add3A_408 : vector<16xi32>
    %and3A_410 = arith.constant 63 : i32
    %and3A_411 = vector.broadcast %and3A_410 : i32 to vector<16xi32>
    %and3A_412 = arith.andi %add3A_409, %and3A_411 : vector<16xi32>
    %add3A_413 = arith.constant 49 : i32
    %add3A_414 = vector.broadcast %add3A_413 : i32 to vector<16xi32>
    %add3A_415 = arith.addi %iota3A, %add3A_414 : vector<16xi32>
    %and3A_416 = arith.constant 63 : i32
    %and3A_417 = vector.broadcast %and3A_416 : i32 to vector<16xi32>
    %and3A_418 = arith.andi %add3A_415, %and3A_417 : vector<16xi32>
    %add3A_419 = arith.constant 50 : i32
    %add3A_420 = vector.broadcast %add3A_419 : i32 to vector<16xi32>
    %add3A_421 = arith.addi %iota3A, %add3A_420 : vector<16xi32>
    %and3A_422 = arith.constant 63 : i32
    %and3A_423 = vector.broadcast %and3A_422 : i32 to vector<16xi32>
    %and3A_424 = arith.andi %add3A_421, %and3A_423 : vector<16xi32>
    %add3A_425 = arith.constant 51 : i32
    %add3A_426 = vector.broadcast %add3A_425 : i32 to vector<16xi32>
    %add3A_427 = arith.addi %iota3A, %add3A_426 : vector<16xi32>
    %and3A_428 = arith.constant 63 : i32
    %and3A_429 = vector.broadcast %and3A_428 : i32 to vector<16xi32>
    %and3A_430 = arith.andi %add3A_427, %and3A_429 : vector<16xi32>
    %add3A_431 = arith.constant 52 : i32
    %add3A_432 = vector.broadcast %add3A_431 : i32 to vector<16xi32>
    %add3A_433 = arith.addi %iota3A, %add3A_432 : vector<16xi32>
    %and3A_434 = arith.constant 63 : i32
    %and3A_435 = vector.broadcast %and3A_434 : i32 to vector<16xi32>
    %and3A_436 = arith.andi %add3A_433, %and3A_435 : vector<16xi32>
    %add3A_437 = arith.constant 53 : i32
    %add3A_438 = vector.broadcast %add3A_437 : i32 to vector<16xi32>
    %add3A_439 = arith.addi %iota3A, %add3A_438 : vector<16xi32>
    %and3A_440 = arith.constant 63 : i32
    %and3A_441 = vector.broadcast %and3A_440 : i32 to vector<16xi32>
    %and3A_442 = arith.andi %add3A_439, %and3A_441 : vector<16xi32>
    %add3A_443 = arith.constant 54 : i32
    %add3A_444 = vector.broadcast %add3A_443 : i32 to vector<16xi32>
    %add3A_445 = arith.addi %iota3A, %add3A_444 : vector<16xi32>
    %and3A_446 = arith.constant 63 : i32
    %and3A_447 = vector.broadcast %and3A_446 : i32 to vector<16xi32>
    %and3A_448 = arith.andi %add3A_445, %and3A_447 : vector<16xi32>
    %add3A_449 = arith.constant 55 : i32
    %add3A_450 = vector.broadcast %add3A_449 : i32 to vector<16xi32>
    %add3A_451 = arith.addi %iota3A, %add3A_450 : vector<16xi32>
    %and3A_452 = arith.constant 63 : i32
    %and3A_453 = vector.broadcast %and3A_452 : i32 to vector<16xi32>
    %and3A_454 = arith.andi %add3A_451, %and3A_453 : vector<16xi32>
    %add3A_455 = arith.constant 56 : i32
    %add3A_456 = vector.broadcast %add3A_455 : i32 to vector<16xi32>
    %add3A_457 = arith.addi %iota3A, %add3A_456 : vector<16xi32>
    %and3A_458 = arith.constant 63 : i32
    %and3A_459 = vector.broadcast %and3A_458 : i32 to vector<16xi32>
    %and3A_460 = arith.andi %add3A_457, %and3A_459 : vector<16xi32>
    %add3A_461 = arith.constant 57 : i32
    %add3A_462 = vector.broadcast %add3A_461 : i32 to vector<16xi32>
    %add3A_463 = arith.addi %iota3A, %add3A_462 : vector<16xi32>
    %and3A_464 = arith.constant 63 : i32
    %and3A_465 = vector.broadcast %and3A_464 : i32 to vector<16xi32>
    %and3A_466 = arith.andi %add3A_463, %and3A_465 : vector<16xi32>
    %add3A_467 = arith.constant 58 : i32
    %add3A_468 = vector.broadcast %add3A_467 : i32 to vector<16xi32>
    %add3A_469 = arith.addi %iota3A, %add3A_468 : vector<16xi32>
    %and3A_470 = arith.constant 63 : i32
    %and3A_471 = vector.broadcast %and3A_470 : i32 to vector<16xi32>
    %and3A_472 = arith.andi %add3A_469, %and3A_471 : vector<16xi32>
    %add3A_473 = arith.constant 59 : i32
    %add3A_474 = vector.broadcast %add3A_473 : i32 to vector<16xi32>
    %add3A_475 = arith.addi %iota3A, %add3A_474 : vector<16xi32>
    %and3A_476 = arith.constant 63 : i32
    %and3A_477 = vector.broadcast %and3A_476 : i32 to vector<16xi32>
    %and3A_478 = arith.andi %add3A_475, %and3A_477 : vector<16xi32>
    %add3A_479 = arith.constant 60 : i32
    %add3A_480 = vector.broadcast %add3A_479 : i32 to vector<16xi32>
    %add3A_481 = arith.addi %iota3A, %add3A_480 : vector<16xi32>
    %and3A_482 = arith.constant 63 : i32
    %and3A_483 = vector.broadcast %and3A_482 : i32 to vector<16xi32>
    %and3A_484 = arith.andi %add3A_481, %and3A_483 : vector<16xi32>
    %add3A_485 = arith.constant 61 : i32
    %add3A_486 = vector.broadcast %add3A_485 : i32 to vector<16xi32>
    %add3A_487 = arith.addi %iota3A, %add3A_486 : vector<16xi32>
    %and3A_488 = arith.constant 63 : i32
    %and3A_489 = vector.broadcast %and3A_488 : i32 to vector<16xi32>
    %and3A_490 = arith.andi %add3A_487, %and3A_489 : vector<16xi32>
    %add3A_491 = arith.constant 62 : i32
    %add3A_492 = vector.broadcast %add3A_491 : i32 to vector<16xi32>
    %add3A_493 = arith.addi %iota3A, %add3A_492 : vector<16xi32>
    %and3A_494 = arith.constant 63 : i32
    %and3A_495 = vector.broadcast %and3A_494 : i32 to vector<16xi32>
    %and3A_496 = arith.andi %add3A_493, %and3A_495 : vector<16xi32>
    %add3A_497 = arith.constant 63 : i32
    %add3A_498 = vector.broadcast %add3A_497 : i32 to vector<16xi32>
    %add3A_499 = arith.addi %iota3A, %add3A_498 : vector<16xi32>
    %and3A_500 = arith.constant 63 : i32
    %and3A_501 = vector.broadcast %and3A_500 : i32 to vector<16xi32>
    %and3A_502 = arith.andi %add3A_499, %and3A_501 : vector<16xi32>
    %broadcast_in_dim3A = arith.constant 0.000000e+00 : f32
    %broadcast_in_dim3A_503 = vector.broadcast %broadcast_in_dim3A : f32 to vector<16xf32>
    %scan3A = arith.constant 0 : i32
    %scan3A_504 = arith.constant 16 : i32
    %scan3A_505 = arith.addi %scan3A, %scan3A_504 : i32
    %scan3A_506 = arith.constant 1 : i32
    %scan3A_507 = scf.for %scan3A_510 = %scan3A to %scan3A_505 step %scan3A_506 iter_args(%scan3A_511 = %broadcast_in_dim3A_503) -> (vector<16xf32>)  : i32 {
      %mul3A_512 = arith.constant 2 : i32
      %mul3A_513 = arith.muli %mul3A_512, %scan3A_510 : i32
      %add3A_514 = arith.constant 1 : i32
      %add3A_515 = arith.addi %mul3A_513, %add3A_514 : i32
      %mul3A_516 = arith.constant 16 : i32
      %mul3A_517 = arith.muli %add3A_515, %mul3A_516 : i32
      %add3A_518 = arith.addi %mul3A_2, %mul3A_517 : i32
      %mul3A_519 = arith.constant 20 : i32
      %mul3A_520 = arith.muli %add3A_518, %mul3A_519 : i32
      "tpu.region"() ({
        %run_scoped3A = tpu.sem_alloc : memref<!tpu.dma_semaphore, #tpu.memory_space<semaphore_mem>>
        %dma_start3A_705 = tpu.memref_slice %arg5[%mul3A_520] : memref<327680xi32, #tpu.memory_space<hbm>> -> memref<320xi32, #tpu.memory_space<hbm>>
        %dma_start3A_706 = tpu.memref_slice %arg5[%mul3A_520] : memref<327680xi32, #tpu.memory_space<hbm>> -> memref<320xi32, #tpu.memory_space<hbm>>
        tpu.enqueue_dma source(%dma_start3A_706 : memref<320xi32, #tpu.memory_space<hbm>>) target(%arg13 : memref<320xi32, #tpu.memory_space<vmem>>) target_semaphore(%run_scoped3A : memref<!tpu.dma_semaphore, #tpu.memory_space<semaphore_mem>>)
        %dma_wait3A_707 = tpu.memref_slice %arg5[%mul3A_520] : memref<327680xi32, #tpu.memory_space<hbm>> -> memref<320xi32, #tpu.memory_space<hbm>>
        %dma_wait3A_708 = tpu.memref_slice %arg5[%mul3A_520] : memref<327680xi32, #tpu.memory_space<hbm>> -> memref<320xi32, #tpu.memory_space<hbm>>
        tpu.wait_dma2 semaphore(%run_scoped3A : memref<!tpu.dma_semaphore, #tpu.memory_space<semaphore_mem>>) src(%dma_wait3A_708 : memref<320xi32, #tpu.memory_space<hbm>>) dst(%arg13 : memref<320xi32, #tpu.memory_space<vmem>>)
        tpu.yield
      }) : () -> ()
      "tpu.region"() ({
        %run_scoped3A = tpu.sem_alloc : memref<!tpu.dma_semaphore, #tpu.memory_space<semaphore_mem>>
        %dma_start3A_705 = tpu.memref_slice %arg6[%mul3A_520] : memref<327680xi32, #tpu.memory_space<hbm>> -> memref<320xi32, #tpu.memory_space<hbm>>
        %dma_start3A_706 = tpu.memref_slice %arg6[%mul3A_520] : memref<327680xi32, #tpu.memory_space<hbm>> -> memref<320xi32, #tpu.memory_space<hbm>>
        tpu.enqueue_dma source(%dma_start3A_706 : memref<320xi32, #tpu.memory_space<hbm>>) target(%arg15 : memref<320xi32, #tpu.memory_space<vmem>>) target_semaphore(%run_scoped3A : memref<!tpu.dma_semaphore, #tpu.memory_space<semaphore_mem>>)
        %dma_wait3A_707 = tpu.memref_slice %arg6[%mul3A_520] : memref<327680xi32, #tpu.memory_space<hbm>> -> memref<320xi32, #tpu.memory_space<hbm>>
        %dma_wait3A_708 = tpu.memref_slice %arg6[%mul3A_520] : memref<327680xi32, #tpu.memory_space<hbm>> -> memref<320xi32, #tpu.memory_space<hbm>>
        tpu.wait_dma2 semaphore(%run_scoped3A : memref<!tpu.dma_semaphore, #tpu.memory_space<semaphore_mem>>) src(%dma_wait3A_708 : memref<320xi32, #tpu.memory_space<hbm>>) dst(%arg15 : memref<320xi32, #tpu.memory_space<vmem>>)
        tpu.yield
      }) : () -> ()
      %dma_start3A_521 = arith.constant 0 : i32
      %dma_start3A_522 = arith.constant 0 : i32
      %dma_start3A_523 = tpu.memref_slice %arg17[%dma_start3A_521, %dma_start3A_522] : memref<320x64xf32, #tpu.memory_space<vmem>> -> memref<128x64xf32, #tpu.memory_space<vmem>>
      %dma_start3A_524 = arith.constant 0 : i32
      %dma_start3A_525 = tpu.memref_slice %arg13[%dma_start3A_524] : memref<320xi32, #tpu.memory_space<vmem>> -> memref<128xi32, #tpu.memory_space<vmem>>
      %dma_start3A_526 = arith.constant 0 : i32
      %dma_start3A_527 = arith.constant 0 : i32
      %dma_start3A_528 = tpu.memref_slice %arg3[%dma_start3A_526, %dma_start3A_527] : memref<1000000x64xf32, #tpu.memory_space<hbm>> -> memref<1000000x64xf32, #tpu.memory_space<hbm>>
      tpu.enqueue_indirect_dma source(%dma_start3A_528 : memref<1000000x64xf32, #tpu.memory_space<hbm>>) target(%dma_start3A_523 : memref<128x64xf32, #tpu.memory_space<vmem>>) offsets(%dma_start3A_525 : memref<128xi32, #tpu.memory_space<vmem>>) semaphore(%arg22 : memref<!tpu.dma_semaphore, #tpu.memory_space<semaphore_mem>>)
      %dma_start3A_529 = arith.constant 0 : i32
      %dma_start3A_530 = arith.constant 0 : i32
      %dma_start3A_531 = tpu.memref_slice %arg19[%dma_start3A_529, %dma_start3A_530] : memref<320x64xf32, #tpu.memory_space<vmem>> -> memref<128x64xf32, #tpu.memory_space<vmem>>
      %dma_start3A_532 = arith.constant 0 : i32
      %dma_start3A_533 = tpu.memref_slice %arg15[%dma_start3A_532] : memref<320xi32, #tpu.memory_space<vmem>> -> memref<128xi32, #tpu.memory_space<vmem>>
      %dma_start3A_534 = arith.constant 0 : i32
      %dma_start3A_535 = arith.constant 0 : i32
      %dma_start3A_536 = tpu.memref_slice %arg3[%dma_start3A_534, %dma_start3A_535] : memref<1000000x64xf32, #tpu.memory_space<hbm>> -> memref<1000000x64xf32, #tpu.memory_space<hbm>>
      tpu.enqueue_indirect_dma source(%dma_start3A_536 : memref<1000000x64xf32, #tpu.memory_space<hbm>>) target(%dma_start3A_531 : memref<128x64xf32, #tpu.memory_space<vmem>>) offsets(%dma_start3A_533 : memref<128xi32, #tpu.memory_space<vmem>>) semaphore(%arg24 : memref<!tpu.dma_semaphore, #tpu.memory_space<semaphore_mem>>)
      %dma_start3A_537 = arith.constant 128 : i32
      %dma_start3A_538 = arith.constant 0 : i32
      %dma_start3A_539 = tpu.memref_slice %arg17[%dma_start3A_537, %dma_start3A_538] : memref<320x64xf32, #tpu.memory_space<vmem>> -> memref<128x64xf32, #tpu.memory_space<vmem>>
      %dma_start3A_540 = arith.constant 128 : i32
      %dma_start3A_541 = tpu.memref_slice %arg13[%dma_start3A_540] : memref<320xi32, #tpu.memory_space<vmem>> -> memref<128xi32, #tpu.memory_space<vmem>>
      %dma_start3A_542 = arith.constant 0 : i32
      %dma_start3A_543 = arith.constant 0 : i32
      %dma_start3A_544 = tpu.memref_slice %arg3[%dma_start3A_542, %dma_start3A_543] : memref<1000000x64xf32, #tpu.memory_space<hbm>> -> memref<1000000x64xf32, #tpu.memory_space<hbm>>
      tpu.enqueue_indirect_dma source(%dma_start3A_544 : memref<1000000x64xf32, #tpu.memory_space<hbm>>) target(%dma_start3A_539 : memref<128x64xf32, #tpu.memory_space<vmem>>) offsets(%dma_start3A_541 : memref<128xi32, #tpu.memory_space<vmem>>) semaphore(%arg22 : memref<!tpu.dma_semaphore, #tpu.memory_space<semaphore_mem>>)
      %dma_start3A_545 = arith.constant 128 : i32
      %dma_start3A_546 = arith.constant 0 : i32
      %dma_start3A_547 = tpu.memref_slice %arg19[%dma_start3A_545, %dma_start3A_546] : memref<320x64xf32, #tpu.memory_space<vmem>> -> memref<128x64xf32, #tpu.memory_space<vmem>>
      %dma_start3A_548 = arith.constant 128 : i32
      %dma_start3A_549 = tpu.memref_slice %arg15[%dma_start3A_548] : memref<320xi32, #tpu.memory_space<vmem>> -> memref<128xi32, #tpu.memory_space<vmem>>
      %dma_start3A_550 = arith.constant 0 : i32
      %dma_start3A_551 = arith.constant 0 : i32
      %dma_start3A_552 = tpu.memref_slice %arg3[%dma_start3A_550, %dma_start3A_551] : memref<1000000x64xf32, #tpu.memory_space<hbm>> -> memref<1000000x64xf32, #tpu.memory_space<hbm>>
      tpu.enqueue_indirect_dma source(%dma_start3A_552 : memref<1000000x64xf32, #tpu.memory_space<hbm>>) target(%dma_start3A_547 : memref<128x64xf32, #tpu.memory_space<vmem>>) offsets(%dma_start3A_549 : memref<128xi32, #tpu.memory_space<vmem>>) semaphore(%arg24 : memref<!tpu.dma_semaphore, #tpu.memory_space<semaphore_mem>>)
      %dma_start3A_553 = arith.constant 256 : i32
      %dma_start3A_554 = arith.constant 0 : i32
      %dma_start3A_555 = tpu.memref_slice %arg17[%dma_start3A_553, %dma_start3A_554] : memref<320x64xf32, #tpu.memory_space<vmem>> -> memref<64x64xf32, #tpu.memory_space<vmem>>
      %dma_start3A_556 = arith.constant 256 : i32
      %dma_start3A_557 = tpu.memref_slice %arg13[%dma_start3A_556] : memref<320xi32, #tpu.memory_space<vmem>> -> memref<64xi32, #tpu.memory_space<vmem>>
      %dma_start3A_558 = arith.constant 0 : i32
      %dma_start3A_559 = arith.constant 0 : i32
      %dma_start3A_560 = tpu.memref_slice %arg3[%dma_start3A_558, %dma_start3A_559] : memref<1000000x64xf32, #tpu.memory_space<hbm>> -> memref<1000000x64xf32, #tpu.memory_space<hbm>>
      tpu.enqueue_indirect_dma source(%dma_start3A_560 : memref<1000000x64xf32, #tpu.memory_space<hbm>>) target(%dma_start3A_555 : memref<64x64xf32, #tpu.memory_space<vmem>>) offsets(%dma_start3A_557 : memref<64xi32, #tpu.memory_space<vmem>>) semaphore(%arg22 : memref<!tpu.dma_semaphore, #tpu.memory_space<semaphore_mem>>)
      %dma_start3A_561 = arith.constant 256 : i32
      %dma_start3A_562 = arith.constant 0 : i32
      %dma_start3A_563 = tpu.memref_slice %arg19[%dma_start3A_561, %dma_start3A_562] : memref<320x64xf32, #tpu.memory_space<vmem>> -> memref<64x64xf32, #tpu.memory_space<vmem>>
      %dma_start3A_564 = arith.constant 256 : i32
      %dma_start3A_565 = tpu.memref_slice %arg15[%dma_start3A_564] : memref<320xi32, #tpu.memory_space<vmem>> -> memref<64xi32, #tpu.memory_space<vmem>>
      %dma_start3A_566 = arith.constant 0 : i32
      %dma_start3A_567 = arith.constant 0 : i32
      %dma_start3A_568 = tpu.memref_slice %arg3[%dma_start3A_566, %dma_start3A_567] : memref<1000000x64xf32, #tpu.memory_space<hbm>> -> memref<1000000x64xf32, #tpu.memory_space<hbm>>
      tpu.enqueue_indirect_dma source(%dma_start3A_568 : memref<1000000x64xf32, #tpu.memory_space<hbm>>) target(%dma_start3A_563 : memref<64x64xf32, #tpu.memory_space<vmem>>) offsets(%dma_start3A_565 : memref<64xi32, #tpu.memory_space<vmem>>) semaphore(%arg24 : memref<!tpu.dma_semaphore, #tpu.memory_space<semaphore_mem>>)
      %dma_wait3A_569 = arith.constant 0 : i32
      %dma_wait3A_570 = arith.constant 0 : i32
      %dma_wait3A_571 = tpu.memref_slice %arg16[%dma_wait3A_569, %dma_wait3A_570] : memref<320x64xf32, #tpu.memory_space<vmem>> -> memref<128x64xf32, #tpu.memory_space<vmem>>
      %dma_wait3A_572 = arith.constant 0 : i32
      %dma_wait3A_573 = tpu.memref_slice %arg12[%dma_wait3A_572] : memref<320xi32, #tpu.memory_space<vmem>> -> memref<128xi32, #tpu.memory_space<vmem>>
      %dma_wait3A_574 = arith.constant 0 : i32
      %dma_wait3A_575 = arith.constant 0 : i32
      %dma_wait3A_576 = tpu.memref_slice %arg3[%dma_wait3A_574, %dma_wait3A_575] : memref<1000000x64xf32, #tpu.memory_space<hbm>> -> memref<1000000x64xf32, #tpu.memory_space<hbm>>
      tpu.wait_indirect_dma semaphore(%arg21 : memref<!tpu.dma_semaphore, #tpu.memory_space<semaphore_mem>>) src(%dma_wait3A_576 : memref<1000000x64xf32, #tpu.memory_space<hbm>>) dst(%dma_wait3A_571 : memref<128x64xf32, #tpu.memory_space<vmem>>)
      %dma_wait3A_577 = arith.constant 0 : i32
      %dma_wait3A_578 = arith.constant 0 : i32
      %dma_wait3A_579 = tpu.memref_slice %arg18[%dma_wait3A_577, %dma_wait3A_578] : memref<320x64xf32, #tpu.memory_space<vmem>> -> memref<128x64xf32, #tpu.memory_space<vmem>>
      %dma_wait3A_580 = arith.constant 0 : i32
      %dma_wait3A_581 = tpu.memref_slice %arg14[%dma_wait3A_580] : memref<320xi32, #tpu.memory_space<vmem>> -> memref<128xi32, #tpu.memory_space<vmem>>
      %dma_wait3A_582 = arith.constant 0 : i32
      %dma_wait3A_583 = arith.constant 0 : i32
      %dma_wait3A_584 = tpu.memref_slice %arg3[%dma_wait3A_582, %dma_wait3A_583] : memref<1000000x64xf32, #tpu.memory_space<hbm>> -> memref<1000000x64xf32, #tpu.memory_space<hbm>>
      tpu.wait_indirect_dma semaphore(%arg23 : memref<!tpu.dma_semaphore, #tpu.memory_space<semaphore_mem>>) src(%dma_wait3A_584 : memref<1000000x64xf32, #tpu.memory_space<hbm>>) dst(%dma_wait3A_579 : memref<128x64xf32, #tpu.memory_space<vmem>>)
      %dma_wait3A_585 = arith.constant 128 : i32
      %dma_wait3A_586 = arith.constant 0 : i32
      %dma_wait3A_587 = tpu.memref_slice %arg16[%dma_wait3A_585, %dma_wait3A_586] : memref<320x64xf32, #tpu.memory_space<vmem>> -> memref<128x64xf32, #tpu.memory_space<vmem>>
      %dma_wait3A_588 = arith.constant 128 : i32
      %dma_wait3A_589 = tpu.memref_slice %arg12[%dma_wait3A_588] : memref<320xi32, #tpu.memory_space<vmem>> -> memref<128xi32, #tpu.memory_space<vmem>>
      %dma_wait3A_590 = arith.constant 0 : i32
      %dma_wait3A_591 = arith.constant 0 : i32
      %dma_wait3A_592 = tpu.memref_slice %arg3[%dma_wait3A_590, %dma_wait3A_591] : memref<1000000x64xf32, #tpu.memory_space<hbm>> -> memref<1000000x64xf32, #tpu.memory_space<hbm>>
      tpu.wait_indirect_dma semaphore(%arg21 : memref<!tpu.dma_semaphore, #tpu.memory_space<semaphore_mem>>) src(%dma_wait3A_592 : memref<1000000x64xf32, #tpu.memory_space<hbm>>) dst(%dma_wait3A_587 : memref<128x64xf32, #tpu.memory_space<vmem>>)
      %dma_wait3A_593 = arith.constant 128 : i32
      %dma_wait3A_594 = arith.constant 0 : i32
      %dma_wait3A_595 = tpu.memref_slice %arg18[%dma_wait3A_593, %dma_wait3A_594] : memref<320x64xf32, #tpu.memory_space<vmem>> -> memref<128x64xf32, #tpu.memory_space<vmem>>
      %dma_wait3A_596 = arith.constant 128 : i32
      %dma_wait3A_597 = tpu.memref_slice %arg14[%dma_wait3A_596] : memref<320xi32, #tpu.memory_space<vmem>> -> memref<128xi32, #tpu.memory_space<vmem>>
      %dma_wait3A_598 = arith.constant 0 : i32
      %dma_wait3A_599 = arith.constant 0 : i32
      %dma_wait3A_600 = tpu.memref_slice %arg3[%dma_wait3A_598, %dma_wait3A_599] : memref<1000000x64xf32, #tpu.memory_space<hbm>> -> memref<1000000x64xf32, #tpu.memory_space<hbm>>
      tpu.wait_indirect_dma semaphore(%arg23 : memref<!tpu.dma_semaphore, #tpu.memory_space<semaphore_mem>>) src(%dma_wait3A_600 : memref<1000000x64xf32, #tpu.memory_space<hbm>>) dst(%dma_wait3A_595 : memref<128x64xf32, #tpu.memory_space<vmem>>)
      %dma_wait3A_601 = arith.constant 256 : i32
      %dma_wait3A_602 = arith.constant 0 : i32
      %dma_wait3A_603 = tpu.memref_slice %arg16[%dma_wait3A_601, %dma_wait3A_602] : memref<320x64xf32, #tpu.memory_space<vmem>> -> memref<64x64xf32, #tpu.memory_space<vmem>>
      %dma_wait3A_604 = arith.constant 256 : i32
      %dma_wait3A_605 = tpu.memref_slice %arg12[%dma_wait3A_604] : memref<320xi32, #tpu.memory_space<vmem>> -> memref<64xi32, #tpu.memory_space<vmem>>
      %dma_wait3A_606 = arith.constant 0 : i32
      %dma_wait3A_607 = arith.constant 0 : i32
      %dma_wait3A_608 = tpu.memref_slice %arg3[%dma_wait3A_606, %dma_wait3A_607] : memref<1000000x64xf32, #tpu.memory_space<hbm>> -> memref<1000000x64xf32, #tpu.memory_space<hbm>>
      tpu.wait_indirect_dma semaphore(%arg21 : memref<!tpu.dma_semaphore, #tpu.memory_space<semaphore_mem>>) src(%dma_wait3A_608 : memref<1000000x64xf32, #tpu.memory_space<hbm>>) dst(%dma_wait3A_603 : memref<64x64xf32, #tpu.memory_space<vmem>>)
      %dma_wait3A_609 = arith.constant 256 : i32
      %dma_wait3A_610 = arith.constant 0 : i32
      %dma_wait3A_611 = tpu.memref_slice %arg18[%dma_wait3A_609, %dma_wait3A_610] : memref<320x64xf32, #tpu.memory_space<vmem>> -> memref<64x64xf32, #tpu.memory_space<vmem>>
      %dma_wait3A_612 = arith.constant 256 : i32
      %dma_wait3A_613 = tpu.memref_slice %arg14[%dma_wait3A_612] : memref<320xi32, #tpu.memory_space<vmem>> -> memref<64xi32, #tpu.memory_space<vmem>>
      %dma_wait3A_614 = arith.constant 0 : i32
      %dma_wait3A_615 = arith.constant 0 : i32
      %dma_wait3A_616 = tpu.memref_slice %arg3[%dma_wait3A_614, %dma_wait3A_615] : memref<1000000x64xf32, #tpu.memory_space<hbm>> -> memref<1000000x64xf32, #tpu.memory_space<hbm>>
      tpu.wait_indirect_dma semaphore(%arg23 : memref<!tpu.dma_semaphore, #tpu.memory_space<semaphore_mem>>) src(%dma_wait3A_616 : memref<1000000x64xf32, #tpu.memory_space<hbm>>) dst(%dma_wait3A_611 : memref<64x64xf32, #tpu.memory_space<vmem>>)
      %mul3A_617 = arith.constant 16 : i32
      %mul3A_618 = arith.muli %mul3A_513, %mul3A_617 : i32
      %add3A_619 = vector.broadcast %mul3A_618 : i32 to vector<16xi32>
      %add3A_620 = arith.addi %iota3A, %add3A_619 : vector<16xi32>
      %broadcast_in_dim3A_621 = arith.constant 0.000000e+00 : f32
      %broadcast_in_dim3A_622 = vector.broadcast %broadcast_in_dim3A_621 : f32 to vector<16xf32>
      %scan3A_623 = arith.constant 0 : i32
      %scan3A_624 = arith.constant 8 : i32
      %scan3A_625 = arith.addi %scan3A_623, %scan3A_624 : i32
      %scan3A_626 = arith.constant 1 : i32
      %scan3A_627:2 = scf.for %scan3A_705 = %scan3A_623 to %scan3A_625 step %scan3A_626 iter_args(%scan3A_706 = %broadcast_in_dim3A_622, %scan3A_707 = %broadcast_in_dim3A_622) -> (vector<16xf32>, vector<16xf32>)  : i32 {
        %mul3A_708 = arith.constant 8 : i32
        %mul3A_709 = arith.muli %scan3A_705, %mul3A_708 : i32
        %add3A_710 = arith.constant 0 : i32
        %add3A_711 = arith.addi %mul3A_709, %add3A_710 : i32
        %add3A_712 = vector.broadcast %add3A_711 : i32 to vector<16xi32>
        %add3A_713 = arith.addi %iota3A, %add3A_712 : vector<16xi32>
        %and3A_714 = arith.constant 63 : i32
        %and3A_715 = vector.broadcast %and3A_714 : i32 to vector<16xi32>
        %and3A_716 = arith.andi %add3A_713, %and3A_715 : vector<16xi32>
        %gather3A = tpu.vector_load_idx %arg9[%add3A_620, %and3A_716] : memref<512x64xf32, #tpu.memory_space<vmem>>[vector<16xi32>, vector<16xi32>], vector<16xf32>,
        %add3A_717 = arith.constant 0 : i32
        %add3A_718 = arith.addi %mul3A_709, %add3A_717 : i32
        %swap3A_719 = arith.index_cast %add3A_718 : i32 to index
        %swap3A_720 = arith.constant 0 : index
        %swap3A_721 = tpu.vector_load %arg10[%swap3A_719, %swap3A_720] {strides = array<i32>} : memref<64x16xf32, #tpu.memory_space<vmem>>, vector<16xf32>,
        tpu.vector_store %arg10[%swap3A_719, %swap3A_720], %gather3A {strides = array<i32>} : memref<64x16xf32, #tpu.memory_space<vmem>>, vector<16xf32>,
        %mul3A_722 = arith.mulf %gather3A, %gather3A : vector<16xf32>
        %add3A_723 = arith.addf %scan3A_706, %mul3A_722 : vector<16xf32>
        %add3A_724 = arith.constant 1 : i32
        %add3A_725 = arith.addi %mul3A_709, %add3A_724 : i32
        %add3A_726 = vector.broadcast %add3A_725 : i32 to vector<16xi32>
        %add3A_727 = arith.addi %iota3A, %add3A_726 : vector<16xi32>
        %and3A_728 = arith.constant 63 : i32
        %and3A_729 = vector.broadcast %and3A_728 : i32 to vector<16xi32>
        %and3A_730 = arith.andi %add3A_727, %and3A_729 : vector<16xi32>
        %gather3A_731 = tpu.vector_load_idx %arg9[%add3A_620, %and3A_730] : memref<512x64xf32, #tpu.memory_space<vmem>>[vector<16xi32>, vector<16xi32>], vector<16xf32>,
        %add3A_732 = arith.constant 1 : i32
        %add3A_733 = arith.addi %mul3A_709, %add3A_732 : i32
        %swap3A_734 = arith.index_cast %add3A_733 : i32 to index
        %swap3A_735 = arith.constant 0 : index
        %swap3A_736 = tpu.vector_load %arg10[%swap3A_734, %swap3A_735] {strides = array<i32>} : memref<64x16xf32, #tpu.memory_space<vmem>>, vector<16xf32>,
        tpu.vector_store %arg10[%swap3A_734, %swap3A_735], %gather3A_731 {strides = array<i32>} : memref<64x16xf32, #tpu.memory_space<vmem>>, vector<16xf32>,
        %mul3A_737 = arith.mulf %gather3A_731, %gather3A_731 : vector<16xf32>
        %add3A_738 = arith.addf %scan3A_707, %mul3A_737 : vector<16xf32>
        %add3A_739 = arith.constant 2 : i32
        %add3A_740 = arith.addi %mul3A_709, %add3A_739 : i32
        %add3A_741 = vector.broadcast %add3A_740 : i32 to vector<16xi32>
        %add3A_742 = arith.addi %iota3A, %add3A_741 : vector<16xi32>
        %and3A_743 = arith.constant 63 : i32
        %and3A_744 = vector.broadcast %and3A_743 : i32 to vector<16xi32>
        %and3A_745 = arith.andi %add3A_742, %and3A_744 : vector<16xi32>
        %gather3A_746 = tpu.vector_load_idx %arg9[%add3A_620, %and3A_745] : memref<512x64xf32, #tpu.memory_space<vmem>>[vector<16xi32>, vector<16xi32>], vector<16xf32>,
        %add3A_747 = arith.constant 2 : i32
        %add3A_748 = arith.addi %mul3A_709, %add3A_747 : i32
        %swap3A_749 = arith.index_cast %add3A_748 : i32 to index
        %swap3A_750 = arith.constant 0 : index
        %swap3A_751 = tpu.vector_load %arg10[%swap3A_749, %swap3A_750] {strides = array<i32>} : memref<64x16xf32, #tpu.memory_space<vmem>>, vector<16xf32>,
        tpu.vector_store %arg10[%swap3A_749, %swap3A_750], %gather3A_746 {strides = array<i32>} : memref<64x16xf32, #tpu.memory_space<vmem>>, vector<16xf32>,
        %mul3A_752 = arith.mulf %gather3A_746, %gather3A_746 : vector<16xf32>
        %add3A_753 = arith.addf %add3A_723, %mul3A_752 : vector<16xf32>
        %add3A_754 = arith.constant 3 : i32
        %add3A_755 = arith.addi %mul3A_709, %add3A_754 : i32
        %add3A_756 = vector.broadcast %add3A_755 : i32 to vector<16xi32>
        %add3A_757 = arith.addi %iota3A, %add3A_756 : vector<16xi32>
        %and3A_758 = arith.constant 63 : i32
        %and3A_759 = vector.broadcast %and3A_758 : i32 to vector<16xi32>
        %and3A_760 = arith.andi %add3A_757, %and3A_759 : vector<16xi32>
        %gather3A_761 = tpu.vector_load_idx %arg9[%add3A_620, %and3A_760] : memref<512x64xf32, #tpu.memory_space<vmem>>[vector<16xi32>, vector<16xi32>], vector<16xf32>,
        %add3A_762 = arith.constant 3 : i32
        %add3A_763 = arith.addi %mul3A_709, %add3A_762 : i32
        %swap3A_764 = arith.index_cast %add3A_763 : i32 to index
        %swap3A_765 = arith.constant 0 : index
        %swap3A_766 = tpu.vector_load %arg10[%swap3A_764, %swap3A_765] {strides = array<i32>} : memref<64x16xf32, #tpu.memory_space<vmem>>, vector<16xf32>,
        tpu.vector_store %arg10[%swap3A_764, %swap3A_765], %gather3A_761 {strides = array<i32>} : memref<64x16xf32, #tpu.memory_space<vmem>>, vector<16xf32>,
        %mul3A_767 = arith.mulf %gather3A_761, %gather3A_761 : vector<16xf32>
        %add3A_768 = arith.addf %add3A_738, %mul3A_767 : vector<16xf32>
        %add3A_769 = arith.constant 4 : i32
        %add3A_770 = arith.addi %mul3A_709, %add3A_769 : i32
        %add3A_771 = vector.broadcast %add3A_770 : i32 to vector<16xi32>
        %add3A_772 = arith.addi %iota3A, %add3A_771 : vector<16xi32>
        %and3A_773 = arith.constant 63 : i32
        %and3A_774 = vector.broadcast %and3A_773 : i32 to vector<16xi32>
        %and3A_775 = arith.andi %add3A_772, %and3A_774 : vector<16xi32>
        %gather3A_776 = tpu.vector_load_idx %arg9[%add3A_620, %and3A_775] : memref<512x64xf32, #tpu.memory_space<vmem>>[vector<16xi32>, vector<16xi32>], vector<16xf32>,
        %add3A_777 = arith.constant 4 : i32
        %add3A_778 = arith.addi %mul3A_709, %add3A_777 : i32
        %swap3A_779 = arith.index_cast %add3A_778 : i32 to index
        %swap3A_780 = arith.constant 0 : index
        %swap3A_781 = tpu.vector_load %arg10[%swap3A_779, %swap3A_780] {strides = array<i32>} : memref<64x16xf32, #tpu.memory_space<vmem>>, vector<16xf32>,
        tpu.vector_store %arg10[%swap3A_779, %swap3A_780], %gather3A_776 {strides = array<i32>} : memref<64x16xf32, #tpu.memory_space<vmem>>, vector<16xf32>,
        %mul3A_782 = arith.mulf %gather3A_776, %gather3A_776 : vector<16xf32>
        %add3A_783 = arith.addf %add3A_753, %mul3A_782 : vector<16xf32>
        %add3A_784 = arith.constant 5 : i32
        %add3A_785 = arith.addi %mul3A_709, %add3A_784 : i32
        %add3A_786 = vector.broadcast %add3A_785 : i32 to vector<16xi32>
        %add3A_787 = arith.addi %iota3A, %add3A_786 : vector<16xi32>
        %and3A_788 = arith.constant 63 : i32
        %and3A_789 = vector.broadcast %and3A_788 : i32 to vector<16xi32>
        %and3A_790 = arith.andi %add3A_787, %and3A_789 : vector<16xi32>
        %gather3A_791 = tpu.vector_load_idx %arg9[%add3A_620, %and3A_790] : memref<512x64xf32, #tpu.memory_space<vmem>>[vector<16xi32>, vector<16xi32>], vector<16xf32>,
        %add3A_792 = arith.constant 5 : i32
        %add3A_793 = arith.addi %mul3A_709, %add3A_792 : i32
        %swap3A_794 = arith.index_cast %add3A_793 : i32 to index
        %swap3A_795 = arith.constant 0 : index
        %swap3A_796 = tpu.vector_load %arg10[%swap3A_794, %swap3A_795] {strides = array<i32>} : memref<64x16xf32, #tpu.memory_space<vmem>>, vector<16xf32>,
        tpu.vector_store %arg10[%swap3A_794, %swap3A_795], %gather3A_791 {strides = array<i32>} : memref<64x16xf32, #tpu.memory_space<vmem>>, vector<16xf32>,
        %mul3A_797 = arith.mulf %gather3A_791, %gather3A_791 : vector<16xf32>
        %add3A_798 = arith.addf %add3A_768, %mul3A_797 : vector<16xf32>
        %add3A_799 = arith.constant 6 : i32
        %add3A_800 = arith.addi %mul3A_709, %add3A_799 : i32
        %add3A_801 = vector.broadcast %add3A_800 : i32 to vector<16xi32>
        %add3A_802 = arith.addi %iota3A, %add3A_801 : vector<16xi32>
        %and3A_803 = arith.constant 63 : i32
        %and3A_804 = vector.broadcast %and3A_803 : i32 to vector<16xi32>
        %and3A_805 = arith.andi %add3A_802, %and3A_804 : vector<16xi32>
        %gather3A_806 = tpu.vector_load_idx %arg9[%add3A_620, %and3A_805] : memref<512x64xf32, #tpu.memory_space<vmem>>[vector<16xi32>, vector<16xi32>], vector<16xf32>,
        %add3A_807 = arith.constant 6 : i32
        %add3A_808 = arith.addi %mul3A_709, %add3A_807 : i32
        %swap3A_809 = arith.index_cast %add3A_808 : i32 to index
        %swap3A_810 = arith.constant 0 : index
        %swap3A_811 = tpu.vector_load %arg10[%swap3A_809, %swap3A_810] {strides = array<i32>} : memref<64x16xf32, #tpu.memory_space<vmem>>, vector<16xf32>,
        tpu.vector_store %arg10[%swap3A_809, %swap3A_810], %gather3A_806 {strides = array<i32>} : memref<64x16xf32, #tpu.memory_space<vmem>>, vector<16xf32>,
        %mul3A_812 = arith.mulf %gather3A_806, %gather3A_806 : vector<16xf32>
        %add3A_813 = arith.addf %add3A_783, %mul3A_812 : vector<16xf32>
        %add3A_814 = arith.constant 7 : i32
        %add3A_815 = arith.addi %mul3A_709, %add3A_814 : i32
        %add3A_816 = vector.broadcast %add3A_815 : i32 to vector<16xi32>
        %add3A_817 = arith.addi %iota3A, %add3A_816 : vector<16xi32>
        %and3A_818 = arith.constant 63 : i32
        %and3A_819 = vector.broadcast %and3A_818 : i32 to vector<16xi32>
        %and3A_820 = arith.andi %add3A_817, %and3A_819 : vector<16xi32>
        %gather3A_821 = tpu.vector_load_idx %arg9[%add3A_620, %and3A_820] : memref<512x64xf32, #tpu.memory_space<vmem>>[vector<16xi32>, vector<16xi32>], vector<16xf32>,
        %add3A_822 = arith.constant 7 : i32
        %add3A_823 = arith.addi %mul3A_709, %add3A_822 : i32
        %swap3A_824 = arith.index_cast %add3A_823 : i32 to index
        %swap3A_825 = arith.constant 0 : index
        %swap3A_826 = tpu.vector_load %arg10[%swap3A_824, %swap3A_825] {strides = array<i32>} : memref<64x16xf32, #tpu.memory_space<vmem>>, vector<16xf32>,
        tpu.vector_store %arg10[%swap3A_824, %swap3A_825], %gather3A_821 {strides = array<i32>} : memref<64x16xf32, #tpu.memory_space<vmem>>, vector<16xf32>,
        %mul3A_827 = arith.mulf %gather3A_821, %gather3A_821 : vector<16xf32>
        %add3A_828 = arith.addf %add3A_798, %mul3A_827 : vector<16xf32>
        scf.yield %add3A_813, %add3A_828 : vector<16xf32>, vector<16xf32>
      }
      %scan3A_628 = arith.constant 8 : i32
      %add3A_629 = arith.addf %scan3A_627#0, %scan3A_627#1 : vector<16xf32>
      %scan3A_630 = arith.constant 0 : i32
      %scan3A_631 = arith.constant 20 : i32
      %scan3A_632 = arith.addi %scan3A_630, %scan3A_631 : i32
      %scan3A_633 = arith.constant 1 : i32
      %scan3A_634 = scf.for %scan3A_705 = %scan3A_630 to %scan3A_632 step %scan3A_633 iter_args(%scan3A_706 = %scan3A_511) -> (vector<16xf32>)  : i32 {
        %add3A_707 = vector.broadcast %scan3A_705 : i32 to vector<16xi32>
        %add3A_708 = arith.addi %mul3A_5, %add3A_707 : vector<16xi32>
        %get3A = arith.constant 0 : i32
        %get3A_709 = arith.index_cast %get3A : i32 to index
        %get3A_710 = arith.constant 0 : index
        %get3A_711 = tpu.vector_load %arg10[%get3A_709, %get3A_710] {strides = array<i32>} : memref<64x16xf32, #tpu.memory_space<vmem>>, vector<16xf32>,
        %gather3A = tpu.vector_load_idx %arg16[%add3A_708, %and3A_124] : memref<320x64xf32, #tpu.memory_space<vmem>>[vector<16xi32>, vector<16xi32>], vector<16xf32>,
        %gather3A_712 = tpu.vector_load_idx %arg18[%add3A_708, %and3A_124] : memref<320x64xf32, #tpu.memory_space<vmem>>[vector<16xi32>, vector<16xi32>], vector<16xf32>,
        %mul3A_713 = arith.mulf %get3A_711, %gather3A : vector<16xf32>
        %add3A_714 = arith.addf %broadcast_in_dim3A_622, %mul3A_713 : vector<16xf32>
        %mul3A_715 = arith.mulf %gather3A, %gather3A : vector<16xf32>
        %add3A_716 = arith.addf %broadcast_in_dim3A_622, %mul3A_715 : vector<16xf32>
        %mul3A_717 = arith.mulf %get3A_711, %gather3A_712 : vector<16xf32>
        %add3A_718 = arith.addf %broadcast_in_dim3A_622, %mul3A_717 : vector<16xf32>
        %mul3A_719 = arith.mulf %gather3A_712, %gather3A_712 : vector<16xf32>
        %add3A_720 = arith.addf %broadcast_in_dim3A_622, %mul3A_719 : vector<16xf32>
        %get3A_721 = arith.constant 1 : i32
        %get3A_722 = arith.index_cast %get3A_721 : i32 to index
        %get3A_723 = arith.constant 0 : index
        %get3A_724 = tpu.vector_load %arg10[%get3A_722, %get3A_723] {strides = array<i32>} : memref<64x16xf32, #tpu.memory_space<vmem>>, vector<16xf32>,
        %gather3A_725 = tpu.vector_load_idx %arg16[%add3A_708, %and3A_130] : memref<320x64xf32, #tpu.memory_space<vmem>>[vector<16xi32>, vector<16xi32>], vector<16xf32>,
        %gather3A_726 = tpu.vector_load_idx %arg18[%add3A_708, %and3A_130] : memref<320x64xf32, #tpu.memory_space<vmem>>[vector<16xi32>, vector<16xi32>], vector<16xf32>,
        %mul3A_727 = arith.mulf %get3A_724, %gather3A_725 : vector<16xf32>
        %add3A_728 = arith.addf %broadcast_in_dim3A_622, %mul3A_727 : vector<16xf32>
        %mul3A_729 = arith.mulf %gather3A_725, %gather3A_725 : vector<16xf32>
        %add3A_730 = arith.addf %broadcast_in_dim3A_622, %mul3A_729 : vector<16xf32>
        %mul3A_731 = arith.mulf %get3A_724, %gather3A_726 : vector<16xf32>
        %add3A_732 = arith.addf %broadcast_in_dim3A_622, %mul3A_731 : vector<16xf32>
        %mul3A_733 = arith.mulf %gather3A_726, %gather3A_726 : vector<16xf32>
        %add3A_734 = arith.addf %broadcast_in_dim3A_622, %mul3A_733 : vector<16xf32>
        %get3A_735 = arith.constant 2 : i32
        %get3A_736 = arith.index_cast %get3A_735 : i32 to index
        %get3A_737 = arith.constant 0 : index
        %get3A_738 = tpu.vector_load %arg10[%get3A_736, %get3A_737] {strides = array<i32>} : memref<64x16xf32, #tpu.memory_space<vmem>>, vector<16xf32>,
        %gather3A_739 = tpu.vector_load_idx %arg16[%add3A_708, %and3A_136] : memref<320x64xf32, #tpu.memory_space<vmem>>[vector<16xi32>, vector<16xi32>], vector<16xf32>,
        %gather3A_740 = tpu.vector_load_idx %arg18[%add3A_708, %and3A_136] : memref<320x64xf32, #tpu.memory_space<vmem>>[vector<16xi32>, vector<16xi32>], vector<16xf32>,
        %mul3A_741 = arith.mulf %get3A_738, %gather3A_739 : vector<16xf32>
        %add3A_742 = arith.addf %add3A_714, %mul3A_741 : vector<16xf32>
        %mul3A_743 = arith.mulf %gather3A_739, %gather3A_739 : vector<16xf32>
        %add3A_744 = arith.addf %add3A_716, %mul3A_743 : vector<16xf32>
        %mul3A_745 = arith.mulf %get3A_738, %gather3A_740 : vector<16xf32>
        %add3A_746 = arith.addf %add3A_718, %mul3A_745 : vector<16xf32>
        %mul3A_747 = arith.mulf %gather3A_740, %gather3A_740 : vector<16xf32>
        %add3A_748 = arith.addf %add3A_720, %mul3A_747 : vector<16xf32>
        %get3A_749 = arith.constant 3 : i32
        %get3A_750 = arith.index_cast %get3A_749 : i32 to index
        %get3A_751 = arith.constant 0 : index
        %get3A_752 = tpu.vector_load %arg10[%get3A_750, %get3A_751] {strides = array<i32>} : memref<64x16xf32, #tpu.memory_space<vmem>>, vector<16xf32>,
        %gather3A_753 = tpu.vector_load_idx %arg16[%add3A_708, %and3A_142] : memref<320x64xf32, #tpu.memory_space<vmem>>[vector<16xi32>, vector<16xi32>], vector<16xf32>,
        %gather3A_754 = tpu.vector_load_idx %arg18[%add3A_708, %and3A_142] : memref<320x64xf32, #tpu.memory_space<vmem>>[vector<16xi32>, vector<16xi32>], vector<16xf32>,
        %mul3A_755 = arith.mulf %get3A_752, %gather3A_753 : vector<16xf32>
        %add3A_756 = arith.addf %add3A_728, %mul3A_755 : vector<16xf32>
        %mul3A_757 = arith.mulf %gather3A_753, %gather3A_753 : vector<16xf32>
        %add3A_758 = arith.addf %add3A_730, %mul3A_757 : vector<16xf32>
        %mul3A_759 = arith.mulf %get3A_752, %gather3A_754 : vector<16xf32>
        %add3A_760 = arith.addf %add3A_732, %mul3A_759 : vector<16xf32>
        %mul3A_761 = arith.mulf %gather3A_754, %gather3A_754 : vector<16xf32>
        %add3A_762 = arith.addf %add3A_734, %mul3A_761 : vector<16xf32>
        %get3A_763 = arith.constant 4 : i32
        %get3A_764 = arith.index_cast %get3A_763 : i32 to index
        %get3A_765 = arith.constant 0 : index
        %get3A_766 = tpu.vector_load %arg10[%get3A_764, %get3A_765] {strides = array<i32>} : memref<64x16xf32, #tpu.memory_space<vmem>>, vector<16xf32>,
        %gather3A_767 = tpu.vector_load_idx %arg16[%add3A_708, %and3A_148] : memref<320x64xf32, #tpu.memory_space<vmem>>[vector<16xi32>, vector<16xi32>], vector<16xf32>,
        %gather3A_768 = tpu.vector_load_idx %arg18[%add3A_708, %and3A_148] : memref<320x64xf32, #tpu.memory_space<vmem>>[vector<16xi32>, vector<16xi32>], vector<16xf32>,
        %mul3A_769 = arith.mulf %get3A_766, %gather3A_767 : vector<16xf32>
        %add3A_770 = arith.addf %add3A_742, %mul3A_769 : vector<16xf32>
        %mul3A_771 = arith.mulf %gather3A_767, %gather3A_767 : vector<16xf32>
        %add3A_772 = arith.addf %add3A_744, %mul3A_771 : vector<16xf32>
        %mul3A_773 = arith.mulf %get3A_766, %gather3A_768 : vector<16xf32>
        %add3A_774 = arith.addf %add3A_746, %mul3A_773 : vector<16xf32>
        %mul3A_775 = arith.mulf %gather3A_768, %gather3A_768 : vector<16xf32>
        %add3A_776 = arith.addf %add3A_748, %mul3A_775 : vector<16xf32>
        %get3A_777 = arith.constant 5 : i32
        %get3A_778 = arith.index_cast %get3A_777 : i32 to index
        %get3A_779 = arith.constant 0 : index
        %get3A_780 = tpu.vector_load %arg10[%get3A_778, %get3A_779] {strides = array<i32>} : memref<64x16xf32, #tpu.memory_space<vmem>>, vector<16xf32>,
        %gather3A_781 = tpu.vector_load_idx %arg16[%add3A_708, %and3A_154] : memref<320x64xf32, #tpu.memory_space<vmem>>[vector<16xi32>, vector<16xi32>], vector<16xf32>,
        %gather3A_782 = tpu.vector_load_idx %arg18[%add3A_708, %and3A_154] : memref<320x64xf32, #tpu.memory_space<vmem>>[vector<16xi32>, vector<16xi32>], vector<16xf32>,
        %mul3A_783 = arith.mulf %get3A_780, %gather3A_781 : vector<16xf32>
        %add3A_784 = arith.addf %add3A_756, %mul3A_783 : vector<16xf32>
        %mul3A_785 = arith.mulf %gather3A_781, %gather3A_781 : vector<16xf32>
        %add3A_786 = arith.addf %add3A_758, %mul3A_785 : vector<16xf32>
        %mul3A_787 = arith.mulf %get3A_780, %gather3A_782 : vector<16xf32>
        %add3A_788 = arith.addf %add3A_760, %mul3A_787 : vector<16xf32>
        %mul3A_789 = arith.mulf %gather3A_782, %gather3A_782 : vector<16xf32>
        %add3A_790 = arith.addf %add3A_762, %mul3A_789 : vector<16xf32>
        %get3A_791 = arith.constant 6 : i32
        %get3A_792 = arith.index_cast %get3A_791 : i32 to index
        %get3A_793 = arith.constant 0 : index
        %get3A_794 = tpu.vector_load %arg10[%get3A_792, %get3A_793] {strides = array<i32>} : memref<64x16xf32, #tpu.memory_space<vmem>>, vector<16xf32>,
        %gather3A_795 = tpu.vector_load_idx %arg16[%add3A_708, %and3A_160] : memref<320x64xf32, #tpu.memory_space<vmem>>[vector<16xi32>, vector<16xi32>], vector<16xf32>,
        %gather3A_796 = tpu.vector_load_idx %arg18[%add3A_708, %and3A_160] : memref<320x64xf32, #tpu.memory_space<vmem>>[vector<16xi32>, vector<16xi32>], vector<16xf32>,
        %mul3A_797 = arith.mulf %get3A_794, %gather3A_795 : vector<16xf32>
        %add3A_798 = arith.addf %add3A_770, %mul3A_797 : vector<16xf32>
        %mul3A_799 = arith.mulf %gather3A_795, %gather3A_795 : vector<16xf32>
        %add3A_800 = arith.addf %add3A_772, %mul3A_799 : vector<16xf32>
        %mul3A_801 = arith.mulf %get3A_794, %gather3A_796 : vector<16xf32>
        %add3A_802 = arith.addf %add3A_774, %mul3A_801 : vector<16xf32>
        %mul3A_803 = arith.mulf %gather3A_796, %gather3A_796 : vector<16xf32>
        %add3A_804 = arith.addf %add3A_776, %mul3A_803 : vector<16xf32>
        %get3A_805 = arith.constant 7 : i32
        %get3A_806 = arith.index_cast %get3A_805 : i32 to index
        %get3A_807 = arith.constant 0 : index
        %get3A_808 = tpu.vector_load %arg10[%get3A_806, %get3A_807] {strides = array<i32>} : memref<64x16xf32, #tpu.memory_space<vmem>>, vector<16xf32>,
        %gather3A_809 = tpu.vector_load_idx %arg16[%add3A_708, %and3A_166] : memref<320x64xf32, #tpu.memory_space<vmem>>[vector<16xi32>, vector<16xi32>], vector<16xf32>,
        %gather3A_810 = tpu.vector_load_idx %arg18[%add3A_708, %and3A_166] : memref<320x64xf32, #tpu.memory_space<vmem>>[vector<16xi32>, vector<16xi32>], vector<16xf32>,
        %mul3A_811 = arith.mulf %get3A_808, %gather3A_809 : vector<16xf32>
        %add3A_812 = arith.addf %add3A_784, %mul3A_811 : vector<16xf32>
        %mul3A_813 = arith.mulf %gather3A_809, %gather3A_809 : vector<16xf32>
        %add3A_814 = arith.addf %add3A_786, %mul3A_813 : vector<16xf32>
        %mul3A_815 = arith.mulf %get3A_808, %gather3A_810 : vector<16xf32>
        %add3A_816 = arith.addf %add3A_788, %mul3A_815 : vector<16xf32>
        %mul3A_817 = arith.mulf %gather3A_810, %gather3A_810 : vector<16xf32>
        %add3A_818 = arith.addf %add3A_790, %mul3A_817 : vector<16xf32>
        %get3A_819 = arith.constant 8 : i32
        %get3A_820 = arith.index_cast %get3A_819 : i32 to index
        %get3A_821 = arith.constant 0 : index
        %get3A_822 = tpu.vector_load %arg10[%get3A_820, %get3A_821] {strides = array<i32>} : memref<64x16xf32, #tpu.memory_space<vmem>>, vector<16xf32>,
        %gather3A_823 = tpu.vector_load_idx %arg16[%add3A_708, %and3A_172] : memref<320x64xf32, #tpu.memory_space<vmem>>[vector<16xi32>, vector<16xi32>], vector<16xf32>,
        %gather3A_824 = tpu.vector_load_idx %arg18[%add3A_708, %and3A_172] : memref<320x64xf32, #tpu.memory_space<vmem>>[vector<16xi32>, vector<16xi32>], vector<16xf32>,
        %mul3A_825 = arith.mulf %get3A_822, %gather3A_823 : vector<16xf32>
        %add3A_826 = arith.addf %add3A_798, %mul3A_825 : vector<16xf32>
        %mul3A_827 = arith.mulf %gather3A_823, %gather3A_823 : vector<16xf32>
        %add3A_828 = arith.addf %add3A_800, %mul3A_827 : vector<16xf32>
        %mul3A_829 = arith.mulf %get3A_822, %gather3A_824 : vector<16xf32>
        %add3A_830 = arith.addf %add3A_802, %mul3A_829 : vector<16xf32>
        %mul3A_831 = arith.mulf %gather3A_824, %gather3A_824 : vector<16xf32>
        %add3A_832 = arith.addf %add3A_804, %mul3A_831 : vector<16xf32>
        %get3A_833 = arith.constant 9 : i32
        %get3A_834 = arith.index_cast %get3A_833 : i32 to index
        %get3A_835 = arith.constant 0 : index
        %get3A_836 = tpu.vector_load %arg10[%get3A_834, %get3A_835] {strides = array<i32>} : memref<64x16xf32, #tpu.memory_space<vmem>>, vector<16xf32>,
        %gather3A_837 = tpu.vector_load_idx %arg16[%add3A_708, %and3A_178] : memref<320x64xf32, #tpu.memory_space<vmem>>[vector<16xi32>, vector<16xi32>], vector<16xf32>,
        %gather3A_838 = tpu.vector_load_idx %arg18[%add3A_708, %and3A_178] : memref<320x64xf32, #tpu.memory_space<vmem>>[vector<16xi32>, vector<16xi32>], vector<16xf32>,
        %mul3A_839 = arith.mulf %get3A_836, %gather3A_837 : vector<16xf32>
        %add3A_840 = arith.addf %add3A_812, %mul3A_839 : vector<16xf32>
        %mul3A_841 = arith.mulf %gather3A_837, %gather3A_837 : vector<16xf32>
        %add3A_842 = arith.addf %add3A_814, %mul3A_841 : vector<16xf32>
        %mul3A_843 = arith.mulf %get3A_836, %gather3A_838 : vector<16xf32>
        %add3A_844 = arith.addf %add3A_816, %mul3A_843 : vector<16xf32>
        %mul3A_845 = arith.mulf %gather3A_838, %gather3A_838 : vector<16xf32>
        %add3A_846 = arith.addf %add3A_818, %mul3A_845 : vector<16xf32>
        %get3A_847 = arith.constant 10 : i32
        %get3A_848 = arith.index_cast %get3A_847 : i32 to index
        %get3A_849 = arith.constant 0 : index
        %get3A_850 = tpu.vector_load %arg10[%get3A_848, %get3A_849] {strides = array<i32>} : memref<64x16xf32, #tpu.memory_space<vmem>>, vector<16xf32>,
        %gather3A_851 = tpu.vector_load_idx %arg16[%add3A_708, %and3A_184] : memref<320x64xf32, #tpu.memory_space<vmem>>[vector<16xi32>, vector<16xi32>], vector<16xf32>,
        %gather3A_852 = tpu.vector_load_idx %arg18[%add3A_708, %and3A_184] : memref<320x64xf32, #tpu.memory_space<vmem>>[vector<16xi32>, vector<16xi32>], vector<16xf32>,
        %mul3A_853 = arith.mulf %get3A_850, %gather3A_851 : vector<16xf32>
        %add3A_854 = arith.addf %add3A_826, %mul3A_853 : vector<16xf32>
        %mul3A_855 = arith.mulf %gather3A_851, %gather3A_851 : vector<16xf32>
        %add3A_856 = arith.addf %add3A_828, %mul3A_855 : vector<16xf32>
        %mul3A_857 = arith.mulf %get3A_850, %gather3A_852 : vector<16xf32>
        %add3A_858 = arith.addf %add3A_830, %mul3A_857 : vector<16xf32>
        %mul3A_859 = arith.mulf %gather3A_852, %gather3A_852 : vector<16xf32>
        %add3A_860 = arith.addf %add3A_832, %mul3A_859 : vector<16xf32>
        %get3A_861 = arith.constant 11 : i32
        %get3A_862 = arith.index_cast %get3A_861 : i32 to index
        %get3A_863 = arith.constant 0 : index
        %get3A_864 = tpu.vector_load %arg10[%get3A_862, %get3A_863] {strides = array<i32>} : memref<64x16xf32, #tpu.memory_space<vmem>>, vector<16xf32>,
        %gather3A_865 = tpu.vector_load_idx %arg16[%add3A_708, %and3A_190] : memref<320x64xf32, #tpu.memory_space<vmem>>[vector<16xi32>, vector<16xi32>], vector<16xf32>,
        %gather3A_866 = tpu.vector_load_idx %arg18[%add3A_708, %and3A_190] : memref<320x64xf32, #tpu.memory_space<vmem>>[vector<16xi32>, vector<16xi32>], vector<16xf32>,
        %mul3A_867 = arith.mulf %get3A_864, %gather3A_865 : vector<16xf32>
        %add3A_868 = arith.addf %add3A_840, %mul3A_867 : vector<16xf32>
        %mul3A_869 = arith.mulf %gather3A_865, %gather3A_865 : vector<16xf32>
        %add3A_870 = arith.addf %add3A_842, %mul3A_869 : vector<16xf32>
        %mul3A_871 = arith.mulf %get3A_864, %gather3A_866 : vector<16xf32>
        %add3A_872 = arith.addf %add3A_844, %mul3A_871 : vector<16xf32>
        %mul3A_873 = arith.mulf %gather3A_866, %gather3A_866 : vector<16xf32>
        %add3A_874 = arith.addf %add3A_846, %mul3A_873 : vector<16xf32>
        %get3A_875 = arith.constant 12 : i32
        %get3A_876 = arith.index_cast %get3A_875 : i32 to index
        %get3A_877 = arith.constant 0 : index
        %get3A_878 = tpu.vector_load %arg10[%get3A_876, %get3A_877] {strides = array<i32>} : memref<64x16xf32, #tpu.memory_space<vmem>>, vector<16xf32>,
        %gather3A_879 = tpu.vector_load_idx %arg16[%add3A_708, %and3A_196] : memref<320x64xf32, #tpu.memory_space<vmem>>[vector<16xi32>, vector<16xi32>], vector<16xf32>,
        %gather3A_880 = tpu.vector_load_idx %arg18[%add3A_708, %and3A_196] : memref<320x64xf32, #tpu.memory_space<vmem>>[vector<16xi32>, vector<16xi32>], vector<16xf32>,
        %mul3A_881 = arith.mulf %get3A_878, %gather3A_879 : vector<16xf32>
        %add3A_882 = arith.addf %add3A_854, %mul3A_881 : vector<16xf32>
        %mul3A_883 = arith.mulf %gather3A_879, %gather3A_879 : vector<16xf32>
        %add3A_884 = arith.addf %add3A_856, %mul3A_883 : vector<16xf32>
        %mul3A_885 = arith.mulf %get3A_878, %gather3A_880 : vector<16xf32>
        %add3A_886 = arith.addf %add3A_858, %mul3A_885 : vector<16xf32>
        %mul3A_887 = arith.mulf %gather3A_880, %gather3A_880 : vector<16xf32>
        %add3A_888 = arith.addf %add3A_860, %mul3A_887 : vector<16xf32>
        %get3A_889 = arith.constant 13 : i32
        %get3A_890 = arith.index_cast %get3A_889 : i32 to index
        %get3A_891 = arith.constant 0 : index
        %get3A_892 = tpu.vector_load %arg10[%get3A_890, %get3A_891] {strides = array<i32>} : memref<64x16xf32, #tpu.memory_space<vmem>>, vector<16xf32>,
        %gather3A_893 = tpu.vector_load_idx %arg16[%add3A_708, %and3A_202] : memref<320x64xf32, #tpu.memory_space<vmem>>[vector<16xi32>, vector<16xi32>], vector<16xf32>,
        %gather3A_894 = tpu.vector_load_idx %arg18[%add3A_708, %and3A_202] : memref<320x64xf32, #tpu.memory_space<vmem>>[vector<16xi32>, vector<16xi32>], vector<16xf32>,
        %mul3A_895 = arith.mulf %get3A_892, %gather3A_893 : vector<16xf32>
        %add3A_896 = arith.addf %add3A_868, %mul3A_895 : vector<16xf32>
        %mul3A_897 = arith.mulf %gather3A_893, %gather3A_893 : vector<16xf32>
        %add3A_898 = arith.addf %add3A_870, %mul3A_897 : vector<16xf32>
        %mul3A_899 = arith.mulf %get3A_892, %gather3A_894 : vector<16xf32>
        %add3A_900 = arith.addf %add3A_872, %mul3A_899 : vector<16xf32>
        %mul3A_901 = arith.mulf %gather3A_894, %gather3A_894 : vector<16xf32>
        %add3A_902 = arith.addf %add3A_874, %mul3A_901 : vector<16xf32>
        %get3A_903 = arith.constant 14 : i32
        %get3A_904 = arith.index_cast %get3A_903 : i32 to index
        %get3A_905 = arith.constant 0 : index
        %get3A_906 = tpu.vector_load %arg10[%get3A_904, %get3A_905] {strides = array<i32>} : memref<64x16xf32, #tpu.memory_space<vmem>>, vector<16xf32>,
        %gather3A_907 = tpu.vector_load_idx %arg16[%add3A_708, %and3A_208] : memref<320x64xf32, #tpu.memory_space<vmem>>[vector<16xi32>, vector<16xi32>], vector<16xf32>,
        %gather3A_908 = tpu.vector_load_idx %arg18[%add3A_708, %and3A_208] : memref<320x64xf32, #tpu.memory_space<vmem>>[vector<16xi32>, vector<16xi32>], vector<16xf32>,
        %mul3A_909 = arith.mulf %get3A_906, %gather3A_907 : vector<16xf32>
        %add3A_910 = arith.addf %add3A_882, %mul3A_909 : vector<16xf32>
        %mul3A_911 = arith.mulf %gather3A_907, %gather3A_907 : vector<16xf32>
        %add3A_912 = arith.addf %add3A_884, %mul3A_911 : vector<16xf32>
        %mul3A_913 = arith.mulf %get3A_906, %gather3A_908 : vector<16xf32>
        %add3A_914 = arith.addf %add3A_886, %mul3A_913 : vector<16xf32>
        %mul3A_915 = arith.mulf %gather3A_908, %gather3A_908 : vector<16xf32>
        %add3A_916 = arith.addf %add3A_888, %mul3A_915 : vector<16xf32>
        %get3A_917 = arith.constant 15 : i32
        %get3A_918 = arith.index_cast %get3A_917 : i32 to index
        %get3A_919 = arith.constant 0 : index
        %get3A_920 = tpu.vector_load %arg10[%get3A_918, %get3A_919] {strides = array<i32>} : memref<64x16xf32, #tpu.memory_space<vmem>>, vector<16xf32>,
        %gather3A_921 = tpu.vector_load_idx %arg16[%add3A_708, %and3A_214] : memref<320x64xf32, #tpu.memory_space<vmem>>[vector<16xi32>, vector<16xi32>], vector<16xf32>,
        %gather3A_922 = tpu.vector_load_idx %arg18[%add3A_708, %and3A_214] : memref<320x64xf32, #tpu.memory_space<vmem>>[vector<16xi32>, vector<16xi32>], vector<16xf32>,
        %mul3A_923 = arith.mulf %get3A_920, %gather3A_921 : vector<16xf32>
        %add3A_924 = arith.addf %add3A_896, %mul3A_923 : vector<16xf32>
        %mul3A_925 = arith.mulf %gather3A_921, %gather3A_921 : vector<16xf32>
        %add3A_926 = arith.addf %add3A_898, %mul3A_925 : vector<16xf32>
        %mul3A_927 = arith.mulf %get3A_920, %gather3A_922 : vector<16xf32>
        %add3A_928 = arith.addf %add3A_900, %mul3A_927 : vector<16xf32>
        %mul3A_929 = arith.mulf %gather3A_922, %gather3A_922 : vector<16xf32>
        %add3A_930 = arith.addf %add3A_902, %mul3A_929 : vector<16xf32>
        %get3A_931 = arith.constant 16 : i32
        %get3A_932 = arith.index_cast %get3A_931 : i32 to index
        %get3A_933 = arith.constant 0 : index
        %get3A_934 = tpu.vector_load %arg10[%get3A_932, %get3A_933] {strides = array<i32>} : memref<64x16xf32, #tpu.memory_space<vmem>>, vector<16xf32>,
        %gather3A_935 = tpu.vector_load_idx %arg16[%add3A_708, %and3A_220] : memref<320x64xf32, #tpu.memory_space<vmem>>[vector<16xi32>, vector<16xi32>], vector<16xf32>,
        %gather3A_936 = tpu.vector_load_idx %arg18[%add3A_708, %and3A_220] : memref<320x64xf32, #tpu.memory_space<vmem>>[vector<16xi32>, vector<16xi32>], vector<16xf32>,
        %mul3A_937 = arith.mulf %get3A_934, %gather3A_935 : vector<16xf32>
        %add3A_938 = arith.addf %add3A_910, %mul3A_937 : vector<16xf32>
        %mul3A_939 = arith.mulf %gather3A_935, %gather3A_935 : vector<16xf32>
        %add3A_940 = arith.addf %add3A_912, %mul3A_939 : vector<16xf32>
        %mul3A_941 = arith.mulf %get3A_934, %gather3A_936 : vector<16xf32>
        %add3A_942 = arith.addf %add3A_914, %mul3A_941 : vector<16xf32>
        %mul3A_943 = arith.mulf %gather3A_936, %gather3A_936 : vector<16xf32>
        %add3A_944 = arith.addf %add3A_916, %mul3A_943 : vector<16xf32>
        %get3A_945 = arith.constant 17 : i32
        %get3A_946 = arith.index_cast %get3A_945 : i32 to index
        %get3A_947 = arith.constant 0 : index
        %get3A_948 = tpu.vector_load %arg10[%get3A_946, %get3A_947] {strides = array<i32>} : memref<64x16xf32, #tpu.memory_space<vmem>>, vector<16xf32>,
        %gather3A_949 = tpu.vector_load_idx %arg16[%add3A_708, %and3A_226] : memref<320x64xf32, #tpu.memory_space<vmem>>[vector<16xi32>, vector<16xi32>], vector<16xf32>,
        %gather3A_950 = tpu.vector_load_idx %arg18[%add3A_708, %and3A_226] : memref<320x64xf32, #tpu.memory_space<vmem>>[vector<16xi32>, vector<16xi32>], vector<16xf32>,
        %mul3A_951 = arith.mulf %get3A_948, %gather3A_949 : vector<16xf32>
        %add3A_952 = arith.addf %add3A_924, %mul3A_951 : vector<16xf32>
        %mul3A_953 = arith.mulf %gather3A_949, %gather3A_949 : vector<16xf32>
        %add3A_954 = arith.addf %add3A_926, %mul3A_953 : vector<16xf32>
        %mul3A_955 = arith.mulf %get3A_948, %gather3A_950 : vector<16xf32>
        %add3A_956 = arith.addf %add3A_928, %mul3A_955 : vector<16xf32>
        %mul3A_957 = arith.mulf %gather3A_950, %gather3A_950 : vector<16xf32>
        %add3A_958 = arith.addf %add3A_930, %mul3A_957 : vector<16xf32>
        %get3A_959 = arith.constant 18 : i32
        %get3A_960 = arith.index_cast %get3A_959 : i32 to index
        %get3A_961 = arith.constant 0 : index
        %get3A_962 = tpu.vector_load %arg10[%get3A_960, %get3A_961] {strides = array<i32>} : memref<64x16xf32, #tpu.memory_space<vmem>>, vector<16xf32>,
        %gather3A_963 = tpu.vector_load_idx %arg16[%add3A_708, %and3A_232] : memref<320x64xf32, #tpu.memory_space<vmem>>[vector<16xi32>, vector<16xi32>], vector<16xf32>,
        %gather3A_964 = tpu.vector_load_idx %arg18[%add3A_708, %and3A_232] : memref<320x64xf32, #tpu.memory_space<vmem>>[vector<16xi32>, vector<16xi32>], vector<16xf32>,
        %mul3A_965 = arith.mulf %get3A_962, %gather3A_963 : vector<16xf32>
        %add3A_966 = arith.addf %add3A_938, %mul3A_965 : vector<16xf32>
        %mul3A_967 = arith.mulf %gather3A_963, %gather3A_963 : vector<16xf32>
        %add3A_968 = arith.addf %add3A_940, %mul3A_967 : vector<16xf32>
        %mul3A_969 = arith.mulf %get3A_962, %gather3A_964 : vector<16xf32>
        %add3A_970 = arith.addf %add3A_942, %mul3A_969 : vector<16xf32>
        %mul3A_971 = arith.mulf %gather3A_964, %gather3A_964 : vector<16xf32>
        %add3A_972 = arith.addf %add3A_944, %mul3A_971 : vector<16xf32>
        %get3A_973 = arith.constant 19 : i32
        %get3A_974 = arith.index_cast %get3A_973 : i32 to index
        %get3A_975 = arith.constant 0 : index
        %get3A_976 = tpu.vector_load %arg10[%get3A_974, %get3A_975] {strides = array<i32>} : memref<64x16xf32, #tpu.memory_space<vmem>>, vector<16xf32>,
        %gather3A_977 = tpu.vector_load_idx %arg16[%add3A_708, %and3A_238] : memref<320x64xf32, #tpu.memory_space<vmem>>[vector<16xi32>, vector<16xi32>], vector<16xf32>,
        %gather3A_978 = tpu.vector_load_idx %arg18[%add3A_708, %and3A_238] : memref<320x64xf32, #tpu.memory_space<vmem>>[vector<16xi32>, vector<16xi32>], vector<16xf32>,
        %mul3A_979 = arith.mulf %get3A_976, %gather3A_977 : vector<16xf32>
        %add3A_980 = arith.addf %add3A_952, %mul3A_979 : vector<16xf32>
        %mul3A_981 = arith.mulf %gather3A_977, %gather3A_977 : vector<16xf32>
        %add3A_982 = arith.addf %add3A_954, %mul3A_981 : vector<16xf32>
        %mul3A_983 = arith.mulf %get3A_976, %gather3A_978 : vector<16xf32>
        %add3A_984 = arith.addf %add3A_956, %mul3A_983 : vector<16xf32>
        %mul3A_985 = arith.mulf %gather3A_978, %gather3A_978 : vector<16xf32>
        %add3A_986 = arith.addf %add3A_958, %mul3A_985 : vector<16xf32>
        %get3A_987 = arith.constant 20 : i32
        %get3A_988 = arith.index_cast %get3A_987 : i32 to index
        %get3A_989 = arith.constant 0 : index
        %get3A_990 = tpu.vector_load %arg10[%get3A_988, %get3A_989] {strides = array<i32>} : memref<64x16xf32, #tpu.memory_space<vmem>>, vector<16xf32>,
        %gather3A_991 = tpu.vector_load_idx %arg16[%add3A_708, %and3A_244] : memref<320x64xf32, #tpu.memory_space<vmem>>[vector<16xi32>, vector<16xi32>], vector<16xf32>,
        %gather3A_992 = tpu.vector_load_idx %arg18[%add3A_708, %and3A_244] : memref<320x64xf32, #tpu.memory_space<vmem>>[vector<16xi32>, vector<16xi32>], vector<16xf32>,
        %mul3A_993 = arith.mulf %get3A_990, %gather3A_991 : vector<16xf32>
        %add3A_994 = arith.addf %add3A_966, %mul3A_993 : vector<16xf32>
        %mul3A_995 = arith.mulf %gather3A_991, %gather3A_991 : vector<16xf32>
        %add3A_996 = arith.addf %add3A_968, %mul3A_995 : vector<16xf32>
        %mul3A_997 = arith.mulf %get3A_990, %gather3A_992 : vector<16xf32>
        %add3A_998 = arith.addf %add3A_970, %mul3A_997 : vector<16xf32>
        %mul3A_999 = arith.mulf %gather3A_992, %gather3A_992 : vector<16xf32>
        %add3A_1000 = arith.addf %add3A_972, %mul3A_999 : vector<16xf32>
        %get3A_1001 = arith.constant 21 : i32
        %get3A_1002 = arith.index_cast %get3A_1001 : i32 to index
        %get3A_1003 = arith.constant 0 : index
        %get3A_1004 = tpu.vector_load %arg10[%get3A_1002, %get3A_1003] {strides = array<i32>} : memref<64x16xf32, #tpu.memory_space<vmem>>, vector<16xf32>,
        %gather3A_1005 = tpu.vector_load_idx %arg16[%add3A_708, %and3A_250] : memref<320x64xf32, #tpu.memory_space<vmem>>[vector<16xi32>, vector<16xi32>], vector<16xf32>,
        %gather3A_1006 = tpu.vector_load_idx %arg18[%add3A_708, %and3A_250] : memref<320x64xf32, #tpu.memory_space<vmem>>[vector<16xi32>, vector<16xi32>], vector<16xf32>,
        %mul3A_1007 = arith.mulf %get3A_1004, %gather3A_1005 : vector<16xf32>
        %add3A_1008 = arith.addf %add3A_980, %mul3A_1007 : vector<16xf32>
        %mul3A_1009 = arith.mulf %gather3A_1005, %gather3A_1005 : vector<16xf32>
        %add3A_1010 = arith.addf %add3A_982, %mul3A_1009 : vector<16xf32>
        %mul3A_1011 = arith.mulf %get3A_1004, %gather3A_1006 : vector<16xf32>
        %add3A_1012 = arith.addf %add3A_984, %mul3A_1011 : vector<16xf32>
        %mul3A_1013 = arith.mulf %gather3A_1006, %gather3A_1006 : vector<16xf32>
        %add3A_1014 = arith.addf %add3A_986, %mul3A_1013 : vector<16xf32>
        %get3A_1015 = arith.constant 22 : i32
        %get3A_1016 = arith.index_cast %get3A_1015 : i32 to index
        %get3A_1017 = arith.constant 0 : index
        %get3A_1018 = tpu.vector_load %arg10[%get3A_1016, %get3A_1017] {strides = array<i32>} : memref<64x16xf32, #tpu.memory_space<vmem>>, vector<16xf32>,
        %gather3A_1019 = tpu.vector_load_idx %arg16[%add3A_708, %and3A_256] : memref<320x64xf32, #tpu.memory_space<vmem>>[vector<16xi32>, vector<16xi32>], vector<16xf32>,
        %gather3A_1020 = tpu.vector_load_idx %arg18[%add3A_708, %and3A_256] : memref<320x64xf32, #tpu.memory_space<vmem>>[vector<16xi32>, vector<16xi32>], vector<16xf32>,
        %mul3A_1021 = arith.mulf %get3A_1018, %gather3A_1019 : vector<16xf32>
        %add3A_1022 = arith.addf %add3A_994, %mul3A_1021 : vector<16xf32>
        %mul3A_1023 = arith.mulf %gather3A_1019, %gather3A_1019 : vector<16xf32>
        %add3A_1024 = arith.addf %add3A_996, %mul3A_1023 : vector<16xf32>
        %mul3A_1025 = arith.mulf %get3A_1018, %gather3A_1020 : vector<16xf32>
        %add3A_1026 = arith.addf %add3A_998, %mul3A_1025 : vector<16xf32>
        %mul3A_1027 = arith.mulf %gather3A_1020, %gather3A_1020 : vector<16xf32>
        %add3A_1028 = arith.addf %add3A_1000, %mul3A_1027 : vector<16xf32>
        %get3A_1029 = arith.constant 23 : i32
        %get3A_1030 = arith.index_cast %get3A_1029 : i32 to index
        %get3A_1031 = arith.constant 0 : index
        %get3A_1032 = tpu.vector_load %arg10[%get3A_1030, %get3A_1031] {strides = array<i32>} : memref<64x16xf32, #tpu.memory_space<vmem>>, vector<16xf32>,
        %gather3A_1033 = tpu.vector_load_idx %arg16[%add3A_708, %and3A_262] : memref<320x64xf32, #tpu.memory_space<vmem>>[vector<16xi32>, vector<16xi32>], vector<16xf32>,
        %gather3A_1034 = tpu.vector_load_idx %arg18[%add3A_708, %and3A_262] : memref<320x64xf32, #tpu.memory_space<vmem>>[vector<16xi32>, vector<16xi32>], vector<16xf32>,
        %mul3A_1035 = arith.mulf %get3A_1032, %gather3A_1033 : vector<16xf32>
        %add3A_1036 = arith.addf %add3A_1008, %mul3A_1035 : vector<16xf32>
        %mul3A_1037 = arith.mulf %gather3A_1033, %gather3A_1033 : vector<16xf32>
        %add3A_1038 = arith.addf %add3A_1010, %mul3A_1037 : vector<16xf32>
        %mul3A_1039 = arith.mulf %get3A_1032, %gather3A_1034 : vector<16xf32>
        %add3A_1040 = arith.addf %add3A_1012, %mul3A_1039 : vector<16xf32>
        %mul3A_1041 = arith.mulf %gather3A_1034, %gather3A_1034 : vector<16xf32>
        %add3A_1042 = arith.addf %add3A_1014, %mul3A_1041 : vector<16xf32>
        %get3A_1043 = arith.constant 24 : i32
        %get3A_1044 = arith.index_cast %get3A_1043 : i32 to index
        %get3A_1045 = arith.constant 0 : index
        %get3A_1046 = tpu.vector_load %arg10[%get3A_1044, %get3A_1045] {strides = array<i32>} : memref<64x16xf32, #tpu.memory_space<vmem>>, vector<16xf32>,
        %gather3A_1047 = tpu.vector_load_idx %arg16[%add3A_708, %and3A_268] : memref<320x64xf32, #tpu.memory_space<vmem>>[vector<16xi32>, vector<16xi32>], vector<16xf32>,
        %gather3A_1048 = tpu.vector_load_idx %arg18[%add3A_708, %and3A_268] : memref<320x64xf32, #tpu.memory_space<vmem>>[vector<16xi32>, vector<16xi32>], vector<16xf32>,
        %mul3A_1049 = arith.mulf %get3A_1046, %gather3A_1047 : vector<16xf32>
        %add3A_1050 = arith.addf %add3A_1022, %mul3A_1049 : vector<16xf32>
        %mul3A_1051 = arith.mulf %gather3A_1047, %gather3A_1047 : vector<16xf32>
        %add3A_1052 = arith.addf %add3A_1024, %mul3A_1051 : vector<16xf32>
        %mul3A_1053 = arith.mulf %get3A_1046, %gather3A_1048 : vector<16xf32>
        %add3A_1054 = arith.addf %add3A_1026, %mul3A_1053 : vector<16xf32>
        %mul3A_1055 = arith.mulf %gather3A_1048, %gather3A_1048 : vector<16xf32>
        %add3A_1056 = arith.addf %add3A_1028, %mul3A_1055 : vector<16xf32>
        %get3A_1057 = arith.constant 25 : i32
        %get3A_1058 = arith.index_cast %get3A_1057 : i32 to index
        %get3A_1059 = arith.constant 0 : index
        %get3A_1060 = tpu.vector_load %arg10[%get3A_1058, %get3A_1059] {strides = array<i32>} : memref<64x16xf32, #tpu.memory_space<vmem>>, vector<16xf32>,
        %gather3A_1061 = tpu.vector_load_idx %arg16[%add3A_708, %and3A_274] : memref<320x64xf32, #tpu.memory_space<vmem>>[vector<16xi32>, vector<16xi32>], vector<16xf32>,
        %gather3A_1062 = tpu.vector_load_idx %arg18[%add3A_708, %and3A_274] : memref<320x64xf32, #tpu.memory_space<vmem>>[vector<16xi32>, vector<16xi32>], vector<16xf32>,
        %mul3A_1063 = arith.mulf %get3A_1060, %gather3A_1061 : vector<16xf32>
        %add3A_1064 = arith.addf %add3A_1036, %mul3A_1063 : vector<16xf32>
        %mul3A_1065 = arith.mulf %gather3A_1061, %gather3A_1061 : vector<16xf32>
        %add3A_1066 = arith.addf %add3A_1038, %mul3A_1065 : vector<16xf32>
        %mul3A_1067 = arith.mulf %get3A_1060, %gather3A_1062 : vector<16xf32>
        %add3A_1068 = arith.addf %add3A_1040, %mul3A_1067 : vector<16xf32>
        %mul3A_1069 = arith.mulf %gather3A_1062, %gather3A_1062 : vector<16xf32>
        %add3A_1070 = arith.addf %add3A_1042, %mul3A_1069 : vector<16xf32>
        %get3A_1071 = arith.constant 26 : i32
        %get3A_1072 = arith.index_cast %get3A_1071 : i32 to index
        %get3A_1073 = arith.constant 0 : index
        %get3A_1074 = tpu.vector_load %arg10[%get3A_1072, %get3A_1073] {strides = array<i32>} : memref<64x16xf32, #tpu.memory_space<vmem>>, vector<16xf32>,
        %gather3A_1075 = tpu.vector_load_idx %arg16[%add3A_708, %and3A_280] : memref<320x64xf32, #tpu.memory_space<vmem>>[vector<16xi32>, vector<16xi32>], vector<16xf32>,
        %gather3A_1076 = tpu.vector_load_idx %arg18[%add3A_708, %and3A_280] : memref<320x64xf32, #tpu.memory_space<vmem>>[vector<16xi32>, vector<16xi32>], vector<16xf32>,
        %mul3A_1077 = arith.mulf %get3A_1074, %gather3A_1075 : vector<16xf32>
        %add3A_1078 = arith.addf %add3A_1050, %mul3A_1077 : vector<16xf32>
        %mul3A_1079 = arith.mulf %gather3A_1075, %gather3A_1075 : vector<16xf32>
        %add3A_1080 = arith.addf %add3A_1052, %mul3A_1079 : vector<16xf32>
        %mul3A_1081 = arith.mulf %get3A_1074, %gather3A_1076 : vector<16xf32>
        %add3A_1082 = arith.addf %add3A_1054, %mul3A_1081 : vector<16xf32>
        %mul3A_1083 = arith.mulf %gather3A_1076, %gather3A_1076 : vector<16xf32>
        %add3A_1084 = arith.addf %add3A_1056, %mul3A_1083 : vector<16xf32>
        %get3A_1085 = arith.constant 27 : i32
        %get3A_1086 = arith.index_cast %get3A_1085 : i32 to index
        %get3A_1087 = arith.constant 0 : index
        %get3A_1088 = tpu.vector_load %arg10[%get3A_1086, %get3A_1087] {strides = array<i32>} : memref<64x16xf32, #tpu.memory_space<vmem>>, vector<16xf32>,
        %gather3A_1089 = tpu.vector_load_idx %arg16[%add3A_708, %and3A_286] : memref<320x64xf32, #tpu.memory_space<vmem>>[vector<16xi32>, vector<16xi32>], vector<16xf32>,
        %gather3A_1090 = tpu.vector_load_idx %arg18[%add3A_708, %and3A_286] : memref<320x64xf32, #tpu.memory_space<vmem>>[vector<16xi32>, vector<16xi32>], vector<16xf32>,
        %mul3A_1091 = arith.mulf %get3A_1088, %gather3A_1089 : vector<16xf32>
        %add3A_1092 = arith.addf %add3A_1064, %mul3A_1091 : vector<16xf32>
        %mul3A_1093 = arith.mulf %gather3A_1089, %gather3A_1089 : vector<16xf32>
        %add3A_1094 = arith.addf %add3A_1066, %mul3A_1093 : vector<16xf32>
        %mul3A_1095 = arith.mulf %get3A_1088, %gather3A_1090 : vector<16xf32>
        %add3A_1096 = arith.addf %add3A_1068, %mul3A_1095 : vector<16xf32>
        %mul3A_1097 = arith.mulf %gather3A_1090, %gather3A_1090 : vector<16xf32>
        %add3A_1098 = arith.addf %add3A_1070, %mul3A_1097 : vector<16xf32>
        %get3A_1099 = arith.constant 28 : i32
        %get3A_1100 = arith.index_cast %get3A_1099 : i32 to index
        %get3A_1101 = arith.constant 0 : index
        %get3A_1102 = tpu.vector_load %arg10[%get3A_1100, %get3A_1101] {strides = array<i32>} : memref<64x16xf32, #tpu.memory_space<vmem>>, vector<16xf32>,
        %gather3A_1103 = tpu.vector_load_idx %arg16[%add3A_708, %and3A_292] : memref<320x64xf32, #tpu.memory_space<vmem>>[vector<16xi32>, vector<16xi32>], vector<16xf32>,
        %gather3A_1104 = tpu.vector_load_idx %arg18[%add3A_708, %and3A_292] : memref<320x64xf32, #tpu.memory_space<vmem>>[vector<16xi32>, vector<16xi32>], vector<16xf32>,
        %mul3A_1105 = arith.mulf %get3A_1102, %gather3A_1103 : vector<16xf32>
        %add3A_1106 = arith.addf %add3A_1078, %mul3A_1105 : vector<16xf32>
        %mul3A_1107 = arith.mulf %gather3A_1103, %gather3A_1103 : vector<16xf32>
        %add3A_1108 = arith.addf %add3A_1080, %mul3A_1107 : vector<16xf32>
        %mul3A_1109 = arith.mulf %get3A_1102, %gather3A_1104 : vector<16xf32>
        %add3A_1110 = arith.addf %add3A_1082, %mul3A_1109 : vector<16xf32>
        %mul3A_1111 = arith.mulf %gather3A_1104, %gather3A_1104 : vector<16xf32>
        %add3A_1112 = arith.addf %add3A_1084, %mul3A_1111 : vector<16xf32>
        %get3A_1113 = arith.constant 29 : i32
        %get3A_1114 = arith.index_cast %get3A_1113 : i32 to index
        %get3A_1115 = arith.constant 0 : index
        %get3A_1116 = tpu.vector_load %arg10[%get3A_1114, %get3A_1115] {strides = array<i32>} : memref<64x16xf32, #tpu.memory_space<vmem>>, vector<16xf32>,
        %gather3A_1117 = tpu.vector_load_idx %arg16[%add3A_708, %and3A_298] : memref<320x64xf32, #tpu.memory_space<vmem>>[vector<16xi32>, vector<16xi32>], vector<16xf32>,
        %gather3A_1118 = tpu.vector_load_idx %arg18[%add3A_708, %and3A_298] : memref<320x64xf32, #tpu.memory_space<vmem>>[vector<16xi32>, vector<16xi32>], vector<16xf32>,
        %mul3A_1119 = arith.mulf %get3A_1116, %gather3A_1117 : vector<16xf32>
        %add3A_1120 = arith.addf %add3A_1092, %mul3A_1119 : vector<16xf32>
        %mul3A_1121 = arith.mulf %gather3A_1117, %gather3A_1117 : vector<16xf32>
        %add3A_1122 = arith.addf %add3A_1094, %mul3A_1121 : vector<16xf32>
        %mul3A_1123 = arith.mulf %get3A_1116, %gather3A_1118 : vector<16xf32>
        %add3A_1124 = arith.addf %add3A_1096, %mul3A_1123 : vector<16xf32>
        %mul3A_1125 = arith.mulf %gather3A_1118, %gather3A_1118 : vector<16xf32>
        %add3A_1126 = arith.addf %add3A_1098, %mul3A_1125 : vector<16xf32>
        %get3A_1127 = arith.constant 30 : i32
        %get3A_1128 = arith.index_cast %get3A_1127 : i32 to index
        %get3A_1129 = arith.constant 0 : index
        %get3A_1130 = tpu.vector_load %arg10[%get3A_1128, %get3A_1129] {strides = array<i32>} : memref<64x16xf32, #tpu.memory_space<vmem>>, vector<16xf32>,
        %gather3A_1131 = tpu.vector_load_idx %arg16[%add3A_708, %and3A_304] : memref<320x64xf32, #tpu.memory_space<vmem>>[vector<16xi32>, vector<16xi32>], vector<16xf32>,
        %gather3A_1132 = tpu.vector_load_idx %arg18[%add3A_708, %and3A_304] : memref<320x64xf32, #tpu.memory_space<vmem>>[vector<16xi32>, vector<16xi32>], vector<16xf32>,
        %mul3A_1133 = arith.mulf %get3A_1130, %gather3A_1131 : vector<16xf32>
        %add3A_1134 = arith.addf %add3A_1106, %mul3A_1133 : vector<16xf32>
        %mul3A_1135 = arith.mulf %gather3A_1131, %gather3A_1131 : vector<16xf32>
        %add3A_1136 = arith.addf %add3A_1108, %mul3A_1135 : vector<16xf32>
        %mul3A_1137 = arith.mulf %get3A_1130, %gather3A_1132 : vector<16xf32>
        %add3A_1138 = arith.addf %add3A_1110, %mul3A_1137 : vector<16xf32>
        %mul3A_1139 = arith.mulf %gather3A_1132, %gather3A_1132 : vector<16xf32>
        %add3A_1140 = arith.addf %add3A_1112, %mul3A_1139 : vector<16xf32>
        %get3A_1141 = arith.constant 31 : i32
        %get3A_1142 = arith.index_cast %get3A_1141 : i32 to index
        %get3A_1143 = arith.constant 0 : index
        %get3A_1144 = tpu.vector_load %arg10[%get3A_1142, %get3A_1143] {strides = array<i32>} : memref<64x16xf32, #tpu.memory_space<vmem>>, vector<16xf32>,
        %gather3A_1145 = tpu.vector_load_idx %arg16[%add3A_708, %and3A_310] : memref<320x64xf32, #tpu.memory_space<vmem>>[vector<16xi32>, vector<16xi32>], vector<16xf32>,
        %gather3A_1146 = tpu.vector_load_idx %arg18[%add3A_708, %and3A_310] : memref<320x64xf32, #tpu.memory_space<vmem>>[vector<16xi32>, vector<16xi32>], vector<16xf32>,
        %mul3A_1147 = arith.mulf %get3A_1144, %gather3A_1145 : vector<16xf32>
        %add3A_1148 = arith.addf %add3A_1120, %mul3A_1147 : vector<16xf32>
        %mul3A_1149 = arith.mulf %gather3A_1145, %gather3A_1145 : vector<16xf32>
        %add3A_1150 = arith.addf %add3A_1122, %mul3A_1149 : vector<16xf32>
        %mul3A_1151 = arith.mulf %get3A_1144, %gather3A_1146 : vector<16xf32>
        %add3A_1152 = arith.addf %add3A_1124, %mul3A_1151 : vector<16xf32>
        %mul3A_1153 = arith.mulf %gather3A_1146, %gather3A_1146 : vector<16xf32>
        %add3A_1154 = arith.addf %add3A_1126, %mul3A_1153 : vector<16xf32>
        %get3A_1155 = arith.constant 32 : i32
        %get3A_1156 = arith.index_cast %get3A_1155 : i32 to index
        %get3A_1157 = arith.constant 0 : index
        %get3A_1158 = tpu.vector_load %arg10[%get3A_1156, %get3A_1157] {strides = array<i32>} : memref<64x16xf32, #tpu.memory_space<vmem>>, vector<16xf32>,
        %gather3A_1159 = tpu.vector_load_idx %arg16[%add3A_708, %and3A_316] : memref<320x64xf32, #tpu.memory_space<vmem>>[vector<16xi32>, vector<16xi32>], vector<16xf32>,
        %gather3A_1160 = tpu.vector_load_idx %arg18[%add3A_708, %and3A_316] : memref<320x64xf32, #tpu.memory_space<vmem>>[vector<16xi32>, vector<16xi32>], vector<16xf32>,
        %mul3A_1161 = arith.mulf %get3A_1158, %gather3A_1159 : vector<16xf32>
        %add3A_1162 = arith.addf %add3A_1134, %mul3A_1161 : vector<16xf32>
        %mul3A_1163 = arith.mulf %gather3A_1159, %gather3A_1159 : vector<16xf32>
        %add3A_1164 = arith.addf %add3A_1136, %mul3A_1163 : vector<16xf32>
        %mul3A_1165 = arith.mulf %get3A_1158, %gather3A_1160 : vector<16xf32>
        %add3A_1166 = arith.addf %add3A_1138, %mul3A_1165 : vector<16xf32>
        %mul3A_1167 = arith.mulf %gather3A_1160, %gather3A_1160 : vector<16xf32>
        %add3A_1168 = arith.addf %add3A_1140, %mul3A_1167 : vector<16xf32>
        %get3A_1169 = arith.constant 33 : i32
        %get3A_1170 = arith.index_cast %get3A_1169 : i32 to index
        %get3A_1171 = arith.constant 0 : index
        %get3A_1172 = tpu.vector_load %arg10[%get3A_1170, %get3A_1171] {strides = array<i32>} : memref<64x16xf32, #tpu.memory_space<vmem>>, vector<16xf32>,
        %gather3A_1173 = tpu.vector_load_idx %arg16[%add3A_708, %and3A_322] : memref<320x64xf32, #tpu.memory_space<vmem>>[vector<16xi32>, vector<16xi32>], vector<16xf32>,
        %gather3A_1174 = tpu.vector_load_idx %arg18[%add3A_708, %and3A_322] : memref<320x64xf32, #tpu.memory_space<vmem>>[vector<16xi32>, vector<16xi32>], vector<16xf32>,
        %mul3A_1175 = arith.mulf %get3A_1172, %gather3A_1173 : vector<16xf32>
        %add3A_1176 = arith.addf %add3A_1148, %mul3A_1175 : vector<16xf32>
        %mul3A_1177 = arith.mulf %gather3A_1173, %gather3A_1173 : vector<16xf32>
        %add3A_1178 = arith.addf %add3A_1150, %mul3A_1177 : vector<16xf32>
        %mul3A_1179 = arith.mulf %get3A_1172, %gather3A_1174 : vector<16xf32>
        %add3A_1180 = arith.addf %add3A_1152, %mul3A_1179 : vector<16xf32>
        %mul3A_1181 = arith.mulf %gather3A_1174, %gather3A_1174 : vector<16xf32>
        %add3A_1182 = arith.addf %add3A_1154, %mul3A_1181 : vector<16xf32>
        %get3A_1183 = arith.constant 34 : i32
        %get3A_1184 = arith.index_cast %get3A_1183 : i32 to index
        %get3A_1185 = arith.constant 0 : index
        %get3A_1186 = tpu.vector_load %arg10[%get3A_1184, %get3A_1185] {strides = array<i32>} : memref<64x16xf32, #tpu.memory_space<vmem>>, vector<16xf32>,
        %gather3A_1187 = tpu.vector_load_idx %arg16[%add3A_708, %and3A_328] : memref<320x64xf32, #tpu.memory_space<vmem>>[vector<16xi32>, vector<16xi32>], vector<16xf32>,
        %gather3A_1188 = tpu.vector_load_idx %arg18[%add3A_708, %and3A_328] : memref<320x64xf32, #tpu.memory_space<vmem>>[vector<16xi32>, vector<16xi32>], vector<16xf32>,
        %mul3A_1189 = arith.mulf %get3A_1186, %gather3A_1187 : vector<16xf32>
        %add3A_1190 = arith.addf %add3A_1162, %mul3A_1189 : vector<16xf32>
        %mul3A_1191 = arith.mulf %gather3A_1187, %gather3A_1187 : vector<16xf32>
        %add3A_1192 = arith.addf %add3A_1164, %mul3A_1191 : vector<16xf32>
        %mul3A_1193 = arith.mulf %get3A_1186, %gather3A_1188 : vector<16xf32>
        %add3A_1194 = arith.addf %add3A_1166, %mul3A_1193 : vector<16xf32>
        %mul3A_1195 = arith.mulf %gather3A_1188, %gather3A_1188 : vector<16xf32>
        %add3A_1196 = arith.addf %add3A_1168, %mul3A_1195 : vector<16xf32>
        %get3A_1197 = arith.constant 35 : i32
        %get3A_1198 = arith.index_cast %get3A_1197 : i32 to index
        %get3A_1199 = arith.constant 0 : index
        %get3A_1200 = tpu.vector_load %arg10[%get3A_1198, %get3A_1199] {strides = array<i32>} : memref<64x16xf32, #tpu.memory_space<vmem>>, vector<16xf32>,
        %gather3A_1201 = tpu.vector_load_idx %arg16[%add3A_708, %and3A_334] : memref<320x64xf32, #tpu.memory_space<vmem>>[vector<16xi32>, vector<16xi32>], vector<16xf32>,
        %gather3A_1202 = tpu.vector_load_idx %arg18[%add3A_708, %and3A_334] : memref<320x64xf32, #tpu.memory_space<vmem>>[vector<16xi32>, vector<16xi32>], vector<16xf32>,
        %mul3A_1203 = arith.mulf %get3A_1200, %gather3A_1201 : vector<16xf32>
        %add3A_1204 = arith.addf %add3A_1176, %mul3A_1203 : vector<16xf32>
        %mul3A_1205 = arith.mulf %gather3A_1201, %gather3A_1201 : vector<16xf32>
        %add3A_1206 = arith.addf %add3A_1178, %mul3A_1205 : vector<16xf32>
        %mul3A_1207 = arith.mulf %get3A_1200, %gather3A_1202 : vector<16xf32>
        %add3A_1208 = arith.addf %add3A_1180, %mul3A_1207 : vector<16xf32>
        %mul3A_1209 = arith.mulf %gather3A_1202, %gather3A_1202 : vector<16xf32>
        %add3A_1210 = arith.addf %add3A_1182, %mul3A_1209 : vector<16xf32>
        %get3A_1211 = arith.constant 36 : i32
        %get3A_1212 = arith.index_cast %get3A_1211 : i32 to index
        %get3A_1213 = arith.constant 0 : index
        %get3A_1214 = tpu.vector_load %arg10[%get3A_1212, %get3A_1213] {strides = array<i32>} : memref<64x16xf32, #tpu.memory_space<vmem>>, vector<16xf32>,
        %gather3A_1215 = tpu.vector_load_idx %arg16[%add3A_708, %and3A_340] : memref<320x64xf32, #tpu.memory_space<vmem>>[vector<16xi32>, vector<16xi32>], vector<16xf32>,
        %gather3A_1216 = tpu.vector_load_idx %arg18[%add3A_708, %and3A_340] : memref<320x64xf32, #tpu.memory_space<vmem>>[vector<16xi32>, vector<16xi32>], vector<16xf32>,
        %mul3A_1217 = arith.mulf %get3A_1214, %gather3A_1215 : vector<16xf32>
        %add3A_1218 = arith.addf %add3A_1190, %mul3A_1217 : vector<16xf32>
        %mul3A_1219 = arith.mulf %gather3A_1215, %gather3A_1215 : vector<16xf32>
        %add3A_1220 = arith.addf %add3A_1192, %mul3A_1219 : vector<16xf32>
        %mul3A_1221 = arith.mulf %get3A_1214, %gather3A_1216 : vector<16xf32>
        %add3A_1222 = arith.addf %add3A_1194, %mul3A_1221 : vector<16xf32>
        %mul3A_1223 = arith.mulf %gather3A_1216, %gather3A_1216 : vector<16xf32>
        %add3A_1224 = arith.addf %add3A_1196, %mul3A_1223 : vector<16xf32>
        %get3A_1225 = arith.constant 37 : i32
        %get3A_1226 = arith.index_cast %get3A_1225 : i32 to index
        %get3A_1227 = arith.constant 0 : index
        %get3A_1228 = tpu.vector_load %arg10[%get3A_1226, %get3A_1227] {strides = array<i32>} : memref<64x16xf32, #tpu.memory_space<vmem>>, vector<16xf32>,
        %gather3A_1229 = tpu.vector_load_idx %arg16[%add3A_708, %and3A_346] : memref<320x64xf32, #tpu.memory_space<vmem>>[vector<16xi32>, vector<16xi32>], vector<16xf32>,
        %gather3A_1230 = tpu.vector_load_idx %arg18[%add3A_708, %and3A_346] : memref<320x64xf32, #tpu.memory_space<vmem>>[vector<16xi32>, vector<16xi32>], vector<16xf32>,
        %mul3A_1231 = arith.mulf %get3A_1228, %gather3A_1229 : vector<16xf32>
        %add3A_1232 = arith.addf %add3A_1204, %mul3A_1231 : vector<16xf32>
        %mul3A_1233 = arith.mulf %gather3A_1229, %gather3A_1229 : vector<16xf32>
        %add3A_1234 = arith.addf %add3A_1206, %mul3A_1233 : vector<16xf32>
        %mul3A_1235 = arith.mulf %get3A_1228, %gather3A_1230 : vector<16xf32>
        %add3A_1236 = arith.addf %add3A_1208, %mul3A_1235 : vector<16xf32>
        %mul3A_1237 = arith.mulf %gather3A_1230, %gather3A_1230 : vector<16xf32>
        %add3A_1238 = arith.addf %add3A_1210, %mul3A_1237 : vector<16xf32>
        %get3A_1239 = arith.constant 38 : i32
        %get3A_1240 = arith.index_cast %get3A_1239 : i32 to index
        %get3A_1241 = arith.constant 0 : index
        %get3A_1242 = tpu.vector_load %arg10[%get3A_1240, %get3A_1241] {strides = array<i32>} : memref<64x16xf32, #tpu.memory_space<vmem>>, vector<16xf32>,
        %gather3A_1243 = tpu.vector_load_idx %arg16[%add3A_708, %and3A_352] : memref<320x64xf32, #tpu.memory_space<vmem>>[vector<16xi32>, vector<16xi32>], vector<16xf32>,
        %gather3A_1244 = tpu.vector_load_idx %arg18[%add3A_708, %and3A_352] : memref<320x64xf32, #tpu.memory_space<vmem>>[vector<16xi32>, vector<16xi32>], vector<16xf32>,
        %mul3A_1245 = arith.mulf %get3A_1242, %gather3A_1243 : vector<16xf32>
        %add3A_1246 = arith.addf %add3A_1218, %mul3A_1245 : vector<16xf32>
        %mul3A_1247 = arith.mulf %gather3A_1243, %gather3A_1243 : vector<16xf32>
        %add3A_1248 = arith.addf %add3A_1220, %mul3A_1247 : vector<16xf32>
        %mul3A_1249 = arith.mulf %get3A_1242, %gather3A_1244 : vector<16xf32>
        %add3A_1250 = arith.addf %add3A_1222, %mul3A_1249 : vector<16xf32>
        %mul3A_1251 = arith.mulf %gather3A_1244, %gather3A_1244 : vector<16xf32>
        %add3A_1252 = arith.addf %add3A_1224, %mul3A_1251 : vector<16xf32>
        %get3A_1253 = arith.constant 39 : i32
        %get3A_1254 = arith.index_cast %get3A_1253 : i32 to index
        %get3A_1255 = arith.constant 0 : index
        %get3A_1256 = tpu.vector_load %arg10[%get3A_1254, %get3A_1255] {strides = array<i32>} : memref<64x16xf32, #tpu.memory_space<vmem>>, vector<16xf32>,
        %gather3A_1257 = tpu.vector_load_idx %arg16[%add3A_708, %and3A_358] : memref<320x64xf32, #tpu.memory_space<vmem>>[vector<16xi32>, vector<16xi32>], vector<16xf32>,
        %gather3A_1258 = tpu.vector_load_idx %arg18[%add3A_708, %and3A_358] : memref<320x64xf32, #tpu.memory_space<vmem>>[vector<16xi32>, vector<16xi32>], vector<16xf32>,
        %mul3A_1259 = arith.mulf %get3A_1256, %gather3A_1257 : vector<16xf32>
        %add3A_1260 = arith.addf %add3A_1232, %mul3A_1259 : vector<16xf32>
        %mul3A_1261 = arith.mulf %gather3A_1257, %gather3A_1257 : vector<16xf32>
        %add3A_1262 = arith.addf %add3A_1234, %mul3A_1261 : vector<16xf32>
        %mul3A_1263 = arith.mulf %get3A_1256, %gather3A_1258 : vector<16xf32>
        %add3A_1264 = arith.addf %add3A_1236, %mul3A_1263 : vector<16xf32>
        %mul3A_1265 = arith.mulf %gather3A_1258, %gather3A_1258 : vector<16xf32>
        %add3A_1266 = arith.addf %add3A_1238, %mul3A_1265 : vector<16xf32>
        %get3A_1267 = arith.constant 40 : i32
        %get3A_1268 = arith.index_cast %get3A_1267 : i32 to index
        %get3A_1269 = arith.constant 0 : index
        %get3A_1270 = tpu.vector_load %arg10[%get3A_1268, %get3A_1269] {strides = array<i32>} : memref<64x16xf32, #tpu.memory_space<vmem>>, vector<16xf32>,
        %gather3A_1271 = tpu.vector_load_idx %arg16[%add3A_708, %and3A_364] : memref<320x64xf32, #tpu.memory_space<vmem>>[vector<16xi32>, vector<16xi32>], vector<16xf32>,
        %gather3A_1272 = tpu.vector_load_idx %arg18[%add3A_708, %and3A_364] : memref<320x64xf32, #tpu.memory_space<vmem>>[vector<16xi32>, vector<16xi32>], vector<16xf32>,
        %mul3A_1273 = arith.mulf %get3A_1270, %gather3A_1271 : vector<16xf32>
        %add3A_1274 = arith.addf %add3A_1246, %mul3A_1273 : vector<16xf32>
        %mul3A_1275 = arith.mulf %gather3A_1271, %gather3A_1271 : vector<16xf32>
        %add3A_1276 = arith.addf %add3A_1248, %mul3A_1275 : vector<16xf32>
        %mul3A_1277 = arith.mulf %get3A_1270, %gather3A_1272 : vector<16xf32>
        %add3A_1278 = arith.addf %add3A_1250, %mul3A_1277 : vector<16xf32>
        %mul3A_1279 = arith.mulf %gather3A_1272, %gather3A_1272 : vector<16xf32>
        %add3A_1280 = arith.addf %add3A_1252, %mul3A_1279 : vector<16xf32>
        %get3A_1281 = arith.constant 41 : i32
        %get3A_1282 = arith.index_cast %get3A_1281 : i32 to index
        %get3A_1283 = arith.constant 0 : index
        %get3A_1284 = tpu.vector_load %arg10[%get3A_1282, %get3A_1283] {strides = array<i32>} : memref<64x16xf32, #tpu.memory_space<vmem>>, vector<16xf32>,
        %gather3A_1285 = tpu.vector_load_idx %arg16[%add3A_708, %and3A_370] : memref<320x64xf32, #tpu.memory_space<vmem>>[vector<16xi32>, vector<16xi32>], vector<16xf32>,
        %gather3A_1286 = tpu.vector_load_idx %arg18[%add3A_708, %and3A_370] : memref<320x64xf32, #tpu.memory_space<vmem>>[vector<16xi32>, vector<16xi32>], vector<16xf32>,
        %mul3A_1287 = arith.mulf %get3A_1284, %gather3A_1285 : vector<16xf32>
        %add3A_1288 = arith.addf %add3A_1260, %mul3A_1287 : vector<16xf32>
        %mul3A_1289 = arith.mulf %gather3A_1285, %gather3A_1285 : vector<16xf32>
        %add3A_1290 = arith.addf %add3A_1262, %mul3A_1289 : vector<16xf32>
        %mul3A_1291 = arith.mulf %get3A_1284, %gather3A_1286 : vector<16xf32>
        %add3A_1292 = arith.addf %add3A_1264, %mul3A_1291 : vector<16xf32>
        %mul3A_1293 = arith.mulf %gather3A_1286, %gather3A_1286 : vector<16xf32>
        %add3A_1294 = arith.addf %add3A_1266, %mul3A_1293 : vector<16xf32>
        %get3A_1295 = arith.constant 42 : i32
        %get3A_1296 = arith.index_cast %get3A_1295 : i32 to index
        %get3A_1297 = arith.constant 0 : index
        %get3A_1298 = tpu.vector_load %arg10[%get3A_1296, %get3A_1297] {strides = array<i32>} : memref<64x16xf32, #tpu.memory_space<vmem>>, vector<16xf32>,
        %gather3A_1299 = tpu.vector_load_idx %arg16[%add3A_708, %and3A_376] : memref<320x64xf32, #tpu.memory_space<vmem>>[vector<16xi32>, vector<16xi32>], vector<16xf32>,
        %gather3A_1300 = tpu.vector_load_idx %arg18[%add3A_708, %and3A_376] : memref<320x64xf32, #tpu.memory_space<vmem>>[vector<16xi32>, vector<16xi32>], vector<16xf32>,
        %mul3A_1301 = arith.mulf %get3A_1298, %gather3A_1299 : vector<16xf32>
        %add3A_1302 = arith.addf %add3A_1274, %mul3A_1301 : vector<16xf32>
        %mul3A_1303 = arith.mulf %gather3A_1299, %gather3A_1299 : vector<16xf32>
        %add3A_1304 = arith.addf %add3A_1276, %mul3A_1303 : vector<16xf32>
        %mul3A_1305 = arith.mulf %get3A_1298, %gather3A_1300 : vector<16xf32>
        %add3A_1306 = arith.addf %add3A_1278, %mul3A_1305 : vector<16xf32>
        %mul3A_1307 = arith.mulf %gather3A_1300, %gather3A_1300 : vector<16xf32>
        %add3A_1308 = arith.addf %add3A_1280, %mul3A_1307 : vector<16xf32>
        %get3A_1309 = arith.constant 43 : i32
        %get3A_1310 = arith.index_cast %get3A_1309 : i32 to index
        %get3A_1311 = arith.constant 0 : index
        %get3A_1312 = tpu.vector_load %arg10[%get3A_1310, %get3A_1311] {strides = array<i32>} : memref<64x16xf32, #tpu.memory_space<vmem>>, vector<16xf32>,
        %gather3A_1313 = tpu.vector_load_idx %arg16[%add3A_708, %and3A_382] : memref<320x64xf32, #tpu.memory_space<vmem>>[vector<16xi32>, vector<16xi32>], vector<16xf32>,
        %gather3A_1314 = tpu.vector_load_idx %arg18[%add3A_708, %and3A_382] : memref<320x64xf32, #tpu.memory_space<vmem>>[vector<16xi32>, vector<16xi32>], vector<16xf32>,
        %mul3A_1315 = arith.mulf %get3A_1312, %gather3A_1313 : vector<16xf32>
        %add3A_1316 = arith.addf %add3A_1288, %mul3A_1315 : vector<16xf32>
        %mul3A_1317 = arith.mulf %gather3A_1313, %gather3A_1313 : vector<16xf32>
        %add3A_1318 = arith.addf %add3A_1290, %mul3A_1317 : vector<16xf32>
        %mul3A_1319 = arith.mulf %get3A_1312, %gather3A_1314 : vector<16xf32>
        %add3A_1320 = arith.addf %add3A_1292, %mul3A_1319 : vector<16xf32>
        %mul3A_1321 = arith.mulf %gather3A_1314, %gather3A_1314 : vector<16xf32>
        %add3A_1322 = arith.addf %add3A_1294, %mul3A_1321 : vector<16xf32>
        %get3A_1323 = arith.constant 44 : i32
        %get3A_1324 = arith.index_cast %get3A_1323 : i32 to index
        %get3A_1325 = arith.constant 0 : index
        %get3A_1326 = tpu.vector_load %arg10[%get3A_1324, %get3A_1325] {strides = array<i32>} : memref<64x16xf32, #tpu.memory_space<vmem>>, vector<16xf32>,
        %gather3A_1327 = tpu.vector_load_idx %arg16[%add3A_708, %and3A_388] : memref<320x64xf32, #tpu.memory_space<vmem>>[vector<16xi32>, vector<16xi32>], vector<16xf32>,
        %gather3A_1328 = tpu.vector_load_idx %arg18[%add3A_708, %and3A_388] : memref<320x64xf32, #tpu.memory_space<vmem>>[vector<16xi32>, vector<16xi32>], vector<16xf32>,
        %mul3A_1329 = arith.mulf %get3A_1326, %gather3A_1327 : vector<16xf32>
        %add3A_1330 = arith.addf %add3A_1302, %mul3A_1329 : vector<16xf32>
        %mul3A_1331 = arith.mulf %gather3A_1327, %gather3A_1327 : vector<16xf32>
        %add3A_1332 = arith.addf %add3A_1304, %mul3A_1331 : vector<16xf32>
        %mul3A_1333 = arith.mulf %get3A_1326, %gather3A_1328 : vector<16xf32>
        %add3A_1334 = arith.addf %add3A_1306, %mul3A_1333 : vector<16xf32>
        %mul3A_1335 = arith.mulf %gather3A_1328, %gather3A_1328 : vector<16xf32>
        %add3A_1336 = arith.addf %add3A_1308, %mul3A_1335 : vector<16xf32>
        %get3A_1337 = arith.constant 45 : i32
        %get3A_1338 = arith.index_cast %get3A_1337 : i32 to index
        %get3A_1339 = arith.constant 0 : index
        %get3A_1340 = tpu.vector_load %arg10[%get3A_1338, %get3A_1339] {strides = array<i32>} : memref<64x16xf32, #tpu.memory_space<vmem>>, vector<16xf32>,
        %gather3A_1341 = tpu.vector_load_idx %arg16[%add3A_708, %and3A_394] : memref<320x64xf32, #tpu.memory_space<vmem>>[vector<16xi32>, vector<16xi32>], vector<16xf32>,
        %gather3A_1342 = tpu.vector_load_idx %arg18[%add3A_708, %and3A_394] : memref<320x64xf32, #tpu.memory_space<vmem>>[vector<16xi32>, vector<16xi32>], vector<16xf32>,
        %mul3A_1343 = arith.mulf %get3A_1340, %gather3A_1341 : vector<16xf32>
        %add3A_1344 = arith.addf %add3A_1316, %mul3A_1343 : vector<16xf32>
        %mul3A_1345 = arith.mulf %gather3A_1341, %gather3A_1341 : vector<16xf32>
        %add3A_1346 = arith.addf %add3A_1318, %mul3A_1345 : vector<16xf32>
        %mul3A_1347 = arith.mulf %get3A_1340, %gather3A_1342 : vector<16xf32>
        %add3A_1348 = arith.addf %add3A_1320, %mul3A_1347 : vector<16xf32>
        %mul3A_1349 = arith.mulf %gather3A_1342, %gather3A_1342 : vector<16xf32>
        %add3A_1350 = arith.addf %add3A_1322, %mul3A_1349 : vector<16xf32>
        %get3A_1351 = arith.constant 46 : i32
        %get3A_1352 = arith.index_cast %get3A_1351 : i32 to index
        %get3A_1353 = arith.constant 0 : index
        %get3A_1354 = tpu.vector_load %arg10[%get3A_1352, %get3A_1353] {strides = array<i32>} : memref<64x16xf32, #tpu.memory_space<vmem>>, vector<16xf32>,
        %gather3A_1355 = tpu.vector_load_idx %arg16[%add3A_708, %and3A_400] : memref<320x64xf32, #tpu.memory_space<vmem>>[vector<16xi32>, vector<16xi32>], vector<16xf32>,
        %gather3A_1356 = tpu.vector_load_idx %arg18[%add3A_708, %and3A_400] : memref<320x64xf32, #tpu.memory_space<vmem>>[vector<16xi32>, vector<16xi32>], vector<16xf32>,
        %mul3A_1357 = arith.mulf %get3A_1354, %gather3A_1355 : vector<16xf32>
        %add3A_1358 = arith.addf %add3A_1330, %mul3A_1357 : vector<16xf32>
        %mul3A_1359 = arith.mulf %gather3A_1355, %gather3A_1355 : vector<16xf32>
        %add3A_1360 = arith.addf %add3A_1332, %mul3A_1359 : vector<16xf32>
        %mul3A_1361 = arith.mulf %get3A_1354, %gather3A_1356 : vector<16xf32>
        %add3A_1362 = arith.addf %add3A_1334, %mul3A_1361 : vector<16xf32>
        %mul3A_1363 = arith.mulf %gather3A_1356, %gather3A_1356 : vector<16xf32>
        %add3A_1364 = arith.addf %add3A_1336, %mul3A_1363 : vector<16xf32>
        %get3A_1365 = arith.constant 47 : i32
        %get3A_1366 = arith.index_cast %get3A_1365 : i32 to index
        %get3A_1367 = arith.constant 0 : index
        %get3A_1368 = tpu.vector_load %arg10[%get3A_1366, %get3A_1367] {strides = array<i32>} : memref<64x16xf32, #tpu.memory_space<vmem>>, vector<16xf32>,
        %gather3A_1369 = tpu.vector_load_idx %arg16[%add3A_708, %and3A_406] : memref<320x64xf32, #tpu.memory_space<vmem>>[vector<16xi32>, vector<16xi32>], vector<16xf32>,
        %gather3A_1370 = tpu.vector_load_idx %arg18[%add3A_708, %and3A_406] : memref<320x64xf32, #tpu.memory_space<vmem>>[vector<16xi32>, vector<16xi32>], vector<16xf32>,
        %mul3A_1371 = arith.mulf %get3A_1368, %gather3A_1369 : vector<16xf32>
        %add3A_1372 = arith.addf %add3A_1344, %mul3A_1371 : vector<16xf32>
        %mul3A_1373 = arith.mulf %gather3A_1369, %gather3A_1369 : vector<16xf32>
        %add3A_1374 = arith.addf %add3A_1346, %mul3A_1373 : vector<16xf32>
        %mul3A_1375 = arith.mulf %get3A_1368, %gather3A_1370 : vector<16xf32>
        %add3A_1376 = arith.addf %add3A_1348, %mul3A_1375 : vector<16xf32>
        %mul3A_1377 = arith.mulf %gather3A_1370, %gather3A_1370 : vector<16xf32>
        %add3A_1378 = arith.addf %add3A_1350, %mul3A_1377 : vector<16xf32>
        %get3A_1379 = arith.constant 48 : i32
        %get3A_1380 = arith.index_cast %get3A_1379 : i32 to index
        %get3A_1381 = arith.constant 0 : index
        %get3A_1382 = tpu.vector_load %arg10[%get3A_1380, %get3A_1381] {strides = array<i32>} : memref<64x16xf32, #tpu.memory_space<vmem>>, vector<16xf32>,
        %gather3A_1383 = tpu.vector_load_idx %arg16[%add3A_708, %and3A_412] : memref<320x64xf32, #tpu.memory_space<vmem>>[vector<16xi32>, vector<16xi32>], vector<16xf32>,
        %gather3A_1384 = tpu.vector_load_idx %arg18[%add3A_708, %and3A_412] : memref<320x64xf32, #tpu.memory_space<vmem>>[vector<16xi32>, vector<16xi32>], vector<16xf32>,
        %mul3A_1385 = arith.mulf %get3A_1382, %gather3A_1383 : vector<16xf32>
        %add3A_1386 = arith.addf %add3A_1358, %mul3A_1385 : vector<16xf32>
        %mul3A_1387 = arith.mulf %gather3A_1383, %gather3A_1383 : vector<16xf32>
        %add3A_1388 = arith.addf %add3A_1360, %mul3A_1387 : vector<16xf32>
        %mul3A_1389 = arith.mulf %get3A_1382, %gather3A_1384 : vector<16xf32>
        %add3A_1390 = arith.addf %add3A_1362, %mul3A_1389 : vector<16xf32>
        %mul3A_1391 = arith.mulf %gather3A_1384, %gather3A_1384 : vector<16xf32>
        %add3A_1392 = arith.addf %add3A_1364, %mul3A_1391 : vector<16xf32>
        %get3A_1393 = arith.constant 49 : i32
        %get3A_1394 = arith.index_cast %get3A_1393 : i32 to index
        %get3A_1395 = arith.constant 0 : index
        %get3A_1396 = tpu.vector_load %arg10[%get3A_1394, %get3A_1395] {strides = array<i32>} : memref<64x16xf32, #tpu.memory_space<vmem>>, vector<16xf32>,
        %gather3A_1397 = tpu.vector_load_idx %arg16[%add3A_708, %and3A_418] : memref<320x64xf32, #tpu.memory_space<vmem>>[vector<16xi32>, vector<16xi32>], vector<16xf32>,
        %gather3A_1398 = tpu.vector_load_idx %arg18[%add3A_708, %and3A_418] : memref<320x64xf32, #tpu.memory_space<vmem>>[vector<16xi32>, vector<16xi32>], vector<16xf32>,
        %mul3A_1399 = arith.mulf %get3A_1396, %gather3A_1397 : vector<16xf32>
        %add3A_1400 = arith.addf %add3A_1372, %mul3A_1399 : vector<16xf32>
        %mul3A_1401 = arith.mulf %gather3A_1397, %gather3A_1397 : vector<16xf32>
        %add3A_1402 = arith.addf %add3A_1374, %mul3A_1401 : vector<16xf32>
        %mul3A_1403 = arith.mulf %get3A_1396, %gather3A_1398 : vector<16xf32>
        %add3A_1404 = arith.addf %add3A_1376, %mul3A_1403 : vector<16xf32>
        %mul3A_1405 = arith.mulf %gather3A_1398, %gather3A_1398 : vector<16xf32>
        %add3A_1406 = arith.addf %add3A_1378, %mul3A_1405 : vector<16xf32>
        %get3A_1407 = arith.constant 50 : i32
        %get3A_1408 = arith.index_cast %get3A_1407 : i32 to index
        %get3A_1409 = arith.constant 0 : index
        %get3A_1410 = tpu.vector_load %arg10[%get3A_1408, %get3A_1409] {strides = array<i32>} : memref<64x16xf32, #tpu.memory_space<vmem>>, vector<16xf32>,
        %gather3A_1411 = tpu.vector_load_idx %arg16[%add3A_708, %and3A_424] : memref<320x64xf32, #tpu.memory_space<vmem>>[vector<16xi32>, vector<16xi32>], vector<16xf32>,
        %gather3A_1412 = tpu.vector_load_idx %arg18[%add3A_708, %and3A_424] : memref<320x64xf32, #tpu.memory_space<vmem>>[vector<16xi32>, vector<16xi32>], vector<16xf32>,
        %mul3A_1413 = arith.mulf %get3A_1410, %gather3A_1411 : vector<16xf32>
        %add3A_1414 = arith.addf %add3A_1386, %mul3A_1413 : vector<16xf32>
        %mul3A_1415 = arith.mulf %gather3A_1411, %gather3A_1411 : vector<16xf32>
        %add3A_1416 = arith.addf %add3A_1388, %mul3A_1415 : vector<16xf32>
        %mul3A_1417 = arith.mulf %get3A_1410, %gather3A_1412 : vector<16xf32>
        %add3A_1418 = arith.addf %add3A_1390, %mul3A_1417 : vector<16xf32>
        %mul3A_1419 = arith.mulf %gather3A_1412, %gather3A_1412 : vector<16xf32>
        %add3A_1420 = arith.addf %add3A_1392, %mul3A_1419 : vector<16xf32>
        %get3A_1421 = arith.constant 51 : i32
        %get3A_1422 = arith.index_cast %get3A_1421 : i32 to index
        %get3A_1423 = arith.constant 0 : index
        %get3A_1424 = tpu.vector_load %arg10[%get3A_1422, %get3A_1423] {strides = array<i32>} : memref<64x16xf32, #tpu.memory_space<vmem>>, vector<16xf32>,
        %gather3A_1425 = tpu.vector_load_idx %arg16[%add3A_708, %and3A_430] : memref<320x64xf32, #tpu.memory_space<vmem>>[vector<16xi32>, vector<16xi32>], vector<16xf32>,
        %gather3A_1426 = tpu.vector_load_idx %arg18[%add3A_708, %and3A_430] : memref<320x64xf32, #tpu.memory_space<vmem>>[vector<16xi32>, vector<16xi32>], vector<16xf32>,
        %mul3A_1427 = arith.mulf %get3A_1424, %gather3A_1425 : vector<16xf32>
        %add3A_1428 = arith.addf %add3A_1400, %mul3A_1427 : vector<16xf32>
        %mul3A_1429 = arith.mulf %gather3A_1425, %gather3A_1425 : vector<16xf32>
        %add3A_1430 = arith.addf %add3A_1402, %mul3A_1429 : vector<16xf32>
        %mul3A_1431 = arith.mulf %get3A_1424, %gather3A_1426 : vector<16xf32>
        %add3A_1432 = arith.addf %add3A_1404, %mul3A_1431 : vector<16xf32>
        %mul3A_1433 = arith.mulf %gather3A_1426, %gather3A_1426 : vector<16xf32>
        %add3A_1434 = arith.addf %add3A_1406, %mul3A_1433 : vector<16xf32>
        %get3A_1435 = arith.constant 52 : i32
        %get3A_1436 = arith.index_cast %get3A_1435 : i32 to index
        %get3A_1437 = arith.constant 0 : index
        %get3A_1438 = tpu.vector_load %arg10[%get3A_1436, %get3A_1437] {strides = array<i32>} : memref<64x16xf32, #tpu.memory_space<vmem>>, vector<16xf32>,
        %gather3A_1439 = tpu.vector_load_idx %arg16[%add3A_708, %and3A_436] : memref<320x64xf32, #tpu.memory_space<vmem>>[vector<16xi32>, vector<16xi32>], vector<16xf32>,
        %gather3A_1440 = tpu.vector_load_idx %arg18[%add3A_708, %and3A_436] : memref<320x64xf32, #tpu.memory_space<vmem>>[vector<16xi32>, vector<16xi32>], vector<16xf32>,
        %mul3A_1441 = arith.mulf %get3A_1438, %gather3A_1439 : vector<16xf32>
        %add3A_1442 = arith.addf %add3A_1414, %mul3A_1441 : vector<16xf32>
        %mul3A_1443 = arith.mulf %gather3A_1439, %gather3A_1439 : vector<16xf32>
        %add3A_1444 = arith.addf %add3A_1416, %mul3A_1443 : vector<16xf32>
        %mul3A_1445 = arith.mulf %get3A_1438, %gather3A_1440 : vector<16xf32>
        %add3A_1446 = arith.addf %add3A_1418, %mul3A_1445 : vector<16xf32>
        %mul3A_1447 = arith.mulf %gather3A_1440, %gather3A_1440 : vector<16xf32>
        %add3A_1448 = arith.addf %add3A_1420, %mul3A_1447 : vector<16xf32>
        %get3A_1449 = arith.constant 53 : i32
        %get3A_1450 = arith.index_cast %get3A_1449 : i32 to index
        %get3A_1451 = arith.constant 0 : index
        %get3A_1452 = tpu.vector_load %arg10[%get3A_1450, %get3A_1451] {strides = array<i32>} : memref<64x16xf32, #tpu.memory_space<vmem>>, vector<16xf32>,
        %gather3A_1453 = tpu.vector_load_idx %arg16[%add3A_708, %and3A_442] : memref<320x64xf32, #tpu.memory_space<vmem>>[vector<16xi32>, vector<16xi32>], vector<16xf32>,
        %gather3A_1454 = tpu.vector_load_idx %arg18[%add3A_708, %and3A_442] : memref<320x64xf32, #tpu.memory_space<vmem>>[vector<16xi32>, vector<16xi32>], vector<16xf32>,
        %mul3A_1455 = arith.mulf %get3A_1452, %gather3A_1453 : vector<16xf32>
        %add3A_1456 = arith.addf %add3A_1428, %mul3A_1455 : vector<16xf32>
        %mul3A_1457 = arith.mulf %gather3A_1453, %gather3A_1453 : vector<16xf32>
        %add3A_1458 = arith.addf %add3A_1430, %mul3A_1457 : vector<16xf32>
        %mul3A_1459 = arith.mulf %get3A_1452, %gather3A_1454 : vector<16xf32>
        %add3A_1460 = arith.addf %add3A_1432, %mul3A_1459 : vector<16xf32>
        %mul3A_1461 = arith.mulf %gather3A_1454, %gather3A_1454 : vector<16xf32>
        %add3A_1462 = arith.addf %add3A_1434, %mul3A_1461 : vector<16xf32>
        %get3A_1463 = arith.constant 54 : i32
        %get3A_1464 = arith.index_cast %get3A_1463 : i32 to index
        %get3A_1465 = arith.constant 0 : index
        %get3A_1466 = tpu.vector_load %arg10[%get3A_1464, %get3A_1465] {strides = array<i32>} : memref<64x16xf32, #tpu.memory_space<vmem>>, vector<16xf32>,
        %gather3A_1467 = tpu.vector_load_idx %arg16[%add3A_708, %and3A_448] : memref<320x64xf32, #tpu.memory_space<vmem>>[vector<16xi32>, vector<16xi32>], vector<16xf32>,
        %gather3A_1468 = tpu.vector_load_idx %arg18[%add3A_708, %and3A_448] : memref<320x64xf32, #tpu.memory_space<vmem>>[vector<16xi32>, vector<16xi32>], vector<16xf32>,
        %mul3A_1469 = arith.mulf %get3A_1466, %gather3A_1467 : vector<16xf32>
        %add3A_1470 = arith.addf %add3A_1442, %mul3A_1469 : vector<16xf32>
        %mul3A_1471 = arith.mulf %gather3A_1467, %gather3A_1467 : vector<16xf32>
        %add3A_1472 = arith.addf %add3A_1444, %mul3A_1471 : vector<16xf32>
        %mul3A_1473 = arith.mulf %get3A_1466, %gather3A_1468 : vector<16xf32>
        %add3A_1474 = arith.addf %add3A_1446, %mul3A_1473 : vector<16xf32>
        %mul3A_1475 = arith.mulf %gather3A_1468, %gather3A_1468 : vector<16xf32>
        %add3A_1476 = arith.addf %add3A_1448, %mul3A_1475 : vector<16xf32>
        %get3A_1477 = arith.constant 55 : i32
        %get3A_1478 = arith.index_cast %get3A_1477 : i32 to index
        %get3A_1479 = arith.constant 0 : index
        %get3A_1480 = tpu.vector_load %arg10[%get3A_1478, %get3A_1479] {strides = array<i32>} : memref<64x16xf32, #tpu.memory_space<vmem>>, vector<16xf32>,
        %gather3A_1481 = tpu.vector_load_idx %arg16[%add3A_708, %and3A_454] : memref<320x64xf32, #tpu.memory_space<vmem>>[vector<16xi32>, vector<16xi32>], vector<16xf32>,
        %gather3A_1482 = tpu.vector_load_idx %arg18[%add3A_708, %and3A_454] : memref<320x64xf32, #tpu.memory_space<vmem>>[vector<16xi32>, vector<16xi32>], vector<16xf32>,
        %mul3A_1483 = arith.mulf %get3A_1480, %gather3A_1481 : vector<16xf32>
        %add3A_1484 = arith.addf %add3A_1456, %mul3A_1483 : vector<16xf32>
        %mul3A_1485 = arith.mulf %gather3A_1481, %gather3A_1481 : vector<16xf32>
        %add3A_1486 = arith.addf %add3A_1458, %mul3A_1485 : vector<16xf32>
        %mul3A_1487 = arith.mulf %get3A_1480, %gather3A_1482 : vector<16xf32>
        %add3A_1488 = arith.addf %add3A_1460, %mul3A_1487 : vector<16xf32>
        %mul3A_1489 = arith.mulf %gather3A_1482, %gather3A_1482 : vector<16xf32>
        %add3A_1490 = arith.addf %add3A_1462, %mul3A_1489 : vector<16xf32>
        %get3A_1491 = arith.constant 56 : i32
        %get3A_1492 = arith.index_cast %get3A_1491 : i32 to index
        %get3A_1493 = arith.constant 0 : index
        %get3A_1494 = tpu.vector_load %arg10[%get3A_1492, %get3A_1493] {strides = array<i32>} : memref<64x16xf32, #tpu.memory_space<vmem>>, vector<16xf32>,
        %gather3A_1495 = tpu.vector_load_idx %arg16[%add3A_708, %and3A_460] : memref<320x64xf32, #tpu.memory_space<vmem>>[vector<16xi32>, vector<16xi32>], vector<16xf32>,
        %gather3A_1496 = tpu.vector_load_idx %arg18[%add3A_708, %and3A_460] : memref<320x64xf32, #tpu.memory_space<vmem>>[vector<16xi32>, vector<16xi32>], vector<16xf32>,
        %mul3A_1497 = arith.mulf %get3A_1494, %gather3A_1495 : vector<16xf32>
        %add3A_1498 = arith.addf %add3A_1470, %mul3A_1497 : vector<16xf32>
        %mul3A_1499 = arith.mulf %gather3A_1495, %gather3A_1495 : vector<16xf32>
        %add3A_1500 = arith.addf %add3A_1472, %mul3A_1499 : vector<16xf32>
        %mul3A_1501 = arith.mulf %get3A_1494, %gather3A_1496 : vector<16xf32>
        %add3A_1502 = arith.addf %add3A_1474, %mul3A_1501 : vector<16xf32>
        %mul3A_1503 = arith.mulf %gather3A_1496, %gather3A_1496 : vector<16xf32>
        %add3A_1504 = arith.addf %add3A_1476, %mul3A_1503 : vector<16xf32>
        %get3A_1505 = arith.constant 57 : i32
        %get3A_1506 = arith.index_cast %get3A_1505 : i32 to index
        %get3A_1507 = arith.constant 0 : index
        %get3A_1508 = tpu.vector_load %arg10[%get3A_1506, %get3A_1507] {strides = array<i32>} : memref<64x16xf32, #tpu.memory_space<vmem>>, vector<16xf32>,
        %gather3A_1509 = tpu.vector_load_idx %arg16[%add3A_708, %and3A_466] : memref<320x64xf32, #tpu.memory_space<vmem>>[vector<16xi32>, vector<16xi32>], vector<16xf32>,
        %gather3A_1510 = tpu.vector_load_idx %arg18[%add3A_708, %and3A_466] : memref<320x64xf32, #tpu.memory_space<vmem>>[vector<16xi32>, vector<16xi32>], vector<16xf32>,
        %mul3A_1511 = arith.mulf %get3A_1508, %gather3A_1509 : vector<16xf32>
        %add3A_1512 = arith.addf %add3A_1484, %mul3A_1511 : vector<16xf32>
        %mul3A_1513 = arith.mulf %gather3A_1509, %gather3A_1509 : vector<16xf32>
        %add3A_1514 = arith.addf %add3A_1486, %mul3A_1513 : vector<16xf32>
        %mul3A_1515 = arith.mulf %get3A_1508, %gather3A_1510 : vector<16xf32>
        %add3A_1516 = arith.addf %add3A_1488, %mul3A_1515 : vector<16xf32>
        %mul3A_1517 = arith.mulf %gather3A_1510, %gather3A_1510 : vector<16xf32>
        %add3A_1518 = arith.addf %add3A_1490, %mul3A_1517 : vector<16xf32>
        %get3A_1519 = arith.constant 58 : i32
        %get3A_1520 = arith.index_cast %get3A_1519 : i32 to index
        %get3A_1521 = arith.constant 0 : index
        %get3A_1522 = tpu.vector_load %arg10[%get3A_1520, %get3A_1521] {strides = array<i32>} : memref<64x16xf32, #tpu.memory_space<vmem>>, vector<16xf32>,
        %gather3A_1523 = tpu.vector_load_idx %arg16[%add3A_708, %and3A_472] : memref<320x64xf32, #tpu.memory_space<vmem>>[vector<16xi32>, vector<16xi32>], vector<16xf32>,
        %gather3A_1524 = tpu.vector_load_idx %arg18[%add3A_708, %and3A_472] : memref<320x64xf32, #tpu.memory_space<vmem>>[vector<16xi32>, vector<16xi32>], vector<16xf32>,
        %mul3A_1525 = arith.mulf %get3A_1522, %gather3A_1523 : vector<16xf32>
        %add3A_1526 = arith.addf %add3A_1498, %mul3A_1525 : vector<16xf32>
        %mul3A_1527 = arith.mulf %gather3A_1523, %gather3A_1523 : vector<16xf32>
        %add3A_1528 = arith.addf %add3A_1500, %mul3A_1527 : vector<16xf32>
        %mul3A_1529 = arith.mulf %get3A_1522, %gather3A_1524 : vector<16xf32>
        %add3A_1530 = arith.addf %add3A_1502, %mul3A_1529 : vector<16xf32>
        %mul3A_1531 = arith.mulf %gather3A_1524, %gather3A_1524 : vector<16xf32>
        %add3A_1532 = arith.addf %add3A_1504, %mul3A_1531 : vector<16xf32>
        %get3A_1533 = arith.constant 59 : i32
        %get3A_1534 = arith.index_cast %get3A_1533 : i32 to index
        %get3A_1535 = arith.constant 0 : index
        %get3A_1536 = tpu.vector_load %arg10[%get3A_1534, %get3A_1535] {strides = array<i32>} : memref<64x16xf32, #tpu.memory_space<vmem>>, vector<16xf32>,
        %gather3A_1537 = tpu.vector_load_idx %arg16[%add3A_708, %and3A_478] : memref<320x64xf32, #tpu.memory_space<vmem>>[vector<16xi32>, vector<16xi32>], vector<16xf32>,
        %gather3A_1538 = tpu.vector_load_idx %arg18[%add3A_708, %and3A_478] : memref<320x64xf32, #tpu.memory_space<vmem>>[vector<16xi32>, vector<16xi32>], vector<16xf32>,
        %mul3A_1539 = arith.mulf %get3A_1536, %gather3A_1537 : vector<16xf32>
        %add3A_1540 = arith.addf %add3A_1512, %mul3A_1539 : vector<16xf32>
        %mul3A_1541 = arith.mulf %gather3A_1537, %gather3A_1537 : vector<16xf32>
        %add3A_1542 = arith.addf %add3A_1514, %mul3A_1541 : vector<16xf32>
        %mul3A_1543 = arith.mulf %get3A_1536, %gather3A_1538 : vector<16xf32>
        %add3A_1544 = arith.addf %add3A_1516, %mul3A_1543 : vector<16xf32>
        %mul3A_1545 = arith.mulf %gather3A_1538, %gather3A_1538 : vector<16xf32>
        %add3A_1546 = arith.addf %add3A_1518, %mul3A_1545 : vector<16xf32>
        %get3A_1547 = arith.constant 60 : i32
        %get3A_1548 = arith.index_cast %get3A_1547 : i32 to index
        %get3A_1549 = arith.constant 0 : index
        %get3A_1550 = tpu.vector_load %arg10[%get3A_1548, %get3A_1549] {strides = array<i32>} : memref<64x16xf32, #tpu.memory_space<vmem>>, vector<16xf32>,
        %gather3A_1551 = tpu.vector_load_idx %arg16[%add3A_708, %and3A_484] : memref<320x64xf32, #tpu.memory_space<vmem>>[vector<16xi32>, vector<16xi32>], vector<16xf32>,
        %gather3A_1552 = tpu.vector_load_idx %arg18[%add3A_708, %and3A_484] : memref<320x64xf32, #tpu.memory_space<vmem>>[vector<16xi32>, vector<16xi32>], vector<16xf32>,
        %mul3A_1553 = arith.mulf %get3A_1550, %gather3A_1551 : vector<16xf32>
        %add3A_1554 = arith.addf %add3A_1526, %mul3A_1553 : vector<16xf32>
        %mul3A_1555 = arith.mulf %gather3A_1551, %gather3A_1551 : vector<16xf32>
        %add3A_1556 = arith.addf %add3A_1528, %mul3A_1555 : vector<16xf32>
        %mul3A_1557 = arith.mulf %get3A_1550, %gather3A_1552 : vector<16xf32>
        %add3A_1558 = arith.addf %add3A_1530, %mul3A_1557 : vector<16xf32>
        %mul3A_1559 = arith.mulf %gather3A_1552, %gather3A_1552 : vector<16xf32>
        %add3A_1560 = arith.addf %add3A_1532, %mul3A_1559 : vector<16xf32>
        %get3A_1561 = arith.constant 61 : i32
        %get3A_1562 = arith.index_cast %get3A_1561 : i32 to index
        %get3A_1563 = arith.constant 0 : index
        %get3A_1564 = tpu.vector_load %arg10[%get3A_1562, %get3A_1563] {strides = array<i32>} : memref<64x16xf32, #tpu.memory_space<vmem>>, vector<16xf32>,
        %gather3A_1565 = tpu.vector_load_idx %arg16[%add3A_708, %and3A_490] : memref<320x64xf32, #tpu.memory_space<vmem>>[vector<16xi32>, vector<16xi32>], vector<16xf32>,
        %gather3A_1566 = tpu.vector_load_idx %arg18[%add3A_708, %and3A_490] : memref<320x64xf32, #tpu.memory_space<vmem>>[vector<16xi32>, vector<16xi32>], vector<16xf32>,
        %mul3A_1567 = arith.mulf %get3A_1564, %gather3A_1565 : vector<16xf32>
        %add3A_1568 = arith.addf %add3A_1540, %mul3A_1567 : vector<16xf32>
        %mul3A_1569 = arith.mulf %gather3A_1565, %gather3A_1565 : vector<16xf32>
        %add3A_1570 = arith.addf %add3A_1542, %mul3A_1569 : vector<16xf32>
        %mul3A_1571 = arith.mulf %get3A_1564, %gather3A_1566 : vector<16xf32>
        %add3A_1572 = arith.addf %add3A_1544, %mul3A_1571 : vector<16xf32>
        %mul3A_1573 = arith.mulf %gather3A_1566, %gather3A_1566 : vector<16xf32>
        %add3A_1574 = arith.addf %add3A_1546, %mul3A_1573 : vector<16xf32>
        %get3A_1575 = arith.constant 62 : i32
        %get3A_1576 = arith.index_cast %get3A_1575 : i32 to index
        %get3A_1577 = arith.constant 0 : index
        %get3A_1578 = tpu.vector_load %arg10[%get3A_1576, %get3A_1577] {strides = array<i32>} : memref<64x16xf32, #tpu.memory_space<vmem>>, vector<16xf32>,
        %gather3A_1579 = tpu.vector_load_idx %arg16[%add3A_708, %and3A_496] : memref<320x64xf32, #tpu.memory_space<vmem>>[vector<16xi32>, vector<16xi32>], vector<16xf32>,
        %gather3A_1580 = tpu.vector_load_idx %arg18[%add3A_708, %and3A_496] : memref<320x64xf32, #tpu.memory_space<vmem>>[vector<16xi32>, vector<16xi32>], vector<16xf32>,
        %mul3A_1581 = arith.mulf %get3A_1578, %gather3A_1579 : vector<16xf32>
        %add3A_1582 = arith.addf %add3A_1554, %mul3A_1581 : vector<16xf32>
        %mul3A_1583 = arith.mulf %gather3A_1579, %gather3A_1579 : vector<16xf32>
        %add3A_1584 = arith.addf %add3A_1556, %mul3A_1583 : vector<16xf32>
        %mul3A_1585 = arith.mulf %get3A_1578, %gather3A_1580 : vector<16xf32>
        %add3A_1586 = arith.addf %add3A_1558, %mul3A_1585 : vector<16xf32>
        %mul3A_1587 = arith.mulf %gather3A_1580, %gather3A_1580 : vector<16xf32>
        %add3A_1588 = arith.addf %add3A_1560, %mul3A_1587 : vector<16xf32>
        %get3A_1589 = arith.constant 63 : i32
        %get3A_1590 = arith.index_cast %get3A_1589 : i32 to index
        %get3A_1591 = arith.constant 0 : index
        %get3A_1592 = tpu.vector_load %arg10[%get3A_1590, %get3A_1591] {strides = array<i32>} : memref<64x16xf32, #tpu.memory_space<vmem>>, vector<16xf32>,
        %gather3A_1593 = tpu.vector_load_idx %arg16[%add3A_708, %and3A_502] : memref<320x64xf32, #tpu.memory_space<vmem>>[vector<16xi32>, vector<16xi32>], vector<16xf32>,
        %gather3A_1594 = tpu.vector_load_idx %arg18[%add3A_708, %and3A_502] : memref<320x64xf32, #tpu.memory_space<vmem>>[vector<16xi32>, vector<16xi32>], vector<16xf32>,
        %mul3A_1595 = arith.mulf %get3A_1592, %gather3A_1593 : vector<16xf32>
        %add3A_1596 = arith.addf %add3A_1568, %mul3A_1595 : vector<16xf32>
        %mul3A_1597 = arith.mulf %gather3A_1593, %gather3A_1593 : vector<16xf32>
        %add3A_1598 = arith.addf %add3A_1570, %mul3A_1597 : vector<16xf32>
        %mul3A_1599 = arith.mulf %get3A_1592, %gather3A_1594 : vector<16xf32>
        %add3A_1600 = arith.addf %add3A_1572, %mul3A_1599 : vector<16xf32>
        %mul3A_1601 = arith.mulf %gather3A_1594, %gather3A_1594 : vector<16xf32>
        %add3A_1602 = arith.addf %add3A_1574, %mul3A_1601 : vector<16xf32>
        %add3A_1603 = arith.addf %add3A_1582, %add3A_1596 : vector<16xf32>
        %add3A_1604 = arith.addf %add3A_1584, %add3A_1598 : vector<16xf32>
        %add3A_1605 = arith.addf %add3A_1586, %add3A_1600 : vector<16xf32>
        %add3A_1606 = arith.addf %add3A_1588, %add3A_1602 : vector<16xf32>
        %mul3A_1607 = arith.mulf %add3A_629, %add3A_1604 : vector<16xf32>
        %max3A = arith.constant 1.000000e-16 : f32
        %max3A_1608 = vector.broadcast %max3A : f32 to vector<16xf32>
        %max3A_1609 = arith.maximumf %mul3A_1607, %max3A_1608 : vector<16xf32>
        %bitcast3A = vector.bitcast %max3A_1609 : vector<16xf32> to vector<16xi32>
        %shift_right_arithmetic3A = arith.constant 1 : i32
        %shift_right_arithmetic3A_1610 = vector.broadcast %shift_right_arithmetic3A : i32 to vector<16xi32>
        %shift_right_arithmetic3A_1611 = arith.shrsi %bitcast3A, %shift_right_arithmetic3A_1610 : vector<16xi32>
        %sub3A = arith.constant 1597463007 : i32
        %sub3A_1612 = vector.broadcast %sub3A : i32 to vector<16xi32>
        %sub3A_1613 = arith.subi %sub3A_1612, %shift_right_arithmetic3A_1611 : vector<16xi32>
        %bitcast3A_1614 = vector.bitcast %sub3A_1613 : vector<16xi32> to vector<16xf32>
        %mul3A_1615 = arith.constant 5.000000e-01 : f32
        %mul3A_1616 = vector.broadcast %mul3A_1615 : f32 to vector<16xf32>
        %mul3A_1617 = arith.mulf %max3A_1609, %mul3A_1616 : vector<16xf32>
        %mul3A_1618 = arith.mulf %mul3A_1617, %bitcast3A_1614 : vector<16xf32>
        %mul3A_1619 = arith.mulf %mul3A_1618, %bitcast3A_1614 : vector<16xf32>
        %sub3A_1620 = arith.constant 1.500000e+00 : f32
        %sub3A_1621 = vector.broadcast %sub3A_1620 : f32 to vector<16xf32>
        %sub3A_1622 = arith.subf %sub3A_1621, %mul3A_1619 : vector<16xf32>
        %mul3A_1623 = arith.mulf %bitcast3A_1614, %sub3A_1622 : vector<16xf32>
        %mul3A_1624 = arith.mulf %mul3A_1617, %mul3A_1623 : vector<16xf32>
        %mul3A_1625 = arith.mulf %mul3A_1624, %mul3A_1623 : vector<16xf32>
        %sub3A_1626 = arith.constant 1.500000e+00 : f32
        %sub3A_1627 = vector.broadcast %sub3A_1626 : f32 to vector<16xf32>
        %sub3A_1628 = arith.subf %sub3A_1627, %mul3A_1625 : vector<16xf32>
        %mul3A_1629 = arith.mulf %mul3A_1623, %sub3A_1628 : vector<16xf32>
        %mul3A_1630 = arith.mulf %mul3A_1617, %mul3A_1629 : vector<16xf32>
        %mul3A_1631 = arith.mulf %mul3A_1630, %mul3A_1629 : vector<16xf32>
        %sub3A_1632 = arith.constant 1.500000e+00 : f32
        %sub3A_1633 = vector.broadcast %sub3A_1632 : f32 to vector<16xf32>
        %sub3A_1634 = arith.subf %sub3A_1633, %mul3A_1631 : vector<16xf32>
        %mul3A_1635 = arith.mulf %mul3A_1629, %sub3A_1634 : vector<16xf32>
        %mul3A_1636 = arith.mulf %add3A_1603, %mul3A_1635 : vector<16xf32>
        %mul3A_1637 = arith.mulf %add3A_629, %add3A_1606 : vector<16xf32>
        %max3A_1638 = arith.constant 1.000000e-16 : f32
        %max3A_1639 = vector.broadcast %max3A_1638 : f32 to vector<16xf32>
        %max3A_1640 = arith.maximumf %mul3A_1637, %max3A_1639 : vector<16xf32>
        %bitcast3A_1641 = vector.bitcast %max3A_1640 : vector<16xf32> to vector<16xi32>
        %shift_right_arithmetic3A_1642 = arith.constant 1 : i32
        %shift_right_arithmetic3A_1643 = vector.broadcast %shift_right_arithmetic3A_1642 : i32 to vector<16xi32>
        %shift_right_arithmetic3A_1644 = arith.shrsi %bitcast3A_1641, %shift_right_arithmetic3A_1643 : vector<16xi32>
        %sub3A_1645 = arith.constant 1597463007 : i32
        %sub3A_1646 = vector.broadcast %sub3A_1645 : i32 to vector<16xi32>
        %sub3A_1647 = arith.subi %sub3A_1646, %shift_right_arithmetic3A_1644 : vector<16xi32>
        %bitcast3A_1648 = vector.bitcast %sub3A_1647 : vector<16xi32> to vector<16xf32>
        %mul3A_1649 = arith.constant 5.000000e-01 : f32
        %mul3A_1650 = vector.broadcast %mul3A_1649 : f32 to vector<16xf32>
        %mul3A_1651 = arith.mulf %max3A_1640, %mul3A_1650 : vector<16xf32>
        %mul3A_1652 = arith.mulf %mul3A_1651, %bitcast3A_1648 : vector<16xf32>
        %mul3A_1653 = arith.mulf %mul3A_1652, %bitcast3A_1648 : vector<16xf32>
        %sub3A_1654 = arith.constant 1.500000e+00 : f32
        %sub3A_1655 = vector.broadcast %sub3A_1654 : f32 to vector<16xf32>
        %sub3A_1656 = arith.subf %sub3A_1655, %mul3A_1653 : vector<16xf32>
        %mul3A_1657 = arith.mulf %bitcast3A_1648, %sub3A_1656 : vector<16xf32>
        %mul3A_1658 = arith.mulf %mul3A_1651, %mul3A_1657 : vector<16xf32>
        %mul3A_1659 = arith.mulf %mul3A_1658, %mul3A_1657 : vector<16xf32>
        %sub3A_1660 = arith.constant 1.500000e+00 : f32
        %sub3A_1661 = vector.broadcast %sub3A_1660 : f32 to vector<16xf32>
        %sub3A_1662 = arith.subf %sub3A_1661, %mul3A_1659 : vector<16xf32>
        %mul3A_1663 = arith.mulf %mul3A_1657, %sub3A_1662 : vector<16xf32>
        %mul3A_1664 = arith.mulf %mul3A_1651, %mul3A_1663 : vector<16xf32>
        %mul3A_1665 = arith.mulf %mul3A_1664, %mul3A_1663 : vector<16xf32>
        %sub3A_1666 = arith.constant 1.500000e+00 : f32
        %sub3A_1667 = vector.broadcast %sub3A_1666 : f32 to vector<16xf32>
        %sub3A_1668 = arith.subf %sub3A_1667, %mul3A_1665 : vector<16xf32>
        %mul3A_1669 = arith.mulf %mul3A_1663, %sub3A_1668 : vector<16xf32>
        %mul3A_1670 = arith.mulf %add3A_1605, %mul3A_1669 : vector<16xf32>
        %sub3A_1671 = arith.constant 1.000000e+00 : f32
        %sub3A_1672 = vector.broadcast %sub3A_1671 : f32 to vector<16xf32>
        %sub3A_1673 = arith.subf %sub3A_1672, %mul3A_1636 : vector<16xf32>
        %max3A_1674 = arith.constant 0.000000e+00 : f32
        %max3A_1675 = vector.broadcast %max3A_1674 : f32 to vector<16xf32>
        %max3A_1676 = arith.maximumf %mul3A_1670, %max3A_1675 : vector<16xf32>
        %add3A_1677 = arith.addf %sub3A_1673, %max3A_1676 : vector<16xf32>
        %add3A_1678 = arith.addf %scan3A_706, %add3A_1677 : vector<16xf32>
        scf.yield %add3A_1678 : vector<16xf32>
      }
      %scan3A_635 = arith.constant 20 : i32
      %lt3A = arith.constant 15 : i32
      %lt3A_636 = arith.cmpi slt, %scan3A_510, %lt3A : i32
      %convert_element_type3A = arith.extui %lt3A_636 : i1 to i32
      %cond3A = arith.constant 0 : i32
      %cond3A_637 = arith.cmpi ne, %convert_element_type3A, %cond3A : i32
      scf.if %cond3A_637 {
        %add3A_705 = arith.constant 1 : i32
        %add3A_706 = arith.addi %add3A_515, %add3A_705 : i32
        %mul3A_707 = arith.constant 16 : i32
        %mul3A_708 = arith.muli %add3A_706, %mul3A_707 : i32
        %add3A_709 = arith.addi %mul3A_2, %mul3A_708 : i32
        %mul3A_710 = arith.constant 20 : i32
        %mul3A_711 = arith.muli %add3A_709, %mul3A_710 : i32
        "tpu.region"() ({
          %run_scoped3A = tpu.sem_alloc : memref<!tpu.dma_semaphore, #tpu.memory_space<semaphore_mem>>
          %dma_start3A_760 = tpu.memref_slice %arg5[%mul3A_711] : memref<327680xi32, #tpu.memory_space<hbm>> -> memref<320xi32, #tpu.memory_space<hbm>>
          %dma_start3A_761 = tpu.memref_slice %arg5[%mul3A_711] : memref<327680xi32, #tpu.memory_space<hbm>> -> memref<320xi32, #tpu.memory_space<hbm>>
          tpu.enqueue_dma source(%dma_start3A_761 : memref<320xi32, #tpu.memory_space<hbm>>) target(%arg12 : memref<320xi32, #tpu.memory_space<vmem>>) target_semaphore(%run_scoped3A : memref<!tpu.dma_semaphore, #tpu.memory_space<semaphore_mem>>)
          %dma_wait3A_762 = tpu.memref_slice %arg5[%mul3A_711] : memref<327680xi32, #tpu.memory_space<hbm>> -> memref<320xi32, #tpu.memory_space<hbm>>
          %dma_wait3A_763 = tpu.memref_slice %arg5[%mul3A_711] : memref<327680xi32, #tpu.memory_space<hbm>> -> memref<320xi32, #tpu.memory_space<hbm>>
          tpu.wait_dma2 semaphore(%run_scoped3A : memref<!tpu.dma_semaphore, #tpu.memory_space<semaphore_mem>>) src(%dma_wait3A_763 : memref<320xi32, #tpu.memory_space<hbm>>) dst(%arg12 : memref<320xi32, #tpu.memory_space<vmem>>)
          tpu.yield
        }) : () -> ()
        "tpu.region"() ({
          %run_scoped3A = tpu.sem_alloc : memref<!tpu.dma_semaphore, #tpu.memory_space<semaphore_mem>>
          %dma_start3A_760 = tpu.memref_slice %arg6[%mul3A_711] : memref<327680xi32, #tpu.memory_space<hbm>> -> memref<320xi32, #tpu.memory_space<hbm>>
          %dma_start3A_761 = tpu.memref_slice %arg6[%mul3A_711] : memref<327680xi32, #tpu.memory_space<hbm>> -> memref<320xi32, #tpu.memory_space<hbm>>
          tpu.enqueue_dma source(%dma_start3A_761 : memref<320xi32, #tpu.memory_space<hbm>>) target(%arg14 : memref<320xi32, #tpu.memory_space<vmem>>) target_semaphore(%run_scoped3A : memref<!tpu.dma_semaphore, #tpu.memory_space<semaphore_mem>>)
          %dma_wait3A_762 = tpu.memref_slice %arg6[%mul3A_711] : memref<327680xi32, #tpu.memory_space<hbm>> -> memref<320xi32, #tpu.memory_space<hbm>>
          %dma_wait3A_763 = tpu.memref_slice %arg6[%mul3A_711] : memref<327680xi32, #tpu.memory_space<hbm>> -> memref<320xi32, #tpu.memory_space<hbm>>
          tpu.wait_dma2 semaphore(%run_scoped3A : memref<!tpu.dma_semaphore, #tpu.memory_space<semaphore_mem>>) src(%dma_wait3A_763 : memref<320xi32, #tpu.memory_space<hbm>>) dst(%arg14 : memref<320xi32, #tpu.memory_space<vmem>>)
          tpu.yield
        }) : () -> ()
        %dma_start3A_712 = arith.constant 0 : i32
        %dma_start3A_713 = arith.constant 0 : i32
        %dma_start3A_714 = tpu.memref_slice %arg16[%dma_start3A_712, %dma_start3A_713] : memref<320x64xf32, #tpu.memory_space<vmem>> -> memref<128x64xf32, #tpu.memory_space<vmem>>
        %dma_start3A_715 = arith.constant 0 : i32
        %dma_start3A_716 = tpu.memref_slice %arg12[%dma_start3A_715] : memref<320xi32, #tpu.memory_space<vmem>> -> memref<128xi32, #tpu.memory_space<vmem>>
        %dma_start3A_717 = arith.constant 0 : i32
        %dma_start3A_718 = arith.constant 0 : i32
        %dma_start3A_719 = tpu.memref_slice %arg3[%dma_start3A_717, %dma_start3A_718] : memref<1000000x64xf32, #tpu.memory_space<hbm>> -> memref<1000000x64xf32, #tpu.memory_space<hbm>>
        tpu.enqueue_indirect_dma source(%dma_start3A_719 : memref<1000000x64xf32, #tpu.memory_space<hbm>>) target(%dma_start3A_714 : memref<128x64xf32, #tpu.memory_space<vmem>>) offsets(%dma_start3A_716 : memref<128xi32, #tpu.memory_space<vmem>>) semaphore(%arg21 : memref<!tpu.dma_semaphore, #tpu.memory_space<semaphore_mem>>)
        %dma_start3A_720 = arith.constant 0 : i32
        %dma_start3A_721 = arith.constant 0 : i32
        %dma_start3A_722 = tpu.memref_slice %arg18[%dma_start3A_720, %dma_start3A_721] : memref<320x64xf32, #tpu.memory_space<vmem>> -> memref<128x64xf32, #tpu.memory_space<vmem>>
        %dma_start3A_723 = arith.constant 0 : i32
        %dma_start3A_724 = tpu.memref_slice %arg14[%dma_start3A_723] : memref<320xi32, #tpu.memory_space<vmem>> -> memref<128xi32, #tpu.memory_space<vmem>>
        %dma_start3A_725 = arith.constant 0 : i32
        %dma_start3A_726 = arith.constant 0 : i32
        %dma_start3A_727 = tpu.memref_slice %arg3[%dma_start3A_725, %dma_start3A_726] : memref<1000000x64xf32, #tpu.memory_space<hbm>> -> memref<1000000x64xf32, #tpu.memory_space<hbm>>
        tpu.enqueue_indirect_dma source(%dma_start3A_727 : memref<1000000x64xf32, #tpu.memory_space<hbm>>) target(%dma_start3A_722 : memref<128x64xf32, #tpu.memory_space<vmem>>) offsets(%dma_start3A_724 : memref<128xi32, #tpu.memory_space<vmem>>) semaphore(%arg23 : memref<!tpu.dma_semaphore, #tpu.memory_space<semaphore_mem>>)
        %dma_start3A_728 = arith.constant 128 : i32
        %dma_start3A_729 = arith.constant 0 : i32
        %dma_start3A_730 = tpu.memref_slice %arg16[%dma_start3A_728, %dma_start3A_729] : memref<320x64xf32, #tpu.memory_space<vmem>> -> memref<128x64xf32, #tpu.memory_space<vmem>>
        %dma_start3A_731 = arith.constant 128 : i32
        %dma_start3A_732 = tpu.memref_slice %arg12[%dma_start3A_731] : memref<320xi32, #tpu.memory_space<vmem>> -> memref<128xi32, #tpu.memory_space<vmem>>
        %dma_start3A_733 = arith.constant 0 : i32
        %dma_start3A_734 = arith.constant 0 : i32
        %dma_start3A_735 = tpu.memref_slice %arg3[%dma_start3A_733, %dma_start3A_734] : memref<1000000x64xf32, #tpu.memory_space<hbm>> -> memref<1000000x64xf32, #tpu.memory_space<hbm>>
        tpu.enqueue_indirect_dma source(%dma_start3A_735 : memref<1000000x64xf32, #tpu.memory_space<hbm>>) target(%dma_start3A_730 : memref<128x64xf32, #tpu.memory_space<vmem>>) offsets(%dma_start3A_732 : memref<128xi32, #tpu.memory_space<vmem>>) semaphore(%arg21 : memref<!tpu.dma_semaphore, #tpu.memory_space<semaphore_mem>>)
        %dma_start3A_736 = arith.constant 128 : i32
        %dma_start3A_737 = arith.constant 0 : i32
        %dma_start3A_738 = tpu.memref_slice %arg18[%dma_start3A_736, %dma_start3A_737] : memref<320x64xf32, #tpu.memory_space<vmem>> -> memref<128x64xf32, #tpu.memory_space<vmem>>
        %dma_start3A_739 = arith.constant 128 : i32
        %dma_start3A_740 = tpu.memref_slice %arg14[%dma_start3A_739] : memref<320xi32, #tpu.memory_space<vmem>> -> memref<128xi32, #tpu.memory_space<vmem>>
        %dma_start3A_741 = arith.constant 0 : i32
        %dma_start3A_742 = arith.constant 0 : i32
        %dma_start3A_743 = tpu.memref_slice %arg3[%dma_start3A_741, %dma_start3A_742] : memref<1000000x64xf32, #tpu.memory_space<hbm>> -> memref<1000000x64xf32, #tpu.memory_space<hbm>>
        tpu.enqueue_indirect_dma source(%dma_start3A_743 : memref<1000000x64xf32, #tpu.memory_space<hbm>>) target(%dma_start3A_738 : memref<128x64xf32, #tpu.memory_space<vmem>>) offsets(%dma_start3A_740 : memref<128xi32, #tpu.memory_space<vmem>>) semaphore(%arg23 : memref<!tpu.dma_semaphore, #tpu.memory_space<semaphore_mem>>)
        %dma_start3A_744 = arith.constant 256 : i32
        %dma_start3A_745 = arith.constant 0 : i32
        %dma_start3A_746 = tpu.memref_slice %arg16[%dma_start3A_744, %dma_start3A_745] : memref<320x64xf32, #tpu.memory_space<vmem>> -> memref<64x64xf32, #tpu.memory_space<vmem>>
        %dma_start3A_747 = arith.constant 256 : i32
        %dma_start3A_748 = tpu.memref_slice %arg12[%dma_start3A_747] : memref<320xi32, #tpu.memory_space<vmem>> -> memref<64xi32, #tpu.memory_space<vmem>>
        %dma_start3A_749 = arith.constant 0 : i32
        %dma_start3A_750 = arith.constant 0 : i32
        %dma_start3A_751 = tpu.memref_slice %arg3[%dma_start3A_749, %dma_start3A_750] : memref<1000000x64xf32, #tpu.memory_space<hbm>> -> memref<1000000x64xf32, #tpu.memory_space<hbm>>
        tpu.enqueue_indirect_dma source(%dma_start3A_751 : memref<1000000x64xf32, #tpu.memory_space<hbm>>) target(%dma_start3A_746 : memref<64x64xf32, #tpu.memory_space<vmem>>) offsets(%dma_start3A_748 : memref<64xi32, #tpu.memory_space<vmem>>) semaphore(%arg21 : memref<!tpu.dma_semaphore, #tpu.memory_space<semaphore_mem>>)
        %dma_start3A_752 = arith.constant 256 : i32
        %dma_start3A_753 = arith.constant 0 : i32
        %dma_start3A_754 = tpu.memref_slice %arg18[%dma_start3A_752, %dma_start3A_753] : memref<320x64xf32, #tpu.memory_space<vmem>> -> memref<64x64xf32, #tpu.memory_space<vmem>>
        %dma_start3A_755 = arith.constant 256 : i32
        %dma_start3A_756 = tpu.memref_slice %arg14[%dma_start3A_755] : memref<320xi32, #tpu.memory_space<vmem>> -> memref<64xi32, #tpu.memory_space<vmem>>
        %dma_start3A_757 = arith.constant 0 : i32
        %dma_start3A_758 = arith.constant 0 : i32
        %dma_start3A_759 = tpu.memref_slice %arg3[%dma_start3A_757, %dma_start3A_758] : memref<1000000x64xf32, #tpu.memory_space<hbm>> -> memref<1000000x64xf32, #tpu.memory_space<hbm>>
        tpu.enqueue_indirect_dma source(%dma_start3A_759 : memref<1000000x64xf32, #tpu.memory_space<hbm>>) target(%dma_start3A_754 : memref<64x64xf32, #tpu.memory_space<vmem>>) offsets(%dma_start3A_756 : memref<64xi32, #tpu.memory_space<vmem>>) semaphore(%arg23 : memref<!tpu.dma_semaphore, #tpu.memory_space<semaphore_mem>>)
      } else {
      }
      %dma_wait3A_638 = arith.constant 0 : i32
      %dma_wait3A_639 = arith.constant 0 : i32
      %dma_wait3A_640 = tpu.memref_slice %arg17[%dma_wait3A_638, %dma_wait3A_639] : memref<320x64xf32, #tpu.memory_space<vmem>> -> memref<128x64xf32, #tpu.memory_space<vmem>>
      %dma_wait3A_641 = arith.constant 0 : i32
      %dma_wait3A_642 = tpu.memref_slice %arg13[%dma_wait3A_641] : memref<320xi32, #tpu.memory_space<vmem>> -> memref<128xi32, #tpu.memory_space<vmem>>
      %dma_wait3A_643 = arith.constant 0 : i32
      %dma_wait3A_644 = arith.constant 0 : i32
      %dma_wait3A_645 = tpu.memref_slice %arg3[%dma_wait3A_643, %dma_wait3A_644] : memref<1000000x64xf32, #tpu.memory_space<hbm>> -> memref<1000000x64xf32, #tpu.memory_space<hbm>>
      tpu.wait_indirect_dma semaphore(%arg22 : memref<!tpu.dma_semaphore, #tpu.memory_space<semaphore_mem>>) src(%dma_wait3A_645 : memref<1000000x64xf32, #tpu.memory_space<hbm>>) dst(%dma_wait3A_640 : memref<128x64xf32, #tpu.memory_space<vmem>>)
      %dma_wait3A_646 = arith.constant 0 : i32
      %dma_wait3A_647 = arith.constant 0 : i32
      %dma_wait3A_648 = tpu.memref_slice %arg19[%dma_wait3A_646, %dma_wait3A_647] : memref<320x64xf32, #tpu.memory_space<vmem>> -> memref<128x64xf32, #tpu.memory_space<vmem>>
      %dma_wait3A_649 = arith.constant 0 : i32
      %dma_wait3A_650 = tpu.memref_slice %arg15[%dma_wait3A_649] : memref<320xi32, #tpu.memory_space<vmem>> -> memref<128xi32, #tpu.memory_space<vmem>>
      %dma_wait3A_651 = arith.constant 0 : i32
      %dma_wait3A_652 = arith.constant 0 : i32
      %dma_wait3A_653 = tpu.memref_slice %arg3[%dma_wait3A_651, %dma_wait3A_652] : memref<1000000x64xf32, #tpu.memory_space<hbm>> -> memref<1000000x64xf32, #tpu.memory_space<hbm>>
      tpu.wait_indirect_dma semaphore(%arg24 : memref<!tpu.dma_semaphore, #tpu.memory_space<semaphore_mem>>) src(%dma_wait3A_653 : memref<1000000x64xf32, #tpu.memory_space<hbm>>) dst(%dma_wait3A_648 : memref<128x64xf32, #tpu.memory_space<vmem>>)
      %dma_wait3A_654 = arith.constant 128 : i32
      %dma_wait3A_655 = arith.constant 0 : i32
      %dma_wait3A_656 = tpu.memref_slice %arg17[%dma_wait3A_654, %dma_wait3A_655] : memref<320x64xf32, #tpu.memory_space<vmem>> -> memref<128x64xf32, #tpu.memory_space<vmem>>
      %dma_wait3A_657 = arith.constant 128 : i32
      %dma_wait3A_658 = tpu.memref_slice %arg13[%dma_wait3A_657] : memref<320xi32, #tpu.memory_space<vmem>> -> memref<128xi32, #tpu.memory_space<vmem>>
      %dma_wait3A_659 = arith.constant 0 : i32
      %dma_wait3A_660 = arith.constant 0 : i32
      %dma_wait3A_661 = tpu.memref_slice %arg3[%dma_wait3A_659, %dma_wait3A_660] : memref<1000000x64xf32, #tpu.memory_space<hbm>> -> memref<1000000x64xf32, #tpu.memory_space<hbm>>
      tpu.wait_indirect_dma semaphore(%arg22 : memref<!tpu.dma_semaphore, #tpu.memory_space<semaphore_mem>>) src(%dma_wait3A_661 : memref<1000000x64xf32, #tpu.memory_space<hbm>>) dst(%dma_wait3A_656 : memref<128x64xf32, #tpu.memory_space<vmem>>)
      %dma_wait3A_662 = arith.constant 128 : i32
      %dma_wait3A_663 = arith.constant 0 : i32
      %dma_wait3A_664 = tpu.memref_slice %arg19[%dma_wait3A_662, %dma_wait3A_663] : memref<320x64xf32, #tpu.memory_space<vmem>> -> memref<128x64xf32, #tpu.memory_space<vmem>>
      %dma_wait3A_665 = arith.constant 128 : i32
      %dma_wait3A_666 = tpu.memref_slice %arg15[%dma_wait3A_665] : memref<320xi32, #tpu.memory_space<vmem>> -> memref<128xi32, #tpu.memory_space<vmem>>
      %dma_wait3A_667 = arith.constant 0 : i32
      %dma_wait3A_668 = arith.constant 0 : i32
      %dma_wait3A_669 = tpu.memref_slice %arg3[%dma_wait3A_667, %dma_wait3A_668] : memref<1000000x64xf32, #tpu.memory_space<hbm>> -> memref<1000000x64xf32, #tpu.memory_space<hbm>>
      tpu.wait_indirect_dma semaphore(%arg24 : memref<!tpu.dma_semaphore, #tpu.memory_space<semaphore_mem>>) src(%dma_wait3A_669 : memref<1000000x64xf32, #tpu.memory_space<hbm>>) dst(%dma_wait3A_664 : memref<128x64xf32, #tpu.memory_space<vmem>>)
      %dma_wait3A_670 = arith.constant 256 : i32
      %dma_wait3A_671 = arith.constant 0 : i32
      %dma_wait3A_672 = tpu.memref_slice %arg17[%dma_wait3A_670, %dma_wait3A_671] : memref<320x64xf32, #tpu.memory_space<vmem>> -> memref<64x64xf32, #tpu.memory_space<vmem>>
      %dma_wait3A_673 = arith.constant 256 : i32
      %dma_wait3A_674 = tpu.memref_slice %arg13[%dma_wait3A_673] : memref<320xi32, #tpu.memory_space<vmem>> -> memref<64xi32, #tpu.memory_space<vmem>>
      %dma_wait3A_675 = arith.constant 0 : i32
      %dma_wait3A_676 = arith.constant 0 : i32
      %dma_wait3A_677 = tpu.memref_slice %arg3[%dma_wait3A_675, %dma_wait3A_676] : memref<1000000x64xf32, #tpu.memory_space<hbm>> -> memref<1000000x64xf32, #tpu.memory_space<hbm>>
      tpu.wait_indirect_dma semaphore(%arg22 : memref<!tpu.dma_semaphore, #tpu.memory_space<semaphore_mem>>) src(%dma_wait3A_677 : memref<1000000x64xf32, #tpu.memory_space<hbm>>) dst(%dma_wait3A_672 : memref<64x64xf32, #tpu.memory_space<vmem>>)
      %dma_wait3A_678 = arith.constant 256 : i32
      %dma_wait3A_679 = arith.constant 0 : i32
      %dma_wait3A_680 = tpu.memref_slice %arg19[%dma_wait3A_678, %dma_wait3A_679] : memref<320x64xf32, #tpu.memory_space<vmem>> -> memref<64x64xf32, #tpu.memory_space<vmem>>
      %dma_wait3A_681 = arith.constant 256 : i32
      %dma_wait3A_682 = tpu.memref_slice %arg15[%dma_wait3A_681] : memref<320xi32, #tpu.memory_space<vmem>> -> memref<64xi32, #tpu.memory_space<vmem>>
      %dma_wait3A_683 = arith.constant 0 : i32
      %dma_wait3A_684 = arith.constant 0 : i32
      %dma_wait3A_685 = tpu.memref_slice %arg3[%dma_wait3A_683, %dma_wait3A_684] : memref<1000000x64xf32, #tpu.memory_space<hbm>> -> memref<1000000x64xf32, #tpu.memory_space<hbm>>
      tpu.wait_indirect_dma semaphore(%arg24 : memref<!tpu.dma_semaphore, #tpu.memory_space<semaphore_mem>>) src(%dma_wait3A_685 : memref<1000000x64xf32, #tpu.memory_space<hbm>>) dst(%dma_wait3A_680 : memref<64x64xf32, #tpu.memory_space<vmem>>)
      %mul3A_686 = arith.constant 16 : i32
      %mul3A_687 = arith.muli %add3A_515, %mul3A_686 : i32
      %add3A_688 = vector.broadcast %mul3A_687 : i32 to vector<16xi32>
      %add3A_689 = arith.addi %iota3A, %add3A_688 : vector<16xi32>
      %broadcast_in_dim3A_690 = arith.constant 0.000000e+00 : f32
      %broadcast_in_dim3A_691 = vector.broadcast %broadcast_in_dim3A_690 : f32 to vector<16xf32>
      %scan3A_692 = arith.constant 0 : i32
      %scan3A_693 = arith.constant 8 : i32
      %scan3A_694 = arith.addi %scan3A_692, %scan3A_693 : i32
      %scan3A_695 = arith.constant 1 : i32
      %scan3A_696:2 = scf.for %scan3A_705 = %scan3A_692 to %scan3A_694 step %scan3A_695 iter_args(%scan3A_706 = %broadcast_in_dim3A_691, %scan3A_707 = %broadcast_in_dim3A_691) -> (vector<16xf32>, vector<16xf32>)  : i32 {
        %mul3A_708 = arith.constant 8 : i32
        %mul3A_709 = arith.muli %scan3A_705, %mul3A_708 : i32
        %add3A_710 = arith.constant 0 : i32
        %add3A_711 = arith.addi %mul3A_709, %add3A_710 : i32
        %add3A_712 = vector.broadcast %add3A_711 : i32 to vector<16xi32>
        %add3A_713 = arith.addi %iota3A, %add3A_712 : vector<16xi32>
        %and3A_714 = arith.constant 63 : i32
        %and3A_715 = vector.broadcast %and3A_714 : i32 to vector<16xi32>
        %and3A_716 = arith.andi %add3A_713, %and3A_715 : vector<16xi32>
        %gather3A = tpu.vector_load_idx %arg9[%add3A_689, %and3A_716] : memref<512x64xf32, #tpu.memory_space<vmem>>[vector<16xi32>, vector<16xi32>], vector<16xf32>,
        %add3A_717 = arith.constant 0 : i32
        %add3A_718 = arith.addi %mul3A_709, %add3A_717 : i32
        %swap3A_719 = arith.index_cast %add3A_718 : i32 to index
        %swap3A_720 = arith.constant 0 : index
        %swap3A_721 = tpu.vector_load %arg10[%swap3A_719, %swap3A_720] {strides = array<i32>} : memref<64x16xf32, #tpu.memory_space<vmem>>, vector<16xf32>,
        tpu.vector_store %arg10[%swap3A_719, %swap3A_720], %gather3A {strides = array<i32>} : memref<64x16xf32, #tpu.memory_space<vmem>>, vector<16xf32>,
        %mul3A_722 = arith.mulf %gather3A, %gather3A : vector<16xf32>
        %add3A_723 = arith.addf %scan3A_706, %mul3A_722 : vector<16xf32>
        %add3A_724 = arith.constant 1 : i32
        %add3A_725 = arith.addi %mul3A_709, %add3A_724 : i32
        %add3A_726 = vector.broadcast %add3A_725 : i32 to vector<16xi32>
        %add3A_727 = arith.addi %iota3A, %add3A_726 : vector<16xi32>
        %and3A_728 = arith.constant 63 : i32
        %and3A_729 = vector.broadcast %and3A_728 : i32 to vector<16xi32>
        %and3A_730 = arith.andi %add3A_727, %and3A_729 : vector<16xi32>
        %gather3A_731 = tpu.vector_load_idx %arg9[%add3A_689, %and3A_730] : memref<512x64xf32, #tpu.memory_space<vmem>>[vector<16xi32>, vector<16xi32>], vector<16xf32>,
        %add3A_732 = arith.constant 1 : i32
        %add3A_733 = arith.addi %mul3A_709, %add3A_732 : i32
        %swap3A_734 = arith.index_cast %add3A_733 : i32 to index
        %swap3A_735 = arith.constant 0 : index
        %swap3A_736 = tpu.vector_load %arg10[%swap3A_734, %swap3A_735] {strides = array<i32>} : memref<64x16xf32, #tpu.memory_space<vmem>>, vector<16xf32>,
        tpu.vector_store %arg10[%swap3A_734, %swap3A_735], %gather3A_731 {strides = array<i32>} : memref<64x16xf32, #tpu.memory_space<vmem>>, vector<16xf32>,
        %mul3A_737 = arith.mulf %gather3A_731, %gather3A_731 : vector<16xf32>
        %add3A_738 = arith.addf %scan3A_707, %mul3A_737 : vector<16xf32>
        %add3A_739 = arith.constant 2 : i32
        %add3A_740 = arith.addi %mul3A_709, %add3A_739 : i32
        %add3A_741 = vector.broadcast %add3A_740 : i32 to vector<16xi32>
        %add3A_742 = arith.addi %iota3A, %add3A_741 : vector<16xi32>
        %and3A_743 = arith.constant 63 : i32
        %and3A_744 = vector.broadcast %and3A_743 : i32 to vector<16xi32>
        %and3A_745 = arith.andi %add3A_742, %and3A_744 : vector<16xi32>
        %gather3A_746 = tpu.vector_load_idx %arg9[%add3A_689, %and3A_745] : memref<512x64xf32, #tpu.memory_space<vmem>>[vector<16xi32>, vector<16xi32>], vector<16xf32>,
        %add3A_747 = arith.constant 2 : i32
        %add3A_748 = arith.addi %mul3A_709, %add3A_747 : i32
        %swap3A_749 = arith.index_cast %add3A_748 : i32 to index
        %swap3A_750 = arith.constant 0 : index
        %swap3A_751 = tpu.vector_load %arg10[%swap3A_749, %swap3A_750] {strides = array<i32>} : memref<64x16xf32, #tpu.memory_space<vmem>>, vector<16xf32>,
        tpu.vector_store %arg10[%swap3A_749, %swap3A_750], %gather3A_746 {strides = array<i32>} : memref<64x16xf32, #tpu.memory_space<vmem>>, vector<16xf32>,
        %mul3A_752 = arith.mulf %gather3A_746, %gather3A_746 : vector<16xf32>
        %add3A_753 = arith.addf %add3A_723, %mul3A_752 : vector<16xf32>
        %add3A_754 = arith.constant 3 : i32
        %add3A_755 = arith.addi %mul3A_709, %add3A_754 : i32
        %add3A_756 = vector.broadcast %add3A_755 : i32 to vector<16xi32>
        %add3A_757 = arith.addi %iota3A, %add3A_756 : vector<16xi32>
        %and3A_758 = arith.constant 63 : i32
        %and3A_759 = vector.broadcast %and3A_758 : i32 to vector<16xi32>
        %and3A_760 = arith.andi %add3A_757, %and3A_759 : vector<16xi32>
        %gather3A_761 = tpu.vector_load_idx %arg9[%add3A_689, %and3A_760] : memref<512x64xf32, #tpu.memory_space<vmem>>[vector<16xi32>, vector<16xi32>], vector<16xf32>,
        %add3A_762 = arith.constant 3 : i32
        %add3A_763 = arith.addi %mul3A_709, %add3A_762 : i32
        %swap3A_764 = arith.index_cast %add3A_763 : i32 to index
        %swap3A_765 = arith.constant 0 : index
        %swap3A_766 = tpu.vector_load %arg10[%swap3A_764, %swap3A_765] {strides = array<i32>} : memref<64x16xf32, #tpu.memory_space<vmem>>, vector<16xf32>,
        tpu.vector_store %arg10[%swap3A_764, %swap3A_765], %gather3A_761 {strides = array<i32>} : memref<64x16xf32, #tpu.memory_space<vmem>>, vector<16xf32>,
        %mul3A_767 = arith.mulf %gather3A_761, %gather3A_761 : vector<16xf32>
        %add3A_768 = arith.addf %add3A_738, %mul3A_767 : vector<16xf32>
        %add3A_769 = arith.constant 4 : i32
        %add3A_770 = arith.addi %mul3A_709, %add3A_769 : i32
        %add3A_771 = vector.broadcast %add3A_770 : i32 to vector<16xi32>
        %add3A_772 = arith.addi %iota3A, %add3A_771 : vector<16xi32>
        %and3A_773 = arith.constant 63 : i32
        %and3A_774 = vector.broadcast %and3A_773 : i32 to vector<16xi32>
        %and3A_775 = arith.andi %add3A_772, %and3A_774 : vector<16xi32>
        %gather3A_776 = tpu.vector_load_idx %arg9[%add3A_689, %and3A_775] : memref<512x64xf32, #tpu.memory_space<vmem>>[vector<16xi32>, vector<16xi32>], vector<16xf32>,
        %add3A_777 = arith.constant 4 : i32
        %add3A_778 = arith.addi %mul3A_709, %add3A_777 : i32
        %swap3A_779 = arith.index_cast %add3A_778 : i32 to index
        %swap3A_780 = arith.constant 0 : index
        %swap3A_781 = tpu.vector_load %arg10[%swap3A_779, %swap3A_780] {strides = array<i32>} : memref<64x16xf32, #tpu.memory_space<vmem>>, vector<16xf32>,
        tpu.vector_store %arg10[%swap3A_779, %swap3A_780], %gather3A_776 {strides = array<i32>} : memref<64x16xf32, #tpu.memory_space<vmem>>, vector<16xf32>,
        %mul3A_782 = arith.mulf %gather3A_776, %gather3A_776 : vector<16xf32>
        %add3A_783 = arith.addf %add3A_753, %mul3A_782 : vector<16xf32>
        %add3A_784 = arith.constant 5 : i32
        %add3A_785 = arith.addi %mul3A_709, %add3A_784 : i32
        %add3A_786 = vector.broadcast %add3A_785 : i32 to vector<16xi32>
        %add3A_787 = arith.addi %iota3A, %add3A_786 : vector<16xi32>
        %and3A_788 = arith.constant 63 : i32
        %and3A_789 = vector.broadcast %and3A_788 : i32 to vector<16xi32>
        %and3A_790 = arith.andi %add3A_787, %and3A_789 : vector<16xi32>
        %gather3A_791 = tpu.vector_load_idx %arg9[%add3A_689, %and3A_790] : memref<512x64xf32, #tpu.memory_space<vmem>>[vector<16xi32>, vector<16xi32>], vector<16xf32>,
        %add3A_792 = arith.constant 5 : i32
        %add3A_793 = arith.addi %mul3A_709, %add3A_792 : i32
        %swap3A_794 = arith.index_cast %add3A_793 : i32 to index
        %swap3A_795 = arith.constant 0 : index
        %swap3A_796 = tpu.vector_load %arg10[%swap3A_794, %swap3A_795] {strides = array<i32>} : memref<64x16xf32, #tpu.memory_space<vmem>>, vector<16xf32>,
        tpu.vector_store %arg10[%swap3A_794, %swap3A_795], %gather3A_791 {strides = array<i32>} : memref<64x16xf32, #tpu.memory_space<vmem>>, vector<16xf32>,
        %mul3A_797 = arith.mulf %gather3A_791, %gather3A_791 : vector<16xf32>
        %add3A_798 = arith.addf %add3A_768, %mul3A_797 : vector<16xf32>
        %add3A_799 = arith.constant 6 : i32
        %add3A_800 = arith.addi %mul3A_709, %add3A_799 : i32
        %add3A_801 = vector.broadcast %add3A_800 : i32 to vector<16xi32>
        %add3A_802 = arith.addi %iota3A, %add3A_801 : vector<16xi32>
        %and3A_803 = arith.constant 63 : i32
        %and3A_804 = vector.broadcast %and3A_803 : i32 to vector<16xi32>
        %and3A_805 = arith.andi %add3A_802, %and3A_804 : vector<16xi32>
        %gather3A_806 = tpu.vector_load_idx %arg9[%add3A_689, %and3A_805] : memref<512x64xf32, #tpu.memory_space<vmem>>[vector<16xi32>, vector<16xi32>], vector<16xf32>,
        %add3A_807 = arith.constant 6 : i32
        %add3A_808 = arith.addi %mul3A_709, %add3A_807 : i32
        %swap3A_809 = arith.index_cast %add3A_808 : i32 to index
        %swap3A_810 = arith.constant 0 : index
        %swap3A_811 = tpu.vector_load %arg10[%swap3A_809, %swap3A_810] {strides = array<i32>} : memref<64x16xf32, #tpu.memory_space<vmem>>, vector<16xf32>,
        tpu.vector_store %arg10[%swap3A_809, %swap3A_810], %gather3A_806 {strides = array<i32>} : memref<64x16xf32, #tpu.memory_space<vmem>>, vector<16xf32>,
        %mul3A_812 = arith.mulf %gather3A_806, %gather3A_806 : vector<16xf32>
        %add3A_813 = arith.addf %add3A_783, %mul3A_812 : vector<16xf32>
        %add3A_814 = arith.constant 7 : i32
        %add3A_815 = arith.addi %mul3A_709, %add3A_814 : i32
        %add3A_816 = vector.broadcast %add3A_815 : i32 to vector<16xi32>
        %add3A_817 = arith.addi %iota3A, %add3A_816 : vector<16xi32>
        %and3A_818 = arith.constant 63 : i32
        %and3A_819 = vector.broadcast %and3A_818 : i32 to vector<16xi32>
        %and3A_820 = arith.andi %add3A_817, %and3A_819 : vector<16xi32>
        %gather3A_821 = tpu.vector_load_idx %arg9[%add3A_689, %and3A_820] : memref<512x64xf32, #tpu.memory_space<vmem>>[vector<16xi32>, vector<16xi32>], vector<16xf32>,
        %add3A_822 = arith.constant 7 : i32
        %add3A_823 = arith.addi %mul3A_709, %add3A_822 : i32
        %swap3A_824 = arith.index_cast %add3A_823 : i32 to index
        %swap3A_825 = arith.constant 0 : index
        %swap3A_826 = tpu.vector_load %arg10[%swap3A_824, %swap3A_825] {strides = array<i32>} : memref<64x16xf32, #tpu.memory_space<vmem>>, vector<16xf32>,
        tpu.vector_store %arg10[%swap3A_824, %swap3A_825], %gather3A_821 {strides = array<i32>} : memref<64x16xf32, #tpu.memory_space<vmem>>, vector<16xf32>,
        %mul3A_827 = arith.mulf %gather3A_821, %gather3A_821 : vector<16xf32>
        %add3A_828 = arith.addf %add3A_798, %mul3A_827 : vector<16xf32>
        scf.yield %add3A_813, %add3A_828 : vector<16xf32>, vector<16xf32>
      }
      %scan3A_697 = arith.constant 8 : i32
      %add3A_698 = arith.addf %scan3A_696#0, %scan3A_696#1 : vector<16xf32>
      %scan3A_699 = arith.constant 0 : i32
      %scan3A_700 = arith.constant 20 : i32
      %scan3A_701 = arith.addi %scan3A_699, %scan3A_700 : i32
      %scan3A_702 = arith.constant 1 : i32
      %scan3A_703 = scf.for %scan3A_705 = %scan3A_699 to %scan3A_701 step %scan3A_702 iter_args(%scan3A_706 = %scan3A_634) -> (vector<16xf32>)  : i32 {
        %add3A_707 = vector.broadcast %scan3A_705 : i32 to vector<16xi32>
        %add3A_708 = arith.addi %mul3A_5, %add3A_707 : vector<16xi32>
        %get3A = arith.constant 0 : i32
        %get3A_709 = arith.index_cast %get3A : i32 to index
        %get3A_710 = arith.constant 0 : index
        %get3A_711 = tpu.vector_load %arg10[%get3A_709, %get3A_710] {strides = array<i32>} : memref<64x16xf32, #tpu.memory_space<vmem>>, vector<16xf32>,
        %gather3A = tpu.vector_load_idx %arg17[%add3A_708, %and3A_124] : memref<320x64xf32, #tpu.memory_space<vmem>>[vector<16xi32>, vector<16xi32>], vector<16xf32>,
        %gather3A_712 = tpu.vector_load_idx %arg19[%add3A_708, %and3A_124] : memref<320x64xf32, #tpu.memory_space<vmem>>[vector<16xi32>, vector<16xi32>], vector<16xf32>,
        %mul3A_713 = arith.mulf %get3A_711, %gather3A : vector<16xf32>
        %add3A_714 = arith.addf %broadcast_in_dim3A_691, %mul3A_713 : vector<16xf32>
        %mul3A_715 = arith.mulf %gather3A, %gather3A : vector<16xf32>
        %add3A_716 = arith.addf %broadcast_in_dim3A_691, %mul3A_715 : vector<16xf32>
        %mul3A_717 = arith.mulf %get3A_711, %gather3A_712 : vector<16xf32>
        %add3A_718 = arith.addf %broadcast_in_dim3A_691, %mul3A_717 : vector<16xf32>
        %mul3A_719 = arith.mulf %gather3A_712, %gather3A_712 : vector<16xf32>
        %add3A_720 = arith.addf %broadcast_in_dim3A_691, %mul3A_719 : vector<16xf32>
        %get3A_721 = arith.constant 1 : i32
        %get3A_722 = arith.index_cast %get3A_721 : i32 to index
        %get3A_723 = arith.constant 0 : index
        %get3A_724 = tpu.vector_load %arg10[%get3A_722, %get3A_723] {strides = array<i32>} : memref<64x16xf32, #tpu.memory_space<vmem>>, vector<16xf32>,
        %gather3A_725 = tpu.vector_load_idx %arg17[%add3A_708, %and3A_130] : memref<320x64xf32, #tpu.memory_space<vmem>>[vector<16xi32>, vector<16xi32>], vector<16xf32>,
        %gather3A_726 = tpu.vector_load_idx %arg19[%add3A_708, %and3A_130] : memref<320x64xf32, #tpu.memory_space<vmem>>[vector<16xi32>, vector<16xi32>], vector<16xf32>,
        %mul3A_727 = arith.mulf %get3A_724, %gather3A_725 : vector<16xf32>
        %add3A_728 = arith.addf %broadcast_in_dim3A_691, %mul3A_727 : vector<16xf32>
        %mul3A_729 = arith.mulf %gather3A_725, %gather3A_725 : vector<16xf32>
        %add3A_730 = arith.addf %broadcast_in_dim3A_691, %mul3A_729 : vector<16xf32>
        %mul3A_731 = arith.mulf %get3A_724, %gather3A_726 : vector<16xf32>
        %add3A_732 = arith.addf %broadcast_in_dim3A_691, %mul3A_731 : vector<16xf32>
        %mul3A_733 = arith.mulf %gather3A_726, %gather3A_726 : vector<16xf32>
        %add3A_734 = arith.addf %broadcast_in_dim3A_691, %mul3A_733 : vector<16xf32>
        %get3A_735 = arith.constant 2 : i32
        %get3A_736 = arith.index_cast %get3A_735 : i32 to index
        %get3A_737 = arith.constant 0 : index
        %get3A_738 = tpu.vector_load %arg10[%get3A_736, %get3A_737] {strides = array<i32>} : memref<64x16xf32, #tpu.memory_space<vmem>>, vector<16xf32>,
        %gather3A_739 = tpu.vector_load_idx %arg17[%add3A_708, %and3A_136] : memref<320x64xf32, #tpu.memory_space<vmem>>[vector<16xi32>, vector<16xi32>], vector<16xf32>,
        %gather3A_740 = tpu.vector_load_idx %arg19[%add3A_708, %and3A_136] : memref<320x64xf32, #tpu.memory_space<vmem>>[vector<16xi32>, vector<16xi32>], vector<16xf32>,
        %mul3A_741 = arith.mulf %get3A_738, %gather3A_739 : vector<16xf32>
        %add3A_742 = arith.addf %add3A_714, %mul3A_741 : vector<16xf32>
        %mul3A_743 = arith.mulf %gather3A_739, %gather3A_739 : vector<16xf32>
        %add3A_744 = arith.addf %add3A_716, %mul3A_743 : vector<16xf32>
        %mul3A_745 = arith.mulf %get3A_738, %gather3A_740 : vector<16xf32>
        %add3A_746 = arith.addf %add3A_718, %mul3A_745 : vector<16xf32>
        %mul3A_747 = arith.mulf %gather3A_740, %gather3A_740 : vector<16xf32>
        %add3A_748 = arith.addf %add3A_720, %mul3A_747 : vector<16xf32>
        %get3A_749 = arith.constant 3 : i32
        %get3A_750 = arith.index_cast %get3A_749 : i32 to index
        %get3A_751 = arith.constant 0 : index
        %get3A_752 = tpu.vector_load %arg10[%get3A_750, %get3A_751] {strides = array<i32>} : memref<64x16xf32, #tpu.memory_space<vmem>>, vector<16xf32>,
        %gather3A_753 = tpu.vector_load_idx %arg17[%add3A_708, %and3A_142] : memref<320x64xf32, #tpu.memory_space<vmem>>[vector<16xi32>, vector<16xi32>], vector<16xf32>,
        %gather3A_754 = tpu.vector_load_idx %arg19[%add3A_708, %and3A_142] : memref<320x64xf32, #tpu.memory_space<vmem>>[vector<16xi32>, vector<16xi32>], vector<16xf32>,
        %mul3A_755 = arith.mulf %get3A_752, %gather3A_753 : vector<16xf32>
        %add3A_756 = arith.addf %add3A_728, %mul3A_755 : vector<16xf32>
        %mul3A_757 = arith.mulf %gather3A_753, %gather3A_753 : vector<16xf32>
        %add3A_758 = arith.addf %add3A_730, %mul3A_757 : vector<16xf32>
        %mul3A_759 = arith.mulf %get3A_752, %gather3A_754 : vector<16xf32>
        %add3A_760 = arith.addf %add3A_732, %mul3A_759 : vector<16xf32>
        %mul3A_761 = arith.mulf %gather3A_754, %gather3A_754 : vector<16xf32>
        %add3A_762 = arith.addf %add3A_734, %mul3A_761 : vector<16xf32>
        %get3A_763 = arith.constant 4 : i32
        %get3A_764 = arith.index_cast %get3A_763 : i32 to index
        %get3A_765 = arith.constant 0 : index
        %get3A_766 = tpu.vector_load %arg10[%get3A_764, %get3A_765] {strides = array<i32>} : memref<64x16xf32, #tpu.memory_space<vmem>>, vector<16xf32>,
        %gather3A_767 = tpu.vector_load_idx %arg17[%add3A_708, %and3A_148] : memref<320x64xf32, #tpu.memory_space<vmem>>[vector<16xi32>, vector<16xi32>], vector<16xf32>,
        %gather3A_768 = tpu.vector_load_idx %arg19[%add3A_708, %and3A_148] : memref<320x64xf32, #tpu.memory_space<vmem>>[vector<16xi32>, vector<16xi32>], vector<16xf32>,
        %mul3A_769 = arith.mulf %get3A_766, %gather3A_767 : vector<16xf32>
        %add3A_770 = arith.addf %add3A_742, %mul3A_769 : vector<16xf32>
        %mul3A_771 = arith.mulf %gather3A_767, %gather3A_767 : vector<16xf32>
        %add3A_772 = arith.addf %add3A_744, %mul3A_771 : vector<16xf32>
        %mul3A_773 = arith.mulf %get3A_766, %gather3A_768 : vector<16xf32>
        %add3A_774 = arith.addf %add3A_746, %mul3A_773 : vector<16xf32>
        %mul3A_775 = arith.mulf %gather3A_768, %gather3A_768 : vector<16xf32>
        %add3A_776 = arith.addf %add3A_748, %mul3A_775 : vector<16xf32>
        %get3A_777 = arith.constant 5 : i32
        %get3A_778 = arith.index_cast %get3A_777 : i32 to index
        %get3A_779 = arith.constant 0 : index
        %get3A_780 = tpu.vector_load %arg10[%get3A_778, %get3A_779] {strides = array<i32>} : memref<64x16xf32, #tpu.memory_space<vmem>>, vector<16xf32>,
        %gather3A_781 = tpu.vector_load_idx %arg17[%add3A_708, %and3A_154] : memref<320x64xf32, #tpu.memory_space<vmem>>[vector<16xi32>, vector<16xi32>], vector<16xf32>,
        %gather3A_782 = tpu.vector_load_idx %arg19[%add3A_708, %and3A_154] : memref<320x64xf32, #tpu.memory_space<vmem>>[vector<16xi32>, vector<16xi32>], vector<16xf32>,
        %mul3A_783 = arith.mulf %get3A_780, %gather3A_781 : vector<16xf32>
        %add3A_784 = arith.addf %add3A_756, %mul3A_783 : vector<16xf32>
        %mul3A_785 = arith.mulf %gather3A_781, %gather3A_781 : vector<16xf32>
        %add3A_786 = arith.addf %add3A_758, %mul3A_785 : vector<16xf32>
        %mul3A_787 = arith.mulf %get3A_780, %gather3A_782 : vector<16xf32>
        %add3A_788 = arith.addf %add3A_760, %mul3A_787 : vector<16xf32>
        %mul3A_789 = arith.mulf %gather3A_782, %gather3A_782 : vector<16xf32>
        %add3A_790 = arith.addf %add3A_762, %mul3A_789 : vector<16xf32>
        %get3A_791 = arith.constant 6 : i32
        %get3A_792 = arith.index_cast %get3A_791 : i32 to index
        %get3A_793 = arith.constant 0 : index
        %get3A_794 = tpu.vector_load %arg10[%get3A_792, %get3A_793] {strides = array<i32>} : memref<64x16xf32, #tpu.memory_space<vmem>>, vector<16xf32>,
        %gather3A_795 = tpu.vector_load_idx %arg17[%add3A_708, %and3A_160] : memref<320x64xf32, #tpu.memory_space<vmem>>[vector<16xi32>, vector<16xi32>], vector<16xf32>,
        %gather3A_796 = tpu.vector_load_idx %arg19[%add3A_708, %and3A_160] : memref<320x64xf32, #tpu.memory_space<vmem>>[vector<16xi32>, vector<16xi32>], vector<16xf32>,
        %mul3A_797 = arith.mulf %get3A_794, %gather3A_795 : vector<16xf32>
        %add3A_798 = arith.addf %add3A_770, %mul3A_797 : vector<16xf32>
        %mul3A_799 = arith.mulf %gather3A_795, %gather3A_795 : vector<16xf32>
        %add3A_800 = arith.addf %add3A_772, %mul3A_799 : vector<16xf32>
        %mul3A_801 = arith.mulf %get3A_794, %gather3A_796 : vector<16xf32>
        %add3A_802 = arith.addf %add3A_774, %mul3A_801 : vector<16xf32>
        %mul3A_803 = arith.mulf %gather3A_796, %gather3A_796 : vector<16xf32>
        %add3A_804 = arith.addf %add3A_776, %mul3A_803 : vector<16xf32>
        %get3A_805 = arith.constant 7 : i32
        %get3A_806 = arith.index_cast %get3A_805 : i32 to index
        %get3A_807 = arith.constant 0 : index
        %get3A_808 = tpu.vector_load %arg10[%get3A_806, %get3A_807] {strides = array<i32>} : memref<64x16xf32, #tpu.memory_space<vmem>>, vector<16xf32>,
        %gather3A_809 = tpu.vector_load_idx %arg17[%add3A_708, %and3A_166] : memref<320x64xf32, #tpu.memory_space<vmem>>[vector<16xi32>, vector<16xi32>], vector<16xf32>,
        %gather3A_810 = tpu.vector_load_idx %arg19[%add3A_708, %and3A_166] : memref<320x64xf32, #tpu.memory_space<vmem>>[vector<16xi32>, vector<16xi32>], vector<16xf32>,
        %mul3A_811 = arith.mulf %get3A_808, %gather3A_809 : vector<16xf32>
        %add3A_812 = arith.addf %add3A_784, %mul3A_811 : vector<16xf32>
        %mul3A_813 = arith.mulf %gather3A_809, %gather3A_809 : vector<16xf32>
        %add3A_814 = arith.addf %add3A_786, %mul3A_813 : vector<16xf32>
        %mul3A_815 = arith.mulf %get3A_808, %gather3A_810 : vector<16xf32>
        %add3A_816 = arith.addf %add3A_788, %mul3A_815 : vector<16xf32>
        %mul3A_817 = arith.mulf %gather3A_810, %gather3A_810 : vector<16xf32>
        %add3A_818 = arith.addf %add3A_790, %mul3A_817 : vector<16xf32>
        %get3A_819 = arith.constant 8 : i32
        %get3A_820 = arith.index_cast %get3A_819 : i32 to index
        %get3A_821 = arith.constant 0 : index
        %get3A_822 = tpu.vector_load %arg10[%get3A_820, %get3A_821] {strides = array<i32>} : memref<64x16xf32, #tpu.memory_space<vmem>>, vector<16xf32>,
        %gather3A_823 = tpu.vector_load_idx %arg17[%add3A_708, %and3A_172] : memref<320x64xf32, #tpu.memory_space<vmem>>[vector<16xi32>, vector<16xi32>], vector<16xf32>,
        %gather3A_824 = tpu.vector_load_idx %arg19[%add3A_708, %and3A_172] : memref<320x64xf32, #tpu.memory_space<vmem>>[vector<16xi32>, vector<16xi32>], vector<16xf32>,
        %mul3A_825 = arith.mulf %get3A_822, %gather3A_823 : vector<16xf32>
        %add3A_826 = arith.addf %add3A_798, %mul3A_825 : vector<16xf32>
        %mul3A_827 = arith.mulf %gather3A_823, %gather3A_823 : vector<16xf32>
        %add3A_828 = arith.addf %add3A_800, %mul3A_827 : vector<16xf32>
        %mul3A_829 = arith.mulf %get3A_822, %gather3A_824 : vector<16xf32>
        %add3A_830 = arith.addf %add3A_802, %mul3A_829 : vector<16xf32>
        %mul3A_831 = arith.mulf %gather3A_824, %gather3A_824 : vector<16xf32>
        %add3A_832 = arith.addf %add3A_804, %mul3A_831 : vector<16xf32>
        %get3A_833 = arith.constant 9 : i32
        %get3A_834 = arith.index_cast %get3A_833 : i32 to index
        %get3A_835 = arith.constant 0 : index
        %get3A_836 = tpu.vector_load %arg10[%get3A_834, %get3A_835] {strides = array<i32>} : memref<64x16xf32, #tpu.memory_space<vmem>>, vector<16xf32>,
        %gather3A_837 = tpu.vector_load_idx %arg17[%add3A_708, %and3A_178] : memref<320x64xf32, #tpu.memory_space<vmem>>[vector<16xi32>, vector<16xi32>], vector<16xf32>,
        %gather3A_838 = tpu.vector_load_idx %arg19[%add3A_708, %and3A_178] : memref<320x64xf32, #tpu.memory_space<vmem>>[vector<16xi32>, vector<16xi32>], vector<16xf32>,
        %mul3A_839 = arith.mulf %get3A_836, %gather3A_837 : vector<16xf32>
        %add3A_840 = arith.addf %add3A_812, %mul3A_839 : vector<16xf32>
        %mul3A_841 = arith.mulf %gather3A_837, %gather3A_837 : vector<16xf32>
        %add3A_842 = arith.addf %add3A_814, %mul3A_841 : vector<16xf32>
        %mul3A_843 = arith.mulf %get3A_836, %gather3A_838 : vector<16xf32>
        %add3A_844 = arith.addf %add3A_816, %mul3A_843 : vector<16xf32>
        %mul3A_845 = arith.mulf %gather3A_838, %gather3A_838 : vector<16xf32>
        %add3A_846 = arith.addf %add3A_818, %mul3A_845 : vector<16xf32>
        %get3A_847 = arith.constant 10 : i32
        %get3A_848 = arith.index_cast %get3A_847 : i32 to index
        %get3A_849 = arith.constant 0 : index
        %get3A_850 = tpu.vector_load %arg10[%get3A_848, %get3A_849] {strides = array<i32>} : memref<64x16xf32, #tpu.memory_space<vmem>>, vector<16xf32>,
        %gather3A_851 = tpu.vector_load_idx %arg17[%add3A_708, %and3A_184] : memref<320x64xf32, #tpu.memory_space<vmem>>[vector<16xi32>, vector<16xi32>], vector<16xf32>,
        %gather3A_852 = tpu.vector_load_idx %arg19[%add3A_708, %and3A_184] : memref<320x64xf32, #tpu.memory_space<vmem>>[vector<16xi32>, vector<16xi32>], vector<16xf32>,
        %mul3A_853 = arith.mulf %get3A_850, %gather3A_851 : vector<16xf32>
        %add3A_854 = arith.addf %add3A_826, %mul3A_853 : vector<16xf32>
        %mul3A_855 = arith.mulf %gather3A_851, %gather3A_851 : vector<16xf32>
        %add3A_856 = arith.addf %add3A_828, %mul3A_855 : vector<16xf32>
        %mul3A_857 = arith.mulf %get3A_850, %gather3A_852 : vector<16xf32>
        %add3A_858 = arith.addf %add3A_830, %mul3A_857 : vector<16xf32>
        %mul3A_859 = arith.mulf %gather3A_852, %gather3A_852 : vector<16xf32>
        %add3A_860 = arith.addf %add3A_832, %mul3A_859 : vector<16xf32>
        %get3A_861 = arith.constant 11 : i32
        %get3A_862 = arith.index_cast %get3A_861 : i32 to index
        %get3A_863 = arith.constant 0 : index
        %get3A_864 = tpu.vector_load %arg10[%get3A_862, %get3A_863] {strides = array<i32>} : memref<64x16xf32, #tpu.memory_space<vmem>>, vector<16xf32>,
        %gather3A_865 = tpu.vector_load_idx %arg17[%add3A_708, %and3A_190] : memref<320x64xf32, #tpu.memory_space<vmem>>[vector<16xi32>, vector<16xi32>], vector<16xf32>,
        %gather3A_866 = tpu.vector_load_idx %arg19[%add3A_708, %and3A_190] : memref<320x64xf32, #tpu.memory_space<vmem>>[vector<16xi32>, vector<16xi32>], vector<16xf32>,
        %mul3A_867 = arith.mulf %get3A_864, %gather3A_865 : vector<16xf32>
        %add3A_868 = arith.addf %add3A_840, %mul3A_867 : vector<16xf32>
        %mul3A_869 = arith.mulf %gather3A_865, %gather3A_865 : vector<16xf32>
        %add3A_870 = arith.addf %add3A_842, %mul3A_869 : vector<16xf32>
        %mul3A_871 = arith.mulf %get3A_864, %gather3A_866 : vector<16xf32>
        %add3A_872 = arith.addf %add3A_844, %mul3A_871 : vector<16xf32>
        %mul3A_873 = arith.mulf %gather3A_866, %gather3A_866 : vector<16xf32>
        %add3A_874 = arith.addf %add3A_846, %mul3A_873 : vector<16xf32>
        %get3A_875 = arith.constant 12 : i32
        %get3A_876 = arith.index_cast %get3A_875 : i32 to index
        %get3A_877 = arith.constant 0 : index
        %get3A_878 = tpu.vector_load %arg10[%get3A_876, %get3A_877] {strides = array<i32>} : memref<64x16xf32, #tpu.memory_space<vmem>>, vector<16xf32>,
        %gather3A_879 = tpu.vector_load_idx %arg17[%add3A_708, %and3A_196] : memref<320x64xf32, #tpu.memory_space<vmem>>[vector<16xi32>, vector<16xi32>], vector<16xf32>,
        %gather3A_880 = tpu.vector_load_idx %arg19[%add3A_708, %and3A_196] : memref<320x64xf32, #tpu.memory_space<vmem>>[vector<16xi32>, vector<16xi32>], vector<16xf32>,
        %mul3A_881 = arith.mulf %get3A_878, %gather3A_879 : vector<16xf32>
        %add3A_882 = arith.addf %add3A_854, %mul3A_881 : vector<16xf32>
        %mul3A_883 = arith.mulf %gather3A_879, %gather3A_879 : vector<16xf32>
        %add3A_884 = arith.addf %add3A_856, %mul3A_883 : vector<16xf32>
        %mul3A_885 = arith.mulf %get3A_878, %gather3A_880 : vector<16xf32>
        %add3A_886 = arith.addf %add3A_858, %mul3A_885 : vector<16xf32>
        %mul3A_887 = arith.mulf %gather3A_880, %gather3A_880 : vector<16xf32>
        %add3A_888 = arith.addf %add3A_860, %mul3A_887 : vector<16xf32>
        %get3A_889 = arith.constant 13 : i32
        %get3A_890 = arith.index_cast %get3A_889 : i32 to index
        %get3A_891 = arith.constant 0 : index
        %get3A_892 = tpu.vector_load %arg10[%get3A_890, %get3A_891] {strides = array<i32>} : memref<64x16xf32, #tpu.memory_space<vmem>>, vector<16xf32>,
        %gather3A_893 = tpu.vector_load_idx %arg17[%add3A_708, %and3A_202] : memref<320x64xf32, #tpu.memory_space<vmem>>[vector<16xi32>, vector<16xi32>], vector<16xf32>,
        %gather3A_894 = tpu.vector_load_idx %arg19[%add3A_708, %and3A_202] : memref<320x64xf32, #tpu.memory_space<vmem>>[vector<16xi32>, vector<16xi32>], vector<16xf32>,
        %mul3A_895 = arith.mulf %get3A_892, %gather3A_893 : vector<16xf32>
        %add3A_896 = arith.addf %add3A_868, %mul3A_895 : vector<16xf32>
        %mul3A_897 = arith.mulf %gather3A_893, %gather3A_893 : vector<16xf32>
        %add3A_898 = arith.addf %add3A_870, %mul3A_897 : vector<16xf32>
        %mul3A_899 = arith.mulf %get3A_892, %gather3A_894 : vector<16xf32>
        %add3A_900 = arith.addf %add3A_872, %mul3A_899 : vector<16xf32>
        %mul3A_901 = arith.mulf %gather3A_894, %gather3A_894 : vector<16xf32>
        %add3A_902 = arith.addf %add3A_874, %mul3A_901 : vector<16xf32>
        %get3A_903 = arith.constant 14 : i32
        %get3A_904 = arith.index_cast %get3A_903 : i32 to index
        %get3A_905 = arith.constant 0 : index
        %get3A_906 = tpu.vector_load %arg10[%get3A_904, %get3A_905] {strides = array<i32>} : memref<64x16xf32, #tpu.memory_space<vmem>>, vector<16xf32>,
        %gather3A_907 = tpu.vector_load_idx %arg17[%add3A_708, %and3A_208] : memref<320x64xf32, #tpu.memory_space<vmem>>[vector<16xi32>, vector<16xi32>], vector<16xf32>,
        %gather3A_908 = tpu.vector_load_idx %arg19[%add3A_708, %and3A_208] : memref<320x64xf32, #tpu.memory_space<vmem>>[vector<16xi32>, vector<16xi32>], vector<16xf32>,
        %mul3A_909 = arith.mulf %get3A_906, %gather3A_907 : vector<16xf32>
        %add3A_910 = arith.addf %add3A_882, %mul3A_909 : vector<16xf32>
        %mul3A_911 = arith.mulf %gather3A_907, %gather3A_907 : vector<16xf32>
        %add3A_912 = arith.addf %add3A_884, %mul3A_911 : vector<16xf32>
        %mul3A_913 = arith.mulf %get3A_906, %gather3A_908 : vector<16xf32>
        %add3A_914 = arith.addf %add3A_886, %mul3A_913 : vector<16xf32>
        %mul3A_915 = arith.mulf %gather3A_908, %gather3A_908 : vector<16xf32>
        %add3A_916 = arith.addf %add3A_888, %mul3A_915 : vector<16xf32>
        %get3A_917 = arith.constant 15 : i32
        %get3A_918 = arith.index_cast %get3A_917 : i32 to index
        %get3A_919 = arith.constant 0 : index
        %get3A_920 = tpu.vector_load %arg10[%get3A_918, %get3A_919] {strides = array<i32>} : memref<64x16xf32, #tpu.memory_space<vmem>>, vector<16xf32>,
        %gather3A_921 = tpu.vector_load_idx %arg17[%add3A_708, %and3A_214] : memref<320x64xf32, #tpu.memory_space<vmem>>[vector<16xi32>, vector<16xi32>], vector<16xf32>,
        %gather3A_922 = tpu.vector_load_idx %arg19[%add3A_708, %and3A_214] : memref<320x64xf32, #tpu.memory_space<vmem>>[vector<16xi32>, vector<16xi32>], vector<16xf32>,
        %mul3A_923 = arith.mulf %get3A_920, %gather3A_921 : vector<16xf32>
        %add3A_924 = arith.addf %add3A_896, %mul3A_923 : vector<16xf32>
        %mul3A_925 = arith.mulf %gather3A_921, %gather3A_921 : vector<16xf32>
        %add3A_926 = arith.addf %add3A_898, %mul3A_925 : vector<16xf32>
        %mul3A_927 = arith.mulf %get3A_920, %gather3A_922 : vector<16xf32>
        %add3A_928 = arith.addf %add3A_900, %mul3A_927 : vector<16xf32>
        %mul3A_929 = arith.mulf %gather3A_922, %gather3A_922 : vector<16xf32>
        %add3A_930 = arith.addf %add3A_902, %mul3A_929 : vector<16xf32>
        %get3A_931 = arith.constant 16 : i32
        %get3A_932 = arith.index_cast %get3A_931 : i32 to index
        %get3A_933 = arith.constant 0 : index
        %get3A_934 = tpu.vector_load %arg10[%get3A_932, %get3A_933] {strides = array<i32>} : memref<64x16xf32, #tpu.memory_space<vmem>>, vector<16xf32>,
        %gather3A_935 = tpu.vector_load_idx %arg17[%add3A_708, %and3A_220] : memref<320x64xf32, #tpu.memory_space<vmem>>[vector<16xi32>, vector<16xi32>], vector<16xf32>,
        %gather3A_936 = tpu.vector_load_idx %arg19[%add3A_708, %and3A_220] : memref<320x64xf32, #tpu.memory_space<vmem>>[vector<16xi32>, vector<16xi32>], vector<16xf32>,
        %mul3A_937 = arith.mulf %get3A_934, %gather3A_935 : vector<16xf32>
        %add3A_938 = arith.addf %add3A_910, %mul3A_937 : vector<16xf32>
        %mul3A_939 = arith.mulf %gather3A_935, %gather3A_935 : vector<16xf32>
        %add3A_940 = arith.addf %add3A_912, %mul3A_939 : vector<16xf32>
        %mul3A_941 = arith.mulf %get3A_934, %gather3A_936 : vector<16xf32>
        %add3A_942 = arith.addf %add3A_914, %mul3A_941 : vector<16xf32>
        %mul3A_943 = arith.mulf %gather3A_936, %gather3A_936 : vector<16xf32>
        %add3A_944 = arith.addf %add3A_916, %mul3A_943 : vector<16xf32>
        %get3A_945 = arith.constant 17 : i32
        %get3A_946 = arith.index_cast %get3A_945 : i32 to index
        %get3A_947 = arith.constant 0 : index
        %get3A_948 = tpu.vector_load %arg10[%get3A_946, %get3A_947] {strides = array<i32>} : memref<64x16xf32, #tpu.memory_space<vmem>>, vector<16xf32>,
        %gather3A_949 = tpu.vector_load_idx %arg17[%add3A_708, %and3A_226] : memref<320x64xf32, #tpu.memory_space<vmem>>[vector<16xi32>, vector<16xi32>], vector<16xf32>,
        %gather3A_950 = tpu.vector_load_idx %arg19[%add3A_708, %and3A_226] : memref<320x64xf32, #tpu.memory_space<vmem>>[vector<16xi32>, vector<16xi32>], vector<16xf32>,
        %mul3A_951 = arith.mulf %get3A_948, %gather3A_949 : vector<16xf32>
        %add3A_952 = arith.addf %add3A_924, %mul3A_951 : vector<16xf32>
        %mul3A_953 = arith.mulf %gather3A_949, %gather3A_949 : vector<16xf32>
        %add3A_954 = arith.addf %add3A_926, %mul3A_953 : vector<16xf32>
        %mul3A_955 = arith.mulf %get3A_948, %gather3A_950 : vector<16xf32>
        %add3A_956 = arith.addf %add3A_928, %mul3A_955 : vector<16xf32>
        %mul3A_957 = arith.mulf %gather3A_950, %gather3A_950 : vector<16xf32>
        %add3A_958 = arith.addf %add3A_930, %mul3A_957 : vector<16xf32>
        %get3A_959 = arith.constant 18 : i32
        %get3A_960 = arith.index_cast %get3A_959 : i32 to index
        %get3A_961 = arith.constant 0 : index
        %get3A_962 = tpu.vector_load %arg10[%get3A_960, %get3A_961] {strides = array<i32>} : memref<64x16xf32, #tpu.memory_space<vmem>>, vector<16xf32>,
        %gather3A_963 = tpu.vector_load_idx %arg17[%add3A_708, %and3A_232] : memref<320x64xf32, #tpu.memory_space<vmem>>[vector<16xi32>, vector<16xi32>], vector<16xf32>,
        %gather3A_964 = tpu.vector_load_idx %arg19[%add3A_708, %and3A_232] : memref<320x64xf32, #tpu.memory_space<vmem>>[vector<16xi32>, vector<16xi32>], vector<16xf32>,
        %mul3A_965 = arith.mulf %get3A_962, %gather3A_963 : vector<16xf32>
        %add3A_966 = arith.addf %add3A_938, %mul3A_965 : vector<16xf32>
        %mul3A_967 = arith.mulf %gather3A_963, %gather3A_963 : vector<16xf32>
        %add3A_968 = arith.addf %add3A_940, %mul3A_967 : vector<16xf32>
        %mul3A_969 = arith.mulf %get3A_962, %gather3A_964 : vector<16xf32>
        %add3A_970 = arith.addf %add3A_942, %mul3A_969 : vector<16xf32>
        %mul3A_971 = arith.mulf %gather3A_964, %gather3A_964 : vector<16xf32>
        %add3A_972 = arith.addf %add3A_944, %mul3A_971 : vector<16xf32>
        %get3A_973 = arith.constant 19 : i32
        %get3A_974 = arith.index_cast %get3A_973 : i32 to index
        %get3A_975 = arith.constant 0 : index
        %get3A_976 = tpu.vector_load %arg10[%get3A_974, %get3A_975] {strides = array<i32>} : memref<64x16xf32, #tpu.memory_space<vmem>>, vector<16xf32>,
        %gather3A_977 = tpu.vector_load_idx %arg17[%add3A_708, %and3A_238] : memref<320x64xf32, #tpu.memory_space<vmem>>[vector<16xi32>, vector<16xi32>], vector<16xf32>,
        %gather3A_978 = tpu.vector_load_idx %arg19[%add3A_708, %and3A_238] : memref<320x64xf32, #tpu.memory_space<vmem>>[vector<16xi32>, vector<16xi32>], vector<16xf32>,
        %mul3A_979 = arith.mulf %get3A_976, %gather3A_977 : vector<16xf32>
        %add3A_980 = arith.addf %add3A_952, %mul3A_979 : vector<16xf32>
        %mul3A_981 = arith.mulf %gather3A_977, %gather3A_977 : vector<16xf32>
        %add3A_982 = arith.addf %add3A_954, %mul3A_981 : vector<16xf32>
        %mul3A_983 = arith.mulf %get3A_976, %gather3A_978 : vector<16xf32>
        %add3A_984 = arith.addf %add3A_956, %mul3A_983 : vector<16xf32>
        %mul3A_985 = arith.mulf %gather3A_978, %gather3A_978 : vector<16xf32>
        %add3A_986 = arith.addf %add3A_958, %mul3A_985 : vector<16xf32>
        %get3A_987 = arith.constant 20 : i32
        %get3A_988 = arith.index_cast %get3A_987 : i32 to index
        %get3A_989 = arith.constant 0 : index
        %get3A_990 = tpu.vector_load %arg10[%get3A_988, %get3A_989] {strides = array<i32>} : memref<64x16xf32, #tpu.memory_space<vmem>>, vector<16xf32>,
        %gather3A_991 = tpu.vector_load_idx %arg17[%add3A_708, %and3A_244] : memref<320x64xf32, #tpu.memory_space<vmem>>[vector<16xi32>, vector<16xi32>], vector<16xf32>,
        %gather3A_992 = tpu.vector_load_idx %arg19[%add3A_708, %and3A_244] : memref<320x64xf32, #tpu.memory_space<vmem>>[vector<16xi32>, vector<16xi32>], vector<16xf32>,
        %mul3A_993 = arith.mulf %get3A_990, %gather3A_991 : vector<16xf32>
        %add3A_994 = arith.addf %add3A_966, %mul3A_993 : vector<16xf32>
        %mul3A_995 = arith.mulf %gather3A_991, %gather3A_991 : vector<16xf32>
        %add3A_996 = arith.addf %add3A_968, %mul3A_995 : vector<16xf32>
        %mul3A_997 = arith.mulf %get3A_990, %gather3A_992 : vector<16xf32>
        %add3A_998 = arith.addf %add3A_970, %mul3A_997 : vector<16xf32>
        %mul3A_999 = arith.mulf %gather3A_992, %gather3A_992 : vector<16xf32>
        %add3A_1000 = arith.addf %add3A_972, %mul3A_999 : vector<16xf32>
        %get3A_1001 = arith.constant 21 : i32
        %get3A_1002 = arith.index_cast %get3A_1001 : i32 to index
        %get3A_1003 = arith.constant 0 : index
        %get3A_1004 = tpu.vector_load %arg10[%get3A_1002, %get3A_1003] {strides = array<i32>} : memref<64x16xf32, #tpu.memory_space<vmem>>, vector<16xf32>,
        %gather3A_1005 = tpu.vector_load_idx %arg17[%add3A_708, %and3A_250] : memref<320x64xf32, #tpu.memory_space<vmem>>[vector<16xi32>, vector<16xi32>], vector<16xf32>,
        %gather3A_1006 = tpu.vector_load_idx %arg19[%add3A_708, %and3A_250] : memref<320x64xf32, #tpu.memory_space<vmem>>[vector<16xi32>, vector<16xi32>], vector<16xf32>,
        %mul3A_1007 = arith.mulf %get3A_1004, %gather3A_1005 : vector<16xf32>
        %add3A_1008 = arith.addf %add3A_980, %mul3A_1007 : vector<16xf32>
        %mul3A_1009 = arith.mulf %gather3A_1005, %gather3A_1005 : vector<16xf32>
        %add3A_1010 = arith.addf %add3A_982, %mul3A_1009 : vector<16xf32>
        %mul3A_1011 = arith.mulf %get3A_1004, %gather3A_1006 : vector<16xf32>
        %add3A_1012 = arith.addf %add3A_984, %mul3A_1011 : vector<16xf32>
        %mul3A_1013 = arith.mulf %gather3A_1006, %gather3A_1006 : vector<16xf32>
        %add3A_1014 = arith.addf %add3A_986, %mul3A_1013 : vector<16xf32>
        %get3A_1015 = arith.constant 22 : i32
        %get3A_1016 = arith.index_cast %get3A_1015 : i32 to index
        %get3A_1017 = arith.constant 0 : index
        %get3A_1018 = tpu.vector_load %arg10[%get3A_1016, %get3A_1017] {strides = array<i32>} : memref<64x16xf32, #tpu.memory_space<vmem>>, vector<16xf32>,
        %gather3A_1019 = tpu.vector_load_idx %arg17[%add3A_708, %and3A_256] : memref<320x64xf32, #tpu.memory_space<vmem>>[vector<16xi32>, vector<16xi32>], vector<16xf32>,
        %gather3A_1020 = tpu.vector_load_idx %arg19[%add3A_708, %and3A_256] : memref<320x64xf32, #tpu.memory_space<vmem>>[vector<16xi32>, vector<16xi32>], vector<16xf32>,
        %mul3A_1021 = arith.mulf %get3A_1018, %gather3A_1019 : vector<16xf32>
        %add3A_1022 = arith.addf %add3A_994, %mul3A_1021 : vector<16xf32>
        %mul3A_1023 = arith.mulf %gather3A_1019, %gather3A_1019 : vector<16xf32>
        %add3A_1024 = arith.addf %add3A_996, %mul3A_1023 : vector<16xf32>
        %mul3A_1025 = arith.mulf %get3A_1018, %gather3A_1020 : vector<16xf32>
        %add3A_1026 = arith.addf %add3A_998, %mul3A_1025 : vector<16xf32>
        %mul3A_1027 = arith.mulf %gather3A_1020, %gather3A_1020 : vector<16xf32>
        %add3A_1028 = arith.addf %add3A_1000, %mul3A_1027 : vector<16xf32>
        %get3A_1029 = arith.constant 23 : i32
        %get3A_1030 = arith.index_cast %get3A_1029 : i32 to index
        %get3A_1031 = arith.constant 0 : index
        %get3A_1032 = tpu.vector_load %arg10[%get3A_1030, %get3A_1031] {strides = array<i32>} : memref<64x16xf32, #tpu.memory_space<vmem>>, vector<16xf32>,
        %gather3A_1033 = tpu.vector_load_idx %arg17[%add3A_708, %and3A_262] : memref<320x64xf32, #tpu.memory_space<vmem>>[vector<16xi32>, vector<16xi32>], vector<16xf32>,
        %gather3A_1034 = tpu.vector_load_idx %arg19[%add3A_708, %and3A_262] : memref<320x64xf32, #tpu.memory_space<vmem>>[vector<16xi32>, vector<16xi32>], vector<16xf32>,
        %mul3A_1035 = arith.mulf %get3A_1032, %gather3A_1033 : vector<16xf32>
        %add3A_1036 = arith.addf %add3A_1008, %mul3A_1035 : vector<16xf32>
        %mul3A_1037 = arith.mulf %gather3A_1033, %gather3A_1033 : vector<16xf32>
        %add3A_1038 = arith.addf %add3A_1010, %mul3A_1037 : vector<16xf32>
        %mul3A_1039 = arith.mulf %get3A_1032, %gather3A_1034 : vector<16xf32>
        %add3A_1040 = arith.addf %add3A_1012, %mul3A_1039 : vector<16xf32>
        %mul3A_1041 = arith.mulf %gather3A_1034, %gather3A_1034 : vector<16xf32>
        %add3A_1042 = arith.addf %add3A_1014, %mul3A_1041 : vector<16xf32>
        %get3A_1043 = arith.constant 24 : i32
        %get3A_1044 = arith.index_cast %get3A_1043 : i32 to index
        %get3A_1045 = arith.constant 0 : index
        %get3A_1046 = tpu.vector_load %arg10[%get3A_1044, %get3A_1045] {strides = array<i32>} : memref<64x16xf32, #tpu.memory_space<vmem>>, vector<16xf32>,
        %gather3A_1047 = tpu.vector_load_idx %arg17[%add3A_708, %and3A_268] : memref<320x64xf32, #tpu.memory_space<vmem>>[vector<16xi32>, vector<16xi32>], vector<16xf32>,
        %gather3A_1048 = tpu.vector_load_idx %arg19[%add3A_708, %and3A_268] : memref<320x64xf32, #tpu.memory_space<vmem>>[vector<16xi32>, vector<16xi32>], vector<16xf32>,
        %mul3A_1049 = arith.mulf %get3A_1046, %gather3A_1047 : vector<16xf32>
        %add3A_1050 = arith.addf %add3A_1022, %mul3A_1049 : vector<16xf32>
        %mul3A_1051 = arith.mulf %gather3A_1047, %gather3A_1047 : vector<16xf32>
        %add3A_1052 = arith.addf %add3A_1024, %mul3A_1051 : vector<16xf32>
        %mul3A_1053 = arith.mulf %get3A_1046, %gather3A_1048 : vector<16xf32>
        %add3A_1054 = arith.addf %add3A_1026, %mul3A_1053 : vector<16xf32>
        %mul3A_1055 = arith.mulf %gather3A_1048, %gather3A_1048 : vector<16xf32>
        %add3A_1056 = arith.addf %add3A_1028, %mul3A_1055 : vector<16xf32>
        %get3A_1057 = arith.constant 25 : i32
        %get3A_1058 = arith.index_cast %get3A_1057 : i32 to index
        %get3A_1059 = arith.constant 0 : index
        %get3A_1060 = tpu.vector_load %arg10[%get3A_1058, %get3A_1059] {strides = array<i32>} : memref<64x16xf32, #tpu.memory_space<vmem>>, vector<16xf32>,
        %gather3A_1061 = tpu.vector_load_idx %arg17[%add3A_708, %and3A_274] : memref<320x64xf32, #tpu.memory_space<vmem>>[vector<16xi32>, vector<16xi32>], vector<16xf32>,
        %gather3A_1062 = tpu.vector_load_idx %arg19[%add3A_708, %and3A_274] : memref<320x64xf32, #tpu.memory_space<vmem>>[vector<16xi32>, vector<16xi32>], vector<16xf32>,
        %mul3A_1063 = arith.mulf %get3A_1060, %gather3A_1061 : vector<16xf32>
        %add3A_1064 = arith.addf %add3A_1036, %mul3A_1063 : vector<16xf32>
        %mul3A_1065 = arith.mulf %gather3A_1061, %gather3A_1061 : vector<16xf32>
        %add3A_1066 = arith.addf %add3A_1038, %mul3A_1065 : vector<16xf32>
        %mul3A_1067 = arith.mulf %get3A_1060, %gather3A_1062 : vector<16xf32>
        %add3A_1068 = arith.addf %add3A_1040, %mul3A_1067 : vector<16xf32>
        %mul3A_1069 = arith.mulf %gather3A_1062, %gather3A_1062 : vector<16xf32>
        %add3A_1070 = arith.addf %add3A_1042, %mul3A_1069 : vector<16xf32>
        %get3A_1071 = arith.constant 26 : i32
        %get3A_1072 = arith.index_cast %get3A_1071 : i32 to index
        %get3A_1073 = arith.constant 0 : index
        %get3A_1074 = tpu.vector_load %arg10[%get3A_1072, %get3A_1073] {strides = array<i32>} : memref<64x16xf32, #tpu.memory_space<vmem>>, vector<16xf32>,
        %gather3A_1075 = tpu.vector_load_idx %arg17[%add3A_708, %and3A_280] : memref<320x64xf32, #tpu.memory_space<vmem>>[vector<16xi32>, vector<16xi32>], vector<16xf32>,
        %gather3A_1076 = tpu.vector_load_idx %arg19[%add3A_708, %and3A_280] : memref<320x64xf32, #tpu.memory_space<vmem>>[vector<16xi32>, vector<16xi32>], vector<16xf32>,
        %mul3A_1077 = arith.mulf %get3A_1074, %gather3A_1075 : vector<16xf32>
        %add3A_1078 = arith.addf %add3A_1050, %mul3A_1077 : vector<16xf32>
        %mul3A_1079 = arith.mulf %gather3A_1075, %gather3A_1075 : vector<16xf32>
        %add3A_1080 = arith.addf %add3A_1052, %mul3A_1079 : vector<16xf32>
        %mul3A_1081 = arith.mulf %get3A_1074, %gather3A_1076 : vector<16xf32>
        %add3A_1082 = arith.addf %add3A_1054, %mul3A_1081 : vector<16xf32>
        %mul3A_1083 = arith.mulf %gather3A_1076, %gather3A_1076 : vector<16xf32>
        %add3A_1084 = arith.addf %add3A_1056, %mul3A_1083 : vector<16xf32>
        %get3A_1085 = arith.constant 27 : i32
        %get3A_1086 = arith.index_cast %get3A_1085 : i32 to index
        %get3A_1087 = arith.constant 0 : index
        %get3A_1088 = tpu.vector_load %arg10[%get3A_1086, %get3A_1087] {strides = array<i32>} : memref<64x16xf32, #tpu.memory_space<vmem>>, vector<16xf32>,
        %gather3A_1089 = tpu.vector_load_idx %arg17[%add3A_708, %and3A_286] : memref<320x64xf32, #tpu.memory_space<vmem>>[vector<16xi32>, vector<16xi32>], vector<16xf32>,
        %gather3A_1090 = tpu.vector_load_idx %arg19[%add3A_708, %and3A_286] : memref<320x64xf32, #tpu.memory_space<vmem>>[vector<16xi32>, vector<16xi32>], vector<16xf32>,
        %mul3A_1091 = arith.mulf %get3A_1088, %gather3A_1089 : vector<16xf32>
        %add3A_1092 = arith.addf %add3A_1064, %mul3A_1091 : vector<16xf32>
        %mul3A_1093 = arith.mulf %gather3A_1089, %gather3A_1089 : vector<16xf32>
        %add3A_1094 = arith.addf %add3A_1066, %mul3A_1093 : vector<16xf32>
        %mul3A_1095 = arith.mulf %get3A_1088, %gather3A_1090 : vector<16xf32>
        %add3A_1096 = arith.addf %add3A_1068, %mul3A_1095 : vector<16xf32>
        %mul3A_1097 = arith.mulf %gather3A_1090, %gather3A_1090 : vector<16xf32>
        %add3A_1098 = arith.addf %add3A_1070, %mul3A_1097 : vector<16xf32>
        %get3A_1099 = arith.constant 28 : i32
        %get3A_1100 = arith.index_cast %get3A_1099 : i32 to index
        %get3A_1101 = arith.constant 0 : index
        %get3A_1102 = tpu.vector_load %arg10[%get3A_1100, %get3A_1101] {strides = array<i32>} : memref<64x16xf32, #tpu.memory_space<vmem>>, vector<16xf32>,
        %gather3A_1103 = tpu.vector_load_idx %arg17[%add3A_708, %and3A_292] : memref<320x64xf32, #tpu.memory_space<vmem>>[vector<16xi32>, vector<16xi32>], vector<16xf32>,
        %gather3A_1104 = tpu.vector_load_idx %arg19[%add3A_708, %and3A_292] : memref<320x64xf32, #tpu.memory_space<vmem>>[vector<16xi32>, vector<16xi32>], vector<16xf32>,
        %mul3A_1105 = arith.mulf %get3A_1102, %gather3A_1103 : vector<16xf32>
        %add3A_1106 = arith.addf %add3A_1078, %mul3A_1105 : vector<16xf32>
        %mul3A_1107 = arith.mulf %gather3A_1103, %gather3A_1103 : vector<16xf32>
        %add3A_1108 = arith.addf %add3A_1080, %mul3A_1107 : vector<16xf32>
        %mul3A_1109 = arith.mulf %get3A_1102, %gather3A_1104 : vector<16xf32>
        %add3A_1110 = arith.addf %add3A_1082, %mul3A_1109 : vector<16xf32>
        %mul3A_1111 = arith.mulf %gather3A_1104, %gather3A_1104 : vector<16xf32>
        %add3A_1112 = arith.addf %add3A_1084, %mul3A_1111 : vector<16xf32>
        %get3A_1113 = arith.constant 29 : i32
        %get3A_1114 = arith.index_cast %get3A_1113 : i32 to index
        %get3A_1115 = arith.constant 0 : index
        %get3A_1116 = tpu.vector_load %arg10[%get3A_1114, %get3A_1115] {strides = array<i32>} : memref<64x16xf32, #tpu.memory_space<vmem>>, vector<16xf32>,
        %gather3A_1117 = tpu.vector_load_idx %arg17[%add3A_708, %and3A_298] : memref<320x64xf32, #tpu.memory_space<vmem>>[vector<16xi32>, vector<16xi32>], vector<16xf32>,
        %gather3A_1118 = tpu.vector_load_idx %arg19[%add3A_708, %and3A_298] : memref<320x64xf32, #tpu.memory_space<vmem>>[vector<16xi32>, vector<16xi32>], vector<16xf32>,
        %mul3A_1119 = arith.mulf %get3A_1116, %gather3A_1117 : vector<16xf32>
        %add3A_1120 = arith.addf %add3A_1092, %mul3A_1119 : vector<16xf32>
        %mul3A_1121 = arith.mulf %gather3A_1117, %gather3A_1117 : vector<16xf32>
        %add3A_1122 = arith.addf %add3A_1094, %mul3A_1121 : vector<16xf32>
        %mul3A_1123 = arith.mulf %get3A_1116, %gather3A_1118 : vector<16xf32>
        %add3A_1124 = arith.addf %add3A_1096, %mul3A_1123 : vector<16xf32>
        %mul3A_1125 = arith.mulf %gather3A_1118, %gather3A_1118 : vector<16xf32>
        %add3A_1126 = arith.addf %add3A_1098, %mul3A_1125 : vector<16xf32>
        %get3A_1127 = arith.constant 30 : i32
        %get3A_1128 = arith.index_cast %get3A_1127 : i32 to index
        %get3A_1129 = arith.constant 0 : index
        %get3A_1130 = tpu.vector_load %arg10[%get3A_1128, %get3A_1129] {strides = array<i32>} : memref<64x16xf32, #tpu.memory_space<vmem>>, vector<16xf32>,
        %gather3A_1131 = tpu.vector_load_idx %arg17[%add3A_708, %and3A_304] : memref<320x64xf32, #tpu.memory_space<vmem>>[vector<16xi32>, vector<16xi32>], vector<16xf32>,
        %gather3A_1132 = tpu.vector_load_idx %arg19[%add3A_708, %and3A_304] : memref<320x64xf32, #tpu.memory_space<vmem>>[vector<16xi32>, vector<16xi32>], vector<16xf32>,
        %mul3A_1133 = arith.mulf %get3A_1130, %gather3A_1131 : vector<16xf32>
        %add3A_1134 = arith.addf %add3A_1106, %mul3A_1133 : vector<16xf32>
        %mul3A_1135 = arith.mulf %gather3A_1131, %gather3A_1131 : vector<16xf32>
        %add3A_1136 = arith.addf %add3A_1108, %mul3A_1135 : vector<16xf32>
        %mul3A_1137 = arith.mulf %get3A_1130, %gather3A_1132 : vector<16xf32>
        %add3A_1138 = arith.addf %add3A_1110, %mul3A_1137 : vector<16xf32>
        %mul3A_1139 = arith.mulf %gather3A_1132, %gather3A_1132 : vector<16xf32>
        %add3A_1140 = arith.addf %add3A_1112, %mul3A_1139 : vector<16xf32>
        %get3A_1141 = arith.constant 31 : i32
        %get3A_1142 = arith.index_cast %get3A_1141 : i32 to index
        %get3A_1143 = arith.constant 0 : index
        %get3A_1144 = tpu.vector_load %arg10[%get3A_1142, %get3A_1143] {strides = array<i32>} : memref<64x16xf32, #tpu.memory_space<vmem>>, vector<16xf32>,
        %gather3A_1145 = tpu.vector_load_idx %arg17[%add3A_708, %and3A_310] : memref<320x64xf32, #tpu.memory_space<vmem>>[vector<16xi32>, vector<16xi32>], vector<16xf32>,
        %gather3A_1146 = tpu.vector_load_idx %arg19[%add3A_708, %and3A_310] : memref<320x64xf32, #tpu.memory_space<vmem>>[vector<16xi32>, vector<16xi32>], vector<16xf32>,
        %mul3A_1147 = arith.mulf %get3A_1144, %gather3A_1145 : vector<16xf32>
        %add3A_1148 = arith.addf %add3A_1120, %mul3A_1147 : vector<16xf32>
        %mul3A_1149 = arith.mulf %gather3A_1145, %gather3A_1145 : vector<16xf32>
        %add3A_1150 = arith.addf %add3A_1122, %mul3A_1149 : vector<16xf32>
        %mul3A_1151 = arith.mulf %get3A_1144, %gather3A_1146 : vector<16xf32>
        %add3A_1152 = arith.addf %add3A_1124, %mul3A_1151 : vector<16xf32>
        %mul3A_1153 = arith.mulf %gather3A_1146, %gather3A_1146 : vector<16xf32>
        %add3A_1154 = arith.addf %add3A_1126, %mul3A_1153 : vector<16xf32>
        %get3A_1155 = arith.constant 32 : i32
        %get3A_1156 = arith.index_cast %get3A_1155 : i32 to index
        %get3A_1157 = arith.constant 0 : index
        %get3A_1158 = tpu.vector_load %arg10[%get3A_1156, %get3A_1157] {strides = array<i32>} : memref<64x16xf32, #tpu.memory_space<vmem>>, vector<16xf32>,
        %gather3A_1159 = tpu.vector_load_idx %arg17[%add3A_708, %and3A_316] : memref<320x64xf32, #tpu.memory_space<vmem>>[vector<16xi32>, vector<16xi32>], vector<16xf32>,
        %gather3A_1160 = tpu.vector_load_idx %arg19[%add3A_708, %and3A_316] : memref<320x64xf32, #tpu.memory_space<vmem>>[vector<16xi32>, vector<16xi32>], vector<16xf32>,
        %mul3A_1161 = arith.mulf %get3A_1158, %gather3A_1159 : vector<16xf32>
        %add3A_1162 = arith.addf %add3A_1134, %mul3A_1161 : vector<16xf32>
        %mul3A_1163 = arith.mulf %gather3A_1159, %gather3A_1159 : vector<16xf32>
        %add3A_1164 = arith.addf %add3A_1136, %mul3A_1163 : vector<16xf32>
        %mul3A_1165 = arith.mulf %get3A_1158, %gather3A_1160 : vector<16xf32>
        %add3A_1166 = arith.addf %add3A_1138, %mul3A_1165 : vector<16xf32>
        %mul3A_1167 = arith.mulf %gather3A_1160, %gather3A_1160 : vector<16xf32>
        %add3A_1168 = arith.addf %add3A_1140, %mul3A_1167 : vector<16xf32>
        %get3A_1169 = arith.constant 33 : i32
        %get3A_1170 = arith.index_cast %get3A_1169 : i32 to index
        %get3A_1171 = arith.constant 0 : index
        %get3A_1172 = tpu.vector_load %arg10[%get3A_1170, %get3A_1171] {strides = array<i32>} : memref<64x16xf32, #tpu.memory_space<vmem>>, vector<16xf32>,
        %gather3A_1173 = tpu.vector_load_idx %arg17[%add3A_708, %and3A_322] : memref<320x64xf32, #tpu.memory_space<vmem>>[vector<16xi32>, vector<16xi32>], vector<16xf32>,
        %gather3A_1174 = tpu.vector_load_idx %arg19[%add3A_708, %and3A_322] : memref<320x64xf32, #tpu.memory_space<vmem>>[vector<16xi32>, vector<16xi32>], vector<16xf32>,
        %mul3A_1175 = arith.mulf %get3A_1172, %gather3A_1173 : vector<16xf32>
        %add3A_1176 = arith.addf %add3A_1148, %mul3A_1175 : vector<16xf32>
        %mul3A_1177 = arith.mulf %gather3A_1173, %gather3A_1173 : vector<16xf32>
        %add3A_1178 = arith.addf %add3A_1150, %mul3A_1177 : vector<16xf32>
        %mul3A_1179 = arith.mulf %get3A_1172, %gather3A_1174 : vector<16xf32>
        %add3A_1180 = arith.addf %add3A_1152, %mul3A_1179 : vector<16xf32>
        %mul3A_1181 = arith.mulf %gather3A_1174, %gather3A_1174 : vector<16xf32>
        %add3A_1182 = arith.addf %add3A_1154, %mul3A_1181 : vector<16xf32>
        %get3A_1183 = arith.constant 34 : i32
        %get3A_1184 = arith.index_cast %get3A_1183 : i32 to index
        %get3A_1185 = arith.constant 0 : index
        %get3A_1186 = tpu.vector_load %arg10[%get3A_1184, %get3A_1185] {strides = array<i32>} : memref<64x16xf32, #tpu.memory_space<vmem>>, vector<16xf32>,
        %gather3A_1187 = tpu.vector_load_idx %arg17[%add3A_708, %and3A_328] : memref<320x64xf32, #tpu.memory_space<vmem>>[vector<16xi32>, vector<16xi32>], vector<16xf32>,
        %gather3A_1188 = tpu.vector_load_idx %arg19[%add3A_708, %and3A_328] : memref<320x64xf32, #tpu.memory_space<vmem>>[vector<16xi32>, vector<16xi32>], vector<16xf32>,
        %mul3A_1189 = arith.mulf %get3A_1186, %gather3A_1187 : vector<16xf32>
        %add3A_1190 = arith.addf %add3A_1162, %mul3A_1189 : vector<16xf32>
        %mul3A_1191 = arith.mulf %gather3A_1187, %gather3A_1187 : vector<16xf32>
        %add3A_1192 = arith.addf %add3A_1164, %mul3A_1191 : vector<16xf32>
        %mul3A_1193 = arith.mulf %get3A_1186, %gather3A_1188 : vector<16xf32>
        %add3A_1194 = arith.addf %add3A_1166, %mul3A_1193 : vector<16xf32>
        %mul3A_1195 = arith.mulf %gather3A_1188, %gather3A_1188 : vector<16xf32>
        %add3A_1196 = arith.addf %add3A_1168, %mul3A_1195 : vector<16xf32>
        %get3A_1197 = arith.constant 35 : i32
        %get3A_1198 = arith.index_cast %get3A_1197 : i32 to index
        %get3A_1199 = arith.constant 0 : index
        %get3A_1200 = tpu.vector_load %arg10[%get3A_1198, %get3A_1199] {strides = array<i32>} : memref<64x16xf32, #tpu.memory_space<vmem>>, vector<16xf32>,
        %gather3A_1201 = tpu.vector_load_idx %arg17[%add3A_708, %and3A_334] : memref<320x64xf32, #tpu.memory_space<vmem>>[vector<16xi32>, vector<16xi32>], vector<16xf32>,
        %gather3A_1202 = tpu.vector_load_idx %arg19[%add3A_708, %and3A_334] : memref<320x64xf32, #tpu.memory_space<vmem>>[vector<16xi32>, vector<16xi32>], vector<16xf32>,
        %mul3A_1203 = arith.mulf %get3A_1200, %gather3A_1201 : vector<16xf32>
        %add3A_1204 = arith.addf %add3A_1176, %mul3A_1203 : vector<16xf32>
        %mul3A_1205 = arith.mulf %gather3A_1201, %gather3A_1201 : vector<16xf32>
        %add3A_1206 = arith.addf %add3A_1178, %mul3A_1205 : vector<16xf32>
        %mul3A_1207 = arith.mulf %get3A_1200, %gather3A_1202 : vector<16xf32>
        %add3A_1208 = arith.addf %add3A_1180, %mul3A_1207 : vector<16xf32>
        %mul3A_1209 = arith.mulf %gather3A_1202, %gather3A_1202 : vector<16xf32>
        %add3A_1210 = arith.addf %add3A_1182, %mul3A_1209 : vector<16xf32>
        %get3A_1211 = arith.constant 36 : i32
        %get3A_1212 = arith.index_cast %get3A_1211 : i32 to index
        %get3A_1213 = arith.constant 0 : index
        %get3A_1214 = tpu.vector_load %arg10[%get3A_1212, %get3A_1213] {strides = array<i32>} : memref<64x16xf32, #tpu.memory_space<vmem>>, vector<16xf32>,
        %gather3A_1215 = tpu.vector_load_idx %arg17[%add3A_708, %and3A_340] : memref<320x64xf32, #tpu.memory_space<vmem>>[vector<16xi32>, vector<16xi32>], vector<16xf32>,
        %gather3A_1216 = tpu.vector_load_idx %arg19[%add3A_708, %and3A_340] : memref<320x64xf32, #tpu.memory_space<vmem>>[vector<16xi32>, vector<16xi32>], vector<16xf32>,
        %mul3A_1217 = arith.mulf %get3A_1214, %gather3A_1215 : vector<16xf32>
        %add3A_1218 = arith.addf %add3A_1190, %mul3A_1217 : vector<16xf32>
        %mul3A_1219 = arith.mulf %gather3A_1215, %gather3A_1215 : vector<16xf32>
        %add3A_1220 = arith.addf %add3A_1192, %mul3A_1219 : vector<16xf32>
        %mul3A_1221 = arith.mulf %get3A_1214, %gather3A_1216 : vector<16xf32>
        %add3A_1222 = arith.addf %add3A_1194, %mul3A_1221 : vector<16xf32>
        %mul3A_1223 = arith.mulf %gather3A_1216, %gather3A_1216 : vector<16xf32>
        %add3A_1224 = arith.addf %add3A_1196, %mul3A_1223 : vector<16xf32>
        %get3A_1225 = arith.constant 37 : i32
        %get3A_1226 = arith.index_cast %get3A_1225 : i32 to index
        %get3A_1227 = arith.constant 0 : index
        %get3A_1228 = tpu.vector_load %arg10[%get3A_1226, %get3A_1227] {strides = array<i32>} : memref<64x16xf32, #tpu.memory_space<vmem>>, vector<16xf32>,
        %gather3A_1229 = tpu.vector_load_idx %arg17[%add3A_708, %and3A_346] : memref<320x64xf32, #tpu.memory_space<vmem>>[vector<16xi32>, vector<16xi32>], vector<16xf32>,
        %gather3A_1230 = tpu.vector_load_idx %arg19[%add3A_708, %and3A_346] : memref<320x64xf32, #tpu.memory_space<vmem>>[vector<16xi32>, vector<16xi32>], vector<16xf32>,
        %mul3A_1231 = arith.mulf %get3A_1228, %gather3A_1229 : vector<16xf32>
        %add3A_1232 = arith.addf %add3A_1204, %mul3A_1231 : vector<16xf32>
        %mul3A_1233 = arith.mulf %gather3A_1229, %gather3A_1229 : vector<16xf32>
        %add3A_1234 = arith.addf %add3A_1206, %mul3A_1233 : vector<16xf32>
        %mul3A_1235 = arith.mulf %get3A_1228, %gather3A_1230 : vector<16xf32>
        %add3A_1236 = arith.addf %add3A_1208, %mul3A_1235 : vector<16xf32>
        %mul3A_1237 = arith.mulf %gather3A_1230, %gather3A_1230 : vector<16xf32>
        %add3A_1238 = arith.addf %add3A_1210, %mul3A_1237 : vector<16xf32>
        %get3A_1239 = arith.constant 38 : i32
        %get3A_1240 = arith.index_cast %get3A_1239 : i32 to index
        %get3A_1241 = arith.constant 0 : index
        %get3A_1242 = tpu.vector_load %arg10[%get3A_1240, %get3A_1241] {strides = array<i32>} : memref<64x16xf32, #tpu.memory_space<vmem>>, vector<16xf32>,
        %gather3A_1243 = tpu.vector_load_idx %arg17[%add3A_708, %and3A_352] : memref<320x64xf32, #tpu.memory_space<vmem>>[vector<16xi32>, vector<16xi32>], vector<16xf32>,
        %gather3A_1244 = tpu.vector_load_idx %arg19[%add3A_708, %and3A_352] : memref<320x64xf32, #tpu.memory_space<vmem>>[vector<16xi32>, vector<16xi32>], vector<16xf32>,
        %mul3A_1245 = arith.mulf %get3A_1242, %gather3A_1243 : vector<16xf32>
        %add3A_1246 = arith.addf %add3A_1218, %mul3A_1245 : vector<16xf32>
        %mul3A_1247 = arith.mulf %gather3A_1243, %gather3A_1243 : vector<16xf32>
        %add3A_1248 = arith.addf %add3A_1220, %mul3A_1247 : vector<16xf32>
        %mul3A_1249 = arith.mulf %get3A_1242, %gather3A_1244 : vector<16xf32>
        %add3A_1250 = arith.addf %add3A_1222, %mul3A_1249 : vector<16xf32>
        %mul3A_1251 = arith.mulf %gather3A_1244, %gather3A_1244 : vector<16xf32>
        %add3A_1252 = arith.addf %add3A_1224, %mul3A_1251 : vector<16xf32>
        %get3A_1253 = arith.constant 39 : i32
        %get3A_1254 = arith.index_cast %get3A_1253 : i32 to index
        %get3A_1255 = arith.constant 0 : index
        %get3A_1256 = tpu.vector_load %arg10[%get3A_1254, %get3A_1255] {strides = array<i32>} : memref<64x16xf32, #tpu.memory_space<vmem>>, vector<16xf32>,
        %gather3A_1257 = tpu.vector_load_idx %arg17[%add3A_708, %and3A_358] : memref<320x64xf32, #tpu.memory_space<vmem>>[vector<16xi32>, vector<16xi32>], vector<16xf32>,
        %gather3A_1258 = tpu.vector_load_idx %arg19[%add3A_708, %and3A_358] : memref<320x64xf32, #tpu.memory_space<vmem>>[vector<16xi32>, vector<16xi32>], vector<16xf32>,
        %mul3A_1259 = arith.mulf %get3A_1256, %gather3A_1257 : vector<16xf32>
        %add3A_1260 = arith.addf %add3A_1232, %mul3A_1259 : vector<16xf32>
        %mul3A_1261 = arith.mulf %gather3A_1257, %gather3A_1257 : vector<16xf32>
        %add3A_1262 = arith.addf %add3A_1234, %mul3A_1261 : vector<16xf32>
        %mul3A_1263 = arith.mulf %get3A_1256, %gather3A_1258 : vector<16xf32>
        %add3A_1264 = arith.addf %add3A_1236, %mul3A_1263 : vector<16xf32>
        %mul3A_1265 = arith.mulf %gather3A_1258, %gather3A_1258 : vector<16xf32>
        %add3A_1266 = arith.addf %add3A_1238, %mul3A_1265 : vector<16xf32>
        %get3A_1267 = arith.constant 40 : i32
        %get3A_1268 = arith.index_cast %get3A_1267 : i32 to index
        %get3A_1269 = arith.constant 0 : index
        %get3A_1270 = tpu.vector_load %arg10[%get3A_1268, %get3A_1269] {strides = array<i32>} : memref<64x16xf32, #tpu.memory_space<vmem>>, vector<16xf32>,
        %gather3A_1271 = tpu.vector_load_idx %arg17[%add3A_708, %and3A_364] : memref<320x64xf32, #tpu.memory_space<vmem>>[vector<16xi32>, vector<16xi32>], vector<16xf32>,
        %gather3A_1272 = tpu.vector_load_idx %arg19[%add3A_708, %and3A_364] : memref<320x64xf32, #tpu.memory_space<vmem>>[vector<16xi32>, vector<16xi32>], vector<16xf32>,
        %mul3A_1273 = arith.mulf %get3A_1270, %gather3A_1271 : vector<16xf32>
        %add3A_1274 = arith.addf %add3A_1246, %mul3A_1273 : vector<16xf32>
        %mul3A_1275 = arith.mulf %gather3A_1271, %gather3A_1271 : vector<16xf32>
        %add3A_1276 = arith.addf %add3A_1248, %mul3A_1275 : vector<16xf32>
        %mul3A_1277 = arith.mulf %get3A_1270, %gather3A_1272 : vector<16xf32>
        %add3A_1278 = arith.addf %add3A_1250, %mul3A_1277 : vector<16xf32>
        %mul3A_1279 = arith.mulf %gather3A_1272, %gather3A_1272 : vector<16xf32>
        %add3A_1280 = arith.addf %add3A_1252, %mul3A_1279 : vector<16xf32>
        %get3A_1281 = arith.constant 41 : i32
        %get3A_1282 = arith.index_cast %get3A_1281 : i32 to index
        %get3A_1283 = arith.constant 0 : index
        %get3A_1284 = tpu.vector_load %arg10[%get3A_1282, %get3A_1283] {strides = array<i32>} : memref<64x16xf32, #tpu.memory_space<vmem>>, vector<16xf32>,
        %gather3A_1285 = tpu.vector_load_idx %arg17[%add3A_708, %and3A_370] : memref<320x64xf32, #tpu.memory_space<vmem>>[vector<16xi32>, vector<16xi32>], vector<16xf32>,
        %gather3A_1286 = tpu.vector_load_idx %arg19[%add3A_708, %and3A_370] : memref<320x64xf32, #tpu.memory_space<vmem>>[vector<16xi32>, vector<16xi32>], vector<16xf32>,
        %mul3A_1287 = arith.mulf %get3A_1284, %gather3A_1285 : vector<16xf32>
        %add3A_1288 = arith.addf %add3A_1260, %mul3A_1287 : vector<16xf32>
        %mul3A_1289 = arith.mulf %gather3A_1285, %gather3A_1285 : vector<16xf32>
        %add3A_1290 = arith.addf %add3A_1262, %mul3A_1289 : vector<16xf32>
        %mul3A_1291 = arith.mulf %get3A_1284, %gather3A_1286 : vector<16xf32>
        %add3A_1292 = arith.addf %add3A_1264, %mul3A_1291 : vector<16xf32>
        %mul3A_1293 = arith.mulf %gather3A_1286, %gather3A_1286 : vector<16xf32>
        %add3A_1294 = arith.addf %add3A_1266, %mul3A_1293 : vector<16xf32>
        %get3A_1295 = arith.constant 42 : i32
        %get3A_1296 = arith.index_cast %get3A_1295 : i32 to index
        %get3A_1297 = arith.constant 0 : index
        %get3A_1298 = tpu.vector_load %arg10[%get3A_1296, %get3A_1297] {strides = array<i32>} : memref<64x16xf32, #tpu.memory_space<vmem>>, vector<16xf32>,
        %gather3A_1299 = tpu.vector_load_idx %arg17[%add3A_708, %and3A_376] : memref<320x64xf32, #tpu.memory_space<vmem>>[vector<16xi32>, vector<16xi32>], vector<16xf32>,
        %gather3A_1300 = tpu.vector_load_idx %arg19[%add3A_708, %and3A_376] : memref<320x64xf32, #tpu.memory_space<vmem>>[vector<16xi32>, vector<16xi32>], vector<16xf32>,
        %mul3A_1301 = arith.mulf %get3A_1298, %gather3A_1299 : vector<16xf32>
        %add3A_1302 = arith.addf %add3A_1274, %mul3A_1301 : vector<16xf32>
        %mul3A_1303 = arith.mulf %gather3A_1299, %gather3A_1299 : vector<16xf32>
        %add3A_1304 = arith.addf %add3A_1276, %mul3A_1303 : vector<16xf32>
        %mul3A_1305 = arith.mulf %get3A_1298, %gather3A_1300 : vector<16xf32>
        %add3A_1306 = arith.addf %add3A_1278, %mul3A_1305 : vector<16xf32>
        %mul3A_1307 = arith.mulf %gather3A_1300, %gather3A_1300 : vector<16xf32>
        %add3A_1308 = arith.addf %add3A_1280, %mul3A_1307 : vector<16xf32>
        %get3A_1309 = arith.constant 43 : i32
        %get3A_1310 = arith.index_cast %get3A_1309 : i32 to index
        %get3A_1311 = arith.constant 0 : index
        %get3A_1312 = tpu.vector_load %arg10[%get3A_1310, %get3A_1311] {strides = array<i32>} : memref<64x16xf32, #tpu.memory_space<vmem>>, vector<16xf32>,
        %gather3A_1313 = tpu.vector_load_idx %arg17[%add3A_708, %and3A_382] : memref<320x64xf32, #tpu.memory_space<vmem>>[vector<16xi32>, vector<16xi32>], vector<16xf32>,
        %gather3A_1314 = tpu.vector_load_idx %arg19[%add3A_708, %and3A_382] : memref<320x64xf32, #tpu.memory_space<vmem>>[vector<16xi32>, vector<16xi32>], vector<16xf32>,
        %mul3A_1315 = arith.mulf %get3A_1312, %gather3A_1313 : vector<16xf32>
        %add3A_1316 = arith.addf %add3A_1288, %mul3A_1315 : vector<16xf32>
        %mul3A_1317 = arith.mulf %gather3A_1313, %gather3A_1313 : vector<16xf32>
        %add3A_1318 = arith.addf %add3A_1290, %mul3A_1317 : vector<16xf32>
        %mul3A_1319 = arith.mulf %get3A_1312, %gather3A_1314 : vector<16xf32>
        %add3A_1320 = arith.addf %add3A_1292, %mul3A_1319 : vector<16xf32>
        %mul3A_1321 = arith.mulf %gather3A_1314, %gather3A_1314 : vector<16xf32>
        %add3A_1322 = arith.addf %add3A_1294, %mul3A_1321 : vector<16xf32>
        %get3A_1323 = arith.constant 44 : i32
        %get3A_1324 = arith.index_cast %get3A_1323 : i32 to index
        %get3A_1325 = arith.constant 0 : index
        %get3A_1326 = tpu.vector_load %arg10[%get3A_1324, %get3A_1325] {strides = array<i32>} : memref<64x16xf32, #tpu.memory_space<vmem>>, vector<16xf32>,
        %gather3A_1327 = tpu.vector_load_idx %arg17[%add3A_708, %and3A_388] : memref<320x64xf32, #tpu.memory_space<vmem>>[vector<16xi32>, vector<16xi32>], vector<16xf32>,
        %gather3A_1328 = tpu.vector_load_idx %arg19[%add3A_708, %and3A_388] : memref<320x64xf32, #tpu.memory_space<vmem>>[vector<16xi32>, vector<16xi32>], vector<16xf32>,
        %mul3A_1329 = arith.mulf %get3A_1326, %gather3A_1327 : vector<16xf32>
        %add3A_1330 = arith.addf %add3A_1302, %mul3A_1329 : vector<16xf32>
        %mul3A_1331 = arith.mulf %gather3A_1327, %gather3A_1327 : vector<16xf32>
        %add3A_1332 = arith.addf %add3A_1304, %mul3A_1331 : vector<16xf32>
        %mul3A_1333 = arith.mulf %get3A_1326, %gather3A_1328 : vector<16xf32>
        %add3A_1334 = arith.addf %add3A_1306, %mul3A_1333 : vector<16xf32>
        %mul3A_1335 = arith.mulf %gather3A_1328, %gather3A_1328 : vector<16xf32>
        %add3A_1336 = arith.addf %add3A_1308, %mul3A_1335 : vector<16xf32>
        %get3A_1337 = arith.constant 45 : i32
        %get3A_1338 = arith.index_cast %get3A_1337 : i32 to index
        %get3A_1339 = arith.constant 0 : index
        %get3A_1340 = tpu.vector_load %arg10[%get3A_1338, %get3A_1339] {strides = array<i32>} : memref<64x16xf32, #tpu.memory_space<vmem>>, vector<16xf32>,
        %gather3A_1341 = tpu.vector_load_idx %arg17[%add3A_708, %and3A_394] : memref<320x64xf32, #tpu.memory_space<vmem>>[vector<16xi32>, vector<16xi32>], vector<16xf32>,
        %gather3A_1342 = tpu.vector_load_idx %arg19[%add3A_708, %and3A_394] : memref<320x64xf32, #tpu.memory_space<vmem>>[vector<16xi32>, vector<16xi32>], vector<16xf32>,
        %mul3A_1343 = arith.mulf %get3A_1340, %gather3A_1341 : vector<16xf32>
        %add3A_1344 = arith.addf %add3A_1316, %mul3A_1343 : vector<16xf32>
        %mul3A_1345 = arith.mulf %gather3A_1341, %gather3A_1341 : vector<16xf32>
        %add3A_1346 = arith.addf %add3A_1318, %mul3A_1345 : vector<16xf32>
        %mul3A_1347 = arith.mulf %get3A_1340, %gather3A_1342 : vector<16xf32>
        %add3A_1348 = arith.addf %add3A_1320, %mul3A_1347 : vector<16xf32>
        %mul3A_1349 = arith.mulf %gather3A_1342, %gather3A_1342 : vector<16xf32>
        %add3A_1350 = arith.addf %add3A_1322, %mul3A_1349 : vector<16xf32>
        %get3A_1351 = arith.constant 46 : i32
        %get3A_1352 = arith.index_cast %get3A_1351 : i32 to index
        %get3A_1353 = arith.constant 0 : index
        %get3A_1354 = tpu.vector_load %arg10[%get3A_1352, %get3A_1353] {strides = array<i32>} : memref<64x16xf32, #tpu.memory_space<vmem>>, vector<16xf32>,
        %gather3A_1355 = tpu.vector_load_idx %arg17[%add3A_708, %and3A_400] : memref<320x64xf32, #tpu.memory_space<vmem>>[vector<16xi32>, vector<16xi32>], vector<16xf32>,
        %gather3A_1356 = tpu.vector_load_idx %arg19[%add3A_708, %and3A_400] : memref<320x64xf32, #tpu.memory_space<vmem>>[vector<16xi32>, vector<16xi32>], vector<16xf32>,
        %mul3A_1357 = arith.mulf %get3A_1354, %gather3A_1355 : vector<16xf32>
        %add3A_1358 = arith.addf %add3A_1330, %mul3A_1357 : vector<16xf32>
        %mul3A_1359 = arith.mulf %gather3A_1355, %gather3A_1355 : vector<16xf32>
        %add3A_1360 = arith.addf %add3A_1332, %mul3A_1359 : vector<16xf32>
        %mul3A_1361 = arith.mulf %get3A_1354, %gather3A_1356 : vector<16xf32>
        %add3A_1362 = arith.addf %add3A_1334, %mul3A_1361 : vector<16xf32>
        %mul3A_1363 = arith.mulf %gather3A_1356, %gather3A_1356 : vector<16xf32>
        %add3A_1364 = arith.addf %add3A_1336, %mul3A_1363 : vector<16xf32>
        %get3A_1365 = arith.constant 47 : i32
        %get3A_1366 = arith.index_cast %get3A_1365 : i32 to index
        %get3A_1367 = arith.constant 0 : index
        %get3A_1368 = tpu.vector_load %arg10[%get3A_1366, %get3A_1367] {strides = array<i32>} : memref<64x16xf32, #tpu.memory_space<vmem>>, vector<16xf32>,
        %gather3A_1369 = tpu.vector_load_idx %arg17[%add3A_708, %and3A_406] : memref<320x64xf32, #tpu.memory_space<vmem>>[vector<16xi32>, vector<16xi32>], vector<16xf32>,
        %gather3A_1370 = tpu.vector_load_idx %arg19[%add3A_708, %and3A_406] : memref<320x64xf32, #tpu.memory_space<vmem>>[vector<16xi32>, vector<16xi32>], vector<16xf32>,
        %mul3A_1371 = arith.mulf %get3A_1368, %gather3A_1369 : vector<16xf32>
        %add3A_1372 = arith.addf %add3A_1344, %mul3A_1371 : vector<16xf32>
        %mul3A_1373 = arith.mulf %gather3A_1369, %gather3A_1369 : vector<16xf32>
        %add3A_1374 = arith.addf %add3A_1346, %mul3A_1373 : vector<16xf32>
        %mul3A_1375 = arith.mulf %get3A_1368, %gather3A_1370 : vector<16xf32>
        %add3A_1376 = arith.addf %add3A_1348, %mul3A_1375 : vector<16xf32>
        %mul3A_1377 = arith.mulf %gather3A_1370, %gather3A_1370 : vector<16xf32>
        %add3A_1378 = arith.addf %add3A_1350, %mul3A_1377 : vector<16xf32>
        %get3A_1379 = arith.constant 48 : i32
        %get3A_1380 = arith.index_cast %get3A_1379 : i32 to index
        %get3A_1381 = arith.constant 0 : index
        %get3A_1382 = tpu.vector_load %arg10[%get3A_1380, %get3A_1381] {strides = array<i32>} : memref<64x16xf32, #tpu.memory_space<vmem>>, vector<16xf32>,
        %gather3A_1383 = tpu.vector_load_idx %arg17[%add3A_708, %and3A_412] : memref<320x64xf32, #tpu.memory_space<vmem>>[vector<16xi32>, vector<16xi32>], vector<16xf32>,
        %gather3A_1384 = tpu.vector_load_idx %arg19[%add3A_708, %and3A_412] : memref<320x64xf32, #tpu.memory_space<vmem>>[vector<16xi32>, vector<16xi32>], vector<16xf32>,
        %mul3A_1385 = arith.mulf %get3A_1382, %gather3A_1383 : vector<16xf32>
        %add3A_1386 = arith.addf %add3A_1358, %mul3A_1385 : vector<16xf32>
        %mul3A_1387 = arith.mulf %gather3A_1383, %gather3A_1383 : vector<16xf32>
        %add3A_1388 = arith.addf %add3A_1360, %mul3A_1387 : vector<16xf32>
        %mul3A_1389 = arith.mulf %get3A_1382, %gather3A_1384 : vector<16xf32>
        %add3A_1390 = arith.addf %add3A_1362, %mul3A_1389 : vector<16xf32>
        %mul3A_1391 = arith.mulf %gather3A_1384, %gather3A_1384 : vector<16xf32>
        %add3A_1392 = arith.addf %add3A_1364, %mul3A_1391 : vector<16xf32>
        %get3A_1393 = arith.constant 49 : i32
        %get3A_1394 = arith.index_cast %get3A_1393 : i32 to index
        %get3A_1395 = arith.constant 0 : index
        %get3A_1396 = tpu.vector_load %arg10[%get3A_1394, %get3A_1395] {strides = array<i32>} : memref<64x16xf32, #tpu.memory_space<vmem>>, vector<16xf32>,
        %gather3A_1397 = tpu.vector_load_idx %arg17[%add3A_708, %and3A_418] : memref<320x64xf32, #tpu.memory_space<vmem>>[vector<16xi32>, vector<16xi32>], vector<16xf32>,
        %gather3A_1398 = tpu.vector_load_idx %arg19[%add3A_708, %and3A_418] : memref<320x64xf32, #tpu.memory_space<vmem>>[vector<16xi32>, vector<16xi32>], vector<16xf32>,
        %mul3A_1399 = arith.mulf %get3A_1396, %gather3A_1397 : vector<16xf32>
        %add3A_1400 = arith.addf %add3A_1372, %mul3A_1399 : vector<16xf32>
        %mul3A_1401 = arith.mulf %gather3A_1397, %gather3A_1397 : vector<16xf32>
        %add3A_1402 = arith.addf %add3A_1374, %mul3A_1401 : vector<16xf32>
        %mul3A_1403 = arith.mulf %get3A_1396, %gather3A_1398 : vector<16xf32>
        %add3A_1404 = arith.addf %add3A_1376, %mul3A_1403 : vector<16xf32>
        %mul3A_1405 = arith.mulf %gather3A_1398, %gather3A_1398 : vector<16xf32>
        %add3A_1406 = arith.addf %add3A_1378, %mul3A_1405 : vector<16xf32>
        %get3A_1407 = arith.constant 50 : i32
        %get3A_1408 = arith.index_cast %get3A_1407 : i32 to index
        %get3A_1409 = arith.constant 0 : index
        %get3A_1410 = tpu.vector_load %arg10[%get3A_1408, %get3A_1409] {strides = array<i32>} : memref<64x16xf32, #tpu.memory_space<vmem>>, vector<16xf32>,
        %gather3A_1411 = tpu.vector_load_idx %arg17[%add3A_708, %and3A_424] : memref<320x64xf32, #tpu.memory_space<vmem>>[vector<16xi32>, vector<16xi32>], vector<16xf32>,
        %gather3A_1412 = tpu.vector_load_idx %arg19[%add3A_708, %and3A_424] : memref<320x64xf32, #tpu.memory_space<vmem>>[vector<16xi32>, vector<16xi32>], vector<16xf32>,
        %mul3A_1413 = arith.mulf %get3A_1410, %gather3A_1411 : vector<16xf32>
        %add3A_1414 = arith.addf %add3A_1386, %mul3A_1413 : vector<16xf32>
        %mul3A_1415 = arith.mulf %gather3A_1411, %gather3A_1411 : vector<16xf32>
        %add3A_1416 = arith.addf %add3A_1388, %mul3A_1415 : vector<16xf32>
        %mul3A_1417 = arith.mulf %get3A_1410, %gather3A_1412 : vector<16xf32>
        %add3A_1418 = arith.addf %add3A_1390, %mul3A_1417 : vector<16xf32>
        %mul3A_1419 = arith.mulf %gather3A_1412, %gather3A_1412 : vector<16xf32>
        %add3A_1420 = arith.addf %add3A_1392, %mul3A_1419 : vector<16xf32>
        %get3A_1421 = arith.constant 51 : i32
        %get3A_1422 = arith.index_cast %get3A_1421 : i32 to index
        %get3A_1423 = arith.constant 0 : index
        %get3A_1424 = tpu.vector_load %arg10[%get3A_1422, %get3A_1423] {strides = array<i32>} : memref<64x16xf32, #tpu.memory_space<vmem>>, vector<16xf32>,
        %gather3A_1425 = tpu.vector_load_idx %arg17[%add3A_708, %and3A_430] : memref<320x64xf32, #tpu.memory_space<vmem>>[vector<16xi32>, vector<16xi32>], vector<16xf32>,
        %gather3A_1426 = tpu.vector_load_idx %arg19[%add3A_708, %and3A_430] : memref<320x64xf32, #tpu.memory_space<vmem>>[vector<16xi32>, vector<16xi32>], vector<16xf32>,
        %mul3A_1427 = arith.mulf %get3A_1424, %gather3A_1425 : vector<16xf32>
        %add3A_1428 = arith.addf %add3A_1400, %mul3A_1427 : vector<16xf32>
        %mul3A_1429 = arith.mulf %gather3A_1425, %gather3A_1425 : vector<16xf32>
        %add3A_1430 = arith.addf %add3A_1402, %mul3A_1429 : vector<16xf32>
        %mul3A_1431 = arith.mulf %get3A_1424, %gather3A_1426 : vector<16xf32>
        %add3A_1432 = arith.addf %add3A_1404, %mul3A_1431 : vector<16xf32>
        %mul3A_1433 = arith.mulf %gather3A_1426, %gather3A_1426 : vector<16xf32>
        %add3A_1434 = arith.addf %add3A_1406, %mul3A_1433 : vector<16xf32>
        %get3A_1435 = arith.constant 52 : i32
        %get3A_1436 = arith.index_cast %get3A_1435 : i32 to index
        %get3A_1437 = arith.constant 0 : index
        %get3A_1438 = tpu.vector_load %arg10[%get3A_1436, %get3A_1437] {strides = array<i32>} : memref<64x16xf32, #tpu.memory_space<vmem>>, vector<16xf32>,
        %gather3A_1439 = tpu.vector_load_idx %arg17[%add3A_708, %and3A_436] : memref<320x64xf32, #tpu.memory_space<vmem>>[vector<16xi32>, vector<16xi32>], vector<16xf32>,
        %gather3A_1440 = tpu.vector_load_idx %arg19[%add3A_708, %and3A_436] : memref<320x64xf32, #tpu.memory_space<vmem>>[vector<16xi32>, vector<16xi32>], vector<16xf32>,
        %mul3A_1441 = arith.mulf %get3A_1438, %gather3A_1439 : vector<16xf32>
        %add3A_1442 = arith.addf %add3A_1414, %mul3A_1441 : vector<16xf32>
        %mul3A_1443 = arith.mulf %gather3A_1439, %gather3A_1439 : vector<16xf32>
        %add3A_1444 = arith.addf %add3A_1416, %mul3A_1443 : vector<16xf32>
        %mul3A_1445 = arith.mulf %get3A_1438, %gather3A_1440 : vector<16xf32>
        %add3A_1446 = arith.addf %add3A_1418, %mul3A_1445 : vector<16xf32>
        %mul3A_1447 = arith.mulf %gather3A_1440, %gather3A_1440 : vector<16xf32>
        %add3A_1448 = arith.addf %add3A_1420, %mul3A_1447 : vector<16xf32>
        %get3A_1449 = arith.constant 53 : i32
        %get3A_1450 = arith.index_cast %get3A_1449 : i32 to index
        %get3A_1451 = arith.constant 0 : index
        %get3A_1452 = tpu.vector_load %arg10[%get3A_1450, %get3A_1451] {strides = array<i32>} : memref<64x16xf32, #tpu.memory_space<vmem>>, vector<16xf32>,
        %gather3A_1453 = tpu.vector_load_idx %arg17[%add3A_708, %and3A_442] : memref<320x64xf32, #tpu.memory_space<vmem>>[vector<16xi32>, vector<16xi32>], vector<16xf32>,
        %gather3A_1454 = tpu.vector_load_idx %arg19[%add3A_708, %and3A_442] : memref<320x64xf32, #tpu.memory_space<vmem>>[vector<16xi32>, vector<16xi32>], vector<16xf32>,
        %mul3A_1455 = arith.mulf %get3A_1452, %gather3A_1453 : vector<16xf32>
        %add3A_1456 = arith.addf %add3A_1428, %mul3A_1455 : vector<16xf32>
        %mul3A_1457 = arith.mulf %gather3A_1453, %gather3A_1453 : vector<16xf32>
        %add3A_1458 = arith.addf %add3A_1430, %mul3A_1457 : vector<16xf32>
        %mul3A_1459 = arith.mulf %get3A_1452, %gather3A_1454 : vector<16xf32>
        %add3A_1460 = arith.addf %add3A_1432, %mul3A_1459 : vector<16xf32>
        %mul3A_1461 = arith.mulf %gather3A_1454, %gather3A_1454 : vector<16xf32>
        %add3A_1462 = arith.addf %add3A_1434, %mul3A_1461 : vector<16xf32>
        %get3A_1463 = arith.constant 54 : i32
        %get3A_1464 = arith.index_cast %get3A_1463 : i32 to index
        %get3A_1465 = arith.constant 0 : index
        %get3A_1466 = tpu.vector_load %arg10[%get3A_1464, %get3A_1465] {strides = array<i32>} : memref<64x16xf32, #tpu.memory_space<vmem>>, vector<16xf32>,
        %gather3A_1467 = tpu.vector_load_idx %arg17[%add3A_708, %and3A_448] : memref<320x64xf32, #tpu.memory_space<vmem>>[vector<16xi32>, vector<16xi32>], vector<16xf32>,
        %gather3A_1468 = tpu.vector_load_idx %arg19[%add3A_708, %and3A_448] : memref<320x64xf32, #tpu.memory_space<vmem>>[vector<16xi32>, vector<16xi32>], vector<16xf32>,
        %mul3A_1469 = arith.mulf %get3A_1466, %gather3A_1467 : vector<16xf32>
        %add3A_1470 = arith.addf %add3A_1442, %mul3A_1469 : vector<16xf32>
        %mul3A_1471 = arith.mulf %gather3A_1467, %gather3A_1467 : vector<16xf32>
        %add3A_1472 = arith.addf %add3A_1444, %mul3A_1471 : vector<16xf32>
        %mul3A_1473 = arith.mulf %get3A_1466, %gather3A_1468 : vector<16xf32>
        %add3A_1474 = arith.addf %add3A_1446, %mul3A_1473 : vector<16xf32>
        %mul3A_1475 = arith.mulf %gather3A_1468, %gather3A_1468 : vector<16xf32>
        %add3A_1476 = arith.addf %add3A_1448, %mul3A_1475 : vector<16xf32>
        %get3A_1477 = arith.constant 55 : i32
        %get3A_1478 = arith.index_cast %get3A_1477 : i32 to index
        %get3A_1479 = arith.constant 0 : index
        %get3A_1480 = tpu.vector_load %arg10[%get3A_1478, %get3A_1479] {strides = array<i32>} : memref<64x16xf32, #tpu.memory_space<vmem>>, vector<16xf32>,
        %gather3A_1481 = tpu.vector_load_idx %arg17[%add3A_708, %and3A_454] : memref<320x64xf32, #tpu.memory_space<vmem>>[vector<16xi32>, vector<16xi32>], vector<16xf32>,
        %gather3A_1482 = tpu.vector_load_idx %arg19[%add3A_708, %and3A_454] : memref<320x64xf32, #tpu.memory_space<vmem>>[vector<16xi32>, vector<16xi32>], vector<16xf32>,
        %mul3A_1483 = arith.mulf %get3A_1480, %gather3A_1481 : vector<16xf32>
        %add3A_1484 = arith.addf %add3A_1456, %mul3A_1483 : vector<16xf32>
        %mul3A_1485 = arith.mulf %gather3A_1481, %gather3A_1481 : vector<16xf32>
        %add3A_1486 = arith.addf %add3A_1458, %mul3A_1485 : vector<16xf32>
        %mul3A_1487 = arith.mulf %get3A_1480, %gather3A_1482 : vector<16xf32>
        %add3A_1488 = arith.addf %add3A_1460, %mul3A_1487 : vector<16xf32>
        %mul3A_1489 = arith.mulf %gather3A_1482, %gather3A_1482 : vector<16xf32>
        %add3A_1490 = arith.addf %add3A_1462, %mul3A_1489 : vector<16xf32>
        %get3A_1491 = arith.constant 56 : i32
        %get3A_1492 = arith.index_cast %get3A_1491 : i32 to index
        %get3A_1493 = arith.constant 0 : index
        %get3A_1494 = tpu.vector_load %arg10[%get3A_1492, %get3A_1493] {strides = array<i32>} : memref<64x16xf32, #tpu.memory_space<vmem>>, vector<16xf32>,
        %gather3A_1495 = tpu.vector_load_idx %arg17[%add3A_708, %and3A_460] : memref<320x64xf32, #tpu.memory_space<vmem>>[vector<16xi32>, vector<16xi32>], vector<16xf32>,
        %gather3A_1496 = tpu.vector_load_idx %arg19[%add3A_708, %and3A_460] : memref<320x64xf32, #tpu.memory_space<vmem>>[vector<16xi32>, vector<16xi32>], vector<16xf32>,
        %mul3A_1497 = arith.mulf %get3A_1494, %gather3A_1495 : vector<16xf32>
        %add3A_1498 = arith.addf %add3A_1470, %mul3A_1497 : vector<16xf32>
        %mul3A_1499 = arith.mulf %gather3A_1495, %gather3A_1495 : vector<16xf32>
        %add3A_1500 = arith.addf %add3A_1472, %mul3A_1499 : vector<16xf32>
        %mul3A_1501 = arith.mulf %get3A_1494, %gather3A_1496 : vector<16xf32>
        %add3A_1502 = arith.addf %add3A_1474, %mul3A_1501 : vector<16xf32>
        %mul3A_1503 = arith.mulf %gather3A_1496, %gather3A_1496 : vector<16xf32>
        %add3A_1504 = arith.addf %add3A_1476, %mul3A_1503 : vector<16xf32>
        %get3A_1505 = arith.constant 57 : i32
        %get3A_1506 = arith.index_cast %get3A_1505 : i32 to index
        %get3A_1507 = arith.constant 0 : index
        %get3A_1508 = tpu.vector_load %arg10[%get3A_1506, %get3A_1507] {strides = array<i32>} : memref<64x16xf32, #tpu.memory_space<vmem>>, vector<16xf32>,
        %gather3A_1509 = tpu.vector_load_idx %arg17[%add3A_708, %and3A_466] : memref<320x64xf32, #tpu.memory_space<vmem>>[vector<16xi32>, vector<16xi32>], vector<16xf32>,
        %gather3A_1510 = tpu.vector_load_idx %arg19[%add3A_708, %and3A_466] : memref<320x64xf32, #tpu.memory_space<vmem>>[vector<16xi32>, vector<16xi32>], vector<16xf32>,
        %mul3A_1511 = arith.mulf %get3A_1508, %gather3A_1509 : vector<16xf32>
        %add3A_1512 = arith.addf %add3A_1484, %mul3A_1511 : vector<16xf32>
        %mul3A_1513 = arith.mulf %gather3A_1509, %gather3A_1509 : vector<16xf32>
        %add3A_1514 = arith.addf %add3A_1486, %mul3A_1513 : vector<16xf32>
        %mul3A_1515 = arith.mulf %get3A_1508, %gather3A_1510 : vector<16xf32>
        %add3A_1516 = arith.addf %add3A_1488, %mul3A_1515 : vector<16xf32>
        %mul3A_1517 = arith.mulf %gather3A_1510, %gather3A_1510 : vector<16xf32>
        %add3A_1518 = arith.addf %add3A_1490, %mul3A_1517 : vector<16xf32>
        %get3A_1519 = arith.constant 58 : i32
        %get3A_1520 = arith.index_cast %get3A_1519 : i32 to index
        %get3A_1521 = arith.constant 0 : index
        %get3A_1522 = tpu.vector_load %arg10[%get3A_1520, %get3A_1521] {strides = array<i32>} : memref<64x16xf32, #tpu.memory_space<vmem>>, vector<16xf32>,
        %gather3A_1523 = tpu.vector_load_idx %arg17[%add3A_708, %and3A_472] : memref<320x64xf32, #tpu.memory_space<vmem>>[vector<16xi32>, vector<16xi32>], vector<16xf32>,
        %gather3A_1524 = tpu.vector_load_idx %arg19[%add3A_708, %and3A_472] : memref<320x64xf32, #tpu.memory_space<vmem>>[vector<16xi32>, vector<16xi32>], vector<16xf32>,
        %mul3A_1525 = arith.mulf %get3A_1522, %gather3A_1523 : vector<16xf32>
        %add3A_1526 = arith.addf %add3A_1498, %mul3A_1525 : vector<16xf32>
        %mul3A_1527 = arith.mulf %gather3A_1523, %gather3A_1523 : vector<16xf32>
        %add3A_1528 = arith.addf %add3A_1500, %mul3A_1527 : vector<16xf32>
        %mul3A_1529 = arith.mulf %get3A_1522, %gather3A_1524 : vector<16xf32>
        %add3A_1530 = arith.addf %add3A_1502, %mul3A_1529 : vector<16xf32>
        %mul3A_1531 = arith.mulf %gather3A_1524, %gather3A_1524 : vector<16xf32>
        %add3A_1532 = arith.addf %add3A_1504, %mul3A_1531 : vector<16xf32>
        %get3A_1533 = arith.constant 59 : i32
        %get3A_1534 = arith.index_cast %get3A_1533 : i32 to index
        %get3A_1535 = arith.constant 0 : index
        %get3A_1536 = tpu.vector_load %arg10[%get3A_1534, %get3A_1535] {strides = array<i32>} : memref<64x16xf32, #tpu.memory_space<vmem>>, vector<16xf32>,
        %gather3A_1537 = tpu.vector_load_idx %arg17[%add3A_708, %and3A_478] : memref<320x64xf32, #tpu.memory_space<vmem>>[vector<16xi32>, vector<16xi32>], vector<16xf32>,
        %gather3A_1538 = tpu.vector_load_idx %arg19[%add3A_708, %and3A_478] : memref<320x64xf32, #tpu.memory_space<vmem>>[vector<16xi32>, vector<16xi32>], vector<16xf32>,
        %mul3A_1539 = arith.mulf %get3A_1536, %gather3A_1537 : vector<16xf32>
        %add3A_1540 = arith.addf %add3A_1512, %mul3A_1539 : vector<16xf32>
        %mul3A_1541 = arith.mulf %gather3A_1537, %gather3A_1537 : vector<16xf32>
        %add3A_1542 = arith.addf %add3A_1514, %mul3A_1541 : vector<16xf32>
        %mul3A_1543 = arith.mulf %get3A_1536, %gather3A_1538 : vector<16xf32>
        %add3A_1544 = arith.addf %add3A_1516, %mul3A_1543 : vector<16xf32>
        %mul3A_1545 = arith.mulf %gather3A_1538, %gather3A_1538 : vector<16xf32>
        %add3A_1546 = arith.addf %add3A_1518, %mul3A_1545 : vector<16xf32>
        %get3A_1547 = arith.constant 60 : i32
        %get3A_1548 = arith.index_cast %get3A_1547 : i32 to index
        %get3A_1549 = arith.constant 0 : index
        %get3A_1550 = tpu.vector_load %arg10[%get3A_1548, %get3A_1549] {strides = array<i32>} : memref<64x16xf32, #tpu.memory_space<vmem>>, vector<16xf32>,
        %gather3A_1551 = tpu.vector_load_idx %arg17[%add3A_708, %and3A_484] : memref<320x64xf32, #tpu.memory_space<vmem>>[vector<16xi32>, vector<16xi32>], vector<16xf32>,
        %gather3A_1552 = tpu.vector_load_idx %arg19[%add3A_708, %and3A_484] : memref<320x64xf32, #tpu.memory_space<vmem>>[vector<16xi32>, vector<16xi32>], vector<16xf32>,
        %mul3A_1553 = arith.mulf %get3A_1550, %gather3A_1551 : vector<16xf32>
        %add3A_1554 = arith.addf %add3A_1526, %mul3A_1553 : vector<16xf32>
        %mul3A_1555 = arith.mulf %gather3A_1551, %gather3A_1551 : vector<16xf32>
        %add3A_1556 = arith.addf %add3A_1528, %mul3A_1555 : vector<16xf32>
        %mul3A_1557 = arith.mulf %get3A_1550, %gather3A_1552 : vector<16xf32>
        %add3A_1558 = arith.addf %add3A_1530, %mul3A_1557 : vector<16xf32>
        %mul3A_1559 = arith.mulf %gather3A_1552, %gather3A_1552 : vector<16xf32>
        %add3A_1560 = arith.addf %add3A_1532, %mul3A_1559 : vector<16xf32>
        %get3A_1561 = arith.constant 61 : i32
        %get3A_1562 = arith.index_cast %get3A_1561 : i32 to index
        %get3A_1563 = arith.constant 0 : index
        %get3A_1564 = tpu.vector_load %arg10[%get3A_1562, %get3A_1563] {strides = array<i32>} : memref<64x16xf32, #tpu.memory_space<vmem>>, vector<16xf32>,
        %gather3A_1565 = tpu.vector_load_idx %arg17[%add3A_708, %and3A_490] : memref<320x64xf32, #tpu.memory_space<vmem>>[vector<16xi32>, vector<16xi32>], vector<16xf32>,
        %gather3A_1566 = tpu.vector_load_idx %arg19[%add3A_708, %and3A_490] : memref<320x64xf32, #tpu.memory_space<vmem>>[vector<16xi32>, vector<16xi32>], vector<16xf32>,
        %mul3A_1567 = arith.mulf %get3A_1564, %gather3A_1565 : vector<16xf32>
        %add3A_1568 = arith.addf %add3A_1540, %mul3A_1567 : vector<16xf32>
        %mul3A_1569 = arith.mulf %gather3A_1565, %gather3A_1565 : vector<16xf32>
        %add3A_1570 = arith.addf %add3A_1542, %mul3A_1569 : vector<16xf32>
        %mul3A_1571 = arith.mulf %get3A_1564, %gather3A_1566 : vector<16xf32>
        %add3A_1572 = arith.addf %add3A_1544, %mul3A_1571 : vector<16xf32>
        %mul3A_1573 = arith.mulf %gather3A_1566, %gather3A_1566 : vector<16xf32>
        %add3A_1574 = arith.addf %add3A_1546, %mul3A_1573 : vector<16xf32>
        %get3A_1575 = arith.constant 62 : i32
        %get3A_1576 = arith.index_cast %get3A_1575 : i32 to index
        %get3A_1577 = arith.constant 0 : index
        %get3A_1578 = tpu.vector_load %arg10[%get3A_1576, %get3A_1577] {strides = array<i32>} : memref<64x16xf32, #tpu.memory_space<vmem>>, vector<16xf32>,
        %gather3A_1579 = tpu.vector_load_idx %arg17[%add3A_708, %and3A_496] : memref<320x64xf32, #tpu.memory_space<vmem>>[vector<16xi32>, vector<16xi32>], vector<16xf32>,
        %gather3A_1580 = tpu.vector_load_idx %arg19[%add3A_708, %and3A_496] : memref<320x64xf32, #tpu.memory_space<vmem>>[vector<16xi32>, vector<16xi32>], vector<16xf32>,
        %mul3A_1581 = arith.mulf %get3A_1578, %gather3A_1579 : vector<16xf32>
        %add3A_1582 = arith.addf %add3A_1554, %mul3A_1581 : vector<16xf32>
        %mul3A_1583 = arith.mulf %gather3A_1579, %gather3A_1579 : vector<16xf32>
        %add3A_1584 = arith.addf %add3A_1556, %mul3A_1583 : vector<16xf32>
        %mul3A_1585 = arith.mulf %get3A_1578, %gather3A_1580 : vector<16xf32>
        %add3A_1586 = arith.addf %add3A_1558, %mul3A_1585 : vector<16xf32>
        %mul3A_1587 = arith.mulf %gather3A_1580, %gather3A_1580 : vector<16xf32>
        %add3A_1588 = arith.addf %add3A_1560, %mul3A_1587 : vector<16xf32>
        %get3A_1589 = arith.constant 63 : i32
        %get3A_1590 = arith.index_cast %get3A_1589 : i32 to index
        %get3A_1591 = arith.constant 0 : index
        %get3A_1592 = tpu.vector_load %arg10[%get3A_1590, %get3A_1591] {strides = array<i32>} : memref<64x16xf32, #tpu.memory_space<vmem>>, vector<16xf32>,
        %gather3A_1593 = tpu.vector_load_idx %arg17[%add3A_708, %and3A_502] : memref<320x64xf32, #tpu.memory_space<vmem>>[vector<16xi32>, vector<16xi32>], vector<16xf32>,
        %gather3A_1594 = tpu.vector_load_idx %arg19[%add3A_708, %and3A_502] : memref<320x64xf32, #tpu.memory_space<vmem>>[vector<16xi32>, vector<16xi32>], vector<16xf32>,
        %mul3A_1595 = arith.mulf %get3A_1592, %gather3A_1593 : vector<16xf32>
        %add3A_1596 = arith.addf %add3A_1568, %mul3A_1595 : vector<16xf32>
        %mul3A_1597 = arith.mulf %gather3A_1593, %gather3A_1593 : vector<16xf32>
        %add3A_1598 = arith.addf %add3A_1570, %mul3A_1597 : vector<16xf32>
        %mul3A_1599 = arith.mulf %get3A_1592, %gather3A_1594 : vector<16xf32>
        %add3A_1600 = arith.addf %add3A_1572, %mul3A_1599 : vector<16xf32>
        %mul3A_1601 = arith.mulf %gather3A_1594, %gather3A_1594 : vector<16xf32>
        %add3A_1602 = arith.addf %add3A_1574, %mul3A_1601 : vector<16xf32>
        %add3A_1603 = arith.addf %add3A_1582, %add3A_1596 : vector<16xf32>
        %add3A_1604 = arith.addf %add3A_1584, %add3A_1598 : vector<16xf32>
        %add3A_1605 = arith.addf %add3A_1586, %add3A_1600 : vector<16xf32>
        %add3A_1606 = arith.addf %add3A_1588, %add3A_1602 : vector<16xf32>
        %mul3A_1607 = arith.mulf %add3A_698, %add3A_1604 : vector<16xf32>
        %max3A = arith.constant 1.000000e-16 : f32
        %max3A_1608 = vector.broadcast %max3A : f32 to vector<16xf32>
        %max3A_1609 = arith.maximumf %mul3A_1607, %max3A_1608 : vector<16xf32>
        %bitcast3A = vector.bitcast %max3A_1609 : vector<16xf32> to vector<16xi32>
        %shift_right_arithmetic3A = arith.constant 1 : i32
        %shift_right_arithmetic3A_1610 = vector.broadcast %shift_right_arithmetic3A : i32 to vector<16xi32>
        %shift_right_arithmetic3A_1611 = arith.shrsi %bitcast3A, %shift_right_arithmetic3A_1610 : vector<16xi32>
        %sub3A = arith.constant 1597463007 : i32
        %sub3A_1612 = vector.broadcast %sub3A : i32 to vector<16xi32>
        %sub3A_1613 = arith.subi %sub3A_1612, %shift_right_arithmetic3A_1611 : vector<16xi32>
        %bitcast3A_1614 = vector.bitcast %sub3A_1613 : vector<16xi32> to vector<16xf32>
        %mul3A_1615 = arith.constant 5.000000e-01 : f32
        %mul3A_1616 = vector.broadcast %mul3A_1615 : f32 to vector<16xf32>
        %mul3A_1617 = arith.mulf %max3A_1609, %mul3A_1616 : vector<16xf32>
        %mul3A_1618 = arith.mulf %mul3A_1617, %bitcast3A_1614 : vector<16xf32>
        %mul3A_1619 = arith.mulf %mul3A_1618, %bitcast3A_1614 : vector<16xf32>
        %sub3A_1620 = arith.constant 1.500000e+00 : f32
        %sub3A_1621 = vector.broadcast %sub3A_1620 : f32 to vector<16xf32>
        %sub3A_1622 = arith.subf %sub3A_1621, %mul3A_1619 : vector<16xf32>
        %mul3A_1623 = arith.mulf %bitcast3A_1614, %sub3A_1622 : vector<16xf32>
        %mul3A_1624 = arith.mulf %mul3A_1617, %mul3A_1623 : vector<16xf32>
        %mul3A_1625 = arith.mulf %mul3A_1624, %mul3A_1623 : vector<16xf32>
        %sub3A_1626 = arith.constant 1.500000e+00 : f32
        %sub3A_1627 = vector.broadcast %sub3A_1626 : f32 to vector<16xf32>
        %sub3A_1628 = arith.subf %sub3A_1627, %mul3A_1625 : vector<16xf32>
        %mul3A_1629 = arith.mulf %mul3A_1623, %sub3A_1628 : vector<16xf32>
        %mul3A_1630 = arith.mulf %mul3A_1617, %mul3A_1629 : vector<16xf32>
        %mul3A_1631 = arith.mulf %mul3A_1630, %mul3A_1629 : vector<16xf32>
        %sub3A_1632 = arith.constant 1.500000e+00 : f32
        %sub3A_1633 = vector.broadcast %sub3A_1632 : f32 to vector<16xf32>
        %sub3A_1634 = arith.subf %sub3A_1633, %mul3A_1631 : vector<16xf32>
        %mul3A_1635 = arith.mulf %mul3A_1629, %sub3A_1634 : vector<16xf32>
        %mul3A_1636 = arith.mulf %add3A_1603, %mul3A_1635 : vector<16xf32>
        %mul3A_1637 = arith.mulf %add3A_698, %add3A_1606 : vector<16xf32>
        %max3A_1638 = arith.constant 1.000000e-16 : f32
        %max3A_1639 = vector.broadcast %max3A_1638 : f32 to vector<16xf32>
        %max3A_1640 = arith.maximumf %mul3A_1637, %max3A_1639 : vector<16xf32>
        %bitcast3A_1641 = vector.bitcast %max3A_1640 : vector<16xf32> to vector<16xi32>
        %shift_right_arithmetic3A_1642 = arith.constant 1 : i32
        %shift_right_arithmetic3A_1643 = vector.broadcast %shift_right_arithmetic3A_1642 : i32 to vector<16xi32>
        %shift_right_arithmetic3A_1644 = arith.shrsi %bitcast3A_1641, %shift_right_arithmetic3A_1643 : vector<16xi32>
        %sub3A_1645 = arith.constant 1597463007 : i32
        %sub3A_1646 = vector.broadcast %sub3A_1645 : i32 to vector<16xi32>
        %sub3A_1647 = arith.subi %sub3A_1646, %shift_right_arithmetic3A_1644 : vector<16xi32>
        %bitcast3A_1648 = vector.bitcast %sub3A_1647 : vector<16xi32> to vector<16xf32>
        %mul3A_1649 = arith.constant 5.000000e-01 : f32
        %mul3A_1650 = vector.broadcast %mul3A_1649 : f32 to vector<16xf32>
        %mul3A_1651 = arith.mulf %max3A_1640, %mul3A_1650 : vector<16xf32>
        %mul3A_1652 = arith.mulf %mul3A_1651, %bitcast3A_1648 : vector<16xf32>
        %mul3A_1653 = arith.mulf %mul3A_1652, %bitcast3A_1648 : vector<16xf32>
        %sub3A_1654 = arith.constant 1.500000e+00 : f32
        %sub3A_1655 = vector.broadcast %sub3A_1654 : f32 to vector<16xf32>
        %sub3A_1656 = arith.subf %sub3A_1655, %mul3A_1653 : vector<16xf32>
        %mul3A_1657 = arith.mulf %bitcast3A_1648, %sub3A_1656 : vector<16xf32>
        %mul3A_1658 = arith.mulf %mul3A_1651, %mul3A_1657 : vector<16xf32>
        %mul3A_1659 = arith.mulf %mul3A_1658, %mul3A_1657 : vector<16xf32>
        %sub3A_1660 = arith.constant 1.500000e+00 : f32
        %sub3A_1661 = vector.broadcast %sub3A_1660 : f32 to vector<16xf32>
        %sub3A_1662 = arith.subf %sub3A_1661, %mul3A_1659 : vector<16xf32>
        %mul3A_1663 = arith.mulf %mul3A_1657, %sub3A_1662 : vector<16xf32>
        %mul3A_1664 = arith.mulf %mul3A_1651, %mul3A_1663 : vector<16xf32>
        %mul3A_1665 = arith.mulf %mul3A_1664, %mul3A_1663 : vector<16xf32>
        %sub3A_1666 = arith.constant 1.500000e+00 : f32
        %sub3A_1667 = vector.broadcast %sub3A_1666 : f32 to vector<16xf32>
        %sub3A_1668 = arith.subf %sub3A_1667, %mul3A_1665 : vector<16xf32>
        %mul3A_1669 = arith.mulf %mul3A_1663, %sub3A_1668 : vector<16xf32>
        %mul3A_1670 = arith.mulf %add3A_1605, %mul3A_1669 : vector<16xf32>
        %sub3A_1671 = arith.constant 1.000000e+00 : f32
        %sub3A_1672 = vector.broadcast %sub3A_1671 : f32 to vector<16xf32>
        %sub3A_1673 = arith.subf %sub3A_1672, %mul3A_1636 : vector<16xf32>
        %max3A_1674 = arith.constant 0.000000e+00 : f32
        %max3A_1675 = vector.broadcast %max3A_1674 : f32 to vector<16xf32>
        %max3A_1676 = arith.maximumf %mul3A_1670, %max3A_1675 : vector<16xf32>
        %add3A_1677 = arith.addf %sub3A_1673, %max3A_1676 : vector<16xf32>
        %add3A_1678 = arith.addf %scan3A_706, %add3A_1677 : vector<16xf32>
        scf.yield %add3A_1678 : vector<16xf32>
      }
      %scan3A_704 = arith.constant 20 : i32
      scf.yield %scan3A_703 : vector<16xf32>
    }
    %scan3A_508 = arith.constant 16 : i32
    %swap3A = arith.constant 0 : index
    %swap3A_509 = tpu.vector_load %arg11[%swap3A] {strides = array<i32>} : memref<16xf32, #tpu.memory_space<vmem>>, vector<16xf32>,
    tpu.vector_store %arg11[%swap3A], %scan3A_507 {strides = array<i32>} : memref<16xf32, #tpu.memory_space<vmem>>, vector<16xf32>,
    "tpu.region"() ({
      %run_scoped3A = tpu.sem_alloc : memref<!tpu.dma_semaphore, #tpu.memory_space<semaphore_mem>>
      %dma_start3A_510 = arith.constant 0 : i32
      %dma_start3A_511 = tpu.memref_slice %arg7[%add3A, %dma_start3A_510] : memref<32x16xf32, #tpu.memory_space<hbm>> -> memref<1x16xf32, #tpu.memory_space<hbm>>
      %dma_start3A_512 = tpu.memref_squeeze %dma_start3A_511 : memref<1x16xf32, #tpu.memory_space<hbm>> -> memref<16xf32, #tpu.memory_space<hbm>>
      %dma_start3A_513 = arith.constant 0 : i32
      %dma_start3A_514 = tpu.memref_slice %arg7[%add3A, %dma_start3A_513] : memref<32x16xf32, #tpu.memory_space<hbm>> -> memref<1x16xf32, #tpu.memory_space<hbm>>
      %dma_start3A_515 = tpu.memref_squeeze %dma_start3A_514 : memref<1x16xf32, #tpu.memory_space<hbm>> -> memref<16xf32, #tpu.memory_space<hbm>>
      tpu.enqueue_dma source(%arg11 : memref<16xf32, #tpu.memory_space<vmem>>) target(%dma_start3A_515 : memref<16xf32, #tpu.memory_space<hbm>>) target_semaphore(%run_scoped3A : memref<!tpu.dma_semaphore, #tpu.memory_space<semaphore_mem>>)
      %dma_wait3A_516 = arith.constant 0 : i32
      %dma_wait3A_517 = tpu.memref_slice %arg7[%add3A, %dma_wait3A_516] : memref<32x16xf32, #tpu.memory_space<hbm>> -> memref<1x16xf32, #tpu.memory_space<hbm>>
      %dma_wait3A_518 = tpu.memref_squeeze %dma_wait3A_517 : memref<1x16xf32, #tpu.memory_space<hbm>> -> memref<16xf32, #tpu.memory_space<hbm>>
      %dma_wait3A_519 = arith.constant 0 : i32
      %dma_wait3A_520 = tpu.memref_slice %arg7[%add3A, %dma_wait3A_519] : memref<32x16xf32, #tpu.memory_space<hbm>> -> memref<1x16xf32, #tpu.memory_space<hbm>>
      %dma_wait3A_521 = tpu.memref_squeeze %dma_wait3A_520 : memref<1x16xf32, #tpu.memory_space<hbm>> -> memref<16xf32, #tpu.memory_space<hbm>>
      tpu.wait_dma2 semaphore(%run_scoped3A : memref<!tpu.dma_semaphore, #tpu.memory_space<semaphore_mem>>) src(%arg11 : memref<16xf32, #tpu.memory_space<vmem>>) dst(%dma_wait3A_521 : memref<16xf32, #tpu.memory_space<hbm>>)
      tpu.yield
    }) : () -> ()
    return
  }
}

</mosaic_0001>

<sc_bundles>
// kernel: _sc_partials.3.cloned.1.call-start
scs
__scs_entry_jumppad:
0x0: {  	(pc) =	sbr.rel $0x88, $3  }
0x1: {  	(tag) =	ssettag $0x0;
	lr =	simm.s32 $0x1  }
0x2: {  	[smem:$0x3F9C] =	sst lr;
	_ =	strace $0xD0000000  }
0x3: {  	_ = 	snop  }
0x4: {  	_ = 	snop  }
0x5: {  	_ = 	snop  }
0x6: {  	_ = 	snop  }
0x7: {  	_ = 	snop  }
__scs_overlays_trampoline_lowered:
0x8: {  	[smem:$0x3FAB] =	sst s0  }
0x9: {  	[smem:$0x3FAC] =	sst s1  }
0xa: {  	[smem:$0x3FAD] =	sst s2  }
0xb: {  	[smem:$0x3FAE] =	sst s3  }
0xc: {  	[smem:$0x3FAF] =	sst s4  }
0xd: {  	[smem:$0x3FB0] =	sst s5  }
0xe: {  	[smem:$0x3FB1] =	sst s6  }
0xf: {  	[smem:$0x3FB2] =	sst s7  }
0x10: {  	[smem:$0x3FB3] =	sst s8  }
0x11: {  	[smem:$0x3FB4] =	sst s9;
	s0 =	simm.s32 @!p0 $0x0  }
0x12: {  	s1 =	sld [smem:$0x3F9A];
	s0 =	simm.s32 @p0 $0x1  }
0x13: {  	[smem:$0x3FB5] =	sst s0;
	s0 =	simm.s32 @!p1 $0x0  }
0x14: {  	s2 =	sld [smem:$0x3F99];
	s0 =	simm.s32 @p1 $0x1  }
0x15: {  	[smem:$0x3FB6] =	sst s0;
	s0 =	simm.s32 @!p2 $0x0  }
0x16: {  	s3 =	sld [smem:$0x3FDB];
	s0 =	simm.s32 @p2 $0x1  }
0x17: {  	s4 =	simm.s32 $0x1BF5;
	[smem:$0x3FB8] =	sst s0  }
0x18: {  	s0 =	sld [smem:$0x3F9B];
	_ =	swait.ge [sflag:s4], $0x0  }
0x19: {  	s7 =	sld [smem:$0x3F9C]  }
0x1a: {  	s8 =	sadd.s32 $0xFFFFE003, lr  }
0x1b: {  	s9 =	sadd.s32 $0xFFFFFEF7, lr;
	s5 =	simm.s32 $0xFFFFFFFF;
	p2 =	slt.u32 s8, $0xFFFFF086  }
0x1c: {  	p1 =	slt.u32 s9, $0xF7A;
	s5 =	simm.s32 @!p2 $0x0  }
0x1d: {  	s5 =	simm.s32 @p1 $0x1;
	p0 =	seq.s32 s7, s2  }
0x1e: {  	s7 =	smul.u32 @!p0 $0xF7A, s2;
	p2 =	seq.s32 @!p0 s5, $0x0  }
0x1f: {  	s9 =	smul.u32 $0xF7A, s1;
	s8 =	simm.s32 @!p0 $0x1BF5;
	p2 =	por !p2, p0  }
0x20: {  	[sflag:s8] =	ssyncset.s32 @!p0 $0xFFFFF086;
	s6 =	sadd.s32 @!p0 s3, s7;
	s7 =	simm.s32 @!p0 $0x108  }
0x21: {  	s3 =	sadd.s32 s3, s9;
	s6 =	sadd.s32 @!p0 $0x88, s6;
	s7 =	simm.s32 @p2 $0x1082  }
0x22: {  	[simem:s7], [sflag:s8] =	dma.local @!p0 [hbm:s6], $0xF7A  }
0x23: {  	s9 =	sor.u32 $0xD0000000, s2;
	s6 =	simm.s32 $0x108;
	_ =	swait.ge @!p0 [sflag:s8], $0x0  }
0x24: {  	s3 =	sadd.s32 $0x88, s3;
	s6 =	simm.s32 @!p1 $0x1082;
	[sflag:s4] =	ssyncset.s32 $0xFFFFF086  }
0x25: {  	[simem:s6], [sflag:s4] =	dma.local [hbm:s3], $0xF7A  }
0x26: {  	[smem:$0x3F9C] =	sst s1;
	(tag) =	ssettag s2;
	_ =	strace s9  }
0x27: {  	s1 =	sld [smem:$0x3FAC]  }
0x28: {  	s2 =	sld [smem:$0x3FAD]  }
0x29: {  	s4 =	sld [smem:$0x3FAF]  }
0x2a: {  	p0 =	seq.s32 s5, $0x0;
	s5 =	sld [smem:$0x3FB0]  }
0x2b: {  	s6 =	sld [smem:$0x3FB1]  }
0x2c: {  	s7 =	sld [smem:$0x3FB2]  }
0x2d: {  	s3 =	simm.s32 $0x108;
	s8 =	sld [smem:$0x3FB3]  }
0x2e: {  	s3 =	simm.s32 @!p0 $0x1082;
	s9 =	sld [smem:$0x3FB4]  }
0x2f: {  	lr =	sadd.s32 s0, s3;
	s0 =	sld [smem:$0x3FAB]  }
0x30: {  	s3 =	sld [smem:$0x3FAE]  }
0x31: {  	[smem:$0x3FB7] =	sst s10  }
0x32: {  	s10 =	sld [smem:$0x3FB5];
	_ =	sdelay $0x3  }
0x33: {  	p0 =	seq.s32 s10, $0x1;
	s10 =	sld [smem:$0x3FB7];
	_ =	sdelay $0x3  }
0x34: {  	[smem:$0x3FB7] =	sst s10  }
0x35: {  	s10 =	sld [smem:$0x3FB6];
	_ =	sdelay $0x3  }
0x36: {  	p1 =	seq.s32 s10, $0x1;
	s10 =	sld [smem:$0x3FB7];
	_ =	sdelay $0x3  }
0x37: {  	[smem:$0x3FB7] =	sst s10  }
0x38: {  	s10 =	sld [smem:$0x3FB8]  }
0x39: {  	_ = 	snop;
	(pc) =	sbr.ind lr, $3  }
0x3a: {  	_ = 	snop  }
0x3b: {  	_ = 	snop  }
0x3c: {  	p2 =	seq.s32 s10, $0x1;
	s10 =	sld [smem:$0x3FB7]  }
0x3d: {  	_ =	shalt  }
0x3e: {  	_ =	shalt  }
0x3f: {  	_ =	shalt  }
0x40: {  	_ =	shalt  }
0x41: {  	_ =	shalt  }
0x42: {  	_ =	shalt  }
0x43: {  	_ =	shalt  }
0x44: {  	_ =	shalt  }
0x45: {  	_ =	shalt  }
0x46: {  	_ =	shalt  }
0x47: {  	_ =	shalt  }
0x48: {  	_ =	shalt  }
0x49: {  	_ =	shalt  }
0x4a: {  	_ =	shalt  }
0x4b: {  	_ =	shalt  }
0x4c: {  	_ =	shalt  }
0x4d: {  	_ =	shalt  }
0x4e: {  	_ =	shalt  }
0x4f: {  	_ =	shalt  }
0x50: {  	_ =	shalt  }
0x51: {  	_ =	shalt  }
0x52: {  	_ =	shalt  }
0x53: {  	_ =	shalt  }
0x54: {  	_ =	shalt  }
0x55: {  	_ =	shalt  }
0x56: {  	_ =	shalt  }
0x57: {  	_ =	shalt  }
0x58: {  	_ =	shalt  }
0x59: {  	_ =	shalt  }
0x5a: {  	_ =	shalt  }
0x5b: {  	_ =	shalt  }
0x5c: {  	_ =	shalt  }
0x5d: {  	_ =	shalt  }
0x5e: {  	_ =	shalt  }
0x5f: {  	_ =	shalt  }
0x60: {  	_ =	shalt  }
0x61: {  	_ =	shalt  }
0x62: {  	_ =	shalt  }
0x63: {  	_ =	shalt  }
0x64: {  	_ =	shalt  }
0x65: {  	_ =	shalt  }
0x66: {  	_ =	shalt  }
0x67: {  	_ =	shalt  }
0x68: {  	_ =	shalt  }
0x69: {  	_ =	shalt  }
0x6a: {  	_ =	shalt  }
0x6b: {  	_ =	shalt  }
0x6c: {  	_ =	shalt  }
0x6d: {  	_ =	shalt  }
0x6e: {  	_ =	shalt  }
0x6f: {  	_ =	shalt  }
0x70: {  	_ =	shalt  }
0x71: {  	_ =	shalt  }
0x72: {  	_ =	shalt  }
0x73: {  	_ =	shalt  }
0x74: {  	_ =	shalt  }
0x75: {  	_ =	shalt  }
0x76: {  	_ =	shalt  }
0x77: {  	_ =	shalt  }
0x78: {  	_ =	shalt  }
0x79: {  	_ =	shalt  }
0x7a: {  	_ =	shalt  }
0x7b: {  	_ =	shalt  }
0x7c: {  	_ =	shalt  }
0x7d: {  	_ =	shalt  }
0x7e: {  	_ =	shalt  }
0x7f: {  	_ =	shalt  }
0x80: {  	_ =	shalt  }
0x81: {  	_ =	shalt  }
0x82: {  	_ =	shalt  }
0x83: {  	_ =	shalt  }
0x84: {  	_ =	shalt  }
0x85: {  	_ =	shalt  }
0x86: {  	_ =	shalt  }
0x87: {  	_ =	shalt  }
.Lfunc_end0:
.L_simem_size_0:
called_computation_lowered:
.L_overlay_start_0:
0x88: {  	s2 =	sld [smem:$0x3FD9]  }
0x89: {  	s3 =	sld [smem:$0x3FFE];
	_ =	sdelay $0x1  }
0x8a: {  	s1 =	srdreg.scid  }
0x8b: {  	s0 =	sand.u32 $0x1, s1  }
0x8c: {  	s17 =	sshll.u32 s0, $0xA;
	s2 =	sadd.s32 s3, s2  }
0x8d: {  	s2 =	sadd.s32 s2, s17  }
0x8e: {  	[smem:$0x3FC3] =	sst s2  }
0x8f: {  	_ = 	snop  }
0x90: {  	s2 =	sld [smem:$0x3FC7]  }
0x91: {  	s18 =	sld [smem:$0x3FC6]  }
0x92: {  	s4 =	sld [smem:$0x3FC5]  }
0x93: {  	s5 =	sld [smem:$0x3FD0];
	(tm) =	ssettm $0x1  }
0x94: {  	s6 =	sld [smem:$0x3FFB];
	_ =	sdelay $0x3  }
0x95: {  	_ =	strace s6  }
0x96: {  	s6 =	sld [smem:$0x3FFC];
	_ =	sdelay $0x3  }
0x97: {  	_ =	strace s6  }
0x98: {  	s6 =	sld [smem:$0x3FFD];
	_ =	sdelay $0x3  }
0x99: {  	_ =	strace s6  }
0x9a: {  	_ =	strace $0x8FFFFFFF  }
0x9b: {  	s19 =	sld [smem:$0x3FDB];
	_ =	sdelay $0x1  }
0x9c: {  	s7 =	simm.s32 $_scs_section_size  }
0x9d: {  	s8 =	simm.s32 $_size__tile_overlayer_lowered;
	s9 =	simm.s32 $_tile_overlayer_lowered  }
0x9e: {  	s22 =	simm.s32 $0x1BFF;
	s21 =	sshll.u32 s9, $0x1;
	s6 =	sadd.s32 s7, s19  }
0x9f: {  	s10 =	simm.s32 $0x0;
	s20 =	sshll.u32 s8, $0x1;
	s8 =	sadd.s32 s21, s6  }
0xa0: {  	[timem:s10], [sflag:s22] =	dma.local [hbm:s8], s20  }
0xa1: {  	_ =	swait.ge [sflag:s22], s20  }
0xa2: {  	s7 =	ssub.s32 $0x0, s20;
	[sflag:s22] =	ssyncset.done $0x0  }
0xa3: {  	[sflag:s22] =	ssyncadd.s32 s7;
	_ =	sdelay $0x1  }
0xa4: {  	s23 =	simm.s32 $0x1B8B  }
0xa5: {  	_ =	swait.ge [sflag:s23], $0x1  }
0xa6: {  	[sflag:s23] =	ssyncset.done $0x0  }
0xa7: {  	s25 =	simm.s32 $0x1B8E;
	s24 =	sld [smem:$0x3FFE];
	[sflag:s23] =	ssyncadd.s32 $0xFFFFFFFF  }
0xa8: {  	s26 =	simm.s32 $execute0_lowered;
	[smem:$0x3FD2] =	sst s25  }
0xa9: {  	s8 =	sshll.u32 s26, $0x1;
	_ =	strace $0x80000046;
	[dreg:$0x1] =	wrdreg $0xFFFFFFFF  }
0xaa: {  	s28 =	simm.s32 $_size_execute0_lowered;
	s6 =	sadd.s32 s6, s8;
	[dreg:$0x0] =	wrdreg $0x0  }
0xab: {  	s8 =	sshll.u32 s28, $0x1;
	[dreg:$0x2] =	wrdreg s6  }
0xac: {  	[dreg:$0x3] =	wrdreg s8  }
0xad: {  	[dreg:$0x4] =	wrdreg $0xC0  }
0xae: {  	_ =	task [dreg:s10], $0x5FFFF  }
0xaf: {  	[dreg:$0x1] =	wrdreg $0xFFFFFFFF  }
0xb0: {  	[dreg:$0x0] =	wrdreg $0x60  }
0xb1: {  	[dreg:$0x2] =	wrdreg s24  }
0xb2: {  	[dreg:$0x3] =	wrdreg s2  }
0xb3: {  	[dreg:$0x4] =	wrdreg s18  }
0xb4: {  	[dreg:$0x5] =	wrdreg s4  }
0xb5: {  	[dreg:$0x6] =	wrdreg s5  }
0xb6: {  	[dreg:$0x7] =	wrdreg $0x9  }
0xb7: {  	_ =	task.clear_ibuf [dreg:s10], $0x8FFFF;
	_ =	strace $0x90000046  }
0xb8: {  	s29 =	simm.s32 $0x9;
	_ =	strace $0x80000048  }
0xb9: {  	_ =	swait.ge [sflag:s29], $0x1  }
0xba: {  	[sflag:s29] =	ssyncadd.s32 $0xFFFFFFFF  }
0xbb: {  	_ =	strace $0x90000048  }
0xbc: {  	_ =	sfence  }
0xbd: {  	s30 =	sld [smem:$0x0];
	_ =	sdelay $0x2  }
0xbe: {  	s31 =	sshll.u32 s1, $0xD;
	s1 =	sshrl.u32 s1, $0x2  }
0xbf: {  	s3 =	sand.u32 $0x4000, s31;
	s1 =	sadd.s32 s1, s30  }
0xc0: {  	s0 =	sor.u32 s3, s0;
	s1 =	sshll.u32 s1, $0x11  }
0xc1: {  	s0 =	sor.u32 s1, s0  }
0xc2: {  	s0 =	sadd.s32 $0x8F2B, s0  }
0xc3: {  	[sflag:s0] =	ssyncadd.remote.s32 $0x1  }
0xc4: {  	_ =	sfence.sel $0xFFFF  }
0xc5: {  	[dreg:$0x0] =	wrdreg $0xFFFFFFFF;
	(pc) =	sbr.abs _section_cstart, $3  }
0xc6: {  	[dreg:$0x1] =	wrdreg $0xFFFFFFFF  }
0xc7: {  	_ =	task.clear_ibuf [dreg:s10], $0x2FFFF;
	_ =	strace $0x9FFFFFFF  }
0xc8: {  	(tm) =	ssettm $0x7FFFFFFF  }
0xc9: {  	_ =	shalt  }
tec
execute0_lowered:
.L_overlay_start_1:
0x0: {  	(tag) =	ssettag $0x1  }
0x1: {  	v0 =	vlaneseq.u32  }
0x2: {  	v1 =	vmul.u32 $0x40, v0;
	_ =	sdelay $0x1  }
0x3: {  	[tilespmem:$0x1FCC0] =	vst v1;
	v1 =	vand.u32 $0x7, v0  }
0x4: {  	v2 =	vimm.s32 $0x38373635;
	[tilespmem:$0x1FCD0] =	vst v1;
	v1 =	vimm.s32 $0x34333231  }
0x5: {  	v41 =	vunpack.c.0.s8.s32 v2;
	v1 =	vunpack.c.0.s8.s32 v1  }
0x6: {  	vm0 =	vcmask $0x1F10  }
0x7: {  	v18 =	vsel vm0, v41, v1;
	v1 =	vimm.s32 $0x3C3B3A39  }
0x8: {  	v2 =	vimm.s32 $0x35343332;
	v14 =	vunpack.c.0.s8.s32 v1;
	v1 =	vimm.s32 $0x3F3E3D  }
0x9: {  	v17 =	vunpack.c.0.s8.s32 v1;
	v1 =	vunpack.c.0.s8.s32 v2;
	v2 =	vimm.s32 $0x39383736  }
0xa: {  	v5 =	vunpack.c.0.s8.s32 v2  }
0xb: {  	v3 =	vimm.s32 $0x3A393837  }
0xc: {  	v4 =	vimm.s32 $0x3D3C3B3A;
	v3 =	vunpack.c.0.s8.s32 v3;
	v1 =	vsel vm0, v5, v1  }
0xd: {  	v2 =	vimm.s32 $0x36353433;
	[tilespmem:$0x1FCF0] =	vst v1;
	v1 =	vunpack.c.0.s8.s32 v4  }
0xe: {  	v32 =	vimm.s32 $0x3B3A3938;
	[tilespmem:$0x1FD10] =	vst v3;
	v2 =	vunpack.c.0.s8.s32 v2  }
0xf: {  	s2 =	rddreg [dreg:$0x0];
	v4 =	vunpack.c.0.s8.s32 v32;
	[tilespmem:$0x1FD00] =	vst v1;
	v1 =	vimm.s32 $0x1003F3E  }
0x10: {  	s3 =	rddreg [dreg:$0x1];
	[tilespmem:$0x1FCE0] =	vst v5;
	v9 =	vunpack.c.0.s8.s32 v1;
	v1 =	vsel vm0, v3, v2;
	v2 =	vimm.s32 $0x3E3D3C3B  }
0x11: {  	s0 =	rddreg [dreg:$0x2];
	[tilespmem:$0x1FD40] =	vst v4;
	v3 =	vimm.s32 $0x3F3E3D3C;
	v2 =	vunpack.c.0.s8.s32 v2  }
0x12: {  	s1 =	rddreg [dreg:$0x3];
	s4 =	simm.s32 $0x0;
	[tilespmem:$0x1FD20] =	vst v1;
	v8 =	vunpack.c.0.s8.s32 v3  }
0x13: {  	v33 =	vimm.s32 $0x201003F;
	[smem:$0x7FF] =	sst s4;
	[tilespmem:$0x1FD30] =	vst v2  }
0x14: {  	s5 =	rddreg [dreg:$0x4];
	v13 =	vunpack.c.0.s8.s32 v33;
	_ =	strace $0x80000047;
	[tilespmem:$0x1FD70] =	vst v8  }
0x15: {  	[tilespmem:$0x1FDA0] =	vst v9  }
0x16: {  	v19 =	vmul.u32 $0x500, v0;
	v52 =	vadd.s32 $0xA, v0;
	[tilespmem:$0x1FDC0] =	vst v13  }
0x17: {  	[tilespmem:$0x1FE30] =	vst v52  }
0x18: {  	v20 =	vadd.s32 $0x1, v0;
	[tilespmem:$0x1FE40] =	vst v19  }
0x19: {  	v21 =	vadd.s32 $0x2, v0;
	[tilespmem:$0x1FE50] =	vst v20  }
0x1a: {  	v25 =	vadd.s32 $0x3, v0;
	[tilespmem:$0x1FE60] =	vst v21  }
0x1b: {  	[tilespmem:$0x1FE70] =	vst v25  }
0x1c: {  	[tilespmem:$0x1FE80] =	vst v41  }
0x1d: {  	v27 =	vadd.s32 $0x4, v0;
	[tilespmem:$0x1FE90] =	vst v18  }
0x1e: {  	[tilespmem:$0x1FEA0] =	vst v27  }
0x1f: {  	v29 =	vadd.s32 $0x5, v0;
	[tilespmem:$0x1FEB0] =	vst v17  }
0x20: {  	v34 =	vadd.s32 $0x6, v0;
	[tilespmem:$0x1FED0] =	vst v29  }
0x21: {  	v45 =	vadd.s32 $0x9, v0;
	[tilespmem:$0x1FEE0] =	vst v34  }
0x22: {  	v35 =	vimm.s32 $0x5040302;
	v36 =	vimm.s32 $0x32107654;
	v55 =	vadd.s32 $0xC, v0;
	[tilespmem:$0x1FEF0] =	vst v45  }
0x23: {  	v37 =	vimm.s32 $0x43218765;
	v38 =	vimm.s32 $0x87654321;
	v56 =	vadd.s32 $0xD, v0;
	[tilespmem:$0x1FF00] =	vst v55  }
0x24: {  	vm2 =	vcmask $0x2F10;
	v6 =	vimm.s32 $0xB0A0908;
	v7 =	vimm.s32 $0x54329876;
	[tilespmem:$0x1FF10] =	vst v56  }
0x25: {  	vm1 =	vcmask $0x3F30;
	v40 =	vimm.s32 $0xC0B0A09;
	v57 =	vadd.s32 $0xE, v0;
	[tilespmem:$0x1FF20] =	vst v14  }
0x26: {  	v58 =	vadd.s32 $0xF, v0;
	v1 =	vimm.s32 $0x3020100;
	v3 =	vimm.s32 $0x37363534;
	[tilespmem:$0x1FF30] =	vst v57  }
0x27: {  	v59 =	vor.u32 $0x10, v0;
	v1 =	vunpack.c.0.s8.s32 v1;
	v3 =	vunpack.c.0.s8.s32 v3;
	[tilespmem:$0x1FF40] =	vst v58  }
0x28: {  	v39 =	vadd.s32 $0x7, v0;
	v44 =	vadd.s32 $0x8, v0;
	v60 =	vadd.s32 $0x11, v0;
	[tilespmem:$0x1FF50] =	vst v59  }
0x29: {  	v1 =	vsel vm0, v1, v8;
	v2 =	vsel vm0, v4, v3;
	v3 =	vimm.s32 $0x4030201;
	[tilespmem:$0x1FF60] =	vst v60  }
0x2a: {  	[tilespmem:$0x1FF70] =	vst v39;
	v3 =	vunpack.c.0.s8.s32 v3;
	v46 =	vcombine.low v2, v1;
	v2 =	vunpack.c.l.s4.s8 v36  }
0x2b: {  	v43 =	vimm.s32 $0x6543A987;
	v61 =	vadd.s32 $0x12, v0;
	v4 =	vunpack.c.0.s8.s32 v35;
	[tilespmem:$0x1FF80] =	vst v44  }
0x2c: {  	v47 =	vimm.s32 $0xD0C0B0A;
	[tilespmem:$0x1FF90] =	vst v61;
	v3 =	vsel vm0, v3, v17;
	v2 =	vunpack.c.0.s8.s32 v2  }
0x2d: {  	v62 =	vadd.s32 $0x13, v0;
	[tilespmem:$0x1FD50] =	vst v3;
	v3 =	vsel vm0, v4, v9;
	v4 =	vunpack.c.l.s4.s8 v37  }
0x2e: {  	v63 =	vadd.s32 $0x14, v0;
	v6 =	vunpack.c.0.s8.s32 v6;
	[tilespmem:$0x1FFA0] =	vst v62;
	v2 =	vand.u32 $0xF, v2  }
0x2f: {  	v54 =	vadd.s32 $0xB, v0;
	[tilespmem:$0x1FFB0] =	vst v63;
	v4 =	vunpack.c.0.s8.s32 v4;
	v2 =	vsel vm2, v2, v8  }
0x30: {  	s6 =	srdreg.scid;
	s7 =	stileid.u32;
	s14 =	simm.s32 $0x6;
	v49 =	vimm.s32 $0x98765432;
	v7 =	vunpack.c.l.s4.s8 v7;
	[tilespmem:$0x1FFC0] =	vst v54;
	v2 =	vsel vm1, v6, v2  }
0x31: {  	s15 =	simm.s32 $0x80;
	s16 =	simm.s32 $0x200;
	s31 =	simm.s32 $0x40;
	v10 =	vadd.s32 $0x15, v0;
	[tilespmem:$0x1FD80] =	vst v2;
	v2 =	vand.u32 $0xF, v4;
	v4 =	vunpack.c.0.s8.s32 v40  }
0x32: {  	s20 =	simm.s32 $0x8750;
	s21 =	simm.s32 $0x89D0;
	s28 =	simm.s32 $0x17B10;
	v11 =	vadd.s32 $0x16, v0;
	v42 =	vunpack.c.0.s8.s32 v7;
	[tilespmem:$0x1FFD0] =	vst v10;
	v2 =	vsel vm2, v2, v17  }
0x33: {  	s17 =	simm.s32 $0x8850;
	s18 =	simm.s32 $0x11B10;
	s12 =	simm.s32 $0x5;
	v12 =	vadd.s32 $0x17, v0;
	v48 =	vunpack.c.0.s8.s32 v47;
	[tilespmem:$0x1FFE0] =	vst v11;
	v2 =	vsel vm1, v4, v2  }
0x34: {  	s6 =	sand.u32 $0x1, s6;
	s7 =	sshll.u32 s7, $0x1;
	s22 =	sadd.s32 $0xF42800, s2;
	v50 =	vunpack.c.l.s4.s8 v49;
	v1 =	vimm.s32 $0x6050403;
	[tilespmem:$0x1FD90] =	vst v2;
	v2 =	vand.u32 $0xF, v42  }
0x35: {  	s8 =	ssub.s32 $0x2, s6;
	s9 =	sor.u32 s6, s7;
	s6 =	sadd.s32 $0x16E3A00, s2;
	v1 =	vunpack.c.0.s8.s32 v1;
	[tilespmem:$0x1FD60] =	vst v3;
	v3 =	vimm.s32 $0x76543210;
	v2 =	vsel vm2, v2, v9  }
0x36: {  	s23 =	sshrl.u32 s8, $0x1;
	s10 =	smul.u32 $0x500, s9;
	s25 =	sshll.u32 s9, $0x6;
	v5 =	vunpack.c.l.s4.s8 v38;
	[tilespmem:$0x1FFF0] =	vst v12;
	v3 =	vunpack.c.l.s4.s8 v3;
	v2 =	vsel vm1, v48, v2  }
0x37: {  	s7 =	sshll.u32 s9, $0x9;
	s30 =	sshll.u32 s9, $0x1;
	v7 =	vunpack.c.l.s4.s8 v43;
	s9 =	simm.s32 $0x4;
	v1 =	vsel vm0, v1, v13;
	[tilespmem:$0x1FDB0] =	vst v2;
	v2 =	vimm.s32 $0xA9876543  }
0x38: {  	s24 =	ssub.s32 s8, s23;
	s3 =	sadd.s32 s3, s25;
	s11 =	sor.u32 $0x20, s7;
	v5 =	vunpack.c.0.s8.s32 v5;
	[tilespmem:$0x1FDD0] =	vst v1;
	v1 =	vunpack.c.0.s8.s32 v3;
	v2 =	vunpack.c.l.s4.s8 v2  }
0x39: {  	s25 =	simm.s32 $0x12B10;
	s23 =	simm.s32 $0x1BB10;
	v7 =	vunpack.c.0.s8.s32 v7;
	[dreg:$0x6] =	wrdreg s22;
	[tilespmem:$0x1FEC0] =	vst v46;
	v4 =	vunpack.c.0.s8.s32 v50  }
0x3a: {  	v53 =	vimm.s32 $0xE0D0C0B;
	s8 =	simm.s32 $0x2;
	s26 =	sadd.s32 s0, s10;
	[dreg:$0x7] =	wrdreg s3;
	[tilespmem:$0x1FDE0] =	vst v1;
	v1 =	vand.u32 $0xF, v5;
	v2 =	vunpack.c.0.s8.s32 v2  }
0x3b: {  	s29 =	sadd.s32 s1, s10;
	s2 =	smax.u32 s24, $0x1;
	v51 =	vand.u32 $0xF, v7;
	v7 =	vunpack.c.0.s8.s32 v53;
	[dreg:$0x8] =	wrdreg s26;
	[tilespmem:$0x1FDF0] =	vst v1;
	v1 =	vand.u32 $0xF, v4  }
0x3c: {  	s24 =	simm.s32 $0x8B10;
	s10 =	simm.s32 $0x3;
	[dreg:$0x9] =	wrdreg s29;
	v6 =	vsel vm2, v51, v13;
	[tilespmem:$0x1FE00] =	vst v1;
	v1 =	vand.u32 $0xF, v2  }
0x3d: {  	s3 =	sadd.s32 s5, s30;
	[dreg:$0xb] =	wrdreg s2;
	s26 =	simm.s32 $0xDB10;
	[tilespmem:$0x1FE10] =	vst v1;
	v1 =	vsel vm1, v7, v6  }
0x3e: {  	s22 =	simm.s32 $0x8AD0;
	[dreg:$0xa] =	wrdreg s3;
	s3 =	simm.s32 $0x0;
	[tilespmem:$0x1FE20] =	vst v1  }
.LBB2_1:
0x3f: {  	[dreg:$0xc] =	wrdreg s3  }
0x40: {  	s2 =	rddreg [dreg:$0x7]  }
0x41: {  	[tilespmem:s4], [sflag:$0x6] =	stream.linear.gather [hbm4b:s2+s4], $0x200, $0x38;
	[tilespmem:$0x1CB10] =	vst v63  }
0x42: {  	_ =	swait.ge [sflag:s14], $0x200  }
0x43: {  	[sflag:s14] =	ssyncset.done $0x0  }
0x44: {  	s2 =	rddreg [dreg:$0x6];
	[sflag:s14] =	ssyncadd.s32 $0xFFFFFE00  }
0x45: {  	[tilespmem:s16], [sflag:$0x1] =	stream.indirect.gather [hbm4b:s2+s15], $0x40, s4, s15, $0xb8;
	[tilespmem:$0x1CB10] =	vst v63  }
0x46: {  	s13 =	simm.s32 $0x2200  }
0x47: {  	[tilespmem:s13], [sflag:$0x1] =	stream.indirect.gather [hbm4b:s2+s15], $0x40, s15, s15, $0xb8;
	[tilespmem:$0x1CB10] =	vst v63  }
0x48: {  	s19 =	simm.s32 $0x100;
	s5 =	simm.s32 $0x4200  }
0x49: {  	[tilespmem:s5], [sflag:$0x1] =	stream.indirect.gather [hbm4b:s2+s15], $0x40, s19, s15, $0xb8;
	[tilespmem:$0x1CB10] =	vst v63  }
0x4a: {  	s29 =	simm.s32 $0x180;
	s30 =	simm.s32 $0x6200  }
0x4b: {  	[tilespmem:s30], [sflag:$0x1] =	stream.indirect.gather [hbm4b:s2+s15], $0x40, s29, s15, $0xb8;
	[tilespmem:$0x1CB10] =	vst v63  }
0x4c: {  	s13 =	rddreg [dreg:$0x8];
	s19 =	simm.s32 $0x8610  }
0x4d: {  	[tilespmem:s19], [sflag:$0x6] =	stream.linear.gather [hbm4b:s13+s4], $0x140, $0x38;
	[tilespmem:$0x1CB10] =	vst v63  }
0x4e: {  	_ =	swait.ge [sflag:s14], $0x140  }
0x4f: {  	[sflag:s14] =	ssyncset.done $0x0  }
0x50: {  	s30 =	simm.s32 $0x8890;
	s29 =	rddreg [dreg:$0x9];
	[sflag:s14] =	ssyncadd.s32 $0xFFFFFEC0  }
0x51: {  	[tilespmem:s30], [sflag:$0x6] =	stream.linear.gather [hbm4b:s29+s4], $0x140, $0x38;
	[tilespmem:$0x1CB10] =	vst v63  }
0x52: {  	_ =	swait.ge [sflag:s14], $0x140  }
0x53: {  	[sflag:s14] =	ssyncset.done $0x0  }
0x54: {  	[sflag:s14] =	ssyncadd.s32 $0xFFFFFEC0  }
0x55: {  	[tilespmem:s24], [sflag:$0x2] =	stream.indirect.gather [hbm4b:s6+s15], $0x40, s19, s15, $0xb8;
	[tilespmem:$0x1CB10] =	vst v63  }
0x56: {  	_ = 	snop  }
0x57: {  	[tilespmem:s25], [sflag:$0x4] =	stream.indirect.gather [hbm4b:s6+s15], $0x40, s30, s15, $0xb8;
	[tilespmem:$0x1CB10] =	vst v63  }
0x58: {  	s13 =	simm.s32 $0x8690;
	s19 =	simm.s32 $0xAB10  }
0x59: {  	[tilespmem:s19], [sflag:$0x2] =	stream.indirect.gather [hbm4b:s6+s15], $0x40, s13, s15, $0xb8;
	[tilespmem:$0x1CB10] =	vst v63  }
0x5a: {  	s29 =	simm.s32 $0x8910;
	s30 =	simm.s32 $0x14B10  }
0x5b: {  	[tilespmem:s30], [sflag:$0x4] =	stream.indirect.gather [hbm4b:s6+s15], $0x40, s29, s15, $0xb8;
	[tilespmem:$0x1CB10] =	vst v63  }
0x5c: {  	s5 =	simm.s32 $0x8710;
	s13 =	simm.s32 $0xCB10  }
0x5d: {  	[tilespmem:s13], [sflag:$0x2] =	stream.indirect.gather [hbm4b:s6+s31], $0x40, s5, s31, $0xb8;
	[tilespmem:$0x1CB10] =	vst v63  }
0x5e: {  	s19 =	simm.s32 $0x8990;
	s29 =	simm.s32 $0x16B10;
	s30 =	simm.s32 $0x1  }
0x5f: {  	[tilespmem:s29], [sflag:$0x4] =	stream.indirect.gather [hbm4b:s6+s31], $0x40, s19, s31, $0xb8;
	[tilespmem:$0x1CB10] =	vst v63  }
0x60: {  	_ =	swait.ge [sflag:s30], $0x2000  }
0x61: {  	[sflag:s30] =	ssyncset.done $0x0  }
0x62: {  	[sflag:s30] =	ssyncadd.s32 $0xFFFFE000  }
0x63: {  	_ =	swait.ge [sflag:s30], $0x2000  }
0x64: {  	[sflag:s30] =	ssyncset.done $0x0  }
0x65: {  	[sflag:s30] =	ssyncadd.s32 $0xFFFFE000  }
0x66: {  	_ =	swait.ge [sflag:s30], $0x2000  }
0x67: {  	[sflag:s30] =	ssyncset.done $0x0  }
0x68: {  	[sflag:s30] =	ssyncadd.s32 $0xFFFFE000  }
0x69: {  	_ =	swait.ge [sflag:s30], $0x2000  }
0x6a: {  	[sflag:s30] =	ssyncset.done $0x0  }
0x6b: {  	v53 =	vimm.f32 $0.0e+00;
	s5 =	simm.s32 $0x0;
	[sflag:s30] =	ssyncadd.s32 $0xFFFFE000  }
.LBB2_2:
0x6c: {  	s13 =	sshll.u32 s5, $0x5  }
0x6d: {  	s19 =	sor.u32 $0x10, s13  }
0x6e: {  	s2 =	sadd.s32 s7, s19  }
0x6f: {  	s2 =	smul.u32 $0x14, s2;
	_ =	sdelay $0x1  }
0x70: {  	s2 =	sshrl.u32 s2, $0x3  }
0x71: {  	s29 =	sadd.s32 s0, s2  }
0x72: {  	[tilespmem:s20], [sflag:$0x6] =	stream.linear.gather [hbm4b:s29+s4], $0x140, $0x38;
	[tilespmem:$0x1CB10] =	vst v63  }
0x73: {  	_ =	swait.ge [sflag:s14], $0x140  }
0x74: {  	[sflag:s14] =	ssyncset.done $0x0  }
0x75: {  	s2 =	sadd.s32 s1, s2;
	[sflag:s14] =	ssyncadd.s32 $0xFFFFFEC0  }
0x76: {  	[tilespmem:s21], [sflag:$0x6] =	stream.linear.gather [hbm4b:s2+s4], $0x140, $0x38;
	[tilespmem:$0x1CB10] =	vst v63  }
0x77: {  	_ =	swait.ge [sflag:s14], $0x140  }
0x78: {  	[sflag:s14] =	ssyncset.done $0x0  }
0x79: {  	[sflag:s14] =	ssyncadd.s32 $0xFFFFFEC0  }
0x7a: {  	[tilespmem:s26], [sflag:$0x3] =	stream.indirect.gather [hbm4b:s6+s15], $0x40, s20, s15, $0xb8;
	[tilespmem:$0x1CB10] =	vst v63  }
0x7b: {  	_ = 	snop  }
0x7c: {  	[tilespmem:s28], [sflag:$0x5] =	stream.indirect.gather [hbm4b:s6+s15], $0x40, s21, s15, $0xb8;
	[tilespmem:$0x1CB10] =	vst v63  }
0x7d: {  	s3 =	simm.s32 $0xFB10;
	s2 =	simm.s32 $0x87D0  }
0x7e: {  	[tilespmem:s3], [sflag:$0x3] =	stream.indirect.gather [hbm4b:s6+s15], $0x40, s2, s15, $0xb8;
	[tilespmem:$0x1CB10] =	vst v63  }
0x7f: {  	s2 =	simm.s32 $0x8A50;
	s3 =	simm.s32 $0x19B10  }
0x80: {  	[tilespmem:s3], [sflag:$0x5] =	stream.indirect.gather [hbm4b:s6+s15], $0x40, s2, s15, $0xb8;
	[tilespmem:$0x1CB10] =	vst v63  }
0x81: {  	_ = 	snop  }
0x82: {  	[tilespmem:s18], [sflag:$0x3] =	stream.indirect.gather [hbm4b:s6+s31], $0x40, s17, s31, $0xb8;
	[tilespmem:$0x1CB10] =	vst v63  }
0x83: {  	_ = 	snop  }
0x84: {  	[tilespmem:s23], [sflag:$0x5] =	stream.indirect.gather [hbm4b:s6+s31], $0x40, s22, s31, $0xb8;
	[tilespmem:$0x1CB10] =	vst v63  }
0x85: {  	_ =	swait.ge [sflag:s8], $0x2000  }
0x86: {  	[sflag:s8] =	ssyncset.done $0x0  }
0x87: {  	[sflag:s8] =	ssyncadd.s32 $0xFFFFE000  }
0x88: {  	_ =	swait.ge [sflag:s9], $0x2000  }
0x89: {  	[sflag:s9] =	ssyncset.done $0x0  }
0x8a: {  	[sflag:s9] =	ssyncadd.s32 $0xFFFFE000  }
0x8b: {  	_ =	swait.ge [sflag:s8], $0x2000  }
0x8c: {  	[sflag:s8] =	ssyncset.done $0x0  }
0x8d: {  	[sflag:s8] =	ssyncadd.s32 $0xFFFFE000  }
0x8e: {  	_ =	swait.ge [sflag:s9], $0x2000  }
0x8f: {  	v2 =	vld [tilespmem:$0x1FCC0];
	_ =	sdelay $0x1  }
0x90: {  	[sflag:s9] =	ssyncset.done $0x0  }
0x91: {  	v1 =	vmov s13;
	[sflag:s9] =	ssyncadd.s32 $0xFFFFE000  }
0x92: {  	v1 =	vshll.u32 v1, $0x6;
	_ =	swait.ge [sflag:s8], $0x1000  }
0x93: {  	v1 =	vor.u32 v2, v1;
	v2 =	vld [tilespmem:$0x1FCD0];
	_ =	sdelay $0x2  }
0x94: {  	s3 =	simm.s32 $0x0  }
0x95: {  	v3 =	vadd.s32 s3, v0  }
0x96: {  	v3 =	vand.u32 $0x38, v3;
	v2 =	vor.u32 v2, v1  }
0x97: {  	[sflag:s8] =	ssyncset.done $0x0;
	v3 =	vor.u32 v3, v2  }
0x98: {  	[sflag:s8] =	ssyncadd.s32 $0xFFFFF000  }
0x99: {  	_ =	swait.ge [sflag:s9], $0x1000  }
0x9a: {  	s3 =	simm.s32 $0x1;
	[sflag:s9] =	ssyncset.done $0x0  }
0x9b: {  	v4 =	vadd.s32 s3, v0;
	[sflag:s9] =	ssyncadd.s32 $0xFFFFF000  }
0x9c: {  	v4 =	vand.u32 $0x3F, v4;
	v3 =	vld.idx.msk [tilespmem:v3+s16+$0x0], $0xffff  }
0x9d: {  	v4 =	vor.u32 v1, v4;
	_ =	sdelay $0x2  }
0x9e: {  	s29 =	simm.s32 $0x8240;
	s3 =	simm.s32 $0x2  }
0x9f: {  	v5 =	vadd.s32 s3, v0;
	[tilespmem:s29+$0xFFFFFFC0] =	vst v3  }
0xa0: {  	v5 =	vand.u32 $0x3F, v5;
	v4 =	vld.idx.msk [tilespmem:v4+s16+$0x0], $0xffff  }
0xa1: {  	v5 =	vor.u32 v1, v5;
	_ =	sdelay $0x2  }
0xa2: {  	s3 =	simm.s32 $0x3  }
0xa3: {  	v6 =	vadd.s32 s3, v0;
	[tilespmem:s29+$0xFFFFFFD0] =	vst v4  }
0xa4: {  	v6 =	vand.u32 $0x3F, v6;
	v5 =	vld.idx.msk [tilespmem:v5+s16+$0x0], $0xffff  }
0xa5: {  	v6 =	vor.u32 v1, v6;
	_ =	sdelay $0x2  }
0xa6: {  	s3 =	simm.s32 $0x4  }
0xa7: {  	v7 =	vadd.s32 s3, v0;
	[tilespmem:s29+$0xFFFFFFE0] =	vst v5  }
0xa8: {  	v7 =	vand.u32 $0x3F, v7;
	v6 =	vld.idx.msk [tilespmem:v6+s16+$0x0], $0xffff  }
0xa9: {  	v7 =	vor.u32 v1, v7;
	_ =	sdelay $0x2  }
0xaa: {  	s3 =	simm.s32 $0x5  }
0xab: {  	v8 =	vadd.s32 s3, v0;
	[tilespmem:s29+$0xFFFFFFF0] =	vst v6  }
0xac: {  	v8 =	vand.u32 $0x3F, v8;
	v7 =	vld.idx.msk [tilespmem:v7+s16+$0x0], $0xffff  }
0xad: {  	v8 =	vor.u32 v1, v8;
	_ =	sdelay $0x2  }
0xae: {  	s3 =	simm.s32 $0x6  }
0xaf: {  	v9 =	vadd.s32 s3, v0;
	[tilespmem:s29+$0x0] =	vst v7  }
0xb0: {  	v9 =	vand.u32 $0x3F, v9;
	v3 =	vmul.f32 v3, v3;
	v8 =	vld.idx.msk [tilespmem:v8+s16+$0x0], $0xffff  }
0xb1: {  	v13 =	vimm.f32 $0.0e+00;
	v9 =	vor.u32 v1, v9;
	v4 =	vmul.f32 v4, v4  }
0xb2: {  	v3 =	vadd.f32 v3, v13;
	v5 =	vmul.f32 v5, v5  }
0xb3: {  	v4 =	vadd.f32 v4, v13;
	v6 =	vmul.f32 v6, v6  }
0xb4: {  	s3 =	simm.s32 $0x7;
	v3 =	vadd.f32 v5, v3;
	v5 =	vmul.f32 v7, v7  }
0xb5: {  	v4 =	vadd.f32 v6, v4;
	v7 =	vadd.s32 s3, v0;
	v6 =	vmul.f32 v8, v8;
	[tilespmem:s29+$0x10] =	vst v8  }
0xb6: {  	v7 =	vand.u32 $0x3F, v7;
	v3 =	vadd.f32 v5, v3;
	v5 =	vld.idx.msk [tilespmem:v9+s16+$0x0], $0xffff  }
0xb7: {  	v4 =	vadd.f32 v6, v4;
	v6 =	vor.u32 v1, v7;
	_ =	sdelay $0x1  }
0xb8: {  	s30 =	simm.s32 $0xF;
	s2 =	simm.s32 $0x17  }
.LBB2_3:
0xb9: {  	p0 =	sne.s32 s2, $0x3F  }
0xba: {  	s3 =	sadd.s32 $0xFFFFFFF9, s30;
	[tilespmem:s29+$0x20] =	vst v5;
	v5 =	vmul.f32 v5, v5  }
0xbb: {  	v7 =	vadd.s32 s3, v0;
	v6 =	vld.idx.msk [tilespmem:v6+s16+$0x0], $0xffff  }
0xbc: {  	v7 =	vand.u32 $0x38, v7;
	v3 =	vadd.f32 v5, v3  }
0xbd: {  	v5 =	vor.u32 v7, v2;
	_ =	sdelay $0x3  }
0xbe: {  	s3 =	sadd.s32 $0xFFFFFFFA, s30;
	[tilespmem:s29+$0x30] =	vst v6;
	v6 =	vmul.f32 v6, v6  }
0xbf: {  	v7 =	vadd.s32 s3, v0;
	v5 =	vld.idx.msk [tilespmem:v5+s16+$0x0], $0xffff  }
0xc0: {  	v7 =	vand.u32 $0x3F, v7;
	v4 =	vadd.f32 v6, v4  }
0xc1: {  	v6 =	vor.u32 v1, v7;
	_ =	sdelay $0x2  }
0xc2: {  	s29 =	sadd.s32 $0x80, s29  }
0xc3: {  	s3 =	sadd.s32 $0xFFFFFFFB, s30;
	[tilespmem:s29+$0xFFFFFFC0] =	vst v5;
	v5 =	vmul.f32 v5, v5  }
0xc4: {  	v7 =	vadd.s32 s3, v0;
	v6 =	vld.idx.msk [tilespmem:v6+s16+$0x0], $0xffff  }
0xc5: {  	v3 =	vadd.f32 v5, v3;
	v5 =	vand.u32 $0x3F, v7  }
0xc6: {  	v5 =	vor.u32 v1, v5;
	_ =	sdelay $0x3  }
0xc7: {  	s3 =	sadd.s32 $0xFFFFFFFC, s30;
	[tilespmem:s29+$0xFFFFFFD0] =	vst v6;
	v6 =	vmul.f32 v6, v6  }
0xc8: {  	v7 =	vadd.s32 s3, v0;
	v5 =	vld.idx.msk [tilespmem:v5+s16+$0x0], $0xffff  }
0xc9: {  	v4 =	vadd.f32 v6, v4;
	v6 =	vand.u32 $0x3F, v7  }
0xca: {  	v6 =	vor.u32 v1, v6;
	_ =	sdelay $0x3  }
0xcb: {  	s3 =	sadd.s32 $0xFFFFFFFD, s30;
	[tilespmem:s29+$0xFFFFFFE0] =	vst v5;
	v5 =	vmul.f32 v5, v5  }
0xcc: {  	v7 =	vadd.s32 s3, v0;
	v6 =	vld.idx.msk [tilespmem:v6+s16+$0x0], $0xffff  }
0xcd: {  	v3 =	vadd.f32 v5, v3;
	v5 =	vand.u32 $0x3F, v7  }
0xce: {  	v5 =	vor.u32 v1, v5;
	_ =	sdelay $0x3  }
0xcf: {  	s3 =	sadd.s32 $0xFFFFFFFE, s30;
	[tilespmem:s29+$0xFFFFFFF0] =	vst v6;
	v6 =	vmul.f32 v6, v6  }
0xd0: {  	v7 =	vadd.s32 s3, v0;
	v5 =	vld.idx.msk [tilespmem:v5+s16+$0x0], $0xffff  }
0xd1: {  	v4 =	vadd.f32 v6, v4;
	v6 =	vand.u32 $0x3F, v7  }
0xd2: {  	v6 =	vor.u32 v1, v6;
	_ =	sdelay $0x3  }
0xd3: {  	s3 =	sadd.s32 $0xFFFFFFFF, s30;
	[tilespmem:s29+$0x0] =	vst v5;
	v5 =	vmul.f32 v5, v5  }
0xd4: {  	v7 =	vadd.s32 s3, v0;
	v6 =	vld.idx.msk [tilespmem:v6+s16+$0x0], $0xffff  }
0xd5: {  	v3 =	vadd.f32 v5, v3;
	v5 =	vand.u32 $0x3F, v7  }
0xd6: {  	v5 =	vor.u32 v1, v5;
	_ =	sdelay $0x3  }
0xd7: {  	[tilespmem:s29+$0x10] =	vst v6;
	v6 =	vmul.f32 v6, v6  }
.Ltmp0:
0xd8: {  	v7 =	vadd.s32 s30, v0;
	s30 =	smov.u32 s2;
	v5 =	vld.idx.msk [tilespmem:v5+s16+$0x0], $0xffff;
	(pc) =	sbr.rel @p0 .LBB2_3-.Ltmp0, $3  }
0xd9: {  	v4 =	vadd.f32 v6, v4;
	v6 =	vand.u32 $0x3F, v7  }
0xda: {  	v6 =	vor.u32 v1, v6;
	_ =	sdelay $0x1  }
0xdb: {  	s2 =	sadd.s32 $0x8, s2  }
0xdc: {  	_ =	sdelay $0x1  }
0xdd: {  	s2 =	sadd.s32 $0xFFFFFFF9, s30  }
0xde: {  	[tilespmem:s29+$0x20] =	vst v5;
	v7 =	vadd.s32 s2, v0  }
0xdf: {  	v6 =	vld.idx.msk [tilespmem:v6+s16+$0x0], $0xffff;
	v7 =	vand.u32 $0x38, v7  }
0xe0: {  	v2 =	vor.u32 v7, v2;
	_ =	sdelay $0x2  }
0xe1: {  	s3 =	sadd.s32 $0xFFFFFFFA, s30  }
0xe2: {  	v13 =	vadd.s32 s3, v0;
	[tilespmem:s29+$0x30] =	vst v6  }
0xe3: {  	v7 =	vand.u32 $0x3F, v13;
	v2 =	vld.idx.msk [tilespmem:v2+s16+$0x0], $0xffff  }
0xe4: {  	v7 =	vor.u32 v1, v7;
	_ =	sdelay $0x2  }
0xe5: {  	s2 =	sadd.s32 $0x80, s29;
	s3 =	sadd.s32 $0xFFFFFFFB, s30  }
0xe6: {  	v8 =	vadd.s32 s3, v0;
	[tilespmem:s2+$0xFFFFFFC0] =	vst v2  }
0xe7: {  	v8 =	vand.u32 $0x3F, v8;
	v7 =	vld.idx.msk [tilespmem:v7+s16+$0x0], $0xffff  }
0xe8: {  	v8 =	vor.u32 v1, v8;
	_ =	sdelay $0x2  }
0xe9: {  	s3 =	sadd.s32 $0xFFFFFFFC, s30  }
0xea: {  	v9 =	vadd.s32 s3, v0;
	[tilespmem:s2+$0xFFFFFFD0] =	vst v7  }
0xeb: {  	v14 =	vand.u32 $0x3F, v9;
	v22 =	vld.idx.msk [tilespmem:v8+s16+$0x0], $0xffff  }
0xec: {  	v8 =	vor.u32 v1, v14;
	_ =	sdelay $0x2  }
0xed: {  	s3 =	sadd.s32 $0xFFFFFFFD, s30  }
0xee: {  	v32 =	vadd.s32 s3, v0;
	[tilespmem:s2+$0xFFFFFFE0] =	vst v22  }
0xef: {  	v33 =	vand.u32 $0x3F, v32;
	v23 =	vld.idx.msk [tilespmem:v8+s16+$0x0], $0xffff  }
0xf0: {  	v8 =	vor.u32 v1, v33;
	_ =	sdelay $0x2  }
0xf1: {  	s3 =	sadd.s32 $0xFFFFFFFE, s30  }
0xf2: {  	v35 =	vadd.s32 s3, v0;
	[tilespmem:s2+$0xFFFFFFF0] =	vst v23  }
0xf3: {  	v36 =	vand.u32 $0x3F, v35;
	v24 =	vld.idx.msk [tilespmem:v8+s16+$0x0], $0xffff  }
0xf4: {  	v8 =	vor.u32 v1, v36;
	_ =	sdelay $0x2  }
0xf5: {  	s3 =	sadd.s32 $0xFFFFFFFF, s30  }
0xf6: {  	v37 =	vadd.s32 s3, v0;
	[tilespmem:s2+$0x0] =	vst v24  }
0xf7: {  	v38 =	vand.u32 $0x3F, v37;
	v26 =	vld.idx.msk [tilespmem:v8+s16+$0x0], $0xffff  }
0xf8: {  	v8 =	vor.u32 v1, v38;
	_ =	sdelay $0x3  }
0xf9: {  	v40 =	vadd.s32 s30, v0;
	[tilespmem:s2+$0x10] =	vst v26  }
0xfa: {  	v42 =	vand.u32 $0x3F, v40;
	v28 =	vld.idx.msk [tilespmem:v8+s16+$0x0], $0xffff  }
0xfb: {  	v1 =	vor.u32 v1, v42;
	_ =	sdelay $0x3  }
0xfc: {  	[tilespmem:s2+$0x20] =	vst v28  }
0xfd: {  	v1 =	vld.idx.msk [tilespmem:v1+s16+$0x0], $0xffff;
	_ =	sdelay $0x4  }
0xfe: {  	[tilespmem:s2+$0x30] =	vst v1  }
0xff: {  	v43 =	vld [tilespmem:$0x8200]  }
0x100: {  	v46 =	vld [tilespmem:$0x8210]  }
0x101: {  	v47 =	vld [tilespmem:$0x8220]  }
0x102: {  	v48 =	vld [tilespmem:$0x8230]  }
0x103: {  	v32 =	vmul.f32 v5, v5;
	v49 =	vld [tilespmem:$0x8240]  }
0x104: {  	v50 =	vld [tilespmem:$0x8250];
	[tilespmem:$0x1FB30] =	vst v43  }
0x105: {  	v3 =	vadd.f32 v32, v3;
	v2 =	vmul.f32 v2, v2;
	v51 =	vld [tilespmem:$0x8260];
	[tilespmem:$0x1FB40] =	vst v46  }
0x106: {  	v12 =	vld [tilespmem:$0x8270];
	[tilespmem:$0x1FB50] =	vst v47  }
0x107: {  	v2 =	vadd.f32 v2, v3;
	v3 =	vmul.f32 v22, v22;
	v13 =	vld [tilespmem:$0x8280];
	[tilespmem:$0x1FB60] =	vst v48  }
0x108: {  	v6 =	vmul.f32 v6, v6;
	v14 =	vld [tilespmem:$0x8290];
	[tilespmem:$0x1FB70] =	vst v49  }
0x109: {  	v2 =	vadd.f32 v3, v2;
	v3 =	vmul.f32 v24, v24;
	v33 =	vld [tilespmem:$0x82A0];
	[tilespmem:$0x1FB80] =	vst v50  }
0x10a: {  	v4 =	vadd.f32 v6, v4;
	v37 =	vmul.f32 v7, v7;
	v35 =	vld [tilespmem:$0x82B0];
	[tilespmem:$0x1FB90] =	vst v51  }
0x10b: {  	v2 =	vadd.f32 v3, v2;
	v3 =	vld [tilespmem:$0x8320];
	[tilespmem:$0x1FBA0] =	vst v12  }
0x10c: {  	v4 =	vadd.f32 v37, v4;
	v42 =	vmul.f32 v23, v23;
	v36 =	vld [tilespmem:$0x82C0];
	[tilespmem:$0x1FBB0] =	vst v13  }
0x10d: {  	v38 =	vld [tilespmem:$0x82D0];
	[tilespmem:$0x1FBC0] =	vst v14  }
0x10e: {  	v4 =	vadd.f32 v42, v4;
	v40 =	vld [tilespmem:$0x82E0];
	[tilespmem:$0x1FBD0] =	vst v33;
	v47 =	vmul.f32 v26, v26  }
0x10f: {  	[tilespmem:$0x1FBE0] =	vst v35;
	v43 =	vld [tilespmem:$0x82F0]  }
0x110: {  	v1 =	vmul.f32 v1, v1;
	v46 =	vld [tilespmem:$0x8300];
	[tilespmem:$0x1FC50] =	vst v3;
	v49 =	vmul.f32 v28, v28;
	v3 =	vadd.f32 v47, v4  }
0x111: {  	[tilespmem:$0x1FBF0] =	vst v36  }
0x112: {  	[tilespmem:$0x1FC00] =	vst v38;
	v2 =	vadd.f32 v49, v2;
	v1 =	vadd.f32 v1, v3;
	v3 =	vld [tilespmem:$0x8350]  }
0x113: {  	[tilespmem:$0x1FC10] =	vst v40;
	v48 =	vld [tilespmem:$0x8310]  }
0x114: {  	v50 =	vld [tilespmem:$0x8330];
	[tilespmem:$0x1FC20] =	vst v43;
	v1 =	vadd.f32 v1, v2  }
0x115: {  	v51 =	vld [tilespmem:$0x8340];
	[tilespmem:$0x1FC30] =	vst v46  }
0x116: {  	[tilespmem:$0x1FCA0] =	vst v1;
	v1 =	vld [tilespmem:$0x8370]  }
0x117: {  	[tilespmem:$0x1FC80] =	vst v3;
	v3 =	vld [tilespmem:$0x8360]  }
0x118: {  	[tilespmem:$0x1FC40] =	vst v48  }
0x119: {  	[tilespmem:$0x1FC60] =	vst v50  }
0x11a: {  	[tilespmem:$0x1FC70] =	vst v51  }
0x11b: {  	[tilespmem:$0x1FCB0] =	vst v1  }
0x11c: {  	s29 =	simm.s32 $0x0;
	[tilespmem:$0x1FC90] =	vst v3  }
.LBB2_5:
0x11d: {  	_ = 	snop  }
0x11e: {  	v1 =	vmov s29  }
0x11f: {  	v1 =	vshll.u32 v1, $0x6  }
0x120: {  	v46 =	vadd.s32 v19, v1  }
0x121: {  	v1 =	vor.u32 v0, v46;
	_ =	sdelay $0x3  }
0x122: {  	v8 =	vld [tilespmem:$0x1FB30];
	v2 =	vor.u32 v20, v46  }
0x123: {  	v3 =	vld.idx.msk [tilespmem:v1+s24+$0x0], $0xffff  }
0x124: {  	v1 =	vld.idx.msk [tilespmem:v1+s25+$0x0], $0xffff;
	_ =	sdelay $0x2  }
0x125: {  	v4 =	vor.u32 v21, v46;
	v5 =	vld.idx.msk [tilespmem:v2+s24+$0x0], $0xffff  }
0x126: {  	v2 =	vld.idx.msk [tilespmem:v2+s25+$0x0], $0xffff  }
0x127: {  	v7 =	vmul.f32 v3, v8;
	v28 =	vmul.f32 v1, v8;
	v8 =	vld [tilespmem:$0x1FB40];
	_ =	sdelay $0x2  }
0x128: {  	v24 =	vld.idx.msk [tilespmem:v4+s24+$0x0], $0xffff  }
0x129: {  	v6 =	vor.u32 v25, v46;
	v4 =	vld.idx.msk [tilespmem:v4+s25+$0x0], $0xffff  }
0x12a: {  	v31 =	vmul.f32 v5, v8;
	v33 =	vmul.f32 v2, v8;
	v8 =	vld [tilespmem:$0x1FB50];
	_ =	sdelay $0x3  }
0x12b: {  	v32 =	vld.idx.msk [tilespmem:v6+s24+$0x0], $0xffff  }
0x12c: {  	v30 =	vor.u32 v27, v46;
	v36 =	vmul.f32 v24, v8;
	v13 =	vmul.f32 v4, v8;
	v8 =	vld [tilespmem:$0x1FB60];
	_ =	sdelay $0x1  }
0x12d: {  	v6 =	vld.idx.msk [tilespmem:v6+s25+$0x0], $0xffff  }
0x12e: {  	v3 =	vmul.f32 v3, v3;
	v24 =	vmul.f32 v24, v24  }
0x12f: {  	v35 =	vor.u32 v29, v46  }
0x130: {  	v37 =	vld.idx.msk [tilespmem:v30+s24+$0x0], $0xffff;
	v31 =	vadd.f32 $0.0e+00, v31;
	v3 =	vadd.f32 v24, v3;
	v24 =	vmul.f32 v32, v8  }
0x131: {  	v30 =	vld.idx.msk [tilespmem:v30+s25+$0x0], $0xffff  }
0x132: {  	v24 =	vadd.f32 v24, v31;
	v31 =	vmul.f32 v6, v8;
	v8 =	vld [tilespmem:$0x1FB70]  }
0x133: {  	v1 =	vmul.f32 v1, v1;
	v4 =	vmul.f32 v4, v4  }
0x134: {  	v38 =	vor.u32 v34, v46;
	v2 =	vmul.f32 v2, v2;
	v6 =	vmul.f32 v6, v6  }
0x135: {  	v14 =	vld.idx.msk [tilespmem:v35+s24+$0x0], $0xffff;
	v5 =	vmul.f32 v5, v5;
	v1 =	vadd.f32 v4, v1;
	v4 =	vmul.f32 v32, v32  }
0x136: {  	v7 =	vadd.f32 $0.0e+00, v7;
	v2 =	vadd.f32 v6, v2;
	v6 =	vld.idx.msk [tilespmem:v35+s25+$0x0], $0xffff  }
0x137: {  	v4 =	vadd.f32 v4, v5;
	v5 =	vmul.f32 v37, v8;
	v48 =	vmul.f32 v30, v8;
	v8 =	vld [tilespmem:$0x1FB80];
	_ =	sdelay $0x1  }
0x138: {  	v7 =	vadd.f32 v36, v7  }
0x139: {  	v47 =	vor.u32 v39, v46;
	v49 =	vld.idx.msk [tilespmem:v38+s24+$0x0], $0xffff;
	v28 =	vadd.f32 $0.0e+00, v28  }
0x13a: {  	v38 =	vld.idx.msk [tilespmem:v38+s25+$0x0], $0xffff;
	v5 =	vadd.f32 v5, v7;
	v7 =	vmul.f32 v37, v37  }
0x13b: {  	v28 =	vadd.f32 v13, v28;
	v50 =	vmul.f32 v14, v8;
	v51 =	vmul.f32 v6, v8;
	v8 =	vld [tilespmem:$0x1FB90]  }
0x13c: {  	v30 =	vmul.f32 v30, v30  }
0x13d: {  	v3 =	vadd.f32 v7, v3;
	v7 =	vadd.f32 v48, v28;
	v28 =	vmul.f32 v14, v14  }
0x13e: {  	v40 =	vor.u32 v44, v46;
	v12 =	vld.idx.msk [tilespmem:v47+s25+$0x0], $0xffff;
	v6 =	vmul.f32 v6, v6  }
0x13f: {  	v1 =	vadd.f32 v30, v1;
	v30 =	vld.idx.msk [tilespmem:v47+s24+$0x0], $0xffff;
	v4 =	vadd.f32 v28, v4  }
0x140: {  	v2 =	vadd.f32 v6, v2;
	v28 =	vmul.f32 v49, v8;
	v6 =	vmul.f32 v38, v8;
	v8 =	vld [tilespmem:$0x1FBA0];
	_ =	sdelay $0x1  }
0x141: {  	v5 =	vadd.f32 v28, v5;
	v28 =	vmul.f32 v38, v38  }
0x142: {  	v13 =	vor.u32 v45, v46;
	v14 =	vld.idx.msk [tilespmem:v40+s24+$0x0], $0xffff  }
0x143: {  	v33 =	vadd.f32 $0.0e+00, v33;
	v40 =	vld.idx.msk [tilespmem:v40+s25+$0x0], $0xffff;
	v1 =	vadd.f32 v28, v1;
	v28 =	vmul.f32 v30, v30  }
0x144: {  	v6 =	vadd.f32 v6, v7;
	v7 =	vmul.f32 v30, v8;
	v30 =	vmul.f32 v12, v8;
	v8 =	vld [tilespmem:$0x1FBB0]  }
0x145: {  	v31 =	vadd.f32 v31, v33;
	_ =	sdelay $0x1  }
0x146: {  	v42 =	vor.u32 v52, v46;
	v43 =	vld.idx.msk [tilespmem:v13+s24+$0x0], $0xffff;
	v31 =	vadd.f32 v51, v31  }
0x147: {  	v44 =	vld.idx.msk [tilespmem:v13+s25+$0x0], $0xffff;
	v24 =	vadd.f32 v50, v24;
	v4 =	vadd.f32 v28, v4  }
0x148: {  	v28 =	vadd.f32 v30, v31;
	v30 =	vmul.f32 v14, v8;
	v31 =	vmul.f32 v40, v8;
	v8 =	vld [tilespmem:$0x1FBC0]  }
0x149: {  	v35 =	vmul.f32 v49, v49;
	v7 =	vadd.f32 v7, v24;
	v24 =	vmul.f32 v12, v12;
	_ =	sdelay $0x1  }
0x14a: {  	v47 =	vld.idx.msk [tilespmem:v42+s24+$0x0], $0xffff;
	v3 =	vadd.f32 v35, v3;
	v2 =	vadd.f32 v24, v2;
	v24 =	vmul.f32 v14, v14  }
0x14b: {  	v45 =	vor.u32 v54, v46;
	v6 =	vadd.f32 v31, v6;
	v31 =	vld.idx.msk [tilespmem:v42+s25+$0x0], $0xffff  }
0x14c: {  	v3 =	vadd.f32 v24, v3;
	v24 =	vmul.f32 v43, v8;
	v49 =	vmul.f32 v44, v8;
	v8 =	vld [tilespmem:$0x1FBD0];
	_ =	sdelay $0x1  }
0x14d: {  	v5 =	vadd.f32 v30, v5;
	v30 =	vmul.f32 v40, v40  }
0x14e: {  	v7 =	vadd.f32 v24, v7;
	v24 =	vmul.f32 v44, v44  }
0x14f: {  	v50 =	vld.idx.msk [tilespmem:v45+s24+$0x0], $0xffff;
	v1 =	vadd.f32 v30, v1;
	v30 =	vmul.f32 v43, v43  }
0x150: {  	v2 =	vadd.f32 v24, v2;
	v24 =	vmul.f32 v47, v8;
	v54 =	vmul.f32 v31, v8;
	v8 =	vld [tilespmem:$0x1FBE0]  }
0x151: {  	v48 =	vor.u32 v55, v46  }
0x152: {  	v4 =	vadd.f32 v30, v4;
	v30 =	vld.idx.msk [tilespmem:v45+s25+$0x0], $0xffff;
	_ =	sdelay $0x2  }
0x153: {  	v5 =	vadd.f32 v24, v5;
	v24 =	vmul.f32 v50, v8  }
0x154: {  	v52 =	vld.idx.msk [tilespmem:v48+s24+$0x0], $0xffff  }
0x155: {  	v51 =	vor.u32 v56, v46;
	v7 =	vadd.f32 v24, v7;
	v24 =	vmul.f32 v30, v8;
	v8 =	vld [tilespmem:$0x1FBF0]  }
0x156: {  	v31 =	vmul.f32 v31, v31  }
0x157: {  	v56 =	vld.idx.msk [tilespmem:v48+s25+$0x0], $0xffff  }
0x158: {  	v1 =	vadd.f32 v31, v1;
	v31 =	vmul.f32 v50, v50;
	_ =	sdelay $0x1  }
0x159: {  	v55 =	vor.u32 v57, v46;
	v57 =	vld.idx.msk [tilespmem:v51+s24+$0x0], $0xffff;
	v4 =	vadd.f32 v31, v4;
	v31 =	vmul.f32 v52, v8  }
0x15a: {  	v33 =	vld.idx.msk [tilespmem:v51+s25+$0x0], $0xffff  }
0x15b: {  	v32 =	vmul.f32 v47, v47;
	v5 =	vadd.f32 v31, v5;
	v31 =	vmul.f32 v56, v8;
	v8 =	vld [tilespmem:$0x1FC00]  }
0x15c: {  	v28 =	vadd.f32 v49, v28;
	v30 =	vmul.f32 v30, v30  }
0x15d: {  	v58 =	vor.u32 v58, v46;
	v3 =	vadd.f32 v32, v3;
	v6 =	vadd.f32 v54, v6  }
0x15e: {  	v24 =	vadd.f32 v24, v28;
	v2 =	vadd.f32 v30, v2;
	v28 =	vmul.f32 v52, v52;
	v30 =	vld.idx.msk [tilespmem:v55+s24+$0x0], $0xffff  }
0x15f: {  	v6 =	vadd.f32 v31, v6;
	v31 =	vld.idx.msk [tilespmem:v55+s25+$0x0], $0xffff  }
0x160: {  	v3 =	vadd.f32 v28, v3;
	v28 =	vmul.f32 v57, v8;
	v13 =	vmul.f32 v33, v8;
	v8 =	vld [tilespmem:$0x1FC10];
	_ =	sdelay $0x2  }
0x161: {  	v37 =	vld.idx.msk [tilespmem:v58+s25+$0x0], $0xffff;
	v12 =	vor.u32 v59, v46  }
0x162: {  	v14 =	vld.idx.msk [tilespmem:v58+s24+$0x0], $0xffff;
	v7 =	vadd.f32 v28, v7;
	v28 =	vmul.f32 v57, v57  }
0x163: {  	v34 =	vmul.f32 v30, v8;
	v45 =	vmul.f32 v31, v8;
	v8 =	vld [tilespmem:$0x1FC20]  }
0x164: {  	v32 =	vmul.f32 v56, v56  }
0x165: {  	v4 =	vadd.f32 v28, v4;
	v28 =	vmul.f32 v30, v30  }
0x166: {  	v44 =	vor.u32 v60, v46;
	v47 =	vld.idx.msk [tilespmem:v12+s25+$0x0], $0xffff;
	v1 =	vadd.f32 v32, v1;
	v31 =	vmul.f32 v31, v31  }
0x167: {  	v30 =	vld.idx.msk [tilespmem:v12+s24+$0x0], $0xffff;
	v3 =	vadd.f32 v28, v3  }
0x168: {  	v1 =	vadd.f32 v31, v1;
	v28 =	vmul.f32 v14, v8;
	v31 =	vmul.f32 v37, v8;
	v8 =	vld [tilespmem:$0x1FC30];
	_ =	sdelay $0x2  }
0x169: {  	v49 =	vld.idx.msk [tilespmem:v44+s24+$0x0], $0xffff  }
0x16a: {  	v7 =	vadd.f32 v28, v7;
	v28 =	vld.idx.msk [tilespmem:v44+s25+$0x0], $0xffff  }
0x16b: {  	v51 =	vmul.f32 v30, v8;
	v52 =	vmul.f32 v47, v8;
	v8 =	vld [tilespmem:$0x1FC40];
	_ =	sdelay $0x2  }
0x16c: {  	v48 =	vor.u32 v61, v46;
	v30 =	vmul.f32 v30, v30;
	_ =	sdelay $0x1  }
0x16d: {  	v3 =	vadd.f32 v30, v3;
	v30 =	vmul.f32 v49, v8;
	v56 =	vmul.f32 v28, v8;
	v8 =	vld [tilespmem:$0x1FFD0];
	_ =	sdelay $0x1  }
0x16e: {  	v33 =	vmul.f32 v33, v33;
	v24 =	vadd.f32 v13, v24  }
0x16f: {  	v54 =	vld.idx.msk [tilespmem:v48+s24+$0x0], $0xffff  }
0x170: {  	v55 =	vld.idx.msk [tilespmem:v48+s25+$0x0], $0xffff;
	v2 =	vadd.f32 v33, v2;
	v24 =	vadd.f32 v31, v24;
	v31 =	vmul.f32 v37, v37  }
0x171: {  	v58 =	vor.u32 v8, v46;
	v8 =	vld [tilespmem:$0x1FC50]  }
0x172: {  	v35 =	vmul.f32 v14, v14;
	v2 =	vadd.f32 v31, v2;
	v31 =	vmul.f32 v47, v47  }
0x173: {  	v50 =	vor.u32 v62, v46  }
0x174: {  	v4 =	vadd.f32 v35, v4;
	v1 =	vadd.f32 v31, v1;
	v31 =	vmul.f32 v49, v49;
	_ =	sdelay $0x1  }
0x175: {  	v4 =	vadd.f32 v31, v4;
	v31 =	vmul.f32 v54, v8;
	v60 =	vmul.f32 v55, v8;
	v8 =	vld [tilespmem:$0x1FFE0];
	_ =	sdelay $0x2  }
0x176: {  	v42 =	vor.u32 v63, v46;
	v57 =	vld.idx.msk [tilespmem:v50+s24+$0x0], $0xffff  }
0x177: {  	v7 =	vadd.f32 v30, v7;
	v30 =	vld.idx.msk [tilespmem:v50+s25+$0x0], $0xffff  }
0x178: {  	v5 =	vadd.f32 v34, v5;
	v61 =	vor.u32 v8, v46;
	v8 =	vld [tilespmem:$0x1FC60]  }
0x179: {  	v9 =	vld [tilespmem:$0x1FFF0];
	v28 =	vmul.f32 v28, v28  }
0x17a: {  	v5 =	vadd.f32 v51, v5  }
0x17b: {  	v59 =	vld.idx.msk [tilespmem:v42+s24+$0x0], $0xffff;
	v2 =	vadd.f32 v28, v2;
	v28 =	vmul.f32 v54, v54  }
0x17c: {  	v62 =	vld.idx.msk [tilespmem:v42+s25+$0x0], $0xffff;
	v5 =	vadd.f32 v31, v5;
	v31 =	vmul.f32 v55, v55  }
0x17d: {  	v3 =	vadd.f32 v28, v3;
	v28 =	vmul.f32 v57, v8;
	v63 =	vmul.f32 v30, v8;
	v8 =	vld [tilespmem:$0x1FC70]  }
0x17e: {  	v13 =	vor.u32 v9, v46  }
0x17f: {  	v1 =	vadd.f32 v31, v1;
	v31 =	vmul.f32 v57, v57  }
0x180: {  	v6 =	vadd.f32 v45, v6;
	v12 =	vld.idx.msk [tilespmem:v58+s24+$0x0], $0xffff  }
0x181: {  	v4 =	vadd.f32 v31, v4;
	v31 =	vld.idx.msk [tilespmem:v58+s25+$0x0], $0xffff;
	v7 =	vadd.f32 v28, v7;
	v28 =	vmul.f32 v30, v30  }
0x182: {  	v49 =	vadd.s32 $0x19, v0;
	v30 =	vmul.f32 v59, v8;
	v14 =	vmul.f32 v62, v8;
	v8 =	vld [tilespmem:$0x1FC80]  }
0x183: {  	v35 =	vld.idx.msk [tilespmem:v13+s25+$0x0], $0xffff;
	v50 =	vor.u32 v49, v46  }
0x184: {  	v42 =	vadd.s32 $0x18, v0;
	v47 =	vld.idx.msk [tilespmem:v13+s24+$0x0], $0xffff;
	v6 =	vadd.f32 v52, v6;
	v52 =	vadd.s32 $0x1A, v0  }
0x185: {  	v54 =	vor.u32 v52, v46;
	v44 =	vld.idx.msk [tilespmem:v61+s25+$0x0], $0xffff;
	v2 =	vadd.f32 v28, v2;
	v28 =	vmul.f32 v59, v59  }
0x186: {  	v43 =	vor.u32 v42, v46;
	v5 =	vadd.f32 v30, v5;
	v30 =	vld.idx.msk [tilespmem:v61+s24+$0x0], $0xffff  }
0x187: {  	v3 =	vadd.f32 v28, v3;
	v28 =	vmul.f32 v12, v8;
	v45 =	vmul.f32 v31, v8;
	v8 =	vld [tilespmem:$0x1FC90]  }
0x188: {  	v33 =	vld.idx.msk [tilespmem:v50+s25+$0x0], $0xffff  }
0x189: {  	v55 =	vld [tilespmem:$0x8390];
	v31 =	vmul.f32 v31, v31  }
0x18a: {  	v40 =	vmul.f32 v62, v62;
	v6 =	vadd.f32 v60, v6;
	v60 =	vld.idx.msk [tilespmem:v54+s24+$0x0], $0xffff  }
0x18b: {  	v7 =	vadd.f32 v28, v7;
	v28 =	vmul.f32 v12, v12;
	v2 =	vadd.f32 v31, v2;
	v31 =	vld.idx.msk [tilespmem:v43+s24+$0x0], $0xffff  }
0x18c: {  	v48 =	vmul.f32 v30, v8;
	v51 =	vmul.f32 v44, v8;
	v8 =	vld [tilespmem:$0x1FCB0]  }
0x18d: {  	v24 =	vadd.f32 v56, v24;
	v4 =	vadd.f32 v28, v4;
	v28 =	vld [tilespmem:$0x8380]  }
0x18e: {  	v37 =	vld.idx.msk [tilespmem:v43+s25+$0x0], $0xffff;
	v1 =	vadd.f32 v40, v1;
	v32 =	vmul.f32 v44, v44;
	v30 =	vmul.f32 v30, v30  }
0x18f: {  	v13 =	vmul.f32 v60, v60;
	v24 =	vadd.f32 v63, v24;
	v6 =	vadd.f32 v14, v6  }
0x190: {  	v57 =	vld.idx.msk [tilespmem:v50+s24+$0x0], $0xffff;
	v1 =	vadd.f32 v32, v1;
	v32 =	vmul.f32 v33, v55;
	v3 =	vadd.f32 v30, v3  }
0x191: {  	v30 =	vmul.f32 v47, v8;
	v56 =	vmul.f32 v35, v8;
	v8 =	vadd.s32 $0x1B, v0  }
0x192: {  	v58 =	vmul.f32 v31, v28;
	v31 =	vmul.f32 v31, v31;
	v59 =	vor.u32 v8, v46  }
0x193: {  	v40 =	vld.idx.msk [tilespmem:v54+s25+$0x0], $0xffff;
	v6 =	vadd.f32 v51, v6;
	v28 =	vmul.f32 v37, v28;
	[tilespmem:$0x1FA80] =	vst v8;
	v8 =	vadd.s32 $0x1C, v0  }
0x194: {  	v3 =	vadd.f32 v31, v3;
	v7 =	vadd.f32 v30, v7;
	v30 =	vmul.f32 v47, v47  }
0x195: {  	v31 =	vmul.f32 v57, v55;
	v6 =	vadd.f32 v28, v6;
	v28 =	vld [tilespmem:$0x83B0];
	v61 =	vor.u32 v8, v46  }
0x196: {  	v33 =	vmul.f32 v33, v33;
	[tilespmem:$0x1FA90] =	vst v8;
	v8 =	vadd.s32 $0x1D, v0;
	v4 =	vadd.f32 v30, v4;
	v30 =	vld [tilespmem:$0x83A0]  }
0x197: {  	v12 =	vor.u32 v8, v46;
	v7 =	vadd.f32 v31, v7;
	v31 =	vmul.f32 v57, v57;
	v62 =	vld.idx.msk [tilespmem:v59+s24+$0x0], $0xffff  }
0x198: {  	v24 =	vadd.f32 v45, v24;
	v45 =	vmul.f32 v40, v40;
	[tilespmem:$0x1FAA0] =	vst v8;
	v8 =	vadd.s32 $0x1E, v0;
	v36 =	vld.idx.msk [tilespmem:v59+s25+$0x0], $0xffff  }
0x199: {  	[tilespmem:$0x1FA60] =	vst v49;
	v5 =	vadd.f32 v48, v5;
	v49 =	vor.u32 v8, v46;
	v4 =	vadd.f32 v31, v4;
	v31 =	vld [tilespmem:$0x83C0]  }
0x19a: {  	v37 =	vmul.f32 v37, v37;
	v35 =	vmul.f32 v35, v35;
	v14 =	vld.idx.msk [tilespmem:v61+s24+$0x0], $0xffff  }
0x19b: {  	v5 =	vadd.f32 v58, v5;
	v24 =	vadd.f32 v56, v24;
	[tilespmem:$0x1FAB0] =	vst v8;
	v8 =	vadd.s32 $0x1F, v0;
	v48 =	vld.idx.msk [tilespmem:v61+s25+$0x0], $0xffff  }
0x19c: {  	v1 =	vadd.f32 v37, v1;
	v2 =	vadd.f32 v35, v2;
	v54 =	vor.u32 v8, v46;
	v51 =	vld.idx.msk [tilespmem:v12+s24+$0x0], $0xffff  }
0x19d: {  	v3 =	vadd.f32 v13, v3;
	v24 =	vadd.f32 v32, v24;
	v32 =	vld.idx.msk [tilespmem:v12+s25+$0x0], $0xffff  }
0x19e: {  	v1 =	vadd.f32 v45, v1;
	v2 =	vadd.f32 v33, v2;
	[tilespmem:$0x1FAC0] =	vst v8;
	v8 =	vor.u32 $0x20, v0;
	v55 =	vld.idx.msk [tilespmem:v49+s24+$0x0], $0xffff  }
0x19f: {  	[tilespmem:$0x1FAD0] =	vst v8;
	v59 =	vor.u32 v8, v46;
	v8 =	vadd.s32 $0x21, v0;
	v63 =	vmul.f32 v60, v30;
	v58 =	vld.idx.msk [tilespmem:v49+s25+$0x0], $0xffff  }
0x1a0: {  	[tilespmem:$0x1FA70] =	vst v52;
	v43 =	vor.u32 v8, v46;
	v30 =	vmul.f32 v40, v30;
	v60 =	vld [tilespmem:$0x83F0];
	v47 =	vmul.f32 v62, v28  }
0x1a1: {  	v61 =	vld.idx.msk [tilespmem:v54+s24+$0x0], $0xffff;
	v5 =	vadd.f32 v63, v5;
	v50 =	vmul.f32 v62, v62;
	v28 =	vmul.f32 v36, v28  }
0x1a2: {  	v33 =	vld.idx.msk [tilespmem:v54+s25+$0x0], $0xffff;
	v6 =	vadd.f32 v30, v6;
	v36 =	vmul.f32 v36, v36;
	v52 =	vmul.f32 v14, v31  }
0x1a3: {  	v30 =	vld [tilespmem:$0x83D0];
	v31 =	vmul.f32 v48, v31;
	v56 =	vmul.f32 v48, v48;
	v7 =	vadd.f32 v47, v7  }
0x1a4: {  	v63 =	vld.idx.msk [tilespmem:v59+s24+$0x0], $0xffff;
	v35 =	vmul.f32 v14, v14;
	v4 =	vadd.f32 v50, v4;
	v24 =	vadd.f32 v28, v24  }
0x1a5: {  	v28 =	vld [tilespmem:$0x83E0];
	v6 =	vadd.f32 v31, v6;
	v31 =	vadd.f32 v56, v1;
	v1 =	vmul.f32 v51, v51  }
0x1a6: {  	v10 =	vld.idx.msk [tilespmem:v59+s25+$0x0], $0xffff;
	v3 =	vadd.f32 v35, v3;
	v9 =	vmul.f32 v58, v58;
	v35 =	vmul.f32 v61, v61  }
0x1a7: {  	v13 =	vld.idx.msk [tilespmem:v43+s24+$0x0], $0xffff;
	v2 =	vadd.f32 v36, v2;
	v12 =	vmul.f32 v33, v60;
	v33 =	vmul.f32 v33, v33  }
0x1a8: {  	v43 =	vld.idx.msk [tilespmem:v43+s25+$0x0], $0xffff;
	v5 =	vadd.f32 v52, v5;
	v57 =	vmul.f32 v51, v30;
	v30 =	vmul.f32 v32, v30  }
0x1a9: {  	v32 =	vmul.f32 v32, v32;
	v4 =	vadd.f32 v1, v4;
	v54 =	vmul.f32 v63, v63  }
0x1aa: {  	v1 =	vadd.s32 $0x22, v0;
	v62 =	vmul.f32 v55, v28;
	v28 =	vmul.f32 v58, v28  }
0x1ab: {  	v40 =	vmul.f32 v10, v10;
	v11 =	vor.u32 v1, v46;
	v24 =	vadd.f32 v30, v24;
	v30 =	vld [tilespmem:$0x8400]  }
0x1ac: {  	[tilespmem:$0x1FAF0] =	vst v1;
	v1 =	vadd.s32 $0x23, v0;
	v6 =	vadd.f32 v28, v6;
	v28 =	vadd.f32 v9, v31;
	v31 =	vld [tilespmem:$0x8410]  }
0x1ad: {  	v49 =	vld [tilespmem:$0x8430];
	v59 =	vmul.f32 v43, v43;
	v7 =	vadd.f32 v57, v7;
	v32 =	vadd.f32 v32, v2  }
0x1ae: {  	v50 =	vld [tilespmem:$0x8440];
	v2 =	vmul.f32 v55, v55;
	[tilespmem:$0x1FB00] =	vst v1;
	v48 =	vor.u32 v1, v46;
	v1 =	vadd.s32 $0x24, v0  }
0x1af: {  	v52 =	vld [tilespmem:$0x8420];
	v4 =	vadd.f32 v35, v4;
	[tilespmem:$0x1FB10] =	vst v1;
	v57 =	vor.u32 v1, v46;
	v1 =	vadd.s32 $0x25, v0  }
0x1b0: {  	v5 =	vadd.f32 v62, v5;
	v55 =	vld.idx.msk [tilespmem:v11+s24+$0x0], $0xffff;
	v47 =	vmul.f32 v63, v30;
	v30 =	vmul.f32 v10, v30  }
0x1b1: {  	[tilespmem:$0x1FA50] =	vst v42;
	v14 =	vadd.f32 v12, v24;
	v24 =	vld [tilespmem:$0x1FD30];
	v56 =	vmul.f32 v13, v31;
	v31 =	vmul.f32 v43, v31  }
0x1b2: {  	v3 =	vadd.f32 v2, v3;
	v42 =	vld.idx.msk [tilespmem:v11+s25+$0x0], $0xffff;
	v6 =	vadd.f32 v30, v6;
	v30 =	vmul.f32 v13, v13  }
0x1b3: {  	v2 =	vmul.f32 v61, v60;
	v58 =	vld.idx.msk [tilespmem:v48+s24+$0x0], $0xffff;
	v35 =	vadd.f32 v31, v14;
	v31 =	vor.u32 v1, v46  }
0x1b4: {  	v32 =	vadd.f32 v33, v32;
	v48 =	vld.idx.msk [tilespmem:v48+s25+$0x0], $0xffff;
	v4 =	vadd.f32 v30, v4;
	v30 =	vadd.s32 $0x26, v0  }
0x1b5: {  	v3 =	vadd.f32 v54, v3;
	v61 =	vld.idx.msk [tilespmem:v57+s24+$0x0], $0xffff;
	v36 =	vmul.f32 v55, v55;
	v9 =	vor.u32 v30, v46  }
0x1b6: {  	v7 =	vadd.f32 v2, v7;
	v40 =	vadd.f32 v40, v28;
	v63 =	vld.idx.msk [tilespmem:v57+s25+$0x0], $0xffff  }
0x1b7: {  	v32 =	vadd.f32 v59, v32;
	v60 =	vmul.f32 v55, v52;
	v3 =	vadd.f32 v36, v3;
	v36 =	vld [tilespmem:$0x8460]  }
0x1b8: {  	v5 =	vadd.f32 v47, v5;
	v37 =	vmul.f32 v42, v52;
	v42 =	vmul.f32 v42, v42;
	v13 =	vld.idx.msk [tilespmem:v31+s24+$0x0], $0xffff  }
0x1b9: {  	v7 =	vadd.f32 v56, v7;
	v62 =	vmul.f32 v58, v49;
	v33 =	vmul.f32 v58, v58;
	v51 =	vld.idx.msk [tilespmem:v31+s25+$0x0], $0xffff  }
0x1ba: {  	v12 =	vmul.f32 v48, v49;
	v48 =	vmul.f32 v48, v48;
	v31 =	vadd.s32 $0x27, v0;
	v57 =	vld.idx.msk [tilespmem:v9+s24+$0x0], $0xffff  }
0x1bb: {  	v5 =	vadd.f32 v60, v5;
	v6 =	vadd.f32 v37, v6;
	v56 =	vor.u32 v31, v46;
	v47 =	vld.idx.msk [tilespmem:v9+s25+$0x0], $0xffff  }
0x1bc: {  	[tilespmem:$0x1FB20] =	vst v1;
	v1 =	vld [tilespmem:$0x1FF20];
	v10 =	vadd.f32 v42, v40;
	v55 =	vmul.f32 v61, v50;
	v38 =	vmul.f32 v61, v61  }
0x1bd: {  	v11 =	vld [tilespmem:$0x8450];
	v50 =	vmul.f32 v63, v50;
	v43 =	vmul.f32 v63, v63;
	v7 =	vadd.f32 v62, v7  }
0x1be: {  	v2 =	vld [tilespmem:$0x1FD00];
	v4 =	vadd.f32 v33, v4;
	v48 =	vadd.f32 v48, v32;
	v32 =	vadd.s32 $0x28, v0  }
0x1bf: {  	[tilespmem:$0x1FAE0] =	vst v8;
	v14 =	vld [tilespmem:$0x8470];
	v35 =	vadd.f32 v12, v35;
	v33 =	vadd.s32 $0x29, v0;
	v59 =	vor.u32 v32, v46  }
0x1c0: {  	v6 =	vadd.f32 v50, v6;
	v61 =	vld.idx.msk [tilespmem:v56+s24+$0x0], $0xffff;
	v63 =	vmul.f32 v57, v36;
	v36 =	vmul.f32 v47, v36  }
0x1c1: {  	v5 =	vadd.f32 v55, v5;
	v16 =	vsel vm0, v17, v1;
	v8 =	vld.idx.msk [tilespmem:v56+s25+$0x0], $0xffff;
	v56 =	vor.u32 v33, v46  }
0x1c2: {  	v1 =	vld [tilespmem:$0x1FDA0];
	v58 =	vmul.f32 v13, v11;
	v6 =	vadd.f32 v36, v6;
	v36 =	vadd.s32 $0x2B, v0  }
0x1c3: {  	v60 =	vmul.f32 v13, v13;
	v40 =	vmul.f32 v51, v11;
	v13 =	vld [tilespmem:$0x8480];
	v11 =	vor.u32 v36, v46  }
0x1c4: {  	v3 =	vadd.f32 v38, v3;
	v49 =	vmul.f32 v57, v57;
	v57 =	vld.idx.msk [tilespmem:v59+s24+$0x0], $0xffff;
	v7 =	vadd.f32 v58, v7  }
0x1c5: {  	v59 =	vld.idx.msk [tilespmem:v59+s25+$0x0], $0xffff;
	v4 =	vadd.f32 v60, v4;
	v12 =	vadd.f32 v40, v35;
	v35 =	vadd.s32 $0x2A, v0  }
0x1c6: {  	v5 =	vadd.f32 v63, v5;
	v58 =	vmul.f32 v61, v14;
	v61 =	vmul.f32 v61, v61;
	v63 =	vld.idx.msk [tilespmem:v56+s24+$0x0], $0xffff  }
0x1c7: {  	v42 =	vld [tilespmem:$0x84A0];
	v37 =	vadd.f32 v43, v10;
	v62 =	vmul.f32 v51, v51;
	v60 =	vor.u32 v35, v46  }
0x1c8: {  	v19 =	vsel vm0, v1, v2;
	v47 =	vmul.f32 v47, v47;
	v4 =	vadd.f32 v61, v4;
	v61 =	vld.idx.msk [tilespmem:v11+s24+$0x0], $0xffff  }
0x1c9: {  	v1 =	vld [tilespmem:$0x1FCF0];
	v48 =	vadd.f32 v62, v48;
	v62 =	vmul.f32 v8, v14;
	v14 =	vmul.f32 v57, v13  }
0x1ca: {  	v47 =	vadd.f32 v47, v37;
	v9 =	vld.idx.msk [tilespmem:v56+s25+$0x0], $0xffff;
	v56 =	vmul.f32 v57, v57;
	v40 =	vmul.f32 v59, v13  }
0x1cb: {  	v10 =	vld [tilespmem:$0x8490];
	v37 =	vadd.s32 $0x2C, v0;
	v57 =	vmul.f32 v59, v59;
	v59 =	vmul.f32 v63, v63  }
0x1cc: {  	v38 =	vadd.f32 v62, v12;
	v34 =	vld.idx.msk [tilespmem:v60+s24+$0x0], $0xffff;
	v12 =	vor.u32 v37, v46  }
0x1cd: {  	v3 =	vadd.f32 v49, v3;
	v52 =	vld.idx.msk [tilespmem:v60+s25+$0x0], $0xffff;
	v4 =	vadd.f32 v59, v4;
	v49 =	vmul.f32 v61, v61  }
0x1ce: {  	v60 =	vld [tilespmem:$0x84B0]  }
0x1cf: {  	v8 =	vmul.f32 v8, v8;
	v4 =	vadd.f32 v49, v4;
	v49 =	vcombine.low v1, v19;
	v1 =	vld [tilespmem:$0x1FDC0]  }
0x1d0: {  	v7 =	vadd.f32 v58, v7;
	v58 =	vmul.f32 v63, v10;
	v63 =	vld [tilespmem:$0x84C0]  }
0x1d1: {  	v8 =	vadd.f32 v8, v48;
	v62 =	vmul.f32 v34, v42;
	v48 =	vmul.f32 v34, v34;
	v34 =	vld.idx.msk [tilespmem:v12+s24+$0x0], $0xffff  }
0x1d2: {  	v12 =	vld.idx.msk [tilespmem:v12+s25+$0x0], $0xffff;
	_ =	sdelay $0x1  }
0x1d3: {  	v3 =	vadd.f32 v56, v3;
	v22 =	vsel vm0, v1, v24;
	v1 =	vld [tilespmem:$0x1FD20]  }
0x1d4: {  	v47 =	vadd.f32 v57, v47;
	v7 =	vadd.f32 v58, v7;
	v57 =	vmul.f32 v52, v52  }
0x1d5: {  	v58 =	vmul.f32 v61, v60;
	v3 =	vadd.f32 v48, v3;
	v61 =	vmul.f32 v34, v63  }
0x1d6: {  	v48 =	vadd.f32 v57, v47;
	v63 =	vmul.f32 v12, v63;
	v12 =	vmul.f32 v12, v12;
	_ =	sdelay $0x1  }
0x1d7: {  	v12 =	vadd.f32 v12, v48;
	v48 =	vcombine.low v1, v22;
	v1 =	vld [tilespmem:$0x1FF20];
	_ =	sdelay $0x1  }
0x1d8: {  	v6 =	vadd.f32 v40, v6;
	v40 =	vadd.s32 $0x2E, v0  }
0x1d9: {  	v59 =	vor.u32 v40, v46;
	_ =	sdelay $0x1  }
0x1da: {  	v5 =	vadd.f32 v14, v5;
	v54 =	vsel vm0, v1, v41;
	v1 =	vld [tilespmem:$0x1FEC0]  }
0x1db: {  	v10 =	vmul.f32 v9, v10;
	v9 =	vmul.f32 v9, v9  }
0x1dc: {  	v5 =	vadd.f32 v62, v5;
	v62 =	vld [tilespmem:$0x84E0]  }
0x1dd: {  	v8 =	vadd.f32 v9, v8;
	v9 =	vmul.f32 v34, v34;
	v34 =	vld.idx.msk [tilespmem:v59+s24+$0x0], $0xffff;
	_ =	sdelay $0x1  }
0x1de: {  	v27 =	vor.u32 v1, v46;
	v1 =	vld [tilespmem:$0x1FD50]  }
0x1df: {  	v10 =	vadd.f32 v10, v38;
	v38 =	vadd.s32 $0x2D, v0  }
0x1e0: {  	v11 =	vld.idx.msk [tilespmem:v11+s25+$0x0], $0xffff;
	v56 =	vor.u32 v38, v46;
	v5 =	vadd.f32 v61, v5  }
0x1e1: {  	v3 =	vadd.f32 v9, v3;
	v20 =	vmul.f32 v34, v62;
	v50 =	vmul.f32 v34, v34  }
0x1e2: {  	v42 =	vmul.f32 v52, v42  }
0x1e3: {  	v5 =	vadd.f32 v20, v5;
	v20 =	vadd.f32 v50, v3;
	v50 =	vcombine.low v54, v1;
	v1 =	vld [tilespmem:$0x1FCE0];
	_ =	sdelay $0x1  }
0x1e4: {  	v43 =	vmul.f32 v11, v60;
	v60 =	vld [tilespmem:$0x84D0];
	v6 =	vadd.f32 v42, v6;
	v42 =	vadd.s32 $0x2F, v0  }
0x1e5: {  	v14 =	vor.u32 v42, v46;
	v51 =	vld.idx.msk [tilespmem:v56+s25+$0x0], $0xffff;
	_ =	sdelay $0x1  }
0x1e6: {  	v29 =	vsel vm0, v2, v1;
	v1 =	vld [tilespmem:$0x1FD60]  }
0x1e7: {  	v11 =	vmul.f32 v11, v11;
	v13 =	vld.idx.msk [tilespmem:v56+s24+$0x0], $0xffff  }
0x1e8: {  	v17 =	vld [tilespmem:$0x84F0];
	v47 =	vcombine.low v18, v16  }
0x1e9: {  	v8 =	vadd.f32 v11, v8;
	v18 =	vld.idx.msk [tilespmem:v14+s24+$0x0], $0xffff;
	v57 =	vmul.f32 v51, v60;
	v51 =	vmul.f32 v51, v51  }
0x1ea: {  	v7 =	vadd.f32 v58, v7;
	v58 =	vld.idx.msk [tilespmem:v14+s25+$0x0], $0xffff  }
0x1eb: {  	v8 =	vadd.f32 v51, v8;
	v51 =	vcombine.low v29, v1;
	v1 =	vld [tilespmem:$0x1FD10]  }
0x1ec: {  	v56 =	vmul.f32 v13, v60;
	v13 =	vmul.f32 v13, v13  }
0x1ed: {  	v10 =	vadd.f32 v43, v10;
	v3 =	vor.u32 v48, v46  }
0x1ee: {  	v7 =	vadd.f32 v56, v7;
	v4 =	vadd.f32 v13, v4;
	v56 =	vmul.f32 v18, v18  }
0x1ef: {  	v10 =	vadd.f32 v57, v10;
	v55 =	vmul.f32 v18, v17  }
0x1f0: {  	v17 =	vmul.f32 v58, v17;
	v14 =	vadd.f32 v56, v4;
	v4 =	vsel vm0, v24, v1;
	v1 =	vld [tilespmem:$0x1FDD0];
	_ =	sdelay $0x1  }
0x1f1: {  	v10 =	vadd.f32 v17, v10;
	v17 =	vld.idx.msk [tilespmem:v3+s24+$0x0], $0xffff  }
0x1f2: {  	v2 =	vld [tilespmem:$0x1FD40]  }
0x1f3: {  	v29 =	vld.idx.msk [tilespmem:v3+s25+$0x0], $0xffff  }
0x1f4: {  	v3 =	vcombine.low v4, v1;
	v1 =	vld [tilespmem:$0x1FD70]  }
0x1f5: {  	v43 =	vor.u32 $0x30, v0  }
0x1f6: {  	v15 =	vor.u32 v43, v46;
	_ =	sdelay $0x2  }
0x1f7: {  	v4 =	vsel vm0, v1, v2;
	v1 =	vld [tilespmem:$0x1FDE0]  }
0x1f8: {  	v39 =	vld.idx.msk [tilespmem:v59+s25+$0x0], $0xffff  }
0x1f9: {  	v59 =	vor.u32 v47, v46;
	v21 =	vld.idx.msk [tilespmem:v15+s24+$0x0], $0xffff  }
0x1fa: {  	v60 =	vld [tilespmem:$0x8500];
	_ =	sdelay $0x1  }
0x1fb: {  	v4 =	vcombine.low v4, v1;
	v1 =	vld [tilespmem:$0x1FDF0]  }
0x1fc: {  	v15 =	vld.idx.msk [tilespmem:v15+s25+$0x0], $0xffff  }
0x1fd: {  	v25 =	vld.idx.msk [tilespmem:v59+s24+$0x0], $0xffff  }
0x1fe: {  	v6 =	vadd.f32 v63, v6;
	v63 =	vld.idx.msk [tilespmem:v59+s25+$0x0], $0xffff;
	v59 =	vmul.f32 v21, v60;
	_ =	sdelay $0x1  }
0x1ff: {  	v41 =	vadd.f32 v59, v5;
	v5 =	vcombine.low v16, v1;
	v1 =	vld [tilespmem:$0x1FE00]  }
0x200: {  	v11 =	vmul.f32 v39, v62  }
0x201: {  	v23 =	vor.u32 v49, v46  }
0x202: {  	v52 =	vld [tilespmem:$0x8510];
	v6 =	vadd.f32 v11, v6;
	v13 =	vmul.f32 v15, v60;
	_ =	sdelay $0x1  }
0x203: {  	v13 =	vadd.f32 v13, v6;
	v6 =	vcombine.low v19, v1;
	v1 =	vld [tilespmem:$0x1FE10]  }
0x204: {  	v26 =	vld [tilespmem:$0x8520]  }
0x205: {  	v18 =	vld.idx.msk [tilespmem:v23+s24+$0x0], $0xffff;
	v57 =	vor.u32 v50, v46  }
0x206: {  	v23 =	vld.idx.msk [tilespmem:v23+s25+$0x0], $0xffff;
	v7 =	vadd.f32 v55, v7;
	v16 =	vmul.f32 v25, v52  }
0x207: {  	v9 =	vmul.f32 v58, v58;
	v44 =	vld.idx.msk [tilespmem:v27+s24+$0x0], $0xffff;
	v58 =	vor.u32 v51, v46  }
0x208: {  	v21 =	vmul.f32 v21, v21;
	v16 =	vadd.f32 v16, v7;
	v7 =	vcombine.low v22, v1;
	v1 =	vld [tilespmem:$0x1FD80]  }
0x209: {  	v8 =	vadd.f32 v9, v8;
	v9 =	vld.idx.msk [tilespmem:v27+s25+$0x0], $0xffff;
	v19 =	vmul.f32 v63, v52  }
0x20a: {  	v61 =	vmul.f32 v39, v39;
	v20 =	vadd.f32 v21, v20;
	v21 =	vld.idx.msk [tilespmem:v57+s24+$0x0], $0xffff;
	v27 =	vor.u32 v3, v46  }
0x20b: {  	v34 =	vld.idx.msk [tilespmem:v57+s25+$0x0], $0xffff;
	v10 =	vadd.f32 v19, v10;
	v19 =	vmul.f32 v18, v26  }
0x20c: {  	v62 =	vadd.f32 v61, v12;
	v15 =	vmul.f32 v15, v15;
	v55 =	vld.idx.msk [tilespmem:v58+s24+$0x0], $0xffff;
	v60 =	vor.u32 v4, v46  }
0x20d: {  	v25 =	vmul.f32 v25, v25;
	v19 =	vadd.f32 v19, v41;
	v41 =	vor.u32 v1, v46;
	v1 =	vld [tilespmem:$0x1FD90]  }
0x20e: {  	v11 =	vadd.f32 v15, v62;
	v15 =	vld.idx.msk [tilespmem:v58+s25+$0x0], $0xffff;
	v61 =	vor.u32 v5, v46  }
0x20f: {  	v14 =	vadd.f32 v25, v14;
	v25 =	vld.idx.msk [tilespmem:v27+s24+$0x0], $0xffff  }
0x210: {  	v27 =	vld.idx.msk [tilespmem:v27+s25+$0x0], $0xffff  }
0x211: {  	v62 =	vmul.f32 v23, v26;
	v52 =	vor.u32 v6, v46;
	v26 =	vld.idx.msk [tilespmem:v60+s25+$0x0], $0xffff  }
0x212: {  	v18 =	vmul.f32 v18, v18;
	v58 =	vor.u32 v1, v46;
	v1 =	vld [tilespmem:$0x1FDB0]  }
0x213: {  	v12 =	vmul.f32 v63, v63;
	v39 =	vld.idx.msk [tilespmem:v61+s25+$0x0], $0xffff  }
0x214: {  	v18 =	vadd.f32 v18, v20;
	v20 =	vmul.f32 v23, v23;
	v23 =	vld.idx.msk [tilespmem:v61+s24+$0x0], $0xffff;
	v63 =	vor.u32 v7, v46  }
0x215: {  	v22 =	vld.idx.msk [tilespmem:v60+s24+$0x0], $0xffff  }
0x216: {  	v8 =	vadd.f32 v12, v8;
	v60 =	vmul.f32 v17, v17;
	v57 =	vld.idx.msk [tilespmem:v52+s24+$0x0], $0xffff  }
0x217: {  	v11 =	vadd.f32 v20, v11;
	v20 =	vmul.f32 v29, v29;
	v59 =	vor.u32 v1, v46;
	v1 =	vld [tilespmem:$0x1FE20]  }
0x218: {  	v12 =	vadd.f32 v62, v13;
	v61 =	vmul.f32 v44, v44;
	v13 =	vadd.f32 v60, v14;
	v14 =	vld.idx.msk [tilespmem:v52+s25+$0x0], $0xffff  }
0x219: {  	v62 =	vmul.f32 v9, v9;
	v8 =	vadd.f32 v20, v8;
	v20 =	vmul.f32 v21, v21;
	v56 =	vld.idx.msk [tilespmem:v63+s24+$0x0], $0xffff  }
0x21a: {  	v18 =	vadd.f32 v61, v18;
	v52 =	vmul.f32 v34, v34;
	v60 =	vmul.f32 v15, v15;
	v45 =	vld.idx.msk [tilespmem:v63+s25+$0x0], $0xffff  }
0x21b: {  	v11 =	vadd.f32 v62, v11;
	v13 =	vadd.f32 v20, v13;
	v20 =	vmul.f32 v55, v55;
	v61 =	vld.idx.msk [tilespmem:v41+s24+$0x0], $0xffff  }
0x21c: {  	v8 =	vadd.f32 v52, v8;
	v52 =	vmul.f32 v25, v25;
	v41 =	vld.idx.msk [tilespmem:v41+s25+$0x0], $0xffff;
	v46 =	vor.u32 v1, v46  }
0x21d: {  	v11 =	vadd.f32 v60, v11;
	v18 =	vadd.f32 v20, v18;
	v20 =	vmul.f32 v27, v27;
	v60 =	vld.idx.msk [tilespmem:v58+s24+$0x0], $0xffff  }
0x21e: {  	v62 =	vmul.f32 v26, v26;
	v13 =	vadd.f32 v52, v13;
	v52 =	vld.idx.msk [tilespmem:v58+s25+$0x0], $0xffff;
	v58 =	vmul.f32 v22, v22  }
0x21f: {  	v63 =	vmul.f32 v39, v39;
	v8 =	vadd.f32 v20, v8;
	v20 =	vmul.f32 v23, v23;
	v54 =	vld.idx.msk [tilespmem:v59+s24+$0x0], $0xffff  }
0x220: {  	v11 =	vadd.f32 v62, v11;
	v18 =	vadd.f32 v58, v18;
	v58 =	vld.idx.msk [tilespmem:v59+s25+$0x0], $0xffff;
	v59 =	vmul.f32 v57, v57  }
0x221: {  	v13 =	vadd.f32 v20, v13;
	v8 =	vadd.f32 v63, v8;
	v63 =	vmul.f32 v45, v45;
	v62 =	vld.idx.msk [tilespmem:v46+s24+$0x0], $0xffff  }
0x222: {  	v1 =	vmul.f32 v61, v61;
	v18 =	vadd.f32 v59, v18;
	v59 =	vmul.f32 v56, v56  }
0x223: {  	v20 =	vmul.f32 v14, v14;
	v8 =	vadd.f32 v63, v8  }
0x224: {  	v63 =	vmul.f32 v60, v60;
	v13 =	vadd.f32 v59, v13;
	v1 =	vadd.f32 v1, v18;
	v18 =	vld [tilespmem:$0x8540]  }
0x225: {  	v11 =	vadd.f32 v20, v11;
	v2 =	vmul.f32 v41, v41;
	v46 =	vld.idx.msk [tilespmem:v46+s25+$0x0], $0xffff  }
0x226: {  	v20 =	vld [tilespmem:$0x8530];
	v59 =	vmul.f32 v54, v54;
	v13 =	vadd.f32 v63, v13;
	v63 =	vmul.f32 v62, v62  }
0x227: {  	v2 =	vadd.f32 v2, v11;
	v11 =	vmul.f32 v52, v52  }
0x228: {  	v1 =	vadd.f32 v59, v1;
	v13 =	vadd.f32 v63, v13  }
0x229: {  	v8 =	vadd.f32 v11, v8;
	v11 =	vld [tilespmem:$0x8550];
	v24 =	vmul.f32 v58, v58;
	v9 =	vmul.f32 v9, v18  }
0x22a: {  	v28 =	vmul.f32 v46, v46;
	v1 =	vadd.f32 v13, v1;
	v13 =	vmul.f32 v44, v18;
	v18 =	vld [tilespmem:$0x1FCA0]  }
0x22b: {  	v17 =	vmul.f32 v17, v20  }
0x22c: {  	v2 =	vadd.f32 v24, v2;
	v8 =	vadd.f32 v28, v8  }
0x22d: {  	v16 =	vadd.f32 v17, v16;
	v17 =	vmul.f32 v29, v20  }
0x22e: {  	v2 =	vadd.f32 v8, v2  }
0x22f: {  	v8 =	vadd.f32 v17, v10;
	v10 =	vmul.f32 v21, v11;
	v17 =	vld [tilespmem:$0x8560];
	v1 =	vmul.f32 v1, v18  }
0x230: {  	v9 =	vadd.f32 v9, v12;
	v11 =	vmul.f32 v34, v11;
	v2 =	vmul.f32 v2, v18  }
0x231: {  	v12 =	vld [tilespmem:$0x8570];
	v13 =	vadd.f32 v13, v19;
	v10 =	vadd.f32 v10, v16;
	v1 =	vmax.f32 v1, $1.000000020e-16  }
0x232: {  	v2 =	vmax.f32 v2, $1.000000020e-16;
	v16 =	vshra.s32 v1, $0x1;
	v1 =	vmul.f32 $5.000000000e-01, v1  }
0x233: {  	v19 =	vld [tilespmem:$0x8580];
	v18 =	vshra.s32 v2, $0x1;
	v2 =	vmul.f32 $5.000000000e-01, v2;
	v16 =	vsub.s32 $0x5F3759DF, v16  }
0x234: {  	v29 =	vld [tilespmem:$0x1FED0];
	v20 =	vmul.f32 v55, v17;
	v18 =	vsub.s32 $0x5F3759DF, v18;
	v21 =	vmul.f32 v16, v1  }
0x235: {  	v8 =	vadd.f32 v11, v8;
	v11 =	vmul.f32 v15, v17;
	v15 =	vld [tilespmem:$0x8590];
	v17 =	vmul.f32 v18, v2  }
0x236: {  	v59 =	vld [tilespmem:$0x1FF50];
	v13 =	vadd.f32 v20, v13;
	v20 =	vmul.f32 v25, v12;
	v21 =	vmul.f32 v16, v21  }
0x237: {  	v9 =	vadd.f32 v11, v9;
	v11 =	vmul.f32 v27, v12;
	v12 =	vmul.f32 v18, v17;
	v17 =	vld [tilespmem:$0x85A0]  }
0x238: {  	v63 =	vld [tilespmem:$0x1FFB0];
	v10 =	vadd.f32 v20, v10;
	v20 =	vmul.f32 v22, v19;
	v21 =	vsub.f32 $1.500000000e+00, v21  }
0x239: {  	v8 =	vadd.f32 v11, v8;
	v11 =	vmul.f32 v26, v19;
	v19 =	vld [tilespmem:$0x85B0];
	v12 =	vsub.f32 $1.500000000e+00, v12  }
0x23a: {  	v44 =	vld [tilespmem:$0x1FF80];
	v13 =	vadd.f32 v20, v13;
	v20 =	vmul.f32 v23, v15;
	v16 =	vmul.f32 v16, v21  }
0x23b: {  	v9 =	vadd.f32 v11, v9;
	v11 =	vmul.f32 v39, v15;
	v15 =	vld [tilespmem:$0x85C0];
	v12 =	vmul.f32 v18, v12  }
0x23c: {  	v34 =	vld [tilespmem:$0x1FEE0];
	v10 =	vadd.f32 v20, v10;
	v18 =	vmul.f32 v57, v17;
	v20 =	vmul.f32 v16, v1  }
0x23d: {  	v8 =	vadd.f32 v11, v8;
	v11 =	vmul.f32 v14, v17;
	v14 =	vld [tilespmem:$0x85D0];
	v17 =	vmul.f32 v12, v2  }
0x23e: {  	v55 =	vld [tilespmem:$0x1FF00];
	v13 =	vadd.f32 v18, v13;
	v18 =	vmul.f32 v56, v19;
	v20 =	vmul.f32 v20, v16  }
0x23f: {  	v9 =	vadd.f32 v11, v9;
	v11 =	vmul.f32 v45, v19;
	v19 =	vld [tilespmem:$0x85E0];
	v17 =	vmul.f32 v17, v12  }
0x240: {  	v25 =	vld [tilespmem:$0x1FE70];
	v10 =	vadd.f32 v18, v10;
	v18 =	vmul.f32 v61, v15;
	v20 =	vsub.f32 $1.500000000e+00, v20  }
0x241: {  	v8 =	vadd.f32 v11, v8;
	v11 =	vmul.f32 v41, v15;
	v15 =	vld [tilespmem:$0x85F0];
	v17 =	vsub.f32 $1.500000000e+00, v17  }
0x242: {  	v27 =	vld [tilespmem:$0x1FEA0];
	v13 =	vadd.f32 v18, v13;
	v18 =	vmul.f32 v60, v14;
	v16 =	vmul.f32 v20, v16  }
0x243: {  	v39 =	vld [tilespmem:$0x1FF70];
	v9 =	vadd.f32 v11, v9;
	v11 =	vmul.f32 v52, v14;
	v12 =	vmul.f32 v17, v12  }
0x244: {  	v21 =	vld [tilespmem:$0x1FE60];
	v14 =	vmul.f32 v54, v19;
	v10 =	vadd.f32 v18, v10;
	v1 =	vmul.f32 v16, v1  }
0x245: {  	v57 =	vld [tilespmem:$0x1FF30];
	v8 =	vadd.f32 v11, v8;
	v11 =	vmul.f32 v58, v19;
	v2 =	vmul.f32 v12, v2  }
0x246: {  	v56 =	vld [tilespmem:$0x1FF10];
	v13 =	vadd.f32 v14, v13;
	v14 =	vmul.f32 v62, v15;
	v1 =	vmul.f32 v1, v16  }
0x247: {  	v45 =	vld [tilespmem:$0x1FEF0];
	v46 =	vmul.f32 v46, v15;
	v9 =	vadd.f32 v11, v9;
	v2 =	vmul.f32 v2, v12  }
0x248: {  	v61 =	vld [tilespmem:$0x1FF90];
	v10 =	vadd.f32 v14, v10;
	v1 =	vsub.f32 $1.500000000e+00, v1  }
0x249: {  	v41 =	vld [tilespmem:$0x1FE80];
	v8 =	vadd.f32 v46, v8;
	v2 =	vsub.f32 $1.500000000e+00, v2  }
0x24a: {  	v60 =	vld [tilespmem:$0x1FF60];
	v10 =	vadd.f32 v10, v13;
	v1 =	vmul.f32 v1, v16  }
0x24b: {  	v52 =	vld [tilespmem:$0x1FE30];
	v8 =	vadd.f32 v8, v9;
	v2 =	vmul.f32 v2, v12  }
0x24c: {  	v20 =	vld [tilespmem:$0x1FE50];
	v1 =	vmul.f32 v1, v10  }
0x24d: {  	p0 =	sne.s32 s29, $0x13;
	v17 =	vld [tilespmem:$0x1FEB0];
	v2 =	vmul.f32 v2, v8  }
.Ltmp1:
0x24e: {  	v54 =	vld [tilespmem:$0x1FFC0];
	v1 =	vsub.f32 $1.000000000e+00, v1;
	(pc) =	sbr.rel @p0 .LBB2_5-.Ltmp1, $4  }
0x24f: {  	v18 =	vld [tilespmem:$0x1FE90];
	v2 =	vmax.f32 v2, $0.0e+00  }
0x250: {  	v58 =	vld [tilespmem:$0x1FF40];
	v1 =	vadd.f32 v2, v1  }
0x251: {  	v19 =	vld [tilespmem:$0x1FE40]  }
0x252: {  	s29 =	sadd.s32 $0x1, s29;
	v62 =	vld [tilespmem:$0x1FFA0];
	v53 =	vadd.f32 v1, v53  }
0x253: {  	[tilespmem:$0x1F970] =	vst v7  }
0x254: {  	[tilespmem:$0x1F980] =	vst v6  }
0x255: {  	[tilespmem:$0x1F990] =	vst v5  }
0x256: {  	[tilespmem:$0x1F9A0] =	vst v4  }
0x257: {  	[tilespmem:$0x1F9B0] =	vst v3  }
0x258: {  	[tilespmem:$0x1F9C0] =	vst v51  }
0x259: {  	[tilespmem:$0x1F9D0] =	vst v50  }
0x25a: {  	[tilespmem:$0x1F9E0] =	vst v48;
	p0 =	seq.s32 s5, $0xF  }
0x25b: {  	[tilespmem:$0x1F9F0] =	vst v49;
	s2 =	sadd.s32 @!p0 s13, s11  }
0x25c: {  	[tilespmem:$0x1FA00] =	vst v47;
	s2 =	smul.u32 @!p0 $0x14, s2  }
0x25d: {  	[tilespmem:$0x1FA10] =	vst v43  }
0x25e: {  	[tilespmem:$0x1FA20] =	vst v42;
	s2 =	sshrl.u32 @!p0 s2, $0x3  }
0x25f: {  	[tilespmem:$0x1FA30] =	vst v40;
	s13 =	simm.s32 @!p0 $0x0;
	s29 =	simm.s32 @!p0 $0x8610;
	s3 =	sadd.s32 @!p0 s0, s2  }
0x260: {  	[tilespmem:s29], [sflag:$0x6] =	stream.linear.gather @!p0 [hbm4b:s3+s13], $0x140, $0x38;
	[tilespmem:$0x1CB10] =	vst v63  }
0x261: {  	[tilespmem:$0x1FA40] =	vst v38;
	s3 =	simm.s32 @!p0 $0x6  }
0x262: {  	v23 =	vld [tilespmem:$0x1FFE0];
	_ =	swait.ge @!p0 [sflag:s3], $0x140  }
0x263: {  	[sflag:s3] =	ssyncset.done @!p0 $0x0  }
0x264: {  	s30 =	simm.s32 @!p0 $0x8890;
	s2 =	sadd.s32 @!p0 s1, s2;
	[sflag:s3] =	ssyncadd.s32 @!p0 $0xFFFFFEC0  }
0x265: {  	[tilespmem:s30], [sflag:$0x6] =	stream.linear.gather @!p0 [hbm4b:s2+s13], $0x140, $0x38;
	[tilespmem:$0x1CB10] =	vst v63  }
0x266: {  	_ =	swait.ge @!p0 [sflag:s3], $0x140  }
0x267: {  	[sflag:s3] =	ssyncset.done @!p0 $0x0  }
0x268: {  	s2 =	simm.s32 @!p0 $0x80;
	[sflag:s3] =	ssyncadd.s32 @!p0 $0xFFFFFEC0;
	s3 =	simm.s32 @!p0 $0x8B10  }
0x269: {  	[tilespmem:s3], [sflag:$0x2] =	stream.indirect.gather @!p0 [hbm4b:s6+s2], $0x40, s29, s2, $0xb8;
	[tilespmem:$0x1CB10] =	vst v63  }
0x26a: {  	s3 =	simm.s32 @!p0 $0x12B10  }
0x26b: {  	[tilespmem:s3], [sflag:$0x4] =	stream.indirect.gather @!p0 [hbm4b:s6+s2], $0x40, s30, s2, $0xb8;
	[tilespmem:$0x1CB10] =	vst v63  }
0x26c: {  	s13 =	simm.s32 @!p0 $0xAB10;
	s3 =	simm.s32 @!p0 $0x8690  }
0x26d: {  	[tilespmem:s13], [sflag:$0x2] =	stream.indirect.gather @!p0 [hbm4b:s6+s2], $0x40, s3, s2, $0xb8;
	[tilespmem:$0x1CB10] =	vst v63  }
0x26e: {  	s3 =	simm.s32 @!p0 $0x8910;
	s13 =	simm.s32 @!p0 $0x14B10  }
0x26f: {  	[tilespmem:s13], [sflag:$0x4] =	stream.indirect.gather @!p0 [hbm4b:s6+s2], $0x40, s3, s2, $0xb8;
	[tilespmem:$0x1CB10] =	vst v63  }
0x270: {  	s2 =	simm.s32 @!p0 $0x40;
	s3 =	simm.s32 @!p0 $0x8710;
	s13 =	simm.s32 @!p0 $0xCB10  }
0x271: {  	[tilespmem:s13], [sflag:$0x2] =	stream.indirect.gather @!p0 [hbm4b:s6+s2], $0x40, s3, s2, $0xb8;
	[tilespmem:$0x1CB10] =	vst v63  }
0x272: {  	s3 =	simm.s32 @!p0 $0x8990;
	s13 =	simm.s32 @!p0 $0x16B10  }
0x273: {  	[tilespmem:s13], [sflag:$0x4] =	stream.indirect.gather @!p0 [hbm4b:s6+s2], $0x40, s3, s2, $0xb8;
	[tilespmem:$0x1CB10] =	vst v63  }
0x274: {  	_ =	swait.ge [sflag:s10], $0x2000  }
0x275: {  	[sflag:s10] =	ssyncset.done $0x0  }
0x276: {  	[sflag:s10] =	ssyncadd.s32 $0xFFFFE000  }
0x277: {  	_ =	swait.ge [sflag:s12], $0x2000  }
0x278: {  	[sflag:s12] =	ssyncset.done $0x0  }
0x279: {  	[sflag:s12] =	ssyncadd.s32 $0xFFFFE000  }
0x27a: {  	_ =	swait.ge [sflag:s10], $0x2000  }
0x27b: {  	[sflag:s10] =	ssyncset.done $0x0  }
0x27c: {  	[sflag:s10] =	ssyncadd.s32 $0xFFFFE000  }
0x27d: {  	_ =	swait.ge [sflag:s12], $0x2000  }
0x27e: {  	v2 =	vld [tilespmem:$0x1FCC0];
	_ =	sdelay $0x1  }
0x27f: {  	[sflag:s12] =	ssyncset.done $0x0  }
0x280: {  	v1 =	vmov s19;
	[sflag:s12] =	ssyncadd.s32 $0xFFFFE000  }
0x281: {  	v1 =	vshll.u32 v1, $0x6;
	_ =	swait.ge [sflag:s10], $0x1000  }
0x282: {  	v8 =	vor.u32 v2, v1;
	v2 =	vld [tilespmem:$0x1FCD0];
	_ =	sdelay $0x2  }
0x283: {  	s13 =	simm.s32 $0x0  }
0x284: {  	v1 =	vadd.s32 s13, v0  }
0x285: {  	v1 =	vand.u32 $0x38, v1;
	v9 =	vor.u32 v2, v8  }
0x286: {  	[sflag:s10] =	ssyncset.done $0x0;
	v1 =	vor.u32 v1, v9  }
0x287: {  	[sflag:s10] =	ssyncadd.s32 $0xFFFFF000  }
0x288: {  	_ =	swait.ge [sflag:s12], $0x1000  }
0x289: {  	s19 =	simm.s32 $0x1;
	[sflag:s12] =	ssyncset.done $0x0  }
0x28a: {  	[sflag:s12] =	ssyncadd.s32 $0xFFFFF000;
	v2 =	vadd.s32 s19, v0  }
0x28b: {  	v2 =	vand.u32 $0x3F, v2;
	v1 =	vld.idx.msk [tilespmem:v1+s16+$0x0], $0xffff  }
0x28c: {  	v2 =	vor.u32 v8, v2;
	_ =	sdelay $0x2  }
0x28d: {  	s29 =	simm.s32 $0x2;
	s13 =	simm.s32 $0x8240  }
0x28e: {  	v10 =	vadd.s32 s29, v0;
	[tilespmem:s13+$0xFFFFFFC0] =	vst v1  }
0x28f: {  	v10 =	vand.u32 $0x3F, v10;
	v2 =	vld.idx.msk [tilespmem:v2+s16+$0x0], $0xffff  }
0x290: {  	v10 =	vor.u32 v8, v10;
	_ =	sdelay $0x2  }
0x291: {  	s30 =	simm.s32 $0x3  }
0x292: {  	v11 =	vadd.s32 s30, v0;
	[tilespmem:s13+$0xFFFFFFD0] =	vst v2  }
0x293: {  	v11 =	vand.u32 $0x3F, v11;
	v10 =	vld.idx.msk [tilespmem:v10+s16+$0x0], $0xffff  }
0x294: {  	v11 =	vor.u32 v8, v11;
	_ =	sdelay $0x2  }
0x295: {  	s3 =	simm.s32 $0x4  }
0x296: {  	v12 =	vadd.s32 s3, v0;
	[tilespmem:s13+$0xFFFFFFE0] =	vst v10  }
0x297: {  	v12 =	vand.u32 $0x3F, v12;
	v11 =	vld.idx.msk [tilespmem:v11+s16+$0x0], $0xffff  }
0x298: {  	v12 =	vor.u32 v8, v12;
	_ =	sdelay $0x2  }
0x299: {  	s19 =	simm.s32 $0x5  }
0x29a: {  	v13 =	vadd.s32 s19, v0;
	[tilespmem:s13+$0xFFFFFFF0] =	vst v11  }
0x29b: {  	v13 =	vand.u32 $0x3F, v13;
	v12 =	vld.idx.msk [tilespmem:v12+s16+$0x0], $0xffff  }
0x29c: {  	v13 =	vor.u32 v8, v13;
	_ =	sdelay $0x2  }
0x29d: {  	s29 =	simm.s32 $0x6;
	v1 =	vmul.f32 v1, v1;
	v2 =	vmul.f32 v2, v2  }
0x29e: {  	v14 =	vimm.f32 $0.0e+00;
	v15 =	vadd.s32 s29, v0;
	[tilespmem:s13+$0x0] =	vst v12  }
0x29f: {  	v1 =	vadd.f32 v1, v14;
	v2 =	vadd.f32 v2, v14;
	v14 =	vand.u32 $0x3F, v15;
	v13 =	vld.idx.msk [tilespmem:v13+s16+$0x0], $0xffff  }
0x2a0: {  	v14 =	vor.u32 v8, v14;
	_ =	sdelay $0x1  }
0x2a1: {  	v10 =	vmul.f32 v10, v10  }
0x2a2: {  	s30 =	simm.s32 $0x7;
	v11 =	vmul.f32 v11, v11  }
0x2a3: {  	v1 =	vadd.f32 v10, v1;
	v10 =	vmul.f32 v12, v12;
	v12 =	vadd.s32 s30, v0;
	[tilespmem:s13+$0x10] =	vst v13  }
0x2a4: {  	v2 =	vadd.f32 v11, v2;
	v11 =	vmul.f32 v13, v13;
	v13 =	vand.u32 $0x3F, v12;
	v12 =	vld.idx.msk [tilespmem:v14+s16+$0x0], $0xffff  }
0x2a5: {  	v13 =	vor.u32 v8, v13;
	_ =	sdelay $0x1  }
0x2a6: {  	v26 =	vmov v53;
	s2 =	simm.s32 $0x17;
	s19 =	simm.s32 $0xF;
	v10 =	vadd.f32 v10, v1;
	v11 =	vadd.f32 v11, v2  }
.LBB2_7:
0x2a7: {  	p0 =	sne.s32 s2, $0x3F  }
0x2a8: {  	s3 =	sadd.s32 $0xFFFFFFF9, s19;
	v1 =	vmul.f32 v12, v12;
	[tilespmem:s13+$0x20] =	vst v12  }
0x2a9: {  	v2 =	vadd.s32 s3, v0;
	v12 =	vld.idx.msk [tilespmem:v13+s16+$0x0], $0xffff  }
0x2aa: {  	v2 =	vand.u32 $0x38, v2;
	v1 =	vadd.f32 v1, v10  }
0x2ab: {  	v2 =	vor.u32 v2, v9;
	_ =	sdelay $0x3  }
0x2ac: {  	s3 =	sadd.s32 $0xFFFFFFFA, s19;
	v10 =	vmul.f32 v12, v12;
	[tilespmem:s13+$0x30] =	vst v12  }
0x2ad: {  	v12 =	vadd.s32 s3, v0;
	v2 =	vld.idx.msk [tilespmem:v2+s16+$0x0], $0xffff  }
0x2ae: {  	v12 =	vand.u32 $0x3F, v12;
	v10 =	vadd.f32 v10, v11  }
0x2af: {  	v11 =	vor.u32 v8, v12;
	_ =	sdelay $0x2  }
0x2b0: {  	s13 =	sadd.s32 $0x80, s13  }
0x2b1: {  	s3 =	sadd.s32 $0xFFFFFFFB, s19;
	[tilespmem:s13+$0xFFFFFFC0] =	vst v2;
	v2 =	vmul.f32 v2, v2  }
0x2b2: {  	v12 =	vadd.s32 s3, v0;
	v11 =	vld.idx.msk [tilespmem:v11+s16+$0x0], $0xffff  }
0x2b3: {  	v1 =	vadd.f32 v2, v1;
	v2 =	vand.u32 $0x3F, v12  }
0x2b4: {  	v2 =	vor.u32 v8, v2;
	_ =	sdelay $0x3  }
0x2b5: {  	s3 =	sadd.s32 $0xFFFFFFFC, s19;
	[tilespmem:s13+$0xFFFFFFD0] =	vst v11;
	v11 =	vmul.f32 v11, v11  }
0x2b6: {  	v12 =	vadd.s32 s3, v0;
	v2 =	vld.idx.msk [tilespmem:v2+s16+$0x0], $0xffff  }
0x2b7: {  	v10 =	vadd.f32 v11, v10;
	v11 =	vand.u32 $0x3F, v12  }
0x2b8: {  	v11 =	vor.u32 v8, v11;
	_ =	sdelay $0x3  }
0x2b9: {  	s3 =	sadd.s32 $0xFFFFFFFD, s19;
	[tilespmem:s13+$0xFFFFFFE0] =	vst v2;
	v2 =	vmul.f32 v2, v2  }
0x2ba: {  	v12 =	vadd.s32 s3, v0;
	v11 =	vld.idx.msk [tilespmem:v11+s16+$0x0], $0xffff  }
0x2bb: {  	v1 =	vadd.f32 v2, v1;
	v2 =	vand.u32 $0x3F, v12  }
0x2bc: {  	v2 =	vor.u32 v8, v2;
	_ =	sdelay $0x3  }
0x2bd: {  	s3 =	sadd.s32 $0xFFFFFFFE, s19;
	[tilespmem:s13+$0xFFFFFFF0] =	vst v11;
	v11 =	vmul.f32 v11, v11  }
0x2be: {  	v12 =	vadd.s32 s3, v0;
	v2 =	vld.idx.msk [tilespmem:v2+s16+$0x0], $0xffff  }
0x2bf: {  	v11 =	vadd.f32 v11, v10;
	v10 =	vand.u32 $0x3F, v12  }
0x2c0: {  	v10 =	vor.u32 v8, v10;
	_ =	sdelay $0x3  }
0x2c1: {  	s3 =	sadd.s32 $0xFFFFFFFF, s19;
	[tilespmem:s13+$0x0] =	vst v2;
	v2 =	vmul.f32 v2, v2  }
0x2c2: {  	v13 =	vadd.s32 s3, v0;
	v12 =	vld.idx.msk [tilespmem:v10+s16+$0x0], $0xffff  }
0x2c3: {  	v10 =	vadd.f32 v2, v1;
	v1 =	vand.u32 $0x3F, v13  }
0x2c4: {  	v1 =	vor.u32 v8, v1;
	_ =	sdelay $0x3  }
0x2c5: {  	v2 =	vmul.f32 v12, v12;
	[tilespmem:s13+$0x10] =	vst v12  }
.Ltmp2:
0x2c6: {  	v12 =	vld.idx.msk [tilespmem:v1+s16+$0x0], $0xffff;
	v1 =	vadd.s32 s19, v0;
	s19 =	smov.u32 s2;
	(pc) =	sbr.rel @p0 .LBB2_7-.Ltmp2, $3  }
0x2c7: {  	v11 =	vadd.f32 v2, v11;
	v1 =	vand.u32 $0x3F, v1  }
0x2c8: {  	v13 =	vor.u32 v8, v1;
	_ =	sdelay $0x1  }
0x2c9: {  	s2 =	sadd.s32 $0x8, s2  }
0x2ca: {  	_ =	sdelay $0x1  }
0x2cb: {  	s2 =	sadd.s32 $0xFFFFFFF9, s19  }
0x2cc: {  	[tilespmem:s13+$0x20] =	vst v12;
	v1 =	vadd.s32 s2, v0  }
0x2cd: {  	v2 =	vld.idx.msk [tilespmem:v13+s16+$0x0], $0xffff;
	v1 =	vand.u32 $0x38, v1  }
0x2ce: {  	v1 =	vor.u32 v1, v9;
	_ =	sdelay $0x2  }
0x2cf: {  	s29 =	sadd.s32 $0xFFFFFFFA, s19  }
0x2d0: {  	v43 =	vadd.s32 s29, v0;
	[tilespmem:s13+$0x30] =	vst v2  }
0x2d1: {  	v9 =	vand.u32 $0x3F, v43;
	v1 =	vld.idx.msk [tilespmem:v1+s16+$0x0], $0xffff  }
0x2d2: {  	v9 =	vor.u32 v8, v9;
	_ =	sdelay $0x2  }
0x2d3: {  	s3 =	sadd.s32 $0xFFFFFFFB, s19;
	s2 =	sadd.s32 $0x80, s13  }
0x2d4: {  	v44 =	vadd.s32 s3, v0;
	[tilespmem:s2+$0xFFFFFFC0] =	vst v1  }
0x2d5: {  	v13 =	vand.u32 $0x3F, v44;
	v9 =	vld.idx.msk [tilespmem:v9+s16+$0x0], $0xffff  }
0x2d6: {  	v13 =	vor.u32 v8, v13;
	_ =	sdelay $0x2  }
0x2d7: {  	s30 =	sadd.s32 $0xFFFFFFFC, s19  }
0x2d8: {  	v14 =	vadd.s32 s30, v0;
	[tilespmem:s2+$0xFFFFFFD0] =	vst v9  }
0x2d9: {  	v14 =	vand.u32 $0x3F, v14;
	v13 =	vld.idx.msk [tilespmem:v13+s16+$0x0], $0xffff  }
0x2da: {  	v14 =	vor.u32 v8, v14;
	_ =	sdelay $0x2  }
0x2db: {  	s13 =	sadd.s32 $0xFFFFFFFD, s19  }
0x2dc: {  	v15 =	vadd.s32 s13, v0;
	[tilespmem:s2+$0xFFFFFFE0] =	vst v13  }
0x2dd: {  	v15 =	vand.u32 $0x3F, v15;
	v14 =	vld.idx.msk [tilespmem:v14+s16+$0x0], $0xffff  }
0x2de: {  	v15 =	vor.u32 v8, v15;
	_ =	sdelay $0x2  }
0x2df: {  	s29 =	sadd.s32 $0xFFFFFFFE, s19  }
0x2e0: {  	v16 =	vadd.s32 s29, v0;
	[tilespmem:s2+$0xFFFFFFF0] =	vst v14  }
0x2e1: {  	v16 =	vand.u32 $0x3F, v16;
	v15 =	vld.idx.msk [tilespmem:v15+s16+$0x0], $0xffff  }
0x2e2: {  	v16 =	vor.u32 v8, v16;
	_ =	sdelay $0x2  }
0x2e3: {  	s30 =	sadd.s32 $0xFFFFFFFF, s19  }
0x2e4: {  	v17 =	vadd.s32 s30, v0;
	[tilespmem:s2+$0x0] =	vst v15  }
0x2e5: {  	v17 =	vand.u32 $0x3F, v17;
	v16 =	vld.idx.msk [tilespmem:v16+s16+$0x0], $0xffff  }
0x2e6: {  	v17 =	vor.u32 v8, v17;
	_ =	sdelay $0x3  }
0x2e7: {  	v18 =	vadd.s32 s19, v0;
	[tilespmem:s2+$0x10] =	vst v16  }
0x2e8: {  	v18 =	vand.u32 $0x3F, v18;
	v17 =	vld.idx.msk [tilespmem:v17+s16+$0x0], $0xffff  }
0x2e9: {  	v8 =	vor.u32 v8, v18  }
0x2ea: {  	v46 =	vmul.f32 v12, v12  }
0x2eb: {  	v2 =	vmul.f32 v2, v2  }
0x2ec: {  	[tilespmem:$0x1F960] =	vst v31;
	v10 =	vadd.f32 v46, v10;
	v1 =	vmul.f32 v1, v1  }
0x2ed: {  	v2 =	vadd.f32 v2, v11;
	v9 =	vmul.f32 v9, v9;
	[tilespmem:s2+$0x20] =	vst v17  }
0x2ee: {  	v31 =	vmovc v32;
	v32 =	vmov v33;
	v1 =	vadd.f32 v1, v10;
	v47 =	vmul.f32 v13, v13;
	v8 =	vld.idx.msk [tilespmem:v8+s16+$0x0], $0xffff  }
0x2ef: {  	v33 =	vmovc v35;
	v35 =	vmovc v36;
	v36 =	vmov v37;
	v37 =	vld [tilespmem:$0x1FA40];
	v2 =	vadd.f32 v9, v2;
	v48 =	vmul.f32 v14, v14  }
0x2f0: {  	v38 =	vld [tilespmem:$0x1FA30];
	v1 =	vadd.f32 v47, v1;
	v49 =	vmul.f32 v15, v15  }
0x2f1: {  	v40 =	vld [tilespmem:$0x1FA20];
	v2 =	vadd.f32 v48, v2;
	v50 =	vmul.f32 v16, v16  }
0x2f2: {  	v42 =	vld [tilespmem:$0x1FA10];
	v1 =	vadd.f32 v49, v1  }
0x2f3: {  	[tilespmem:$0x1F950] =	vst v30;
	v30 =	vld [tilespmem:$0x1F9A0];
	v2 =	vadd.f32 v50, v2;
	v51 =	vmul.f32 v17, v17;
	v53 =	vmul.f32 v8, v8  }
0x2f4: {  	v4 =	vld [tilespmem:$0x1F990]  }
0x2f5: {  	v5 =	vld [tilespmem:$0x1F980];
	v1 =	vadd.f32 v51, v1;
	v2 =	vadd.f32 v53, v2  }
0x2f6: {  	v6 =	vld [tilespmem:$0x1F970]  }
0x2f7: {  	v46 =	vld [tilespmem:$0x1FEC0];
	v1 =	vadd.f32 v2, v1  }
0x2f8: {  	v43 =	vld [tilespmem:$0x1FA00];
	[tilespmem:s2+$0x30] =	vst v8  }
0x2f9: {  	[tilespmem:$0x1F930] =	vst v1;
	v1 =	vld [tilespmem:$0x8200]  }
0x2fa: {  	v47 =	vld [tilespmem:$0x1F9F0]  }
0x2fb: {  	v48 =	vld [tilespmem:$0x1F9D0]  }
0x2fc: {  	v49 =	vld [tilespmem:$0x1F9E0]  }
0x2fd: {  	v50 =	vld [tilespmem:$0x1F9C0]  }
0x2fe: {  	v7 =	vmov v23;
	s13 =	simm.s32 $0x0;
	v51 =	vld [tilespmem:$0x1F9B0];
	v53 =	vmov v26;
	[tilespmem:$0x1F940] =	vst v1  }
.LBB2_9:
0x2ff: {  	_ = 	snop  }
0x300: {  	v1 =	vmov s13;
	v13 =	vld [tilespmem:$0x8210]  }
0x301: {  	v16 =	vld [tilespmem:$0x8220];
	v1 =	vshll.u32 v1, $0x6  }
0x302: {  	v22 =	vld [tilespmem:$0x8240];
	v10 =	vadd.s32 v19, v1  }
0x303: {  	v3 =	vld [tilespmem:$0x1F940];
	v1 =	vor.u32 v0, v10  }
0x304: {  	v28 =	vld [tilespmem:$0x8250]  }
0x305: {  	v8 =	vld [tilespmem:$0x1FF70];
	v2 =	vor.u32 v20, v10  }
0x306: {  	v41 =	vld [tilespmem:$0x8260]  }
0x307: {  	v19 =	vld [tilespmem:$0x8230];
	v12 =	vor.u32 v21, v10  }
0x308: {  	v11 =	vld.idx.msk [tilespmem:v1+s26+$0x0], $0xffff  }
0x309: {  	v15 =	vor.u32 v25, v10;
	v1 =	vld.idx.msk [tilespmem:v1+s28+$0x0], $0xffff  }
0x30a: {  	v14 =	vld.idx.msk [tilespmem:v2+s26+$0x0], $0xffff  }
0x30b: {  	v18 =	vor.u32 v27, v10;
	v2 =	vld.idx.msk [tilespmem:v2+s28+$0x0], $0xffff  }
0x30c: {  	v17 =	vld.idx.msk [tilespmem:v12+s26+$0x0], $0xffff  }
0x30d: {  	v21 =	vor.u32 v29, v10;
	v12 =	vld.idx.msk [tilespmem:v12+s28+$0x0], $0xffff  }
0x30e: {  	v20 =	vld.idx.msk [tilespmem:v15+s26+$0x0], $0xffff;
	v23 =	vmul.f32 v11, v3;
	v24 =	vmul.f32 v1, v3  }
0x30f: {  	v27 =	vor.u32 v34, v10;
	v15 =	vld.idx.msk [tilespmem:v15+s28+$0x0], $0xffff;
	v26 =	vmul.f32 v14, v13;
	v11 =	vmul.f32 v11, v11  }
0x310: {  	v25 =	vld.idx.msk [tilespmem:v18+s26+$0x0], $0xffff;
	v1 =	vmul.f32 v1, v1;
	v13 =	vmul.f32 v2, v13  }
0x311: {  	v39 =	vor.u32 v8, v10;
	v18 =	vld.idx.msk [tilespmem:v18+s28+$0x0], $0xffff;
	v14 =	vmul.f32 v14, v14;
	v44 =	vmul.f32 v17, v16  }
0x312: {  	v52 =	vor.u32 v52, v10;
	v29 =	vld.idx.msk [tilespmem:v21+s26+$0x0], $0xffff;
	v2 =	vmul.f32 v2, v2;
	v17 =	vmul.f32 v17, v17  }
0x313: {  	v21 =	vld.idx.msk [tilespmem:v21+s28+$0x0], $0xffff;
	v16 =	vmul.f32 v12, v16;
	v12 =	vmul.f32 v12, v12;
	v23 =	vadd.f32 $0.0e+00, v23  }
0x314: {  	v34 =	vld.idx.msk [tilespmem:v27+s26+$0x0], $0xffff;
	v9 =	vmul.f32 v20, v20;
	v24 =	vadd.f32 $0.0e+00, v24;
	v26 =	vadd.f32 $0.0e+00, v26  }
0x315: {  	v3 =	vld [tilespmem:$0x1FF80];
	v13 =	vadd.f32 $0.0e+00, v13;
	v11 =	vadd.f32 v17, v11;
	v17 =	vmul.f32 v20, v19  }
0x316: {  	v27 =	vld.idx.msk [tilespmem:v27+s28+$0x0], $0xffff;
	v1 =	vadd.f32 v12, v1;
	v12 =	vadd.f32 v9, v14;
	v9 =	vmul.f32 v25, v22  }
0x317: {  	v20 =	vld [tilespmem:$0x8270];
	v22 =	vmul.f32 v18, v22;
	v18 =	vmul.f32 v18, v18;
	v23 =	vadd.f32 v44, v23  }
0x318: {  	v19 =	vmul.f32 v15, v19;
	v16 =	vadd.f32 v16, v24;
	v17 =	vadd.f32 v17, v26;
	v24 =	vld.idx.msk [tilespmem:v39+s26+$0x0], $0xffff  }
0x319: {  	v26 =	vld.idx.msk [tilespmem:v39+s28+$0x0], $0xffff;
	v39 =	vor.u32 v45, v10;
	v1 =	vadd.f32 v18, v1;
	v18 =	vmul.f32 v29, v29  }
0x31a: {  	v15 =	vmul.f32 v15, v15;
	v13 =	vadd.f32 v19, v13;
	v19 =	vld [tilespmem:$0x8280];
	v44 =	vor.u32 v3, v10  }
0x31b: {  	v3 =	vld [tilespmem:$0x1FFD0];
	v14 =	vadd.f32 v9, v23;
	v12 =	vadd.f32 v18, v12;
	v18 =	vmul.f32 v34, v41  }
0x31c: {  	v9 =	vmul.f32 v29, v28;
	v16 =	vadd.f32 v22, v16;
	v22 =	vld [tilespmem:$0x8290]  }
0x31d: {  	v2 =	vadd.f32 v15, v2;
	v14 =	vadd.f32 v18, v14;
	v18 =	vmul.f32 v27, v41;
	v41 =	vld.idx.msk [tilespmem:v52+s28+$0x0], $0xffff  }
0x31e: {  	v45 =	vmul.f32 v25, v25;
	v15 =	vadd.f32 v9, v17;
	v17 =	vmul.f32 v21, v28;
	v28 =	vld.idx.msk [tilespmem:v39+s26+$0x0], $0xffff  }
0x31f: {  	v54 =	vor.u32 v54, v10;
	v29 =	vld.idx.msk [tilespmem:v39+s28+$0x0], $0xffff  }
0x320: {  	v11 =	vadd.f32 v45, v11;
	v21 =	vmul.f32 v21, v21;
	v23 =	vld.idx.msk [tilespmem:v44+s26+$0x0], $0xffff  }
0x321: {  	v27 =	vmul.f32 v27, v27;
	v25 =	vld.idx.msk [tilespmem:v44+s28+$0x0], $0xffff;
	v13 =	vadd.f32 v17, v13;
	v17 =	vmul.f32 v34, v34  }
0x322: {  	v34 =	vld.idx.msk [tilespmem:v52+s26+$0x0], $0xffff;
	v52 =	vor.u32 v57, v10;
	v57 =	vor.u32 v59, v10;
	v59 =	vor.u32 v61, v10  }
0x323: {  	v2 =	vadd.f32 v21, v2;
	v21 =	vld [tilespmem:$0x82A0];
	v11 =	vadd.f32 v17, v11;
	v17 =	vmul.f32 v24, v20  }
0x324: {  	v16 =	vadd.f32 v18, v16;
	v1 =	vadd.f32 v27, v1;
	v18 =	vmul.f32 v24, v24;
	v27 =	vld.idx.msk [tilespmem:v54+s28+$0x0], $0xffff  }
0x325: {  	v55 =	vor.u32 v55, v10;
	v24 =	vld [tilespmem:$0x82B0];
	v15 =	vadd.f32 v17, v15;
	v17 =	vmul.f32 v26, v20  }
0x326: {  	v12 =	vadd.f32 v18, v12;
	v20 =	vmul.f32 v26, v26;
	v26 =	vld.idx.msk [tilespmem:v54+s26+$0x0], $0xffff;
	v18 =	vmul.f32 v23, v19  }
0x327: {  	v56 =	vor.u32 v56, v10;
	v54 =	vor.u32 v58, v10;
	v58 =	vor.u32 v60, v10;
	v61 =	vld.idx.msk [tilespmem:v59+s26+$0x0], $0xffff  }
0x328: {  	v60 =	vor.u32 v62, v10;
	v62 =	vld.idx.msk [tilespmem:v59+s28+$0x0], $0xffff;
	v14 =	vadd.f32 v18, v14;
	v18 =	vmul.f32 v25, v19  }
0x329: {  	v13 =	vadd.f32 v17, v13;
	v2 =	vadd.f32 v20, v2;
	v17 =	vmul.f32 v23, v23;
	v20 =	vld [tilespmem:$0x82C0]  }
0x32a: {  	v23 =	vld.idx.msk [tilespmem:v55+s26+$0x0], $0xffff;
	v16 =	vadd.f32 v18, v16;
	v18 =	vmul.f32 v28, v28  }
0x32b: {  	v19 =	vmul.f32 v25, v25;
	v25 =	vld.idx.msk [tilespmem:v55+s28+$0x0], $0xffff;
	v11 =	vadd.f32 v17, v11;
	v17 =	vmul.f32 v28, v22  }
0x32c: {  	v55 =	vld.idx.msk [tilespmem:v52+s26+$0x0], $0xffff;
	v12 =	vadd.f32 v18, v12;
	v18 =	vmul.f32 v34, v21  }
0x32d: {  	v1 =	vadd.f32 v19, v1;
	v19 =	vld [tilespmem:$0x82D0];
	v15 =	vadd.f32 v17, v15;
	v17 =	vmul.f32 v29, v22  }
0x32e: {  	v28 =	vld.idx.msk [tilespmem:v56+s26+$0x0], $0xffff;
	v14 =	vadd.f32 v18, v14;
	v18 =	vmul.f32 v41, v21  }
0x32f: {  	v22 =	vmul.f32 v29, v29;
	v29 =	vld.idx.msk [tilespmem:v56+s28+$0x0], $0xffff;
	v13 =	vadd.f32 v17, v13;
	v17 =	vmul.f32 v34, v34  }
0x330: {  	v56 =	vld.idx.msk [tilespmem:v52+s28+$0x0], $0xffff;
	v21 =	vmul.f32 v41, v41;
	v16 =	vadd.f32 v18, v16;
	v18 =	vmul.f32 v26, v26  }
0x331: {  	v2 =	vadd.f32 v22, v2;
	v22 =	vld [tilespmem:$0x82E0];
	v11 =	vadd.f32 v17, v11;
	v17 =	vmul.f32 v26, v24  }
0x332: {  	v1 =	vadd.f32 v21, v1;
	v21 =	vld [tilespmem:$0x82F0];
	v12 =	vadd.f32 v18, v12;
	v18 =	vmul.f32 v23, v20  }
0x333: {  	v26 =	vld.idx.msk [tilespmem:v54+s26+$0x0], $0xffff;
	v15 =	vadd.f32 v17, v15;
	v17 =	vmul.f32 v27, v24  }
0x334: {  	v24 =	vmul.f32 v27, v27;
	v27 =	vld.idx.msk [tilespmem:v54+s28+$0x0], $0xffff;
	v14 =	vadd.f32 v18, v14;
	v18 =	vmul.f32 v25, v20  }
0x335: {  	v54 =	vor.u32 v3, v10;
	v3 =	vld [tilespmem:$0x1FFF0];
	v13 =	vadd.f32 v17, v13;
	v17 =	vmul.f32 v23, v23  }
0x336: {  	v2 =	vadd.f32 v24, v2;
	v23 =	vld [tilespmem:$0x8300];
	v16 =	vadd.f32 v18, v16;
	v18 =	vmul.f32 v28, v28  }
0x337: {  	v24 =	vld.idx.msk [tilespmem:v57+s26+$0x0], $0xffff;
	v20 =	vmul.f32 v25, v25;
	v11 =	vadd.f32 v17, v11;
	v17 =	vmul.f32 v28, v19  }
0x338: {  	v25 =	vld.idx.msk [tilespmem:v57+s28+$0x0], $0xffff;
	v12 =	vadd.f32 v18, v12;
	v18 =	vmul.f32 v55, v22  }
0x339: {  	v1 =	vadd.f32 v20, v1;
	v20 =	vld [tilespmem:$0x8310];
	v15 =	vadd.f32 v17, v15  }
0x33a: {  	v28 =	vld.idx.msk [tilespmem:v58+s26+$0x0], $0xffff;
	v17 =	vmul.f32 v29, v19;
	v19 =	vmul.f32 v29, v29;
	v14 =	vadd.f32 v18, v14  }
0x33b: {  	v18 =	vmul.f32 v56, v22;
	v22 =	vmul.f32 v56, v56;
	v56 =	vor.u32 v3, v10;
	v3 =	vld [tilespmem:$0x1FA50]  }
0x33c: {  	v29 =	vld.idx.msk [tilespmem:v58+s28+$0x0], $0xffff;
	v13 =	vadd.f32 v17, v13;
	v17 =	vmul.f32 v55, v55  }
0x33d: {  	v2 =	vadd.f32 v19, v2;
	v19 =	vld [tilespmem:$0x8320];
	v55 =	vor.u32 v7, v10  }
0x33e: {  	v11 =	vadd.f32 v17, v11;
	v1 =	vadd.f32 v22, v1;
	v22 =	vld [tilespmem:$0x8330]  }
0x33f: {  	v17 =	vmul.f32 v26, v21;
	v16 =	vadd.f32 v18, v16;
	v18 =	vmul.f32 v26, v26;
	v26 =	vld.idx.msk [tilespmem:v60+s26+$0x0], $0xffff  }
0x340: {  	v52 =	vor.u32 v63, v10;
	v59 =	vor.u32 v3, v10;
	v3 =	vld [tilespmem:$0x1FA60]  }
0x341: {  	v15 =	vadd.f32 v17, v15;
	v17 =	vmul.f32 v27, v21;
	v21 =	vmul.f32 v27, v27;
	v27 =	vld.idx.msk [tilespmem:v60+s28+$0x0], $0xffff  }
0x342: {  	v57 =	vld.idx.msk [tilespmem:v55+s26+$0x0], $0xffff  }
0x343: {  	v12 =	vadd.f32 v18, v12;
	v18 =	vmul.f32 v24, v23;
	v58 =	vld.idx.msk [tilespmem:v55+s28+$0x0], $0xffff  }
0x344: {  	v13 =	vadd.f32 v17, v13;
	v2 =	vadd.f32 v21, v2;
	v17 =	vmul.f32 v24, v24;
	v21 =	vld [tilespmem:$0x8340]  }
0x345: {  	v14 =	vadd.f32 v18, v14;
	v18 =	vmul.f32 v25, v23;
	v60 =	vor.u32 v3, v10;
	v3 =	vld [tilespmem:$0x1FA70]  }
0x346: {  	v24 =	vld.idx.msk [tilespmem:v52+s26+$0x0], $0xffff;
	v23 =	vmul.f32 v25, v25;
	v11 =	vadd.f32 v17, v11;
	v17 =	vmul.f32 v28, v20  }
0x347: {  	v25 =	vld.idx.msk [tilespmem:v52+s28+$0x0], $0xffff;
	v16 =	vadd.f32 v18, v16;
	v18 =	vmul.f32 v28, v28  }
0x348: {  	v1 =	vadd.f32 v23, v1;
	v23 =	vld [tilespmem:$0x8350];
	v15 =	vadd.f32 v17, v15;
	v17 =	vmul.f32 v29, v20  }
0x349: {  	v28 =	vld.idx.msk [tilespmem:v54+s26+$0x0], $0xffff;
	v20 =	vmul.f32 v29, v29;
	v12 =	vadd.f32 v18, v12;
	v18 =	vmul.f32 v61, v19  }
0x34a: {  	v13 =	vadd.f32 v17, v13;
	v17 =	vmul.f32 v61, v61;
	v61 =	vor.u32 v3, v10;
	v3 =	vld [tilespmem:$0x1FA80]  }
0x34b: {  	v29 =	vld.idx.msk [tilespmem:v54+s28+$0x0], $0xffff;
	v14 =	vadd.f32 v18, v14;
	v18 =	vmul.f32 v62, v19;
	v19 =	vmul.f32 v62, v62  }
0x34c: {  	v2 =	vadd.f32 v20, v2;
	v20 =	vld [tilespmem:$0x8360];
	v11 =	vadd.f32 v17, v11;
	v17 =	vmul.f32 v26, v22  }
0x34d: {  	v1 =	vadd.f32 v19, v1;
	v19 =	vld [tilespmem:$0x8370]  }
0x34e: {  	v16 =	vadd.f32 v18, v16;
	v18 =	vmul.f32 v26, v26;
	v26 =	vld.idx.msk [tilespmem:v56+s26+$0x0], $0xffff;
	v15 =	vadd.f32 v17, v15  }
0x34f: {  	v17 =	vmul.f32 v27, v22;
	v22 =	vmul.f32 v27, v27;
	v62 =	vor.u32 v3, v10;
	v3 =	vld [tilespmem:$0x1FA90]  }
0x350: {  	v27 =	vld.idx.msk [tilespmem:v56+s28+$0x0], $0xffff  }
0x351: {  	v12 =	vadd.f32 v18, v12;
	v18 =	vmul.f32 v24, v21;
	v2 =	vadd.f32 v22, v2;
	v22 =	vld [tilespmem:$0x8380]  }
0x352: {  	v13 =	vadd.f32 v17, v13;
	v17 =	vmul.f32 v24, v24;
	v24 =	vld.idx.msk [tilespmem:v59+s26+$0x0], $0xffff  }
0x353: {  	v14 =	vadd.f32 v18, v14;
	v18 =	vmul.f32 v25, v21;
	v21 =	vmul.f32 v25, v25;
	v25 =	vld.idx.msk [tilespmem:v59+s28+$0x0], $0xffff  }
0x354: {  	v11 =	vadd.f32 v17, v11;
	v17 =	vmul.f32 v28, v23;
	v54 =	vor.u32 v3, v10;
	v3 =	vld [tilespmem:$0x1FAA0]  }
0x355: {  	v16 =	vadd.f32 v18, v16;
	v1 =	vadd.f32 v21, v1;
	v18 =	vmul.f32 v28, v28;
	v21 =	vld [tilespmem:$0x8390]  }
0x356: {  	v28 =	vld.idx.msk [tilespmem:v60+s26+$0x0], $0xffff;
	v15 =	vadd.f32 v17, v15;
	v17 =	vmul.f32 v29, v23  }
0x357: {  	v63 =	vld.idx.msk [tilespmem:v61+s26+$0x0], $0xffff;
	v12 =	vadd.f32 v18, v12;
	v18 =	vmul.f32 v57, v20  }
0x358: {  	v52 =	vld.idx.msk [tilespmem:v61+s28+$0x0], $0xffff;
	v23 =	vmul.f32 v29, v29;
	v13 =	vadd.f32 v17, v13;
	v17 =	vmul.f32 v57, v57  }
0x359: {  	v14 =	vadd.f32 v18, v14;
	v18 =	vmul.f32 v58, v20;
	v55 =	vor.u32 v3, v10;
	v3 =	vld [tilespmem:$0x1FAB0]  }
0x35a: {  	v29 =	vld.idx.msk [tilespmem:v60+s28+$0x0], $0xffff;
	v20 =	vmul.f32 v58, v58;
	v11 =	vadd.f32 v17, v11;
	v17 =	vmul.f32 v26, v19  }
0x35b: {  	v2 =	vadd.f32 v23, v2;
	v23 =	vld [tilespmem:$0x83A0];
	v16 =	vadd.f32 v18, v16;
	v18 =	vmul.f32 v26, v26  }
0x35c: {  	v1 =	vadd.f32 v20, v1;
	v20 =	vld [tilespmem:$0x83B0];
	v15 =	vadd.f32 v17, v15;
	v17 =	vmul.f32 v27, v19  }
0x35d: {  	v26 =	vld.idx.msk [tilespmem:v62+s26+$0x0], $0xffff;
	v19 =	vmul.f32 v27, v27;
	v12 =	vadd.f32 v18, v12;
	v18 =	vmul.f32 v24, v22  }
0x35e: {  	v13 =	vadd.f32 v17, v13;
	v17 =	vmul.f32 v24, v24;
	v56 =	vor.u32 v3, v10;
	v3 =	vld [tilespmem:$0x1FAC0]  }
0x35f: {  	v27 =	vld.idx.msk [tilespmem:v62+s28+$0x0], $0xffff;
	v14 =	vadd.f32 v18, v14;
	v18 =	vmul.f32 v25, v22  }
0x360: {  	v2 =	vadd.f32 v19, v2;
	v19 =	vld [tilespmem:$0x83C0];
	v11 =	vadd.f32 v17, v11;
	v17 =	vmul.f32 v28, v21  }
0x361: {  	v24 =	vld.idx.msk [tilespmem:v54+s26+$0x0], $0xffff;
	v16 =	vadd.f32 v18, v16;
	v18 =	vmul.f32 v28, v28  }
0x362: {  	v22 =	vmul.f32 v25, v25;
	v25 =	vld.idx.msk [tilespmem:v54+s28+$0x0], $0xffff;
	v15 =	vadd.f32 v17, v15;
	v17 =	vmul.f32 v29, v21  }
0x363: {  	v12 =	vadd.f32 v18, v12;
	v18 =	vmul.f32 v63, v23;
	v57 =	vor.u32 v3, v10;
	v3 =	vld [tilespmem:$0x1FAD0]  }
0x364: {  	v1 =	vadd.f32 v22, v1;
	v22 =	vld [tilespmem:$0x83D0];
	v21 =	vmul.f32 v29, v29;
	v13 =	vadd.f32 v17, v13  }
0x365: {  	v28 =	vld.idx.msk [tilespmem:v55+s26+$0x0], $0xffff;
	v17 =	vmul.f32 v63, v63;
	v14 =	vadd.f32 v18, v14;
	v18 =	vmul.f32 v52, v23  }
0x366: {  	v29 =	vld.idx.msk [tilespmem:v55+s28+$0x0], $0xffff;
	v2 =	vadd.f32 v21, v2;
	v23 =	vmul.f32 v52, v52  }
0x367: {  	v21 =	vld [tilespmem:$0x83E0];
	v11 =	vadd.f32 v17, v11;
	v17 =	vmul.f32 v26, v20;
	v16 =	vadd.f32 v18, v16  }
0x368: {  	v1 =	vadd.f32 v23, v1;
	v18 =	vmul.f32 v26, v26;
	v60 =	vor.u32 v3, v10;
	v3 =	vld [tilespmem:$0x1FAE0]  }
0x369: {  	v23 =	vld [tilespmem:$0x83F0];
	v15 =	vadd.f32 v17, v15;
	v17 =	vmul.f32 v27, v20;
	v20 =	vmul.f32 v27, v27  }
0x36a: {  	v58 =	vld.idx.msk [tilespmem:v56+s26+$0x0], $0xffff;
	v12 =	vadd.f32 v18, v12;
	v18 =	vmul.f32 v24, v19  }
0x36b: {  	v59 =	vld.idx.msk [tilespmem:v56+s28+$0x0], $0xffff;
	v13 =	vadd.f32 v17, v13;
	v2 =	vadd.f32 v20, v2;
	v17 =	vmul.f32 v24, v24  }
0x36c: {  	v20 =	vld [tilespmem:$0x8400];
	v14 =	vadd.f32 v18, v14;
	v18 =	vmul.f32 v25, v19;
	v19 =	vmul.f32 v25, v25  }
0x36d: {  	v11 =	vadd.f32 v17, v11;
	v17 =	vmul.f32 v28, v22;
	v61 =	vor.u32 v3, v10;
	v3 =	vld [tilespmem:$0x1FAF0]  }
0x36e: {  	v16 =	vadd.f32 v18, v16;
	v1 =	vadd.f32 v19, v1;
	v18 =	vmul.f32 v28, v28;
	v19 =	vld [tilespmem:$0x8410]  }
0x36f: {  	v26 =	vld.idx.msk [tilespmem:v57+s26+$0x0], $0xffff;
	v15 =	vadd.f32 v17, v15;
	v17 =	vmul.f32 v29, v22;
	v22 =	vmul.f32 v29, v29  }
0x370: {  	v27 =	vld.idx.msk [tilespmem:v57+s28+$0x0], $0xffff  }
0x371: {  	v12 =	vadd.f32 v18, v12;
	v18 =	vmul.f32 v58, v21;
	v2 =	vadd.f32 v22, v2;
	v22 =	vld [tilespmem:$0x8420]  }
0x372: {  	v13 =	vadd.f32 v17, v13;
	v17 =	vmul.f32 v58, v58;
	v24 =	vld.idx.msk [tilespmem:v60+s26+$0x0], $0xffff;
	v62 =	vor.u32 v3, v10  }
0x373: {  	v14 =	vadd.f32 v18, v14;
	v18 =	vmul.f32 v59, v21;
	v3 =	vld [tilespmem:$0x1FB00]  }
0x374: {  	v21 =	vmul.f32 v59, v59;
	v11 =	vadd.f32 v17, v11;
	v25 =	vld.idx.msk [tilespmem:v60+s28+$0x0], $0xffff;
	v17 =	vmul.f32 v26, v23  }
0x375: {  	v16 =	vadd.f32 v18, v16;
	v18 =	vmul.f32 v26, v26;
	v28 =	vld.idx.msk [tilespmem:v61+s26+$0x0], $0xffff  }
0x376: {  	v1 =	vadd.f32 v21, v1;
	v15 =	vadd.f32 v17, v15;
	v17 =	vmul.f32 v27, v23;
	v29 =	vld.idx.msk [tilespmem:v61+s28+$0x0], $0xffff  }
0x377: {  	v23 =	vmul.f32 v27, v27;
	v12 =	vadd.f32 v18, v12;
	v18 =	vmul.f32 v24, v20;
	v52 =	vld.idx.msk [tilespmem:v62+s26+$0x0], $0xffff  }
0x378: {  	v13 =	vadd.f32 v17, v13;
	v17 =	vmul.f32 v24, v24;
	v63 =	vor.u32 v3, v10;
	v3 =	vld [tilespmem:$0x1FB10]  }
0x379: {  	v21 =	vld [tilespmem:$0x8430];
	v14 =	vadd.f32 v18, v14;
	v18 =	vmul.f32 v25, v20;
	v20 =	vmul.f32 v25, v25  }
0x37a: {  	v2 =	vadd.f32 v23, v2;
	v11 =	vadd.f32 v17, v11;
	v54 =	vld.idx.msk [tilespmem:v62+s28+$0x0], $0xffff;
	v17 =	vmul.f32 v28, v19  }
0x37b: {  	v23 =	vld [tilespmem:$0x8440];
	v16 =	vadd.f32 v18, v16;
	v1 =	vadd.f32 v20, v1;
	v18 =	vmul.f32 v28, v28  }
0x37c: {  	v20 =	vld [tilespmem:$0x8450];
	v15 =	vadd.f32 v17, v15;
	v17 =	vmul.f32 v29, v19;
	v19 =	vmul.f32 v29, v29  }
0x37d: {  	v12 =	vadd.f32 v18, v12;
	v55 =	vor.u32 v3, v10;
	v3 =	vld [tilespmem:$0x1FB20];
	v18 =	vmul.f32 v52, v22  }
0x37e: {  	v2 =	vadd.f32 v19, v2;
	v19 =	vld [tilespmem:$0x8460]  }
0x37f: {  	v26 =	vld.idx.msk [tilespmem:v63+s26+$0x0], $0xffff;
	v14 =	vadd.f32 v18, v14;
	v18 =	vmul.f32 v54, v22;
	v22 =	vmul.f32 v54, v54  }
0x380: {  	v27 =	vld.idx.msk [tilespmem:v63+s28+$0x0], $0xffff;
	v63 =	vor.u32 v33, v10  }
0x381: {  	v1 =	vadd.f32 v22, v1;
	v22 =	vld [tilespmem:$0x8470]  }
0x382: {  	v13 =	vadd.f32 v17, v13;
	v17 =	vmul.f32 v52, v52;
	v56 =	vor.u32 v3, v10;
	v3 =	vld [tilespmem:$0x1F950]  }
0x383: {  	v24 =	vld.idx.msk [tilespmem:v55+s26+$0x0], $0xffff  }
0x384: {  	v11 =	vadd.f32 v17, v11;
	v25 =	vld.idx.msk [tilespmem:v55+s28+$0x0], $0xffff;
	v17 =	vmul.f32 v26, v21  }
0x385: {  	v61 =	vor.u32 v31, v10;
	v54 =	vld.idx.msk [tilespmem:v63+s26+$0x0], $0xffff  }
0x386: {  	v55 =	vld.idx.msk [tilespmem:v63+s28+$0x0], $0xffff;
	v15 =	vadd.f32 v17, v15;
	v17 =	vmul.f32 v27, v21;
	v21 =	vmul.f32 v27, v27  }
0x387: {  	v16 =	vadd.f32 v18, v16;
	v18 =	vmul.f32 v26, v26;
	v57 =	vor.u32 v3, v10;
	v3 =	vld [tilespmem:$0x1F960]  }
0x388: {  	v2 =	vadd.f32 v21, v2;
	v21 =	vld [tilespmem:$0x8480]  }
0x389: {  	v12 =	vadd.f32 v18, v12;
	v28 =	vld.idx.msk [tilespmem:v56+s26+$0x0], $0xffff;
	v18 =	vmul.f32 v24, v23  }
0x38a: {  	v62 =	vor.u32 v32, v10;
	v29 =	vld.idx.msk [tilespmem:v56+s28+$0x0], $0xffff  }
0x38b: {  	v13 =	vadd.f32 v17, v13;
	v17 =	vmul.f32 v24, v24;
	v24 =	vld.idx.msk [tilespmem:v61+s26+$0x0], $0xffff;
	v14 =	vadd.f32 v18, v14  }
0x38c: {  	v18 =	vmul.f32 v25, v23;
	v23 =	vmul.f32 v25, v25;
	v25 =	vld.idx.msk [tilespmem:v61+s28+$0x0], $0xffff;
	v58 =	vor.u32 v3, v10  }
0x38d: {  	v59 =	vld.idx.msk [tilespmem:v57+s26+$0x0], $0xffff  }
0x38e: {  	v1 =	vadd.f32 v23, v1;
	v23 =	vld [tilespmem:$0x8490]  }
0x38f: {  	v11 =	vadd.f32 v17, v11;
	v60 =	vld.idx.msk [tilespmem:v57+s28+$0x0], $0xffff;
	v17 =	vmul.f32 v28, v20  }
0x390: {  	v16 =	vadd.f32 v18, v16;
	v18 =	vmul.f32 v28, v28;
	v28 =	vld.idx.msk [tilespmem:v62+s26+$0x0], $0xffff  }
0x391: {  	v52 =	vor.u32 v35, v10;
	v15 =	vadd.f32 v17, v15;
	v17 =	vmul.f32 v29, v20;
	v26 =	vld.idx.msk [tilespmem:v58+s26+$0x0], $0xffff  }
0x392: {  	v3 =	vld [tilespmem:$0x1FD80];
	v20 =	vmul.f32 v29, v29;
	v12 =	vadd.f32 v18, v12;
	v18 =	vmul.f32 v59, v19  }
0x393: {  	v13 =	vadd.f32 v17, v13;
	v27 =	vld.idx.msk [tilespmem:v58+s28+$0x0], $0xffff;
	v17 =	vmul.f32 v59, v59;
	v58 =	vor.u32 v38, v10  }
0x394: {  	v29 =	vld.idx.msk [tilespmem:v62+s28+$0x0], $0xffff;
	v14 =	vadd.f32 v18, v14;
	v18 =	vmul.f32 v60, v19;
	v19 =	vmul.f32 v60, v60  }
0x395: {  	v2 =	vadd.f32 v20, v2;
	v20 =	vld [tilespmem:$0x84A0];
	v59 =	vor.u32 v40, v10  }
0x396: {  	v11 =	vadd.f32 v17, v11;
	v1 =	vadd.f32 v19, v1;
	v19 =	vld [tilespmem:$0x84B0];
	v17 =	vmul.f32 v26, v22  }
0x397: {  	v16 =	vadd.f32 v18, v16;
	v18 =	vmul.f32 v26, v26;
	v26 =	vld.idx.msk [tilespmem:v52+s26+$0x0], $0xffff  }
0x398: {  	v56 =	vor.u32 v36, v10;
	v60 =	vld.idx.msk [tilespmem:v58+s26+$0x0], $0xffff;
	v15 =	vadd.f32 v17, v15;
	v17 =	vmul.f32 v27, v22  }
0x399: {  	v57 =	vor.u32 v37, v10;
	v61 =	vld.idx.msk [tilespmem:v58+s28+$0x0], $0xffff;
	v12 =	vadd.f32 v18, v12;
	v18 =	vmul.f32 v24, v21  }
0x39a: {  	v39 =	vld.idx.msk [tilespmem:v59+s28+$0x0], $0xffff;
	v22 =	vmul.f32 v27, v27;
	v13 =	vadd.f32 v17, v13;
	v17 =	vmul.f32 v24, v24  }
0x39b: {  	v27 =	vld.idx.msk [tilespmem:v52+s28+$0x0], $0xffff;
	v14 =	vadd.f32 v18, v14;
	v18 =	vmul.f32 v25, v21  }
0x39c: {  	v2 =	vadd.f32 v22, v2;
	v22 =	vld [tilespmem:$0x84C0];
	v11 =	vadd.f32 v17, v11;
	v17 =	vmul.f32 v28, v23  }
0x39d: {  	v21 =	vmul.f32 v25, v25;
	v24 =	vld.idx.msk [tilespmem:v56+s26+$0x0], $0xffff;
	v16 =	vadd.f32 v18, v16;
	v18 =	vmul.f32 v28, v28  }
0x39e: {  	v62 =	vor.u32 v42, v10;
	v25 =	vld.idx.msk [tilespmem:v56+s28+$0x0], $0xffff;
	v15 =	vadd.f32 v17, v15;
	v17 =	vmul.f32 v29, v23  }
0x39f: {  	v1 =	vadd.f32 v21, v1;
	v28 =	vld.idx.msk [tilespmem:v57+s26+$0x0], $0xffff;
	v12 =	vadd.f32 v18, v12;
	v18 =	vmul.f32 v54, v20  }
0x3a0: {  	v23 =	vmul.f32 v29, v29;
	v29 =	vld.idx.msk [tilespmem:v57+s28+$0x0], $0xffff;
	v57 =	vor.u32 v50, v10;
	v13 =	vadd.f32 v17, v13  }
0x3a1: {  	v21 =	vld [tilespmem:$0x84D0];
	v17 =	vmul.f32 v54, v54;
	v14 =	vadd.f32 v18, v14;
	v18 =	vmul.f32 v55, v20  }
0x3a2: {  	v2 =	vadd.f32 v23, v2;
	v23 =	vld [tilespmem:$0x84E0];
	v20 =	vmul.f32 v55, v55;
	v54 =	vor.u32 v46, v10  }
0x3a3: {  	v11 =	vadd.f32 v17, v11;
	v17 =	vmul.f32 v26, v19;
	v16 =	vadd.f32 v18, v16;
	v18 =	vld [tilespmem:$0x84F0]  }
0x3a4: {  	v1 =	vadd.f32 v20, v1;
	v19 =	vmul.f32 v27, v19;
	v20 =	vld.idx.msk [tilespmem:v59+s26+$0x0], $0xffff  }
0x3a5: {  	v63 =	vor.u32 v43, v10;
	v41 =	vld.idx.msk [tilespmem:v57+s26+$0x0], $0xffff;
	v15 =	vadd.f32 v17, v15;
	v17 =	vmul.f32 v26, v26  }
0x3a6: {  	v26 =	vmul.f32 v27, v27;
	v27 =	vmul.f32 v24, v22;
	v13 =	vadd.f32 v19, v13;
	v19 =	vld [tilespmem:$0x8500]  }
0x3a7: {  	v22 =	vmul.f32 v25, v22;
	v45 =	vld.idx.msk [tilespmem:v54+s28+$0x0], $0xffff;
	v12 =	vadd.f32 v17, v12;
	v17 =	vmul.f32 v24, v24  }
0x3a8: {  	v2 =	vadd.f32 v26, v2;
	v14 =	vadd.f32 v27, v14;
	v24 =	vld.idx.msk [tilespmem:v62+s26+$0x0], $0xffff;
	v26 =	vor.u32 v47, v10  }
0x3a9: {  	v16 =	vadd.f32 v22, v16;
	v22 =	vmul.f32 v28, v21;
	v27 =	vmul.f32 v28, v28;
	v28 =	vld [tilespmem:$0x8510]  }
0x3aa: {  	v11 =	vadd.f32 v17, v11;
	v17 =	vmul.f32 v25, v25;
	v25 =	vld.idx.msk [tilespmem:v62+s28+$0x0], $0xffff  }
0x3ab: {  	v15 =	vadd.f32 v22, v15;
	v12 =	vadd.f32 v27, v12;
	v22 =	vmul.f32 v29, v29;
	v27 =	vld.idx.msk [tilespmem:v63+s28+$0x0], $0xffff  }
0x3ac: {  	v52 =	vor.u32 v49, v10;
	v1 =	vadd.f32 v17, v1;
	v17 =	vmul.f32 v29, v21;
	v21 =	vld.idx.msk [tilespmem:v63+s26+$0x0], $0xffff  }
0x3ad: {  	v56 =	vor.u32 v48, v10;
	v29 =	vld [tilespmem:$0x8520];
	v2 =	vadd.f32 v22, v2;
	v22 =	vmul.f32 v60, v60  }
0x3ae: {  	v59 =	vor.u32 v4, v10;
	v55 =	vld.idx.msk [tilespmem:v26+s26+$0x0], $0xffff;
	v13 =	vadd.f32 v17, v13;
	v17 =	vmul.f32 v60, v23  }
0x3af: {  	v26 =	vld.idx.msk [tilespmem:v26+s28+$0x0], $0xffff;
	v23 =	vmul.f32 v61, v23;
	v11 =	vadd.f32 v22, v11;
	v22 =	vmul.f32 v20, v18  }
0x3b0: {  	v60 =	vor.u32 v3, v10;
	v3 =	vld [tilespmem:$0x1FD90];
	v14 =	vadd.f32 v17, v14;
	v17 =	vmul.f32 v61, v61  }
0x3b1: {  	v18 =	vmul.f32 v39, v18;
	v16 =	vadd.f32 v23, v16;
	v23 =	vld.idx.msk [tilespmem:v52+s26+$0x0], $0xffff;
	v15 =	vadd.f32 v22, v15  }
0x3b2: {  	v22 =	vmul.f32 v39, v39;
	v39 =	vld.idx.msk [tilespmem:v54+s26+$0x0], $0xffff;
	v1 =	vadd.f32 v17, v1;
	v17 =	vmul.f32 v20, v20  }
0x3b3: {  	v58 =	vor.u32 v51, v10;
	v13 =	vadd.f32 v18, v13;
	v18 =	vmul.f32 v24, v24;
	v20 =	vld.idx.msk [tilespmem:v52+s28+$0x0], $0xffff  }
0x3b4: {  	v2 =	vadd.f32 v22, v2;
	v22 =	vld.idx.msk [tilespmem:v56+s26+$0x0], $0xffff;
	v12 =	vadd.f32 v17, v12;
	v17 =	vmul.f32 v24, v19  }
0x3b5: {  	v11 =	vadd.f32 v18, v11;
	v34 =	vmul.f32 v55, v55;
	v62 =	vor.u32 v3, v10;
	v3 =	vld [tilespmem:$0x1FDB0]  }
0x3b6: {  	v44 =	vld.idx.msk [tilespmem:v60+s28+$0x0], $0xffff;
	v14 =	vadd.f32 v17, v14;
	v17 =	vmul.f32 v25, v19  }
0x3b7: {  	v18 =	vmul.f32 v25, v25;
	v11 =	vadd.f32 v34, v11;
	v34 =	vld.idx.msk [tilespmem:v59+s28+$0x0], $0xffff  }
0x3b8: {  	v19 =	vld.idx.msk [tilespmem:v56+s28+$0x0], $0xffff;
	v25 =	vmul.f32 v21, v28;
	v16 =	vadd.f32 v17, v16;
	v17 =	vmul.f32 v21, v21  }
0x3b9: {  	v24 =	vor.u32 v30, v10;
	v1 =	vadd.f32 v18, v1;
	v18 =	vmul.f32 v27, v28;
	v21 =	vld.idx.msk [tilespmem:v57+s28+$0x0], $0xffff  }
0x3ba: {  	v15 =	vadd.f32 v25, v15;
	v25 =	vld.idx.msk [tilespmem:v58+s26+$0x0], $0xffff;
	v12 =	vadd.f32 v17, v12;
	v17 =	vmul.f32 v27, v27  }
0x3bb: {  	v13 =	vadd.f32 v18, v13;
	v18 =	vmul.f32 v55, v29;
	v56 =	vor.u32 v3, v10;
	v3 =	vld [tilespmem:$0x1FE20]  }
0x3bc: {  	v28 =	vor.u32 v5, v10;
	v57 =	vld.idx.msk [tilespmem:v62+s26+$0x0], $0xffff;
	v2 =	vadd.f32 v17, v2;
	v17 =	vmul.f32 v26, v29  }
0x3bd: {  	v14 =	vadd.f32 v18, v14;
	v18 =	vmul.f32 v26, v26;
	v55 =	vld.idx.msk [tilespmem:v62+s28+$0x0], $0xffff  }
0x3be: {  	v46 =	vld.idx.msk [tilespmem:v24+s26+$0x0], $0xffff;
	v16 =	vadd.f32 v17, v16;
	v17 =	vmul.f32 v23, v23  }
0x3bf: {  	v24 =	vld.idx.msk [tilespmem:v24+s28+$0x0], $0xffff;
	v1 =	vadd.f32 v18, v1;
	v18 =	vmul.f32 v20, v20;
	v29 =	vor.u32 v6, v10  }
0x3c0: {  	v61 =	vmul.f32 v39, v39;
	v27 =	vld.idx.msk [tilespmem:v58+s28+$0x0], $0xffff;
	v12 =	vadd.f32 v17, v12;
	v17 =	vmul.f32 v45, v45  }
0x3c1: {  	v54 =	vld.idx.msk [tilespmem:v28+s26+$0x0], $0xffff;
	v2 =	vadd.f32 v18, v2;
	v18 =	vmul.f32 v22, v22  }
0x3c2: {  	v11 =	vadd.f32 v61, v11;
	v26 =	vld.idx.msk [tilespmem:v59+s26+$0x0], $0xffff;
	v1 =	vadd.f32 v17, v1;
	v17 =	vmul.f32 v19, v19  }
0x3c3: {  	v28 =	vld.idx.msk [tilespmem:v28+s28+$0x0], $0xffff;
	v63 =	vmul.f32 v21, v21;
	v12 =	vadd.f32 v18, v12;
	v18 =	vmul.f32 v41, v41  }
0x3c4: {  	v10 =	vor.u32 v3, v10;
	v52 =	vld.idx.msk [tilespmem:v29+s26+$0x0], $0xffff;
	v2 =	vadd.f32 v17, v2;
	v17 =	vmul.f32 v25, v25  }
0x3c5: {  	v59 =	vmul.f32 v24, v24;
	v29 =	vld.idx.msk [tilespmem:v29+s28+$0x0], $0xffff;
	v11 =	vadd.f32 v18, v11;
	v18 =	vmul.f32 v27, v27  }
0x3c6: {  	v58 =	vld.idx.msk [tilespmem:v60+s26+$0x0], $0xffff;
	v1 =	vadd.f32 v63, v1;
	v12 =	vadd.f32 v17, v12;
	v17 =	vmul.f32 v46, v46  }
0x3c7: {  	v60 =	vmul.f32 v34, v34;
	v61 =	vld.idx.msk [tilespmem:v56+s26+$0x0], $0xffff;
	v2 =	vadd.f32 v18, v2;
	v18 =	vmul.f32 v26, v26  }
0x3c8: {  	v56 =	vld.idx.msk [tilespmem:v56+s28+$0x0], $0xffff;
	v1 =	vadd.f32 v59, v1;
	v11 =	vadd.f32 v17, v11;
	v17 =	vmul.f32 v54, v54  }
0x3c9: {  	v59 =	vld.idx.msk [tilespmem:v10+s26+$0x0], $0xffff;
	v12 =	vadd.f32 v18, v12;
	v2 =	vadd.f32 v60, v2;
	v18 =	vmul.f32 v28, v28  }
0x3ca: {  	v10 =	vld.idx.msk [tilespmem:v10+s28+$0x0], $0xffff;
	v60 =	vmul.f32 v29, v29;
	v11 =	vadd.f32 v17, v11;
	v17 =	vmul.f32 v52, v52  }
0x3cb: {  	v62 =	vld [tilespmem:$0x8530];
	v63 =	vmul.f32 v44, v44;
	v1 =	vadd.f32 v18, v1;
	v18 =	vmul.f32 v58, v58  }
0x3cc: {  	v2 =	vadd.f32 v60, v2;
	v12 =	vadd.f32 v17, v12;
	v17 =	vmul.f32 v57, v57  }
0x3cd: {  	v8 =	vld [tilespmem:$0x8550];
	v11 =	vadd.f32 v18, v11;
	v1 =	vadd.f32 v63, v1;
	v18 =	vmul.f32 v55, v55  }
0x3ce: {  	v60 =	vld [tilespmem:$0x8540];
	v63 =	vmul.f32 v59, v59;
	v12 =	vadd.f32 v17, v12;
	v17 =	vmul.f32 v61, v61  }
0x3cf: {  	v3 =	vld [tilespmem:$0x1F930];
	v9 =	vmul.f32 v10, v10;
	v2 =	vadd.f32 v18, v2;
	v18 =	vmul.f32 v56, v56  }
0x3d0: {  	v11 =	vadd.f32 v17, v11;
	v12 =	vadd.f32 v63, v12;
	v17 =	vmul.f32 v23, v62  }
0x3d1: {  	v1 =	vadd.f32 v18, v1;
	v2 =	vadd.f32 v9, v2  }
0x3d2: {  	v9 =	vadd.f32 v17, v15;
	v15 =	vmul.f32 v20, v62;
	v11 =	vadd.f32 v12, v11  }
0x3d3: {  	v12 =	vmul.f32 v39, v60;
	v17 =	vmul.f32 v45, v60;
	v1 =	vadd.f32 v2, v1  }
0x3d4: {  	v2 =	vadd.f32 v15, v13;
	v13 =	vmul.f32 v22, v8;
	v15 =	vld [tilespmem:$0x8560];
	v11 =	vmul.f32 v11, v3  }
0x3d5: {  	v12 =	vadd.f32 v12, v14;
	v14 =	vadd.f32 v17, v16;
	v1 =	vmul.f32 v1, v3  }
0x3d6: {  	v8 =	vmul.f32 v19, v8;
	v9 =	vadd.f32 v13, v9;
	v13 =	vld [tilespmem:$0x8570];
	v11 =	vmax.f32 v11, $1.000000020e-16  }
0x3d7: {  	v1 =	vmax.f32 v1, $1.000000020e-16;
	v16 =	vshra.s32 v11, $0x1;
	v11 =	vmul.f32 $5.000000000e-01, v11  }
0x3d8: {  	v17 =	vld [tilespmem:$0x8580];
	v18 =	vshra.s32 v1, $0x1;
	v1 =	vmul.f32 $5.000000000e-01, v1;
	v16 =	vsub.s32 $0x5F3759DF, v16  }
0x3d9: {  	v18 =	vsub.s32 $0x5F3759DF, v18;
	v19 =	vmul.f32 v41, v15;
	v20 =	vmul.f32 v16, v11  }
0x3da: {  	v2 =	vadd.f32 v8, v2;
	v8 =	vmul.f32 v21, v15;
	v15 =	vld [tilespmem:$0x8590];
	v21 =	vmul.f32 v18, v1  }
0x3db: {  	v12 =	vadd.f32 v19, v12;
	v19 =	vmul.f32 v25, v13;
	v20 =	vmul.f32 v16, v20  }
0x3dc: {  	v8 =	vadd.f32 v8, v14;
	v13 =	vmul.f32 v27, v13;
	v14 =	vld [tilespmem:$0x85A0];
	v21 =	vmul.f32 v18, v21  }
0x3dd: {  	v63 =	vld [tilespmem:$0x1FFB0];
	v41 =	vmul.f32 v24, v17;
	v9 =	vadd.f32 v19, v9;
	v20 =	vsub.f32 $1.500000000e+00, v20  }
0x3de: {  	v19 =	vmul.f32 v46, v17;
	v2 =	vadd.f32 v13, v2;
	v17 =	vld [tilespmem:$0x85B0];
	v21 =	vsub.f32 $1.500000000e+00, v21  }
0x3df: {  	v62 =	vld [tilespmem:$0x1FFA0];
	v8 =	vadd.f32 v41, v8;
	v41 =	vmul.f32 v34, v15;
	v16 =	vmul.f32 v16, v20  }
0x3e0: {  	v12 =	vadd.f32 v19, v12;
	v19 =	vmul.f32 v26, v15;
	v15 =	vmul.f32 v18, v21;
	v18 =	vld [tilespmem:$0x85C0]  }
0x3e1: {  	v39 =	vld [tilespmem:$0x1FF70];
	v2 =	vadd.f32 v41, v2;
	v41 =	vmul.f32 v28, v14;
	v20 =	vmul.f32 v16, v11  }
0x3e2: {  	v9 =	vadd.f32 v19, v9;
	v19 =	vmul.f32 v54, v14;
	v14 =	vld [tilespmem:$0x85D0];
	v21 =	vmul.f32 v15, v1  }
0x3e3: {  	v60 =	vld [tilespmem:$0x1FF60];
	v8 =	vadd.f32 v41, v8;
	v41 =	vmul.f32 v29, v17;
	v20 =	vmul.f32 v20, v16  }
0x3e4: {  	v12 =	vadd.f32 v19, v12;
	v19 =	vmul.f32 v52, v17;
	v17 =	vld [tilespmem:$0x85E0];
	v21 =	vmul.f32 v21, v15  }
0x3e5: {  	v45 =	vld [tilespmem:$0x1FEF0];
	v2 =	vadd.f32 v41, v2;
	v41 =	vmul.f32 v44, v18;
	v20 =	vsub.f32 $1.500000000e+00, v20  }
0x3e6: {  	v9 =	vadd.f32 v19, v9;
	v19 =	vmul.f32 v58, v18;
	v18 =	vld [tilespmem:$0x85F0];
	v21 =	vsub.f32 $1.500000000e+00, v21  }
0x3e7: {  	v25 =	vld [tilespmem:$0x1FE70];
	v8 =	vadd.f32 v41, v8;
	v13 =	vmul.f32 v55, v14;
	v16 =	vmul.f32 v20, v16  }
0x3e8: {  	v27 =	vld [tilespmem:$0x1FEA0];
	v12 =	vadd.f32 v19, v12;
	v19 =	vmul.f32 v57, v14;
	v14 =	vmul.f32 v21, v15  }
0x3e9: {  	v46 =	vld [tilespmem:$0x1FEC0];
	v41 =	vmul.f32 v61, v17;
	v2 =	vadd.f32 v13, v2;
	v11 =	vmul.f32 v16, v11  }
0x3ea: {  	v34 =	vld [tilespmem:$0x1FEE0];
	v13 =	vmul.f32 v56, v17;
	v9 =	vadd.f32 v19, v9;
	v1 =	vmul.f32 v14, v1  }
0x3eb: {  	v54 =	vld [tilespmem:$0x1FFC0];
	v12 =	vadd.f32 v41, v12;
	v41 =	vmul.f32 v59, v18;
	v11 =	vmul.f32 v11, v16  }
0x3ec: {  	v29 =	vld [tilespmem:$0x1FED0];
	v8 =	vadd.f32 v13, v8;
	v10 =	vmul.f32 v10, v18;
	v1 =	vmul.f32 v1, v14  }
0x3ed: {  	v52 =	vld [tilespmem:$0x1FE30];
	v9 =	vadd.f32 v41, v9;
	v11 =	vsub.f32 $1.500000000e+00, v11  }
0x3ee: {  	v44 =	vld [tilespmem:$0x1FF80];
	v2 =	vadd.f32 v10, v2;
	v1 =	vsub.f32 $1.500000000e+00, v1  }
0x3ef: {  	v58 =	vld [tilespmem:$0x1FF40];
	v9 =	vadd.f32 v9, v12;
	v41 =	vmul.f32 v11, v16  }
0x3f0: {  	v55 =	vld [tilespmem:$0x1FF00];
	v2 =	vadd.f32 v2, v8;
	v1 =	vmul.f32 v1, v14  }
0x3f1: {  	v20 =	vld [tilespmem:$0x1FE50];
	v8 =	vmul.f32 v41, v9  }
0x3f2: {  	p0 =	sne.s32 s13, $0x13;
	v57 =	vld [tilespmem:$0x1FF30];
	v1 =	vmul.f32 v1, v2  }
.Ltmp3:
0x3f3: {  	v21 =	vld [tilespmem:$0x1FE60];
	v2 =	vsub.f32 $1.000000000e+00, v8;
	(pc) =	sbr.rel @p0 .LBB2_9-.Ltmp3, $4  }
0x3f4: {  	v61 =	vld [tilespmem:$0x1FF90];
	v1 =	vmax.f32 v1, $0.0e+00  }
0x3f5: {  	v56 =	vld [tilespmem:$0x1FF10];
	v1 =	vadd.f32 v1, v2  }
0x3f6: {  	v19 =	vld [tilespmem:$0x1FE40]  }
0x3f7: {  	s13 =	sadd.s32 $0x1, s13;
	v59 =	vld [tilespmem:$0x1FF50];
	v53 =	vadd.f32 v1, v53  }
0x3f8: {  	s5 =	sadd.s32 $0x1, s5  }
0x3f9: {  	p0 =	sne.s32 s5, $0x10  }
.Ltmp4:
0x3fa: {  	_ = 	snop;
	(pc) =	sbr.rel @p0 .LBB2_2-.Ltmp4, $4  }
0x3fb: {  	_ = 	snop  }
0x3fc: {  	v41 =	vld [tilespmem:$0x1FE80]  }
0x3fd: {  	v18 =	vld [tilespmem:$0x1FE90]  }
0x3fe: {  	v17 =	vld [tilespmem:$0x1FEB0]  }
0x3ff: {  	[tilespmem:$0x8600] =	vst v53;
	s2 =	rddreg [dreg:$0xa];
	s3 =	simm.s32 $0x8600  }
0x400: {  	[hbm4b:s2+s4] =	stream.linear.scatter [tilespmem:s3], [sflag:$0x6], $0x10, $0x38;
	[tilespmem:$0x1CB10] =	vst v63  }
0x401: {  	_ =	swait.ge [sflag:s14], $0x10  }
0x402: {  	s29 =	rddreg [dreg:$0xc]  }
0x403: {  	s30 =	rddreg [dreg:$0xb];
	s3 =	sadd.s32 $0x1, s29  }
0x404: {  	p0 =	sne.s32 s3, s30  }
.Ltmp5:
0x405: {  	_ = 	snop;
	(pc) =	sbr.rel @p0 .LBB2_1-.Ltmp5, $3  }
0x406: {  	_ =	sdelay $0x1  }
0x407: {  	[sflag:s14] =	ssyncset.done $0x0  }
0x408: {  	[sflag:s14] =	ssyncadd.s32 $0xFFFFFFF0  }
0x409: {  	_ =	sfence.sel $0x180000  }
0x40a: {  	[bflag:$0x0] =	sbarrier.arrive $0xFFFF  }
0x40b: {  	_ =	strace $0x90000047  }
0x40c: {  	s0 =	stileid.u32;
	[bflag:$0x2] =	sbarrier.arrive $0xFFFF  }
0x40d: {  	p0 =	sne.s32 s0, $0x0;
	s0 =	rddreg [dreg:$0x5]  }
0x40e: {  	s0 =	sadd.s32 @!p0 $0x100000, s0  }
0x40f: {  	[sflag:s0] =	ssyncadd.tile.s32 @!p0 $0x1;
	_ =	shalt  }
.Lfunc_end2:
_tile_overlayer_lowered:
.L_overlay_start_2:
0x410: {  	(tag) =	ssettag $0x2  }
0x411: {  	s0 =	rddreg [dreg:$0x0];
	s2 =	stileid.u32  }
0x412: {  	s1 =	rddreg [dreg:$0x1];
	p0 =	sne.s32 s2, $0x0  }
0x413: {  	s3 =	rddreg [dreg:$0x2];
	[bflag:$0x3] =	sbarrier.arrive $0xFFFF;
	s2 =	simm.s32 @!p0 $0x1C06  }
0x414: {  	[timem:s3], [sflag:s2] =	dma.local @!p0 [hbm:s0], s1  }
0x415: {  	s0 =	simm.s32 @!p0 $0x6  }
0x416: {  	_ =	swait.ge @!p0 [sflag:s0], s1  }
0x417: {  	s1 =	ssub.s32 @!p0 $0x0, s1;
	[sflag:s0] =	ssyncset.done @!p0 $0x0  }
0x418: {  	[sflag:s0] =	ssyncadd.s32 @!p0 s1  }
0x419: {  	[bflag:$0x3] =	sbarrier.arrive $0xFFFF  }
0x41a: {  	_ =	shalt  }

</sc_bundles>
